<compile_context>
chip_gen: v7x
topology: tpu7x:2x2x1
jax: 0.10.2.dev20260603
libtpu: 0.0.44.dev20260713+nightly
codegen_flags: <defaults>
</compile_context>

<pallas_src>
import functools
import math

import jax
import jax.numpy as jnp
import numpy as np
from jax.experimental import pallas as pl

B = 8
INPUT_POINTS = 2048
NUM_STAGES = 4
EMBED_DIM = 96
K = 24
SIGMA = 0.3


def _feat_vals(feat_dim, shape, axis):
    j = jax.lax.broadcasted_iota(jnp.int32, shape, axis).astype(jnp.float32)
    return -1.0 + j * (2.0 / feat_dim)


def _embed0_kernel(x_ref, o_ref, *, feat_dim, sigma):
    fv = _feat_vals(feat_dim, (feat_dim, 1), 0)
    parts = []
    for i in range(3):
        xi = x_ref[0, i:i + 1, :]
        e = jnp.exp(-0.5 * (xi - fv) ** 2 / sigma ** 2)
        parts.append(e)
    o_ref[0] = jnp.concatenate(parts, axis=0)


def _embed0(x):
    b, _, n = x.shape
    feat_dim = math.ceil(EMBED_DIM / 3)
    return pl.pallas_call(
        functools.partial(_embed0_kernel, feat_dim=feat_dim, sigma=SIGMA),
        grid=(b,),
        in_specs=[pl.BlockSpec((1, 3, n), lambda i: (i, 0, 0))],
        out_specs=pl.BlockSpec((1, 3 * feat_dim, n), lambda i: (i, 0, 0)),
        out_shape=jax.ShapeDtypeStruct((b, 3 * feat_dim, n), jnp.float32),
    )(x)


def _fps_kernel(xyz_ref, o_ref, *, npoint, n, b):
    x0 = xyz_ref[0]
    x1 = xyz_ref[1]
    x2 = xyz_ref[2]
    lane = jax.lax.broadcasted_iota(jnp.int32, (b, n), 1)
    col = jax.lax.broadcasted_iota(jnp.int32, (b, npoint), 1)

    def body(i, state):
        dist, far, cent = state
        cent = jnp.where(col == i, far[:, None], cent)
        sel = lane == far[:, None]
        c0 = jnp.sum(jnp.where(sel, x0, 0.0), axis=1, keepdims=True)
        c1 = jnp.sum(jnp.where(sel, x1, 0.0), axis=1, keepdims=True)
        c2 = jnp.sum(jnp.where(sel, x2, 0.0), axis=1, keepdims=True)
        d = (x0 - c0) ** 2 + (x1 - c1) ** 2 + (x2 - c2) ** 2
        dist = jnp.minimum(dist, d)
        m = jnp.max(dist, axis=1, keepdims=True)
        far = jnp.min(jnp.where(dist >= m, lane, n), axis=1).astype(jnp.int32)
        return dist, far, cent

    dist0 = jnp.full((b, n), 1e10, dtype=jnp.float32)
    far0 = jnp.zeros((b,), dtype=jnp.int32)
    cent0 = jnp.zeros((b, npoint), dtype=jnp.int32)
    _, _, cent = jax.lax.fori_loop(0, npoint, body, (dist0, far0, cent0))
    o_ref[:, :] = cent


def _fps(xyz, npoint):
    b, n, _ = xyz.shape
    xyz3 = jnp.transpose(xyz, (2, 0, 1))
    return pl.pallas_call(
        functools.partial(_fps_kernel, npoint=npoint, n=n, b=b),
        in_specs=[pl.BlockSpec((3, b, n), lambda: (0, 0, 0))],
        out_specs=pl.BlockSpec((b, npoint), lambda: (0, 0)),
        out_shape=jax.ShapeDtypeStruct((b, npoint), jnp.int32),
    )(xyz3)


def _knn_kernel(q_ref, p_ref, o_ref, *, n, gt, k):
    q = q_ref[0]
    qx = q[:, 0:1]
    qy = q[:, 1:2]
    qz = q[:, 2:3]
    p3 = p_ref[0]
    px = p3[0:1, :]
    py = p3[1:2, :]
    pz = p3[2:3, :]
    sq = qx * qx + qy * qy + qz * qz
    sp = px * px + py * py + pz * pz
    cross = jax.lax.dot_general(
        q.astype(jnp.bfloat16), p3.astype(jnp.bfloat16),
        (((1,), (0,)), ((), ())),
        preferred_element_type=jnp.float32)
    d = sq + sp - 2.0 * cross
    lane = jax.lax.broadcasted_iota(jnp.int32, (gt, n), 1)
    colk = jax.lax.broadcasted_iota(jnp.int32, (gt, k), 1)

    def body(j, state):
        d, idxs = state
        m = jnp.min(d, axis=1, keepdims=True)
        idx = jnp.min(jnp.where(d <= m, lane, n), axis=1).astype(jnp.int32)
        idxs = jnp.where(colk == j, idx[:, None], idxs)
        d = jnp.where(lane == idx[:, None], jnp.float32(3.0e38), d)
        return d, idxs

    idxs0 = jnp.zeros((gt, k), dtype=jnp.int32)
    _, idxs = jax.lax.fori_loop(0, k, body, (d, idxs0))
    o_ref[0] = idxs


def _knn(lc_xyz, xyz):
    b, g, _ = lc_xyz.shape
    n = xyz.shape[1]
    gt = min(g, 128)
    xyz_t = jnp.transpose(xyz, (0, 2, 1))
    return pl.pallas_call(
        functools.partial(_knn_kernel, n=n, gt=gt, k=K),
        grid=(b, g // gt),
        in_specs=[
            pl.BlockSpec((1, gt, 3), lambda i, j: (i, j, 0)),
            pl.BlockSpec((1, 3, n), lambda i, j: (i, 0, 0)),
        ],
        out_specs=pl.BlockSpec((1, gt, K), lambda i, j: (i, j, 0)),
        out_shape=jax.ShapeDtypeStruct((b, g, K), jnp.int32),
    )(lc_xyz, xyz_t)


def _stats_kernel(kxyz_ref, cxyz_ref, kx_ref, cx_ref,
                  s_xyz_ref, ss_xyz_ref, s_x_ref, ss_x_ref):
    dxyz = kxyz_ref[0] - cxyz_ref[0][None]
    dx = kx_ref[0] - cx_ref[0][None]
    s_xyz_ref[0] = jnp.sum(dxyz, axis=(0, 1))[None]
    ss_xyz_ref[0] = jnp.sum(dxyz * dxyz, axis=(0, 1))[None]
    s_x_ref[0] = jnp.sum(dx, axis=(0, 1))[None]
    ss_x_ref[0] = jnp.sum(dx * dx, axis=(0, 1))[None]


def _stats(knn_xyz_t, lc_xyz, knn_x_t, lc_x):
    b, k, g, _ = knn_xyz_t.shape
    c = knn_x_t.shape[-1]
    gt = min(g, 128)
    ngt = g // gt
    vec3 = pl.BlockSpec((1, 1, 3), lambda i, j: (i * ngt + j, 0, 0))
    vecc = pl.BlockSpec((1, 1, c), lambda i, j: (i * ngt + j, 0, 0))
    return pl.pallas_call(
        _stats_kernel,
        grid=(b, ngt),
        in_specs=[
            pl.BlockSpec((1, k, gt, 3), lambda i, j: (i, 0, j, 0)),
            pl.BlockSpec((1, gt, 3), lambda i, j: (i, j, 0)),
            pl.BlockSpec((1, k, gt, c), lambda i, j: (i, 0, j, 0)),
            pl.BlockSpec((1, gt, c), lambda i, j: (i, j, 0)),
        ],
        out_specs=[vec3, vec3, vecc, vecc],
        out_shape=[
            jax.ShapeDtypeStruct((b * ngt, 1, 3), jnp.float32),
            jax.ShapeDtypeStruct((b * ngt, 1, 3), jnp.float32),
            jax.ShapeDtypeStruct((b * ngt, 1, c), jnp.float32),
            jax.ShapeDtypeStruct((b * ngt, 1, c), jnp.float32),
        ],
    )(knn_xyz_t, lc_xyz, knn_x_t, lc_x)


def _agg_kernel(kxyz_ref, cxyz_ref, kx_ref, cx_ref, std_ref, o_ref,
                ps_ref, pss_ref, *, gt, k, c, out_dim, sigma):
    feat_dim = out_dim // 3
    fv = _feat_vals(feat_dim, (1, 1, feat_dim), 2)
    std_xyz = std_ref[0, 0]
    std_x = std_ref[0, 1]

    dxyz = (kxyz_ref[0] - cxyz_ref[0][None]) / (std_xyz + 1e-5)
    parts = []
    for i in range(3):
        di = dxyz[:, :, i:i + 1]
        parts.append(jnp.exp(-0.5 * (di - fv) ** 2 / sigma ** 2))
    pe = jnp.concatenate(parts, axis=-1)

    cx = cx_ref[0]
    xn = (kx_ref[0] - cx[None]) / (std_x + 1e-5)
    x_cat = jnp.concatenate(
        [xn, jnp.broadcast_to(cx[None], (k, gt, c))], axis=-1)
    w = (x_cat + pe) * pe
    agg = jnp.max(w, axis=0) + jnp.sum(w, axis=0) / k
    o_ref[0] = agg
    ps_ref[0, 0] = jnp.sum(agg, axis=0, keepdims=True)
    pss_ref[0, 0] = jnp.sum(agg * agg, axis=0, keepdims=True)


def _agg(knn_xyz_t, lc_xyz, knn_x_t, lc_x, stds, out_dim, gt):
    b, k, g, _ = knn_xyz_t.shape
    c = knn_x_t.shape[-1]
    ngt = g // gt
    kern = functools.partial(_agg_kernel, gt=gt, k=k, c=c,
                             out_dim=out_dim, sigma=SIGMA)
    return pl.pallas_call(
        kern,
        grid=(b, ngt),
        in_specs=[
            pl.BlockSpec((1, k, gt, 3), lambda i, j: (i, 0, j, 0)),
            pl.BlockSpec((1, gt, 3), lambda i, j: (i, j, 0)),
            pl.BlockSpec((1, k, gt, c), lambda i, j: (i, 0, j, 0)),
            pl.BlockSpec((1, gt, c), lambda i, j: (i, j, 0)),
            pl.BlockSpec((1, 2), lambda i, j: (0, 0)),
        ],
        out_specs=[
            pl.BlockSpec((1, gt, out_dim), lambda i, j: (i, j, 0)),
            pl.BlockSpec((1, 1, 1, out_dim), lambda i, j: (i, j, 0, 0)),
            pl.BlockSpec((1, 1, 1, out_dim), lambda i, j: (i, j, 0, 0)),
        ],
        out_shape=[
            jax.ShapeDtypeStruct((b, g, out_dim), jnp.float32),
            jax.ShapeDtypeStruct((b, ngt, 1, out_dim), jnp.float32),
            jax.ShapeDtypeStruct((b, ngt, 1, out_dim), jnp.float32),
        ],
    )(knn_xyz_t, lc_xyz, knn_x_t, lc_x, stds)


def _bn_kernel(a_ref, m_ref, s_ref, g_ref, b_ref, o_ref):
    y = (a_ref[0] - m_ref[0][None]) / s_ref[0][None]
    y = y * g_ref[0][None] + b_ref[0][None]
    o_ref[0] = 0.5 * y * (1.0 + jax.lax.erf(y * np.float32(1.0 / np.sqrt(2.0))))


def _bn_gelu(agg, mean, sqrtv, gamma, beta):
    b, g, c = agg.shape
    vec = pl.BlockSpec((1, c), lambda i: (0, 0))
    return pl.pallas_call(
        _bn_kernel,
        grid=(b,),
        in_specs=[pl.BlockSpec((1, g, c), lambda i: (i, 0, 0)),
                  vec, vec, vec, vec],
        out_specs=pl.BlockSpec((1, g, c), lambda i: (i, 0, 0)),
        out_shape=jax.ShapeDtypeStruct((b, g, c), jnp.float32),
    )(agg, mean[None], sqrtv[None], gamma[None], beta[None])


def _gather_rows(points, idx):
    b = idx.shape[0]
    flat = idx.reshape(b, -1)
    out = jnp.take_along_axis(points, flat[..., None], axis=1)
    return out.reshape(*idx.shape, points.shape[-1])


_AGG_GT = (128, 128, 64, 32)


def kernel(xyz, x, bn_gamma_0, bn_beta_0, bn_gamma_1, bn_beta_1,
           bn_gamma_2, bn_beta_2, bn_gamma_3, bn_beta_3):
    gammas = [bn_gamma_0, bn_gamma_1, bn_gamma_2, bn_gamma_3]
    betas = [bn_beta_0, bn_beta_1, bn_beta_2, bn_beta_3]

    x0 = _embed0(x)
    xyz_list = [xyz]
    x_list = [x0]

    x_t = jnp.transpose(x0, (0, 2, 1))
    out_dim = EMBED_DIM
    for s in range(NUM_STAGES):
        b, n, c = x_t.shape
        out_dim = out_dim * 2
        g = n // 2

        fps_idx = _fps(xyz, g)
        lc_xyz = _gather_rows(xyz, fps_idx)
        lc_x = _gather_rows(x_t, fps_idx)
        knn_idx = _knn(lc_xyz, xyz)
        knn_xyz_t = jnp.transpose(_gather_rows(xyz, knn_idx), (0, 2, 1, 3))
        knn_x_t = jnp.transpose(_gather_rows(x_t, knn_idx), (0, 2, 1, 3))

        s_xyz, ss_xyz, s_x, ss_x = _stats(knn_xyz_t, lc_xyz, knn_x_t, lc_x)
        t0 = jnp.sum(s_xyz)
        t1 = jnp.sum(ss_xyz)
        t2 = jnp.sum(s_x)
        t3 = jnp.sum(ss_x)
        n_xyz = b * g * K * 3
        n_x = b * g * K * c
        var_xyz = (t1 - t0 * t0 / n_xyz) / (n_xyz - 1)
        var_x = (t3 - t2 * t2 / n_x) / (n_x - 1)
        stds = jnp.stack([jnp.sqrt(var_xyz), jnp.sqrt(var_x)])[None]

        agg, ps, pss = _agg(knn_xyz_t, lc_xyz, knn_x_t, lc_x, stds,
                            out_dim, min(g, _AGG_GT[s]))
        cnt = b * g
        mean = jnp.sum(ps, axis=(0, 1, 2)) / cnt
        var = jnp.sum(pss, axis=(0, 1, 2)) / cnt - mean * mean
        sqrtv = jnp.sqrt(var + 1e-5)
        x_out = _bn_gelu(agg, mean, sqrtv, gammas[s], betas[s])

        xyz = lc_xyz
        x_t = x_out
        xyz_list.append(xyz)
        x_list.append(jnp.transpose(x_out, (0, 2, 1)))

    return tuple(xyz_list) + tuple(x_list)

# --- scband reference (transcript-rebuilt; emitter-appended) ---
"""Pipeline reference for scband-enc-np-21397527069038 (READ-ONLY COPY).

The authoritative reference and input builder live on the scoring server;
editing this copy changes nothing except your own understanding.
"""

import math
import jax, jax.numpy as jnp
import numpy as np

B = 8
INPUT_POINTS = 2048
NUM_STAGES = 4
EMBED_DIM = 96
K_NEIGHBORS = 24
SIGMA = 0.3


def embedding_gpe(xyz, out_dim, sigma):
    # xyz: [B, 3, N] or [B, 3, G, K]
    in_dim = 3
    feat_dim = math.ceil(out_dim / in_dim)
    feat_num = feat_dim * in_dim
    feat_val = jnp.linspace(-1.0, 1.0, feat_dim + 1)[:-1].reshape(1, -1)
    ndim = xyz.ndim
    perm = (0,) + tuple(range(2, ndim)) + (1,)
    xyz_p = jnp.transpose(xyz, perm)
    embeds = []
    for i in range(3):
        e = jnp.exp(-0.5 * (xyz_p[..., i:i + 1] - feat_val) ** 2 / sigma ** 2)
        embeds.append(e)
    pe = jnp.concatenate(embeds, axis=-1)
    if ndim == 3:
        b, _, n = xyz.shape
        pe = jnp.transpose(pe, (0, 2, 1)).reshape(b, feat_num, n)
    else:
        b, _, g, k = xyz.shape
        pe = jnp.transpose(pe, (0, 3, 1, 2)).reshape(b, feat_num, g, k)
    return pe


def furthest_point_sample(xyz, npoint):
    xyz = jax.lax.stop_gradient(xyz)
    bb, n, _ = xyz.shape

    def body(i, state):
        centroids, distance, farthest = state
        centroids = centroids.at[:, i].set(farthest)
        centroid = jnp.take_along_axis(xyz, farthest[:, None, None], axis=1)
        dist = jnp.sum((xyz - centroid) ** 2, axis=-1)
        distance = jnp.minimum(distance, dist)
        farthest = jnp.argmax(distance, axis=-1).astype(jnp.int32)
        return centroids, distance, farthest

    centroids = jnp.zeros((bb, npoint), dtype=jnp.int32)
    distance = jnp.full((bb, n), 1e10, dtype=xyz.dtype)
    farthest = jnp.zeros((bb,), dtype=jnp.int32)
    centroids, _, _ = jax.lax.fori_loop(0, npoint, body, (centroids, distance, farthest))
    return centroids


def index_points(points, idx):
    # points [B,N,C], idx [B,...] -> [B, ..., C]
    idx_shape = idx.shape
    b = idx_shape[0]
    idx_flat = idx.reshape(b, -1)
    out = jnp.take_along_axis(points, idx_flat[..., None], axis=1)
    return out.reshape(*idx_shape, points.shape[-1])


def knn_point(k, xyz, new_xyz):
    # xyz [B,N,3], new_xyz [B,G,3] -> idx [B,G,k] (ascending distance)
    d = (jnp.sum(new_xyz ** 2, -1, keepdims=True)
         + jnp.sum(xyz ** 2, -1)[:, None, :]
         - 2.0 * jnp.einsum('bgc,bnc->bgn', new_xyz, xyz))
    _, idx = jax.lax.top_k(-d, k)
    return idx


def local_grouper(xyz, x, group_num, k_neighbors):
    fps_idx = furthest_point_sample(xyz, group_num)
    lc_xyz = index_points(xyz, fps_idx)
    lc_x = index_points(x, fps_idx)
    knn_idx = knn_point(k_neighbors, jax.lax.stop_gradient(xyz), jax.lax.stop_gradient(lc_xyz))
    knn_xyz = index_points(xyz, knn_idx)
    knn_x = index_points(x, knn_idx)
    center_xyz = lc_xyz[:, :, None, :]
    std_xyz = jnp.std(knn_xyz - center_xyz, ddof=1)
    knn_xyz = (knn_xyz - center_xyz) / (std_xyz + 1e-05)
    center_x = lc_x[:, :, None, :]
    std_x = jnp.std(knn_x - center_x, ddof=1)
    knn_x = (knn_x - center_x) / (std_x + 1e-05)
    bb, g, k, _ = knn_x.shape
    knn_x = jnp.concatenate([knn_x, jnp.repeat(lc_x.reshape(bb, g, 1, -1), k, axis=2)], axis=-1)
    return lc_xyz, lc_x, knn_xyz, knn_x


def aggregation_gpe(knn_xyz, knn_x, out_dim, sigma):
    knn_xyz = jnp.transpose(knn_xyz, (0, 3, 1, 2))
    knn_x = jnp.transpose(knn_x, (0, 3, 1, 2))
    pe = embedding_gpe(knn_xyz, out_dim, sigma)
    knn_x_w = knn_x + pe
    knn_x_w = knn_x_w * pe
    return knn_x_w


def batchnorm1d(x, gamma, beta, eps=1e-05):
    # training-mode BN over [B, C, G]
    mean = jnp.mean(x, axis=(0, 2), keepdims=True)
    var = jnp.var(x, axis=(0, 2), keepdims=True)
    xn = (x - mean) / jnp.sqrt(var + eps)
    return xn * gamma[None, :, None] + beta[None, :, None]


def pooling(knn_x_w, gamma, beta):
    agg = jnp.max(knn_x_w, axis=-1) + jnp.mean(knn_x_w, axis=-1)
    return jax.nn.gelu(batchnorm1d(agg, gamma, beta), approximate=False)


def encnp_forward(xyz, x, gammas, betas):
    x = embedding_gpe(x, EMBED_DIM, SIGMA)
    xyz_list = [xyz]
    x_list = [x]
    out_dim = EMBED_DIM
    group_num = INPUT_POINTS
    for i in range(NUM_STAGES):
        out_dim = out_dim * 2
        group_num = group_num // 2
        lc_xyz, lc_x, knn_xyz, knn_x = local_grouper(xyz, jnp.transpose(x, (0, 2, 1)), group_num, K_NEIGHBORS)
        knn_x_w = aggregation_gpe(knn_xyz, knn_x, out_dim, SIGMA)
        x = pooling(knn_x_w, gammas[i], betas[i])
        xyz = lc_xyz
        xyz_list.append(xyz)
        x_list.append(x)
    return xyz_list, x_list


def setup_inputs(seed: int = 0) -> dict:
    key = jax.random.key(seed)
    k1, k2 = jax.random.split(key)
    inp = {
        'xyz': jax.random.uniform(k1, (B, INPUT_POINTS, 3), dtype=jnp.float32),
        'x': jax.random.uniform(k2, (B, 3, INPUT_POINTS), dtype=jnp.float32),
    }
    out_dim = EMBED_DIM
    for i in range(NUM_STAGES):
        out_dim = out_dim * 2
        inp['bn_gamma_%d' % i] = jnp.ones((out_dim,), jnp.float32)
        inp['bn_beta_%d' % i] = jnp.zeros((out_dim,), jnp.float32)
    return inp


def reference(xyz, x, bn_gamma_0, bn_beta_0, bn_gamma_1, bn_beta_1, bn_gamma_2, bn_beta_2, bn_gamma_3, bn_beta_3):
    gammas = [bn_gamma_0, bn_gamma_1, bn_gamma_2, bn_gamma_3]
    betas = [bn_beta_0, bn_beta_1, bn_beta_2, bn_beta_3]
    xyz_list, x_list = encnp_forward(xyz, x, gammas, betas)
    return tuple(xyz_list) + tuple(x_list)

if __name__ == "__main__":
    import jax
    _d = setup_inputs()
    print(jax.jit(kernel)(*tuple(_d.values())))

</pallas_src>

<mosaic_0001>
module attributes {stable_mosaic.version = 14 : i64} {
  func.func @_fps_kernel(%arg0: memref<3x8x2048xf32, #tpu.memory_space<vmem>>, %arg1: memref<8x1024xi32, #tpu.memory_space<vmem>>) attributes {dimension_semantics = [], scalar_prefetch = 0 : i64, scratch_operands = 0 : i64, tpu.core_type = #tpu.core_type<tc>} {
    %get3A = arith.constant 0 : index
    %get3A_0 = arith.constant 0 : index
    %get3A_1 = arith.constant 0 : index
    %get3A_2 = vector.load %arg0[%get3A, %get3A_0, %get3A_1] : memref<3x8x2048xf32, #tpu.memory_space<vmem>>, vector<1x8x2048xf32>
    %get3A_3 = vector.shape_cast %get3A_2 : vector<1x8x2048xf32> to vector<8x2048xf32>
    %get3A_4 = arith.constant 1 : index
    %get3A_5 = arith.constant 0 : index
    %get3A_6 = arith.constant 0 : index
    %get3A_7 = vector.load %arg0[%get3A_4, %get3A_5, %get3A_6] : memref<3x8x2048xf32, #tpu.memory_space<vmem>>, vector<1x8x2048xf32>
    %get3A_8 = vector.shape_cast %get3A_7 : vector<1x8x2048xf32> to vector<8x2048xf32>
    %get3A_9 = arith.constant 2 : index
    %get3A_10 = arith.constant 0 : index
    %get3A_11 = arith.constant 0 : index
    %get3A_12 = vector.load %arg0[%get3A_9, %get3A_10, %get3A_11] : memref<3x8x2048xf32, #tpu.memory_space<vmem>>, vector<1x8x2048xf32>
    %get3A_13 = vector.shape_cast %get3A_12 : vector<1x8x2048xf32> to vector<8x2048xf32>
    %iota3A = tpu.iota {dimensions = array<i32: 1>} : vector<8x2048xi32>
    %iota3A_14 = tpu.iota {dimensions = array<i32: 1>} : vector<8x1024xi32>
    %broadcast_in_dim3A = arith.constant 1.000000e+10 : f32
    %broadcast_in_dim3A_15 = vector.broadcast %broadcast_in_dim3A : f32 to vector<8x2048xf32>
    %broadcast_in_dim3A_16 = arith.constant 0 : i32
    %broadcast_in_dim3A_17 = vector.broadcast %broadcast_in_dim3A_16 : i32 to vector<8xi32>
    %broadcast_in_dim3A_18 = arith.constant 0 : i32
    %broadcast_in_dim3A_19 = vector.broadcast %broadcast_in_dim3A_18 : i32 to vector<8x1024xi32>
    %scan3A = arith.constant 0 : i32
    %scan3A_20 = arith.constant 1024 : i32
    %scan3A_21 = arith.addi %scan3A, %scan3A_20 : i32
    %scan3A_22 = arith.constant 1 : i32
    %scan3A_23:3 = scf.for %scan3A_27 = %scan3A to %scan3A_21 step %scan3A_22 iter_args(%scan3A_28 = %broadcast_in_dim3A_15, %scan3A_29 = %broadcast_in_dim3A_17, %scan3A_30 = %broadcast_in_dim3A_19) -> (vector<8x2048xf32>, vector<8xi32>, vector<8x1024xi32>)  : i32 {
      %eq3A = vector.broadcast %scan3A_27 : i32 to vector<8x1024xi32>
      %eq3A_31 = arith.cmpi eq, %iota3A_14, %eq3A : vector<8x1024xi32>
      %broadcast_in_dim3A_32 = vector.shape_cast %scan3A_29 : vector<8xi32> to vector<8x1xi32>
      %broadcast_in_dim3A_33 = vector.shape_cast %broadcast_in_dim3A_32 : vector<8x1xi32> to vector<8x1xi32>
      %broadcast_in_dim3A_34 = vector.broadcast %broadcast_in_dim3A_33 : vector<8x1xi32> to vector<8x1024xi32>
      %select_n3A = arith.select %eq3A_31, %broadcast_in_dim3A_34, %scan3A_30 : vector<8x1024xi1>, vector<8x1024xi32>
      %broadcast_in_dim3A_35 = vector.shape_cast %scan3A_29 : vector<8xi32> to vector<8x1xi32>
      %eq3A_36 = vector.broadcast %broadcast_in_dim3A_35 : vector<8x1xi32> to vector<8x2048xi32>
      %eq3A_37 = arith.cmpi eq, %iota3A, %eq3A_36 : vector<8x2048xi32>
      %jit3A = arith.constant 0.000000e+00 : f32
      %broadcast_in_dim3A_38 = vector.broadcast %jit3A : f32 to vector<8x2048xf32>
      %select_n3A_39 = arith.select %eq3A_37, %get3A_3, %broadcast_in_dim3A_38 : vector<8x2048xi1>, vector<8x2048xf32>
      %reduce_sum3A = arith.constant dense<0.000000e+00> : vector<8xf32>
      %reduce_sum3A_40 = vector.multi_reduction <add>, %select_n3A_39, %reduce_sum3A [1] : vector<8x2048xf32> to vector<8xf32>
      %broadcast_in_dim3A_41 = vector.shape_cast %reduce_sum3A_40 : vector<8xf32> to vector<8x1xf32>
      %jit3A_42 = arith.constant 0.000000e+00 : f32
      %broadcast_in_dim3A_43 = vector.broadcast %jit3A_42 : f32 to vector<8x2048xf32>
      %select_n3A_44 = arith.select %eq3A_37, %get3A_8, %broadcast_in_dim3A_43 : vector<8x2048xi1>, vector<8x2048xf32>
      %reduce_sum3A_45 = arith.constant dense<0.000000e+00> : vector<8xf32>
      %reduce_sum3A_46 = vector.multi_reduction <add>, %select_n3A_44, %reduce_sum3A_45 [1] : vector<8x2048xf32> to vector<8xf32>
      %broadcast_in_dim3A_47 = vector.shape_cast %reduce_sum3A_46 : vector<8xf32> to vector<8x1xf32>
      %jit3A_48 = arith.constant 0.000000e+00 : f32
      %broadcast_in_dim3A_49 = vector.broadcast %jit3A_48 : f32 to vector<8x2048xf32>
      %select_n3A_50 = arith.select %eq3A_37, %get3A_13, %broadcast_in_dim3A_49 : vector<8x2048xi1>, vector<8x2048xf32>
      %reduce_sum3A_51 = arith.constant dense<0.000000e+00> : vector<8xf32>
      %reduce_sum3A_52 = vector.multi_reduction <add>, %select_n3A_50, %reduce_sum3A_51 [1] : vector<8x2048xf32> to vector<8xf32>
      %broadcast_in_dim3A_53 = vector.shape_cast %reduce_sum3A_52 : vector<8xf32> to vector<8x1xf32>
      %sub3A = vector.broadcast %broadcast_in_dim3A_41 : vector<8x1xf32> to vector<8x2048xf32>
      %sub3A_54 = arith.subf %get3A_3, %sub3A : vector<8x2048xf32>
      %integer_pow3A = arith.mulf %sub3A_54, %sub3A_54 : vector<8x2048xf32>
      %sub3A_55 = vector.broadcast %broadcast_in_dim3A_47 : vector<8x1xf32> to vector<8x2048xf32>
      %sub3A_56 = arith.subf %get3A_8, %sub3A_55 : vector<8x2048xf32>
      %integer_pow3A_57 = arith.mulf %sub3A_56, %sub3A_56 : vector<8x2048xf32>
      %add3A = arith.addf %integer_pow3A, %integer_pow3A_57 : vector<8x2048xf32>
      %sub3A_58 = vector.broadcast %broadcast_in_dim3A_53 : vector<8x1xf32> to vector<8x2048xf32>
      %sub3A_59 = arith.subf %get3A_13, %sub3A_58 : vector<8x2048xf32>
      %integer_pow3A_60 = arith.mulf %sub3A_59, %sub3A_59 : vector<8x2048xf32>
      %add3A_61 = arith.addf %add3A, %integer_pow3A_60 : vector<8x2048xf32>
      %min3A = arith.minimumf %scan3A_28, %add3A_61 : vector<8x2048xf32>
      %reduce_max3A = arith.constant dense<0xFF800000> : vector<8xf32>
      %reduce_max3A_62 = vector.multi_reduction <maximumf>, %min3A, %reduce_max3A [1] : vector<8x2048xf32> to vector<8xf32>
      %broadcast_in_dim3A_63 = vector.shape_cast %reduce_max3A_62 : vector<8xf32> to vector<8x1xf32>
      %ge3A = vector.broadcast %broadcast_in_dim3A_63 : vector<8x1xf32> to vector<8x2048xf32>
      %ge3A_64 = arith.cmpf oge, %min3A, %ge3A : vector<8x2048xf32>
      %jit3A_65 = arith.constant 2048 : i32
      %broadcast_in_dim3A_66 = vector.broadcast %jit3A_65 : i32 to vector<8x2048xi32>
      %select_n3A_67 = arith.select %ge3A_64, %iota3A, %broadcast_in_dim3A_66 : vector<8x2048xi1>, vector<8x2048xi32>
      %reduce_min3A = arith.constant dense<2147483647> : vector<8xi32>
      %reduce_min3A_68 = vector.multi_reduction <minsi>, %select_n3A_67, %reduce_min3A [1] : vector<8x2048xi32> to vector<8xi32>
      scf.yield %min3A, %reduce_min3A_68, %select_n3A : vector<8x2048xf32>, vector<8xi32>, vector<8x1024xi32>
    }
    %scan3A_24 = arith.constant 1024 : i32
    %swap3A = arith.constant 0 : index
    %swap3A_25 = arith.constant 0 : index
    %swap3A_26 = vector.load %arg1[%swap3A, %swap3A_25] : memref<8x1024xi32, #tpu.memory_space<vmem>>, vector<8x1024xi32>
    tpu.vector_store %arg1[%swap3A, %swap3A_25], %scan3A_23#2 {strides = array<i32>} : memref<8x1024xi32, #tpu.memory_space<vmem>>, vector<8x1024xi32>,
    return
  }
}

module attributes {stable_mosaic.version = 14 : i64} {
  func.func @_embed0_kernel(%arg0: i32, %arg1: memref<1x3x2048xf32, #tpu.memory_space<vmem>>, %arg2: memref<1x96x2048xf32, #tpu.memory_space<vmem>>) attributes {dimension_semantics = [#tpu.dimension_semantics<arbitrary>], iteration_bounds = array<i64: 8>, scalar_prefetch = 0 : i64, scratch_operands = 0 : i64, tpu.core_type = #tpu.core_type<tc>, window_params = [{transform_indices = @transform_0, window_bounds = array<i64: 1, 3, 2048>}, {transform_indices = @transform_1, window_bounds = array<i64: 1, 96, 2048>}]} {
    %iota3A = tpu.iota {dimensions = array<i32: 0>} : vector<32x1xi32>
    %convert_element_type3A = arith.sitofp %iota3A : vector<32x1xi32> to vector<32x1xf32>
    %mul3A = arith.constant 6.250000e-02 : f32
    %mul3A_0 = vector.broadcast %mul3A : f32 to vector<32x1xf32>
    %mul3A_1 = arith.mulf %convert_element_type3A, %mul3A_0 : vector<32x1xf32>
    %add3A = arith.constant -1.000000e+00 : f32
    %add3A_2 = vector.broadcast %add3A : f32 to vector<32x1xf32>
    %add3A_3 = arith.addf %add3A_2, %mul3A_1 : vector<32x1xf32>
    %get3A = arith.constant 0 : index
    %get3A_4 = arith.constant 0 : index
    %get3A_5 = arith.constant 0 : index
    %get3A_6 = vector.load %arg1[%get3A, %get3A_4, %get3A_5] : memref<1x3x2048xf32, #tpu.memory_space<vmem>>, vector<1x1x2048xf32>
    %get3A_7 = vector.shape_cast %get3A_6 : vector<1x1x2048xf32> to vector<1x2048xf32>
    %sub3A = vector.broadcast %get3A_7 : vector<1x2048xf32> to vector<32x2048xf32>
    %sub3A_8 = vector.broadcast %add3A_3 : vector<32x1xf32> to vector<32x2048xf32>
    %sub3A_9 = arith.subf %sub3A, %sub3A_8 : vector<32x2048xf32>
    %integer_pow3A = arith.mulf %sub3A_9, %sub3A_9 : vector<32x2048xf32>
    %mul3A_10 = arith.constant -5.000000e-01 : f32
    %mul3A_11 = vector.broadcast %mul3A_10 : f32 to vector<32x2048xf32>
    %mul3A_12 = arith.mulf %mul3A_11, %integer_pow3A : vector<32x2048xf32>
    %div3A = arith.constant 9.000000e-02 : f32
    %div3A_13 = vector.broadcast %div3A : f32 to vector<32x2048xf32>
    %div3A_14 = arith.divf %mul3A_12, %div3A_13 : vector<32x2048xf32>
    %exp3A = math.exp %div3A_14 : vector<32x2048xf32>
    %get3A_15 = arith.constant 0 : index
    %get3A_16 = arith.constant 1 : index
    %get3A_17 = arith.constant 0 : index
    %get3A_18 = vector.load %arg1[%get3A_15, %get3A_16, %get3A_17] : memref<1x3x2048xf32, #tpu.memory_space<vmem>>, vector<1x1x2048xf32>
    %get3A_19 = vector.shape_cast %get3A_18 : vector<1x1x2048xf32> to vector<1x2048xf32>
    %sub3A_20 = vector.broadcast %get3A_19 : vector<1x2048xf32> to vector<32x2048xf32>
    %sub3A_21 = vector.broadcast %add3A_3 : vector<32x1xf32> to vector<32x2048xf32>
    %sub3A_22 = arith.subf %sub3A_20, %sub3A_21 : vector<32x2048xf32>
    %integer_pow3A_23 = arith.mulf %sub3A_22, %sub3A_22 : vector<32x2048xf32>
    %mul3A_24 = arith.constant -5.000000e-01 : f32
    %mul3A_25 = vector.broadcast %mul3A_24 : f32 to vector<32x2048xf32>
    %mul3A_26 = arith.mulf %mul3A_25, %integer_pow3A_23 : vector<32x2048xf32>
    %div3A_27 = arith.constant 9.000000e-02 : f32
    %div3A_28 = vector.broadcast %div3A_27 : f32 to vector<32x2048xf32>
    %div3A_29 = arith.divf %mul3A_26, %div3A_28 : vector<32x2048xf32>
    %exp3A_30 = math.exp %div3A_29 : vector<32x2048xf32>
    %get3A_31 = arith.constant 0 : index
    %get3A_32 = arith.constant 2 : index
    %get3A_33 = arith.constant 0 : index
    %get3A_34 = vector.load %arg1[%get3A_31, %get3A_32, %get3A_33] : memref<1x3x2048xf32, #tpu.memory_space<vmem>>, vector<1x1x2048xf32>
    %get3A_35 = vector.shape_cast %get3A_34 : vector<1x1x2048xf32> to vector<1x2048xf32>
    %sub3A_36 = vector.broadcast %get3A_35 : vector<1x2048xf32> to vector<32x2048xf32>
    %sub3A_37 = vector.broadcast %add3A_3 : vector<32x1xf32> to vector<32x2048xf32>
    %sub3A_38 = arith.subf %sub3A_36, %sub3A_37 : vector<32x2048xf32>
    %integer_pow3A_39 = arith.mulf %sub3A_38, %sub3A_38 : vector<32x2048xf32>
    %mul3A_40 = arith.constant -5.000000e-01 : f32
    %mul3A_41 = vector.broadcast %mul3A_40 : f32 to vector<32x2048xf32>
    %mul3A_42 = arith.mulf %mul3A_41, %integer_pow3A_39 : vector<32x2048xf32>
    %div3A_43 = arith.constant 9.000000e-02 : f32
    %div3A_44 = vector.broadcast %div3A_43 : f32 to vector<32x2048xf32>
    %div3A_45 = arith.divf %mul3A_42, %div3A_44 : vector<32x2048xf32>
    %exp3A_46 = math.exp %div3A_45 : vector<32x2048xf32>
    %concatenate3A = tpu.concatenate %exp3A, %exp3A_30, %exp3A_46 in 0 : vector<32x2048xf32>, vector<32x2048xf32>, vector<32x2048xf32> -> vector<96x2048xf32>
    %swap3A = arith.constant 0 : index
    %swap3A_47 = arith.constant 0 : index
    %swap3A_48 = arith.constant 0 : index
    %swap3A_49 = vector.load %arg2[%swap3A, %swap3A_47, %swap3A_48] : memref<1x96x2048xf32, #tpu.memory_space<vmem>>, vector<1x96x2048xf32>
    %swap3A_50 = vector.shape_cast %swap3A_49 : vector<1x96x2048xf32> to vector<96x2048xf32>
    %swap3A_51 = vector.shape_cast %concatenate3A : vector<96x2048xf32> to vector<1x96x2048xf32>
    tpu.vector_store %arg2[%swap3A, %swap3A_47, %swap3A_48], %swap3A_51 {strides = array<i32>} : memref<1x96x2048xf32, #tpu.memory_space<vmem>>, vector<1x96x2048xf32>,
    return
  }
  func.func @transform_0(%arg0: i32) -> (i32, i32, i32) {
    %c0_i32 = arith.constant 0 : i32
    %c0_i32_0 = arith.constant 0 : i32
    %c0_i32_1 = arith.constant 0 : i32
    return %arg0, %c0_i32, %c0_i32_0 : i32, i32, i32
  }
  func.func @transform_1(%arg0: i32) -> (i32, i32, i32) {
    %c0_i32 = arith.constant 0 : i32
    %c0_i32_0 = arith.constant 0 : i32
    %c0_i32_1 = arith.constant 0 : i32
    return %arg0, %c0_i32, %c0_i32_0 : i32, i32, i32
  }
}

module attributes {stable_mosaic.version = 14 : i64} {
  func.func @_knn_kernel(%arg0: i32, %arg1: i32, %arg2: memref<1x128x3xf32, #tpu.memory_space<vmem>>, %arg3: memref<1x3x2048xf32, #tpu.memory_space<vmem>>, %arg4: memref<1x128x24xi32, #tpu.memory_space<vmem>>) attributes {dimension_semantics = [#tpu.dimension_semantics<arbitrary>, #tpu.dimension_semantics<arbitrary>], iteration_bounds = array<i64: 8, 8>, scalar_prefetch = 0 : i64, scratch_operands = 0 : i64, tpu.core_type = #tpu.core_type<tc>, window_params = [{transform_indices = @transform_0, window_bounds = array<i64: 1, 128, 3>}, {transform_indices = @transform_1, window_bounds = array<i64: 1, 3, 2048>}, {transform_indices = @transform_2, window_bounds = array<i64: 1, 128, 24>}]} {
    %get3A = arith.constant 0 : index
    %get3A_0 = arith.constant 0 : index
    %get3A_1 = arith.constant 0 : index
    %get3A_2 = vector.load %arg2[%get3A, %get3A_0, %get3A_1] : memref<1x128x3xf32, #tpu.memory_space<vmem>>, vector<1x128x3xf32>
    %get3A_3 = vector.shape_cast %get3A_2 : vector<1x128x3xf32> to vector<128x3xf32>
    %slice3A = vector.extract_strided_slice %get3A_3 {offsets = [0, 0], sizes = [128, 1], strides = [1, 1]} : vector<128x3xf32> to vector<128x1xf32>
    %slice3A_4 = vector.extract_strided_slice %get3A_3 {offsets = [0, 1], sizes = [128, 1], strides = [1, 1]} : vector<128x3xf32> to vector<128x1xf32>
    %slice3A_5 = vector.extract_strided_slice %get3A_3 {offsets = [0, 2], sizes = [128, 1], strides = [1, 1]} : vector<128x3xf32> to vector<128x1xf32>
    %get3A_6 = arith.constant 0 : index
    %get3A_7 = arith.constant 0 : index
    %get3A_8 = arith.constant 0 : index
    %get3A_9 = vector.load %arg3[%get3A_6, %get3A_7, %get3A_8] : memref<1x3x2048xf32, #tpu.memory_space<vmem>>, vector<1x3x2048xf32>
    %get3A_10 = vector.shape_cast %get3A_9 : vector<1x3x2048xf32> to vector<3x2048xf32>
    %slice3A_11 = vector.extract_strided_slice %get3A_10 {offsets = [0, 0], sizes = [1, 2048], strides = [1, 1]} : vector<3x2048xf32> to vector<1x2048xf32>
    %slice3A_12 = vector.extract_strided_slice %get3A_10 {offsets = [1, 0], sizes = [1, 2048], strides = [1, 1]} : vector<3x2048xf32> to vector<1x2048xf32>
    %slice3A_13 = vector.extract_strided_slice %get3A_10 {offsets = [2, 0], sizes = [1, 2048], strides = [1, 1]} : vector<3x2048xf32> to vector<1x2048xf32>
    %mul3A = arith.mulf %slice3A, %slice3A : vector<128x1xf32>
    %mul3A_14 = arith.mulf %slice3A_4, %slice3A_4 : vector<128x1xf32>
    %add3A = arith.addf %mul3A, %mul3A_14 : vector<128x1xf32>
    %mul3A_15 = arith.mulf %slice3A_5, %slice3A_5 : vector<128x1xf32>
    %add3A_16 = arith.addf %add3A, %mul3A_15 : vector<128x1xf32>
    %mul3A_17 = arith.mulf %slice3A_11, %slice3A_11 : vector<1x2048xf32>
    %mul3A_18 = arith.mulf %slice3A_12, %slice3A_12 : vector<1x2048xf32>
    %add3A_19 = arith.addf %mul3A_17, %mul3A_18 : vector<1x2048xf32>
    %mul3A_20 = arith.mulf %slice3A_13, %slice3A_13 : vector<1x2048xf32>
    %add3A_21 = arith.addf %add3A_19, %mul3A_20 : vector<1x2048xf32>
    %convert_element_type3A = arith.truncf %get3A_3 : vector<128x3xf32> to vector<128x3xbf16>
    %convert_element_type3A_22 = arith.truncf %get3A_10 : vector<3x2048xf32> to vector<3x2048xbf16>
    %dot_general3A = arith.constant dense<0.000000e+00> : vector<128x2048xf32>
    %dot_general3A_23 = tpu.matmul %convert_element_type3A, %convert_element_type3A_22, %dot_general3A {dimension_numbers = #tpu.dot_dimension_numbers<[1], [0], [0], [1], [0, 0, 1, 1], [], []>, transpose_lhs_hint = false} : vector<128x3xbf16>, vector<3x2048xbf16>, vector<128x2048xf32> -> vector<128x2048xf32>
    %add3A_24 = vector.broadcast %add3A_16 : vector<128x1xf32> to vector<128x2048xf32>
    %add3A_25 = vector.broadcast %add3A_21 : vector<1x2048xf32> to vector<128x2048xf32>
    %add3A_26 = arith.addf %add3A_24, %add3A_25 : vector<128x2048xf32>
    %mul3A_27 = arith.constant 2.000000e+00 : f32
    %mul3A_28 = vector.broadcast %mul3A_27 : f32 to vector<128x2048xf32>
    %mul3A_29 = arith.mulf %mul3A_28, %dot_general3A_23 : vector<128x2048xf32>
    %sub3A = arith.subf %add3A_26, %mul3A_29 : vector<128x2048xf32>
    %iota3A = tpu.iota {dimensions = array<i32: 1>} : vector<128x2048xi32>
    %iota3A_30 = tpu.iota {dimensions = array<i32: 1>} : vector<128x24xi32>
    %broadcast_in_dim3A = arith.constant 0 : i32
    %broadcast_in_dim3A_31 = vector.broadcast %broadcast_in_dim3A : i32 to vector<128x24xi32>
    %scan3A = arith.constant 0 : i32
    %scan3A_32 = arith.constant 24 : i32
    %scan3A_33 = arith.addi %scan3A, %scan3A_32 : i32
    %scan3A_34 = arith.constant 1 : i32
    %scan3A_35:2 = scf.for %scan3A_42 = %scan3A to %scan3A_33 step %scan3A_34 iter_args(%scan3A_43 = %sub3A, %scan3A_44 = %broadcast_in_dim3A_31) -> (vector<128x2048xf32>, vector<128x24xi32>)  : i32 {
      %reduce_min3A = arith.constant dense<0x7F800000> : vector<128xf32>
      %reduce_min3A_45 = vector.multi_reduction <minimumf>, %scan3A_43, %reduce_min3A [1] : vector<128x2048xf32> to vector<128xf32>
      %broadcast_in_dim3A_46 = vector.shape_cast %reduce_min3A_45 : vector<128xf32> to vector<128x1xf32>
      %le3A = vector.broadcast %broadcast_in_dim3A_46 : vector<128x1xf32> to vector<128x2048xf32>
      %le3A_47 = arith.cmpf ole, %scan3A_43, %le3A : vector<128x2048xf32>
      %jit3A = arith.constant 2048 : i32
      %broadcast_in_dim3A_48 = vector.broadcast %jit3A : i32 to vector<128x2048xi32>
      %select_n3A = arith.select %le3A_47, %iota3A, %broadcast_in_dim3A_48 : vector<128x2048xi1>, vector<128x2048xi32>
      %reduce_min3A_49 = arith.constant dense<2147483647> : vector<128xi32>
      %reduce_min3A_50 = vector.multi_reduction <minsi>, %select_n3A, %reduce_min3A_49 [1] : vector<128x2048xi32> to vector<128xi32>
      %eq3A = vector.broadcast %scan3A_42 : i32 to vector<128x24xi32>
      %eq3A_51 = arith.cmpi eq, %iota3A_30, %eq3A : vector<128x24xi32>
      %broadcast_in_dim3A_52 = vector.shape_cast %reduce_min3A_50 : vector<128xi32> to vector<128x1xi32>
      %broadcast_in_dim3A_53 = vector.shape_cast %broadcast_in_dim3A_52 : vector<128x1xi32> to vector<128x1xi32>
      %broadcast_in_dim3A_54 = vector.broadcast %broadcast_in_dim3A_53 : vector<128x1xi32> to vector<128x24xi32>
      %select_n3A_55 = arith.select %eq3A_51, %broadcast_in_dim3A_54, %scan3A_44 : vector<128x24xi1>, vector<128x24xi32>
      %broadcast_in_dim3A_56 = vector.shape_cast %reduce_min3A_50 : vector<128xi32> to vector<128x1xi32>
      %eq3A_57 = vector.broadcast %broadcast_in_dim3A_56 : vector<128x1xi32> to vector<128x2048xi32>
      %eq3A_58 = arith.cmpi eq, %iota3A, %eq3A_57 : vector<128x2048xi32>
      %jit3A_59 = arith.constant 3.000000e+38 : f32
      %broadcast_in_dim3A_60 = vector.broadcast %jit3A_59 : f32 to vector<128x2048xf32>
      %select_n3A_61 = arith.select %eq3A_58, %broadcast_in_dim3A_60, %scan3A_43 : vector<128x2048xi1>, vector<128x2048xf32>
      scf.yield %select_n3A_61, %select_n3A_55 : vector<128x2048xf32>, vector<128x24xi32>
    }
    %scan3A_36 = arith.constant 24 : i32
    %swap3A = arith.constant 0 : index
    %swap3A_37 = arith.constant 0 : index
    %swap3A_38 = arith.constant 0 : index
    %swap3A_39 = vector.load %arg4[%swap3A, %swap3A_37, %swap3A_38] : memref<1x128x24xi32, #tpu.memory_space<vmem>>, vector<1x128x24xi32>
    %swap3A_40 = vector.shape_cast %swap3A_39 : vector<1x128x24xi32> to vector<128x24xi32>
    %swap3A_41 = vector.shape_cast %scan3A_35#1 : vector<128x24xi32> to vector<1x128x24xi32>
    tpu.vector_store %arg4[%swap3A, %swap3A_37, %swap3A_38], %swap3A_41 {strides = array<i32>} : memref<1x128x24xi32, #tpu.memory_space<vmem>>, vector<1x128x24xi32>,
    return
  }
  func.func @transform_0(%arg0: i32, %arg1: i32) -> (i32, i32, i32) {
    %c0_i32 = arith.constant 0 : i32
    %c0_i32_0 = arith.constant 0 : i32
    return %arg0, %arg1, %c0_i32 : i32, i32, i32
  }
  func.func @transform_1(%arg0: i32, %arg1: i32) -> (i32, i32, i32) {
    %c0_i32 = arith.constant 0 : i32
    %c0_i32_0 = arith.constant 0 : i32
    %c0_i32_1 = arith.constant 0 : i32
    return %arg0, %c0_i32, %c0_i32_0 : i32, i32, i32
  }
  func.func @transform_2(%arg0: i32, %arg1: i32) -> (i32, i32, i32) {
    %c0_i32 = arith.constant 0 : i32
    %c0_i32_0 = arith.constant 0 : i32
    return %arg0, %arg1, %c0_i32 : i32, i32, i32
  }
}

module attributes {stable_mosaic.version = 14 : i64} {
  func.func @_fps_kernel(%arg0: memref<3x8x1024xf32, #tpu.memory_space<vmem>>, %arg1: memref<8x512xi32, #tpu.memory_space<vmem>>) attributes {dimension_semantics = [], scalar_prefetch = 0 : i64, scratch_operands = 0 : i64, tpu.core_type = #tpu.core_type<tc>} {
    %get3A = arith.constant 0 : index
    %get3A_0 = arith.constant 0 : index
    %get3A_1 = arith.constant 0 : index
    %get3A_2 = vector.load %arg0[%get3A, %get3A_0, %get3A_1] : memref<3x8x1024xf32, #tpu.memory_space<vmem>>, vector<1x8x1024xf32>
    %get3A_3 = vector.shape_cast %get3A_2 : vector<1x8x1024xf32> to vector<8x1024xf32>
    %get3A_4 = arith.constant 1 : index
    %get3A_5 = arith.constant 0 : index
    %get3A_6 = arith.constant 0 : index
    %get3A_7 = vector.load %arg0[%get3A_4, %get3A_5, %get3A_6] : memref<3x8x1024xf32, #tpu.memory_space<vmem>>, vector<1x8x1024xf32>
    %get3A_8 = vector.shape_cast %get3A_7 : vector<1x8x1024xf32> to vector<8x1024xf32>
    %get3A_9 = arith.constant 2 : index
    %get3A_10 = arith.constant 0 : index
    %get3A_11 = arith.constant 0 : index
    %get3A_12 = vector.load %arg0[%get3A_9, %get3A_10, %get3A_11] : memref<3x8x1024xf32, #tpu.memory_space<vmem>>, vector<1x8x1024xf32>
    %get3A_13 = vector.shape_cast %get3A_12 : vector<1x8x1024xf32> to vector<8x1024xf32>
    %iota3A = tpu.iota {dimensions = array<i32: 1>} : vector<8x1024xi32>
    %iota3A_14 = tpu.iota {dimensions = array<i32: 1>} : vector<8x512xi32>
    %broadcast_in_dim3A = arith.constant 1.000000e+10 : f32
    %broadcast_in_dim3A_15 = vector.broadcast %broadcast_in_dim3A : f32 to vector<8x1024xf32>
    %broadcast_in_dim3A_16 = arith.constant 0 : i32
    %broadcast_in_dim3A_17 = vector.broadcast %broadcast_in_dim3A_16 : i32 to vector<8xi32>
    %broadcast_in_dim3A_18 = arith.constant 0 : i32
    %broadcast_in_dim3A_19 = vector.broadcast %broadcast_in_dim3A_18 : i32 to vector<8x512xi32>
    %scan3A = arith.constant 0 : i32
    %scan3A_20 = arith.constant 512 : i32
    %scan3A_21 = arith.addi %scan3A, %scan3A_20 : i32
    %scan3A_22 = arith.constant 1 : i32
    %scan3A_23:3 = scf.for %scan3A_27 = %scan3A to %scan3A_21 step %scan3A_22 iter_args(%scan3A_28 = %broadcast_in_dim3A_15, %scan3A_29 = %broadcast_in_dim3A_17, %scan3A_30 = %broadcast_in_dim3A_19) -> (vector<8x1024xf32>, vector<8xi32>, vector<8x512xi32>)  : i32 {
      %eq3A = vector.broadcast %scan3A_27 : i32 to vector<8x512xi32>
      %eq3A_31 = arith.cmpi eq, %iota3A_14, %eq3A : vector<8x512xi32>
      %broadcast_in_dim3A_32 = vector.shape_cast %scan3A_29 : vector<8xi32> to vector<8x1xi32>
      %broadcast_in_dim3A_33 = vector.shape_cast %broadcast_in_dim3A_32 : vector<8x1xi32> to vector<8x1xi32>
      %broadcast_in_dim3A_34 = vector.broadcast %broadcast_in_dim3A_33 : vector<8x1xi32> to vector<8x512xi32>
      %select_n3A = arith.select %eq3A_31, %broadcast_in_dim3A_34, %scan3A_30 : vector<8x512xi1>, vector<8x512xi32>
      %broadcast_in_dim3A_35 = vector.shape_cast %scan3A_29 : vector<8xi32> to vector<8x1xi32>
      %eq3A_36 = vector.broadcast %broadcast_in_dim3A_35 : vector<8x1xi32> to vector<8x1024xi32>
      %eq3A_37 = arith.cmpi eq, %iota3A, %eq3A_36 : vector<8x1024xi32>
      %jit3A = arith.constant 0.000000e+00 : f32
      %broadcast_in_dim3A_38 = vector.broadcast %jit3A : f32 to vector<8x1024xf32>
      %select_n3A_39 = arith.select %eq3A_37, %get3A_3, %broadcast_in_dim3A_38 : vector<8x1024xi1>, vector<8x1024xf32>
      %reduce_sum3A = arith.constant dense<0.000000e+00> : vector<8xf32>
      %reduce_sum3A_40 = vector.multi_reduction <add>, %select_n3A_39, %reduce_sum3A [1] : vector<8x1024xf32> to vector<8xf32>
      %broadcast_in_dim3A_41 = vector.shape_cast %reduce_sum3A_40 : vector<8xf32> to vector<8x1xf32>
      %jit3A_42 = arith.constant 0.000000e+00 : f32
      %broadcast_in_dim3A_43 = vector.broadcast %jit3A_42 : f32 to vector<8x1024xf32>
      %select_n3A_44 = arith.select %eq3A_37, %get3A_8, %broadcast_in_dim3A_43 : vector<8x1024xi1>, vector<8x1024xf32>
      %reduce_sum3A_45 = arith.constant dense<0.000000e+00> : vector<8xf32>
      %reduce_sum3A_46 = vector.multi_reduction <add>, %select_n3A_44, %reduce_sum3A_45 [1] : vector<8x1024xf32> to vector<8xf32>
      %broadcast_in_dim3A_47 = vector.shape_cast %reduce_sum3A_46 : vector<8xf32> to vector<8x1xf32>
      %jit3A_48 = arith.constant 0.000000e+00 : f32
      %broadcast_in_dim3A_49 = vector.broadcast %jit3A_48 : f32 to vector<8x1024xf32>
      %select_n3A_50 = arith.select %eq3A_37, %get3A_13, %broadcast_in_dim3A_49 : vector<8x1024xi1>, vector<8x1024xf32>
      %reduce_sum3A_51 = arith.constant dense<0.000000e+00> : vector<8xf32>
      %reduce_sum3A_52 = vector.multi_reduction <add>, %select_n3A_50, %reduce_sum3A_51 [1] : vector<8x1024xf32> to vector<8xf32>
      %broadcast_in_dim3A_53 = vector.shape_cast %reduce_sum3A_52 : vector<8xf32> to vector<8x1xf32>
      %sub3A = vector.broadcast %broadcast_in_dim3A_41 : vector<8x1xf32> to vector<8x1024xf32>
      %sub3A_54 = arith.subf %get3A_3, %sub3A : vector<8x1024xf32>
      %integer_pow3A = arith.mulf %sub3A_54, %sub3A_54 : vector<8x1024xf32>
      %sub3A_55 = vector.broadcast %broadcast_in_dim3A_47 : vector<8x1xf32> to vector<8x1024xf32>
      %sub3A_56 = arith.subf %get3A_8, %sub3A_55 : vector<8x1024xf32>
      %integer_pow3A_57 = arith.mulf %sub3A_56, %sub3A_56 : vector<8x1024xf32>
      %add3A = arith.addf %integer_pow3A, %integer_pow3A_57 : vector<8x1024xf32>
      %sub3A_58 = vector.broadcast %broadcast_in_dim3A_53 : vector<8x1xf32> to vector<8x1024xf32>
      %sub3A_59 = arith.subf %get3A_13, %sub3A_58 : vector<8x1024xf32>
      %integer_pow3A_60 = arith.mulf %sub3A_59, %sub3A_59 : vector<8x1024xf32>
      %add3A_61 = arith.addf %add3A, %integer_pow3A_60 : vector<8x1024xf32>
      %min3A = arith.minimumf %scan3A_28, %add3A_61 : vector<8x1024xf32>
      %reduce_max3A = arith.constant dense<0xFF800000> : vector<8xf32>
      %reduce_max3A_62 = vector.multi_reduction <maximumf>, %min3A, %reduce_max3A [1] : vector<8x1024xf32> to vector<8xf32>
      %broadcast_in_dim3A_63 = vector.shape_cast %reduce_max3A_62 : vector<8xf32> to vector<8x1xf32>
      %ge3A = vector.broadcast %broadcast_in_dim3A_63 : vector<8x1xf32> to vector<8x1024xf32>
      %ge3A_64 = arith.cmpf oge, %min3A, %ge3A : vector<8x1024xf32>
      %jit3A_65 = arith.constant 1024 : i32
      %broadcast_in_dim3A_66 = vector.broadcast %jit3A_65 : i32 to vector<8x1024xi32>
      %select_n3A_67 = arith.select %ge3A_64, %iota3A, %broadcast_in_dim3A_66 : vector<8x1024xi1>, vector<8x1024xi32>
      %reduce_min3A = arith.constant dense<2147483647> : vector<8xi32>
      %reduce_min3A_68 = vector.multi_reduction <minsi>, %select_n3A_67, %reduce_min3A [1] : vector<8x1024xi32> to vector<8xi32>
      scf.yield %min3A, %reduce_min3A_68, %select_n3A : vector<8x1024xf32>, vector<8xi32>, vector<8x512xi32>
    }
    %scan3A_24 = arith.constant 512 : i32
    %swap3A = arith.constant 0 : index
    %swap3A_25 = arith.constant 0 : index
    %swap3A_26 = vector.load %arg1[%swap3A, %swap3A_25] : memref<8x512xi32, #tpu.memory_space<vmem>>, vector<8x512xi32>
    tpu.vector_store %arg1[%swap3A, %swap3A_25], %scan3A_23#2 {strides = array<i32>} : memref<8x512xi32, #tpu.memory_space<vmem>>, vector<8x512xi32>,
    return
  }
}

module attributes {stable_mosaic.version = 14 : i64} {
  func.func @_knn_kernel(%arg0: i32, %arg1: i32, %arg2: memref<1x128x3xf32, #tpu.memory_space<vmem>>, %arg3: memref<1x3x1024xf32, #tpu.memory_space<vmem>>, %arg4: memref<1x128x24xi32, #tpu.memory_space<vmem>>) attributes {dimension_semantics = [#tpu.dimension_semantics<arbitrary>, #tpu.dimension_semantics<arbitrary>], iteration_bounds = array<i64: 8, 4>, scalar_prefetch = 0 : i64, scratch_operands = 0 : i64, tpu.core_type = #tpu.core_type<tc>, window_params = [{transform_indices = @transform_0, window_bounds = array<i64: 1, 128, 3>}, {transform_indices = @transform_1, window_bounds = array<i64: 1, 3, 1024>}, {transform_indices = @transform_2, window_bounds = array<i64: 1, 128, 24>}]} {
    %get3A = arith.constant 0 : index
    %get3A_0 = arith.constant 0 : index
    %get3A_1 = arith.constant 0 : index
    %get3A_2 = vector.load %arg2[%get3A, %get3A_0, %get3A_1] : memref<1x128x3xf32, #tpu.memory_space<vmem>>, vector<1x128x3xf32>
    %get3A_3 = vector.shape_cast %get3A_2 : vector<1x128x3xf32> to vector<128x3xf32>
    %slice3A = vector.extract_strided_slice %get3A_3 {offsets = [0, 0], sizes = [128, 1], strides = [1, 1]} : vector<128x3xf32> to vector<128x1xf32>
    %slice3A_4 = vector.extract_strided_slice %get3A_3 {offsets = [0, 1], sizes = [128, 1], strides = [1, 1]} : vector<128x3xf32> to vector<128x1xf32>
    %slice3A_5 = vector.extract_strided_slice %get3A_3 {offsets = [0, 2], sizes = [128, 1], strides = [1, 1]} : vector<128x3xf32> to vector<128x1xf32>
    %get3A_6 = arith.constant 0 : index
    %get3A_7 = arith.constant 0 : index
    %get3A_8 = arith.constant 0 : index
    %get3A_9 = vector.load %arg3[%get3A_6, %get3A_7, %get3A_8] : memref<1x3x1024xf32, #tpu.memory_space<vmem>>, vector<1x3x1024xf32>
    %get3A_10 = vector.shape_cast %get3A_9 : vector<1x3x1024xf32> to vector<3x1024xf32>
    %slice3A_11 = vector.extract_strided_slice %get3A_10 {offsets = [0, 0], sizes = [1, 1024], strides = [1, 1]} : vector<3x1024xf32> to vector<1x1024xf32>
    %slice3A_12 = vector.extract_strided_slice %get3A_10 {offsets = [1, 0], sizes = [1, 1024], strides = [1, 1]} : vector<3x1024xf32> to vector<1x1024xf32>
    %slice3A_13 = vector.extract_strided_slice %get3A_10 {offsets = [2, 0], sizes = [1, 1024], strides = [1, 1]} : vector<3x1024xf32> to vector<1x1024xf32>
    %mul3A = arith.mulf %slice3A, %slice3A : vector<128x1xf32>
    %mul3A_14 = arith.mulf %slice3A_4, %slice3A_4 : vector<128x1xf32>
    %add3A = arith.addf %mul3A, %mul3A_14 : vector<128x1xf32>
    %mul3A_15 = arith.mulf %slice3A_5, %slice3A_5 : vector<128x1xf32>
    %add3A_16 = arith.addf %add3A, %mul3A_15 : vector<128x1xf32>
    %mul3A_17 = arith.mulf %slice3A_11, %slice3A_11 : vector<1x1024xf32>
    %mul3A_18 = arith.mulf %slice3A_12, %slice3A_12 : vector<1x1024xf32>
    %add3A_19 = arith.addf %mul3A_17, %mul3A_18 : vector<1x1024xf32>
    %mul3A_20 = arith.mulf %slice3A_13, %slice3A_13 : vector<1x1024xf32>
    %add3A_21 = arith.addf %add3A_19, %mul3A_20 : vector<1x1024xf32>
    %convert_element_type3A = arith.truncf %get3A_3 : vector<128x3xf32> to vector<128x3xbf16>
    %convert_element_type3A_22 = arith.truncf %get3A_10 : vector<3x1024xf32> to vector<3x1024xbf16>
    %dot_general3A = arith.constant dense<0.000000e+00> : vector<128x1024xf32>
    %dot_general3A_23 = tpu.matmul %convert_element_type3A, %convert_element_type3A_22, %dot_general3A {dimension_numbers = #tpu.dot_dimension_numbers<[1], [0], [0], [1], [0, 0, 1, 1], [], []>, transpose_lhs_hint = false} : vector<128x3xbf16>, vector<3x1024xbf16>, vector<128x1024xf32> -> vector<128x1024xf32>
    %add3A_24 = vector.broadcast %add3A_16 : vector<128x1xf32> to vector<128x1024xf32>
    %add3A_25 = vector.broadcast %add3A_21 : vector<1x1024xf32> to vector<128x1024xf32>
    %add3A_26 = arith.addf %add3A_24, %add3A_25 : vector<128x1024xf32>
    %mul3A_27 = arith.constant 2.000000e+00 : f32
    %mul3A_28 = vector.broadcast %mul3A_27 : f32 to vector<128x1024xf32>
    %mul3A_29 = arith.mulf %mul3A_28, %dot_general3A_23 : vector<128x1024xf32>
    %sub3A = arith.subf %add3A_26, %mul3A_29 : vector<128x1024xf32>
    %iota3A = tpu.iota {dimensions = array<i32: 1>} : vector<128x1024xi32>
    %iota3A_30 = tpu.iota {dimensions = array<i32: 1>} : vector<128x24xi32>
    %broadcast_in_dim3A = arith.constant 0 : i32
    %broadcast_in_dim3A_31 = vector.broadcast %broadcast_in_dim3A : i32 to vector<128x24xi32>
    %scan3A = arith.constant 0 : i32
    %scan3A_32 = arith.constant 24 : i32
    %scan3A_33 = arith.addi %scan3A, %scan3A_32 : i32
    %scan3A_34 = arith.constant 1 : i32
    %scan3A_35:2 = scf.for %scan3A_42 = %scan3A to %scan3A_33 step %scan3A_34 iter_args(%scan3A_43 = %sub3A, %scan3A_44 = %broadcast_in_dim3A_31) -> (vector<128x1024xf32>, vector<128x24xi32>)  : i32 {
      %reduce_min3A = arith.constant dense<0x7F800000> : vector<128xf32>
      %reduce_min3A_45 = vector.multi_reduction <minimumf>, %scan3A_43, %reduce_min3A [1] : vector<128x1024xf32> to vector<128xf32>
      %broadcast_in_dim3A_46 = vector.shape_cast %reduce_min3A_45 : vector<128xf32> to vector<128x1xf32>
      %le3A = vector.broadcast %broadcast_in_dim3A_46 : vector<128x1xf32> to vector<128x1024xf32>
      %le3A_47 = arith.cmpf ole, %scan3A_43, %le3A : vector<128x1024xf32>
      %jit3A = arith.constant 1024 : i32
      %broadcast_in_dim3A_48 = vector.broadcast %jit3A : i32 to vector<128x1024xi32>
      %select_n3A = arith.select %le3A_47, %iota3A, %broadcast_in_dim3A_48 : vector<128x1024xi1>, vector<128x1024xi32>
      %reduce_min3A_49 = arith.constant dense<2147483647> : vector<128xi32>
      %reduce_min3A_50 = vector.multi_reduction <minsi>, %select_n3A, %reduce_min3A_49 [1] : vector<128x1024xi32> to vector<128xi32>
      %eq3A = vector.broadcast %scan3A_42 : i32 to vector<128x24xi32>
      %eq3A_51 = arith.cmpi eq, %iota3A_30, %eq3A : vector<128x24xi32>
      %broadcast_in_dim3A_52 = vector.shape_cast %reduce_min3A_50 : vector<128xi32> to vector<128x1xi32>
      %broadcast_in_dim3A_53 = vector.shape_cast %broadcast_in_dim3A_52 : vector<128x1xi32> to vector<128x1xi32>
      %broadcast_in_dim3A_54 = vector.broadcast %broadcast_in_dim3A_53 : vector<128x1xi32> to vector<128x24xi32>
      %select_n3A_55 = arith.select %eq3A_51, %broadcast_in_dim3A_54, %scan3A_44 : vector<128x24xi1>, vector<128x24xi32>
      %broadcast_in_dim3A_56 = vector.shape_cast %reduce_min3A_50 : vector<128xi32> to vector<128x1xi32>
      %eq3A_57 = vector.broadcast %broadcast_in_dim3A_56 : vector<128x1xi32> to vector<128x1024xi32>
      %eq3A_58 = arith.cmpi eq, %iota3A, %eq3A_57 : vector<128x1024xi32>
      %jit3A_59 = arith.constant 3.000000e+38 : f32
      %broadcast_in_dim3A_60 = vector.broadcast %jit3A_59 : f32 to vector<128x1024xf32>
      %select_n3A_61 = arith.select %eq3A_58, %broadcast_in_dim3A_60, %scan3A_43 : vector<128x1024xi1>, vector<128x1024xf32>
      scf.yield %select_n3A_61, %select_n3A_55 : vector<128x1024xf32>, vector<128x24xi32>
    }
    %scan3A_36 = arith.constant 24 : i32
    %swap3A = arith.constant 0 : index
    %swap3A_37 = arith.constant 0 : index
    %swap3A_38 = arith.constant 0 : index
    %swap3A_39 = vector.load %arg4[%swap3A, %swap3A_37, %swap3A_38] : memref<1x128x24xi32, #tpu.memory_space<vmem>>, vector<1x128x24xi32>
    %swap3A_40 = vector.shape_cast %swap3A_39 : vector<1x128x24xi32> to vector<128x24xi32>
    %swap3A_41 = vector.shape_cast %scan3A_35#1 : vector<128x24xi32> to vector<1x128x24xi32>
    tpu.vector_store %arg4[%swap3A, %swap3A_37, %swap3A_38], %swap3A_41 {strides = array<i32>} : memref<1x128x24xi32, #tpu.memory_space<vmem>>, vector<1x128x24xi32>,
    return
  }
  func.func @transform_0(%arg0: i32, %arg1: i32) -> (i32, i32, i32) {
    %c0_i32 = arith.constant 0 : i32
    %c0_i32_0 = arith.constant 0 : i32
    return %arg0, %arg1, %c0_i32 : i32, i32, i32
  }
  func.func @transform_1(%arg0: i32, %arg1: i32) -> (i32, i32, i32) {
    %c0_i32 = arith.constant 0 : i32
    %c0_i32_0 = arith.constant 0 : i32
    %c0_i32_1 = arith.constant 0 : i32
    return %arg0, %c0_i32, %c0_i32_0 : i32, i32, i32
  }
  func.func @transform_2(%arg0: i32, %arg1: i32) -> (i32, i32, i32) {
    %c0_i32 = arith.constant 0 : i32
    %c0_i32_0 = arith.constant 0 : i32
    return %arg0, %arg1, %c0_i32 : i32, i32, i32
  }
}

module attributes {stable_mosaic.version = 14 : i64} {
  func.func @_fps_kernel(%arg0: memref<3x8x512xf32, #tpu.memory_space<vmem>>, %arg1: memref<8x256xi32, #tpu.memory_space<vmem>>) attributes {dimension_semantics = [], scalar_prefetch = 0 : i64, scratch_operands = 0 : i64, tpu.core_type = #tpu.core_type<tc>} {
    %get3A = arith.constant 0 : index
    %get3A_0 = arith.constant 0 : index
    %get3A_1 = arith.constant 0 : index
    %get3A_2 = vector.load %arg0[%get3A, %get3A_0, %get3A_1] : memref<3x8x512xf32, #tpu.memory_space<vmem>>, vector<1x8x512xf32>
    %get3A_3 = vector.shape_cast %get3A_2 : vector<1x8x512xf32> to vector<8x512xf32>
    %get3A_4 = arith.constant 1 : index
    %get3A_5 = arith.constant 0 : index
    %get3A_6 = arith.constant 0 : index
    %get3A_7 = vector.load %arg0[%get3A_4, %get3A_5, %get3A_6] : memref<3x8x512xf32, #tpu.memory_space<vmem>>, vector<1x8x512xf32>
    %get3A_8 = vector.shape_cast %get3A_7 : vector<1x8x512xf32> to vector<8x512xf32>
    %get3A_9 = arith.constant 2 : index
    %get3A_10 = arith.constant 0 : index
    %get3A_11 = arith.constant 0 : index
    %get3A_12 = vector.load %arg0[%get3A_9, %get3A_10, %get3A_11] : memref<3x8x512xf32, #tpu.memory_space<vmem>>, vector<1x8x512xf32>
    %get3A_13 = vector.shape_cast %get3A_12 : vector<1x8x512xf32> to vector<8x512xf32>
    %iota3A = tpu.iota {dimensions = array<i32: 1>} : vector<8x512xi32>
    %iota3A_14 = tpu.iota {dimensions = array<i32: 1>} : vector<8x256xi32>
    %broadcast_in_dim3A = arith.constant 1.000000e+10 : f32
    %broadcast_in_dim3A_15 = vector.broadcast %broadcast_in_dim3A : f32 to vector<8x512xf32>
    %broadcast_in_dim3A_16 = arith.constant 0 : i32
    %broadcast_in_dim3A_17 = vector.broadcast %broadcast_in_dim3A_16 : i32 to vector<8xi32>
    %broadcast_in_dim3A_18 = arith.constant 0 : i32
    %broadcast_in_dim3A_19 = vector.broadcast %broadcast_in_dim3A_18 : i32 to vector<8x256xi32>
    %scan3A = arith.constant 0 : i32
    %scan3A_20 = arith.constant 256 : i32
    %scan3A_21 = arith.addi %scan3A, %scan3A_20 : i32
    %scan3A_22 = arith.constant 1 : i32
    %scan3A_23:3 = scf.for %scan3A_27 = %scan3A to %scan3A_21 step %scan3A_22 iter_args(%scan3A_28 = %broadcast_in_dim3A_15, %scan3A_29 = %broadcast_in_dim3A_17, %scan3A_30 = %broadcast_in_dim3A_19) -> (vector<8x512xf32>, vector<8xi32>, vector<8x256xi32>)  : i32 {
      %eq3A = vector.broadcast %scan3A_27 : i32 to vector<8x256xi32>
      %eq3A_31 = arith.cmpi eq, %iota3A_14, %eq3A : vector<8x256xi32>
      %broadcast_in_dim3A_32 = vector.shape_cast %scan3A_29 : vector<8xi32> to vector<8x1xi32>
      %broadcast_in_dim3A_33 = vector.shape_cast %broadcast_in_dim3A_32 : vector<8x1xi32> to vector<8x1xi32>
      %broadcast_in_dim3A_34 = vector.broadcast %broadcast_in_dim3A_33 : vector<8x1xi32> to vector<8x256xi32>
      %select_n3A = arith.select %eq3A_31, %broadcast_in_dim3A_34, %scan3A_30 : vector<8x256xi1>, vector<8x256xi32>
      %broadcast_in_dim3A_35 = vector.shape_cast %scan3A_29 : vector<8xi32> to vector<8x1xi32>
      %eq3A_36 = vector.broadcast %broadcast_in_dim3A_35 : vector<8x1xi32> to vector<8x512xi32>
      %eq3A_37 = arith.cmpi eq, %iota3A, %eq3A_36 : vector<8x512xi32>
      %jit3A = arith.constant 0.000000e+00 : f32
      %broadcast_in_dim3A_38 = vector.broadcast %jit3A : f32 to vector<8x512xf32>
      %select_n3A_39 = arith.select %eq3A_37, %get3A_3, %broadcast_in_dim3A_38 : vector<8x512xi1>, vector<8x512xf32>
      %reduce_sum3A = arith.constant dense<0.000000e+00> : vector<8xf32>
      %reduce_sum3A_40 = vector.multi_reduction <add>, %select_n3A_39, %reduce_sum3A [1] : vector<8x512xf32> to vector<8xf32>
      %broadcast_in_dim3A_41 = vector.shape_cast %reduce_sum3A_40 : vector<8xf32> to vector<8x1xf32>
      %jit3A_42 = arith.constant 0.000000e+00 : f32
      %broadcast_in_dim3A_43 = vector.broadcast %jit3A_42 : f32 to vector<8x512xf32>
      %select_n3A_44 = arith.select %eq3A_37, %get3A_8, %broadcast_in_dim3A_43 : vector<8x512xi1>, vector<8x512xf32>
      %reduce_sum3A_45 = arith.constant dense<0.000000e+00> : vector<8xf32>
      %reduce_sum3A_46 = vector.multi_reduction <add>, %select_n3A_44, %reduce_sum3A_45 [1] : vector<8x512xf32> to vector<8xf32>
      %broadcast_in_dim3A_47 = vector.shape_cast %reduce_sum3A_46 : vector<8xf32> to vector<8x1xf32>
      %jit3A_48 = arith.constant 0.000000e+00 : f32
      %broadcast_in_dim3A_49 = vector.broadcast %jit3A_48 : f32 to vector<8x512xf32>
      %select_n3A_50 = arith.select %eq3A_37, %get3A_13, %broadcast_in_dim3A_49 : vector<8x512xi1>, vector<8x512xf32>
      %reduce_sum3A_51 = arith.constant dense<0.000000e+00> : vector<8xf32>
      %reduce_sum3A_52 = vector.multi_reduction <add>, %select_n3A_50, %reduce_sum3A_51 [1] : vector<8x512xf32> to vector<8xf32>
      %broadcast_in_dim3A_53 = vector.shape_cast %reduce_sum3A_52 : vector<8xf32> to vector<8x1xf32>
      %sub3A = vector.broadcast %broadcast_in_dim3A_41 : vector<8x1xf32> to vector<8x512xf32>
      %sub3A_54 = arith.subf %get3A_3, %sub3A : vector<8x512xf32>
      %integer_pow3A = arith.mulf %sub3A_54, %sub3A_54 : vector<8x512xf32>
      %sub3A_55 = vector.broadcast %broadcast_in_dim3A_47 : vector<8x1xf32> to vector<8x512xf32>
      %sub3A_56 = arith.subf %get3A_8, %sub3A_55 : vector<8x512xf32>
      %integer_pow3A_57 = arith.mulf %sub3A_56, %sub3A_56 : vector<8x512xf32>
      %add3A = arith.addf %integer_pow3A, %integer_pow3A_57 : vector<8x512xf32>
      %sub3A_58 = vector.broadcast %broadcast_in_dim3A_53 : vector<8x1xf32> to vector<8x512xf32>
      %sub3A_59 = arith.subf %get3A_13, %sub3A_58 : vector<8x512xf32>
      %integer_pow3A_60 = arith.mulf %sub3A_59, %sub3A_59 : vector<8x512xf32>
      %add3A_61 = arith.addf %add3A, %integer_pow3A_60 : vector<8x512xf32>
      %min3A = arith.minimumf %scan3A_28, %add3A_61 : vector<8x512xf32>
      %reduce_max3A = arith.constant dense<0xFF800000> : vector<8xf32>
      %reduce_max3A_62 = vector.multi_reduction <maximumf>, %min3A, %reduce_max3A [1] : vector<8x512xf32> to vector<8xf32>
      %broadcast_in_dim3A_63 = vector.shape_cast %reduce_max3A_62 : vector<8xf32> to vector<8x1xf32>
      %ge3A = vector.broadcast %broadcast_in_dim3A_63 : vector<8x1xf32> to vector<8x512xf32>
      %ge3A_64 = arith.cmpf oge, %min3A, %ge3A : vector<8x512xf32>
      %jit3A_65 = arith.constant 512 : i32
      %broadcast_in_dim3A_66 = vector.broadcast %jit3A_65 : i32 to vector<8x512xi32>
      %select_n3A_67 = arith.select %ge3A_64, %iota3A, %broadcast_in_dim3A_66 : vector<8x512xi1>, vector<8x512xi32>
      %reduce_min3A = arith.constant dense<2147483647> : vector<8xi32>
      %reduce_min3A_68 = vector.multi_reduction <minsi>, %select_n3A_67, %reduce_min3A [1] : vector<8x512xi32> to vector<8xi32>
      scf.yield %min3A, %reduce_min3A_68, %select_n3A : vector<8x512xf32>, vector<8xi32>, vector<8x256xi32>
    }
    %scan3A_24 = arith.constant 256 : i32
    %swap3A = arith.constant 0 : index
    %swap3A_25 = arith.constant 0 : index
    %swap3A_26 = vector.load %arg1[%swap3A, %swap3A_25] : memref<8x256xi32, #tpu.memory_space<vmem>>, vector<8x256xi32>
    tpu.vector_store %arg1[%swap3A, %swap3A_25], %scan3A_23#2 {strides = array<i32>} : memref<8x256xi32, #tpu.memory_space<vmem>>, vector<8x256xi32>,
    return
  }
}

module attributes {stable_mosaic.version = 14 : i64} {
  func.func @_knn_kernel(%arg0: i32, %arg1: i32, %arg2: memref<1x128x3xf32, #tpu.memory_space<vmem>>, %arg3: memref<1x3x512xf32, #tpu.memory_space<vmem>>, %arg4: memref<1x128x24xi32, #tpu.memory_space<vmem>>) attributes {dimension_semantics = [#tpu.dimension_semantics<arbitrary>, #tpu.dimension_semantics<arbitrary>], iteration_bounds = array<i64: 8, 2>, scalar_prefetch = 0 : i64, scratch_operands = 0 : i64, tpu.core_type = #tpu.core_type<tc>, window_params = [{transform_indices = @transform_0, window_bounds = array<i64: 1, 128, 3>}, {transform_indices = @transform_1, window_bounds = array<i64: 1, 3, 512>}, {transform_indices = @transform_2, window_bounds = array<i64: 1, 128, 24>}]} {
    %get3A = arith.constant 0 : index
    %get3A_0 = arith.constant 0 : index
    %get3A_1 = arith.constant 0 : index
    %get3A_2 = vector.load %arg2[%get3A, %get3A_0, %get3A_1] : memref<1x128x3xf32, #tpu.memory_space<vmem>>, vector<1x128x3xf32>
    %get3A_3 = vector.shape_cast %get3A_2 : vector<1x128x3xf32> to vector<128x3xf32>
    %slice3A = vector.extract_strided_slice %get3A_3 {offsets = [0, 0], sizes = [128, 1], strides = [1, 1]} : vector<128x3xf32> to vector<128x1xf32>
    %slice3A_4 = vector.extract_strided_slice %get3A_3 {offsets = [0, 1], sizes = [128, 1], strides = [1, 1]} : vector<128x3xf32> to vector<128x1xf32>
    %slice3A_5 = vector.extract_strided_slice %get3A_3 {offsets = [0, 2], sizes = [128, 1], strides = [1, 1]} : vector<128x3xf32> to vector<128x1xf32>
    %get3A_6 = arith.constant 0 : index
    %get3A_7 = arith.constant 0 : index
    %get3A_8 = arith.constant 0 : index
    %get3A_9 = vector.load %arg3[%get3A_6, %get3A_7, %get3A_8] : memref<1x3x512xf32, #tpu.memory_space<vmem>>, vector<1x3x512xf32>
    %get3A_10 = vector.shape_cast %get3A_9 : vector<1x3x512xf32> to vector<3x512xf32>
    %slice3A_11 = vector.extract_strided_slice %get3A_10 {offsets = [0, 0], sizes = [1, 512], strides = [1, 1]} : vector<3x512xf32> to vector<1x512xf32>
    %slice3A_12 = vector.extract_strided_slice %get3A_10 {offsets = [1, 0], sizes = [1, 512], strides = [1, 1]} : vector<3x512xf32> to vector<1x512xf32>
    %slice3A_13 = vector.extract_strided_slice %get3A_10 {offsets = [2, 0], sizes = [1, 512], strides = [1, 1]} : vector<3x512xf32> to vector<1x512xf32>
    %mul3A = arith.mulf %slice3A, %slice3A : vector<128x1xf32>
    %mul3A_14 = arith.mulf %slice3A_4, %slice3A_4 : vector<128x1xf32>
    %add3A = arith.addf %mul3A, %mul3A_14 : vector<128x1xf32>
    %mul3A_15 = arith.mulf %slice3A_5, %slice3A_5 : vector<128x1xf32>
    %add3A_16 = arith.addf %add3A, %mul3A_15 : vector<128x1xf32>
    %mul3A_17 = arith.mulf %slice3A_11, %slice3A_11 : vector<1x512xf32>
    %mul3A_18 = arith.mulf %slice3A_12, %slice3A_12 : vector<1x512xf32>
    %add3A_19 = arith.addf %mul3A_17, %mul3A_18 : vector<1x512xf32>
    %mul3A_20 = arith.mulf %slice3A_13, %slice3A_13 : vector<1x512xf32>
    %add3A_21 = arith.addf %add3A_19, %mul3A_20 : vector<1x512xf32>
    %convert_element_type3A = arith.truncf %get3A_3 : vector<128x3xf32> to vector<128x3xbf16>
    %convert_element_type3A_22 = arith.truncf %get3A_10 : vector<3x512xf32> to vector<3x512xbf16>
    %dot_general3A = arith.constant dense<0.000000e+00> : vector<128x512xf32>
    %dot_general3A_23 = tpu.matmul %convert_element_type3A, %convert_element_type3A_22, %dot_general3A {dimension_numbers = #tpu.dot_dimension_numbers<[1], [0], [0], [1], [0, 0, 1, 1], [], []>, transpose_lhs_hint = false} : vector<128x3xbf16>, vector<3x512xbf16>, vector<128x512xf32> -> vector<128x512xf32>
    %add3A_24 = vector.broadcast %add3A_16 : vector<128x1xf32> to vector<128x512xf32>
    %add3A_25 = vector.broadcast %add3A_21 : vector<1x512xf32> to vector<128x512xf32>
    %add3A_26 = arith.addf %add3A_24, %add3A_25 : vector<128x512xf32>
    %mul3A_27 = arith.constant 2.000000e+00 : f32
    %mul3A_28 = vector.broadcast %mul3A_27 : f32 to vector<128x512xf32>
    %mul3A_29 = arith.mulf %mul3A_28, %dot_general3A_23 : vector<128x512xf32>
    %sub3A = arith.subf %add3A_26, %mul3A_29 : vector<128x512xf32>
    %iota3A = tpu.iota {dimensions = array<i32: 1>} : vector<128x512xi32>
    %iota3A_30 = tpu.iota {dimensions = array<i32: 1>} : vector<128x24xi32>
    %broadcast_in_dim3A = arith.constant 0 : i32
    %broadcast_in_dim3A_31 = vector.broadcast %broadcast_in_dim3A : i32 to vector<128x24xi32>
    %scan3A = arith.constant 0 : i32
    %scan3A_32 = arith.constant 24 : i32
    %scan3A_33 = arith.addi %scan3A, %scan3A_32 : i32
    %scan3A_34 = arith.constant 1 : i32
    %scan3A_35:2 = scf.for %scan3A_42 = %scan3A to %scan3A_33 step %scan3A_34 iter_args(%scan3A_43 = %sub3A, %scan3A_44 = %broadcast_in_dim3A_31) -> (vector<128x512xf32>, vector<128x24xi32>)  : i32 {
      %reduce_min3A = arith.constant dense<0x7F800000> : vector<128xf32>
      %reduce_min3A_45 = vector.multi_reduction <minimumf>, %scan3A_43, %reduce_min3A [1] : vector<128x512xf32> to vector<128xf32>
      %broadcast_in_dim3A_46 = vector.shape_cast %reduce_min3A_45 : vector<128xf32> to vector<128x1xf32>
      %le3A = vector.broadcast %broadcast_in_dim3A_46 : vector<128x1xf32> to vector<128x512xf32>
      %le3A_47 = arith.cmpf ole, %scan3A_43, %le3A : vector<128x512xf32>
      %jit3A = arith.constant 512 : i32
      %broadcast_in_dim3A_48 = vector.broadcast %jit3A : i32 to vector<128x512xi32>
      %select_n3A = arith.select %le3A_47, %iota3A, %broadcast_in_dim3A_48 : vector<128x512xi1>, vector<128x512xi32>
      %reduce_min3A_49 = arith.constant dense<2147483647> : vector<128xi32>
      %reduce_min3A_50 = vector.multi_reduction <minsi>, %select_n3A, %reduce_min3A_49 [1] : vector<128x512xi32> to vector<128xi32>
      %eq3A = vector.broadcast %scan3A_42 : i32 to vector<128x24xi32>
      %eq3A_51 = arith.cmpi eq, %iota3A_30, %eq3A : vector<128x24xi32>
      %broadcast_in_dim3A_52 = vector.shape_cast %reduce_min3A_50 : vector<128xi32> to vector<128x1xi32>
      %broadcast_in_dim3A_53 = vector.shape_cast %broadcast_in_dim3A_52 : vector<128x1xi32> to vector<128x1xi32>
      %broadcast_in_dim3A_54 = vector.broadcast %broadcast_in_dim3A_53 : vector<128x1xi32> to vector<128x24xi32>
      %select_n3A_55 = arith.select %eq3A_51, %broadcast_in_dim3A_54, %scan3A_44 : vector<128x24xi1>, vector<128x24xi32>
      %broadcast_in_dim3A_56 = vector.shape_cast %reduce_min3A_50 : vector<128xi32> to vector<128x1xi32>
      %eq3A_57 = vector.broadcast %broadcast_in_dim3A_56 : vector<128x1xi32> to vector<128x512xi32>
      %eq3A_58 = arith.cmpi eq, %iota3A, %eq3A_57 : vector<128x512xi32>
      %jit3A_59 = arith.constant 3.000000e+38 : f32
      %broadcast_in_dim3A_60 = vector.broadcast %jit3A_59 : f32 to vector<128x512xf32>
      %select_n3A_61 = arith.select %eq3A_58, %broadcast_in_dim3A_60, %scan3A_43 : vector<128x512xi1>, vector<128x512xf32>
      scf.yield %select_n3A_61, %select_n3A_55 : vector<128x512xf32>, vector<128x24xi32>
    }
    %scan3A_36 = arith.constant 24 : i32
    %swap3A = arith.constant 0 : index
    %swap3A_37 = arith.constant 0 : index
    %swap3A_38 = arith.constant 0 : index
    %swap3A_39 = vector.load %arg4[%swap3A, %swap3A_37, %swap3A_38] : memref<1x128x24xi32, #tpu.memory_space<vmem>>, vector<1x128x24xi32>
    %swap3A_40 = vector.shape_cast %swap3A_39 : vector<1x128x24xi32> to vector<128x24xi32>
    %swap3A_41 = vector.shape_cast %scan3A_35#1 : vector<128x24xi32> to vector<1x128x24xi32>
    tpu.vector_store %arg4[%swap3A, %swap3A_37, %swap3A_38], %swap3A_41 {strides = array<i32>} : memref<1x128x24xi32, #tpu.memory_space<vmem>>, vector<1x128x24xi32>,
    return
  }
  func.func @transform_0(%arg0: i32, %arg1: i32) -> (i32, i32, i32) {
    %c0_i32 = arith.constant 0 : i32
    %c0_i32_0 = arith.constant 0 : i32
    return %arg0, %arg1, %c0_i32 : i32, i32, i32
  }
  func.func @transform_1(%arg0: i32, %arg1: i32) -> (i32, i32, i32) {
    %c0_i32 = arith.constant 0 : i32
    %c0_i32_0 = arith.constant 0 : i32
    %c0_i32_1 = arith.constant 0 : i32
    return %arg0, %c0_i32, %c0_i32_0 : i32, i32, i32
  }
  func.func @transform_2(%arg0: i32, %arg1: i32) -> (i32, i32, i32) {
    %c0_i32 = arith.constant 0 : i32
    %c0_i32_0 = arith.constant 0 : i32
    return %arg0, %arg1, %c0_i32 : i32, i32, i32
  }
}

module attributes {stable_mosaic.version = 14 : i64} {
  func.func @_fps_kernel(%arg0: memref<3x8x256xf32, #tpu.memory_space<vmem>>, %arg1: memref<8x128xi32, #tpu.memory_space<vmem>>) attributes {dimension_semantics = [], scalar_prefetch = 0 : i64, scratch_operands = 0 : i64, tpu.core_type = #tpu.core_type<tc>} {
    %get3A = arith.constant 0 : index
    %get3A_0 = arith.constant 0 : index
    %get3A_1 = arith.constant 0 : index
    %get3A_2 = vector.load %arg0[%get3A, %get3A_0, %get3A_1] : memref<3x8x256xf32, #tpu.memory_space<vmem>>, vector<1x8x256xf32>
    %get3A_3 = vector.shape_cast %get3A_2 : vector<1x8x256xf32> to vector<8x256xf32>
    %get3A_4 = arith.constant 1 : index
    %get3A_5 = arith.constant 0 : index
    %get3A_6 = arith.constant 0 : index
    %get3A_7 = vector.load %arg0[%get3A_4, %get3A_5, %get3A_6] : memref<3x8x256xf32, #tpu.memory_space<vmem>>, vector<1x8x256xf32>
    %get3A_8 = vector.shape_cast %get3A_7 : vector<1x8x256xf32> to vector<8x256xf32>
    %get3A_9 = arith.constant 2 : index
    %get3A_10 = arith.constant 0 : index
    %get3A_11 = arith.constant 0 : index
    %get3A_12 = vector.load %arg0[%get3A_9, %get3A_10, %get3A_11] : memref<3x8x256xf32, #tpu.memory_space<vmem>>, vector<1x8x256xf32>
    %get3A_13 = vector.shape_cast %get3A_12 : vector<1x8x256xf32> to vector<8x256xf32>
    %iota3A = tpu.iota {dimensions = array<i32: 1>} : vector<8x256xi32>
    %iota3A_14 = tpu.iota {dimensions = array<i32: 1>} : vector<8x128xi32>
    %broadcast_in_dim3A = arith.constant 1.000000e+10 : f32
    %broadcast_in_dim3A_15 = vector.broadcast %broadcast_in_dim3A : f32 to vector<8x256xf32>
    %broadcast_in_dim3A_16 = arith.constant 0 : i32
    %broadcast_in_dim3A_17 = vector.broadcast %broadcast_in_dim3A_16 : i32 to vector<8xi32>
    %broadcast_in_dim3A_18 = arith.constant 0 : i32
    %broadcast_in_dim3A_19 = vector.broadcast %broadcast_in_dim3A_18 : i32 to vector<8x128xi32>
    %scan3A = arith.constant 0 : i32
    %scan3A_20 = arith.constant 128 : i32
    %scan3A_21 = arith.addi %scan3A, %scan3A_20 : i32
    %scan3A_22 = arith.constant 1 : i32
    %scan3A_23:3 = scf.for %scan3A_27 = %scan3A to %scan3A_21 step %scan3A_22 iter_args(%scan3A_28 = %broadcast_in_dim3A_15, %scan3A_29 = %broadcast_in_dim3A_17, %scan3A_30 = %broadcast_in_dim3A_19) -> (vector<8x256xf32>, vector<8xi32>, vector<8x128xi32>)  : i32 {
      %eq3A = vector.broadcast %scan3A_27 : i32 to vector<8x128xi32>
      %eq3A_31 = arith.cmpi eq, %iota3A_14, %eq3A : vector<8x128xi32>
      %broadcast_in_dim3A_32 = vector.shape_cast %scan3A_29 : vector<8xi32> to vector<8x1xi32>
      %broadcast_in_dim3A_33 = vector.shape_cast %broadcast_in_dim3A_32 : vector<8x1xi32> to vector<8x1xi32>
      %broadcast_in_dim3A_34 = vector.broadcast %broadcast_in_dim3A_33 : vector<8x1xi32> to vector<8x128xi32>
      %select_n3A = arith.select %eq3A_31, %broadcast_in_dim3A_34, %scan3A_30 : vector<8x128xi1>, vector<8x128xi32>
      %broadcast_in_dim3A_35 = vector.shape_cast %scan3A_29 : vector<8xi32> to vector<8x1xi32>
      %eq3A_36 = vector.broadcast %broadcast_in_dim3A_35 : vector<8x1xi32> to vector<8x256xi32>
      %eq3A_37 = arith.cmpi eq, %iota3A, %eq3A_36 : vector<8x256xi32>
      %jit3A = arith.constant 0.000000e+00 : f32
      %broadcast_in_dim3A_38 = vector.broadcast %jit3A : f32 to vector<8x256xf32>
      %select_n3A_39 = arith.select %eq3A_37, %get3A_3, %broadcast_in_dim3A_38 : vector<8x256xi1>, vector<8x256xf32>
      %reduce_sum3A = arith.constant dense<0.000000e+00> : vector<8xf32>
      %reduce_sum3A_40 = vector.multi_reduction <add>, %select_n3A_39, %reduce_sum3A [1] : vector<8x256xf32> to vector<8xf32>
      %broadcast_in_dim3A_41 = vector.shape_cast %reduce_sum3A_40 : vector<8xf32> to vector<8x1xf32>
      %jit3A_42 = arith.constant 0.000000e+00 : f32
      %broadcast_in_dim3A_43 = vector.broadcast %jit3A_42 : f32 to vector<8x256xf32>
      %select_n3A_44 = arith.select %eq3A_37, %get3A_8, %broadcast_in_dim3A_43 : vector<8x256xi1>, vector<8x256xf32>
      %reduce_sum3A_45 = arith.constant dense<0.000000e+00> : vector<8xf32>
      %reduce_sum3A_46 = vector.multi_reduction <add>, %select_n3A_44, %reduce_sum3A_45 [1] : vector<8x256xf32> to vector<8xf32>
      %broadcast_in_dim3A_47 = vector.shape_cast %reduce_sum3A_46 : vector<8xf32> to vector<8x1xf32>
      %jit3A_48 = arith.constant 0.000000e+00 : f32
      %broadcast_in_dim3A_49 = vector.broadcast %jit3A_48 : f32 to vector<8x256xf32>
      %select_n3A_50 = arith.select %eq3A_37, %get3A_13, %broadcast_in_dim3A_49 : vector<8x256xi1>, vector<8x256xf32>
      %reduce_sum3A_51 = arith.constant dense<0.000000e+00> : vector<8xf32>
      %reduce_sum3A_52 = vector.multi_reduction <add>, %select_n3A_50, %reduce_sum3A_51 [1] : vector<8x256xf32> to vector<8xf32>
      %broadcast_in_dim3A_53 = vector.shape_cast %reduce_sum3A_52 : vector<8xf32> to vector<8x1xf32>
      %sub3A = vector.broadcast %broadcast_in_dim3A_41 : vector<8x1xf32> to vector<8x256xf32>
      %sub3A_54 = arith.subf %get3A_3, %sub3A : vector<8x256xf32>
      %integer_pow3A = arith.mulf %sub3A_54, %sub3A_54 : vector<8x256xf32>
      %sub3A_55 = vector.broadcast %broadcast_in_dim3A_47 : vector<8x1xf32> to vector<8x256xf32>
      %sub3A_56 = arith.subf %get3A_8, %sub3A_55 : vector<8x256xf32>
      %integer_pow3A_57 = arith.mulf %sub3A_56, %sub3A_56 : vector<8x256xf32>
      %add3A = arith.addf %integer_pow3A, %integer_pow3A_57 : vector<8x256xf32>
      %sub3A_58 = vector.broadcast %broadcast_in_dim3A_53 : vector<8x1xf32> to vector<8x256xf32>
      %sub3A_59 = arith.subf %get3A_13, %sub3A_58 : vector<8x256xf32>
      %integer_pow3A_60 = arith.mulf %sub3A_59, %sub3A_59 : vector<8x256xf32>
      %add3A_61 = arith.addf %add3A, %integer_pow3A_60 : vector<8x256xf32>
      %min3A = arith.minimumf %scan3A_28, %add3A_61 : vector<8x256xf32>
      %reduce_max3A = arith.constant dense<0xFF800000> : vector<8xf32>
      %reduce_max3A_62 = vector.multi_reduction <maximumf>, %min3A, %reduce_max3A [1] : vector<8x256xf32> to vector<8xf32>
      %broadcast_in_dim3A_63 = vector.shape_cast %reduce_max3A_62 : vector<8xf32> to vector<8x1xf32>
      %ge3A = vector.broadcast %broadcast_in_dim3A_63 : vector<8x1xf32> to vector<8x256xf32>
      %ge3A_64 = arith.cmpf oge, %min3A, %ge3A : vector<8x256xf32>
      %jit3A_65 = arith.constant 256 : i32
      %broadcast_in_dim3A_66 = vector.broadcast %jit3A_65 : i32 to vector<8x256xi32>
      %select_n3A_67 = arith.select %ge3A_64, %iota3A, %broadcast_in_dim3A_66 : vector<8x256xi1>, vector<8x256xi32>
      %reduce_min3A = arith.constant dense<2147483647> : vector<8xi32>
      %reduce_min3A_68 = vector.multi_reduction <minsi>, %select_n3A_67, %reduce_min3A [1] : vector<8x256xi32> to vector<8xi32>
      scf.yield %min3A, %reduce_min3A_68, %select_n3A : vector<8x256xf32>, vector<8xi32>, vector<8x128xi32>
    }
    %scan3A_24 = arith.constant 128 : i32
    %swap3A = arith.constant 0 : index
    %swap3A_25 = arith.constant 0 : index
    %swap3A_26 = vector.load %arg1[%swap3A, %swap3A_25] : memref<8x128xi32, #tpu.memory_space<vmem>>, vector<8x128xi32>
    tpu.vector_store %arg1[%swap3A, %swap3A_25], %scan3A_23#2 {strides = array<i32>} : memref<8x128xi32, #tpu.memory_space<vmem>>, vector<8x128xi32>,
    return
  }
}

module attributes {stable_mosaic.version = 14 : i64} {
  func.func @_knn_kernel(%arg0: i32, %arg1: i32, %arg2: memref<1x128x3xf32, #tpu.memory_space<vmem>>, %arg3: memref<1x3x256xf32, #tpu.memory_space<vmem>>, %arg4: memref<1x128x24xi32, #tpu.memory_space<vmem>>) attributes {dimension_semantics = [#tpu.dimension_semantics<arbitrary>, #tpu.dimension_semantics<arbitrary>], iteration_bounds = array<i64: 8, 1>, scalar_prefetch = 0 : i64, scratch_operands = 0 : i64, tpu.core_type = #tpu.core_type<tc>, window_params = [{transform_indices = @transform_0, window_bounds = array<i64: 1, 128, 3>}, {transform_indices = @transform_1, window_bounds = array<i64: 1, 3, 256>}, {transform_indices = @transform_2, window_bounds = array<i64: 1, 128, 24>}]} {
    %get3A = arith.constant 0 : index
    %get3A_0 = arith.constant 0 : index
    %get3A_1 = arith.constant 0 : index
    %get3A_2 = vector.load %arg2[%get3A, %get3A_0, %get3A_1] : memref<1x128x3xf32, #tpu.memory_space<vmem>>, vector<1x128x3xf32>
    %get3A_3 = vector.shape_cast %get3A_2 : vector<1x128x3xf32> to vector<128x3xf32>
    %slice3A = vector.extract_strided_slice %get3A_3 {offsets = [0, 0], sizes = [128, 1], strides = [1, 1]} : vector<128x3xf32> to vector<128x1xf32>
    %slice3A_4 = vector.extract_strided_slice %get3A_3 {offsets = [0, 1], sizes = [128, 1], strides = [1, 1]} : vector<128x3xf32> to vector<128x1xf32>
    %slice3A_5 = vector.extract_strided_slice %get3A_3 {offsets = [0, 2], sizes = [128, 1], strides = [1, 1]} : vector<128x3xf32> to vector<128x1xf32>
    %get3A_6 = arith.constant 0 : index
    %get3A_7 = arith.constant 0 : index
    %get3A_8 = arith.constant 0 : index
    %get3A_9 = vector.load %arg3[%get3A_6, %get3A_7, %get3A_8] : memref<1x3x256xf32, #tpu.memory_space<vmem>>, vector<1x3x256xf32>
    %get3A_10 = vector.shape_cast %get3A_9 : vector<1x3x256xf32> to vector<3x256xf32>
    %slice3A_11 = vector.extract_strided_slice %get3A_10 {offsets = [0, 0], sizes = [1, 256], strides = [1, 1]} : vector<3x256xf32> to vector<1x256xf32>
    %slice3A_12 = vector.extract_strided_slice %get3A_10 {offsets = [1, 0], sizes = [1, 256], strides = [1, 1]} : vector<3x256xf32> to vector<1x256xf32>
    %slice3A_13 = vector.extract_strided_slice %get3A_10 {offsets = [2, 0], sizes = [1, 256], strides = [1, 1]} : vector<3x256xf32> to vector<1x256xf32>
    %mul3A = arith.mulf %slice3A, %slice3A : vector<128x1xf32>
    %mul3A_14 = arith.mulf %slice3A_4, %slice3A_4 : vector<128x1xf32>
    %add3A = arith.addf %mul3A, %mul3A_14 : vector<128x1xf32>
    %mul3A_15 = arith.mulf %slice3A_5, %slice3A_5 : vector<128x1xf32>
    %add3A_16 = arith.addf %add3A, %mul3A_15 : vector<128x1xf32>
    %mul3A_17 = arith.mulf %slice3A_11, %slice3A_11 : vector<1x256xf32>
    %mul3A_18 = arith.mulf %slice3A_12, %slice3A_12 : vector<1x256xf32>
    %add3A_19 = arith.addf %mul3A_17, %mul3A_18 : vector<1x256xf32>
    %mul3A_20 = arith.mulf %slice3A_13, %slice3A_13 : vector<1x256xf32>
    %add3A_21 = arith.addf %add3A_19, %mul3A_20 : vector<1x256xf32>
    %convert_element_type3A = arith.truncf %get3A_3 : vector<128x3xf32> to vector<128x3xbf16>
    %convert_element_type3A_22 = arith.truncf %get3A_10 : vector<3x256xf32> to vector<3x256xbf16>
    %dot_general3A = arith.constant dense<0.000000e+00> : vector<128x256xf32>
    %dot_general3A_23 = tpu.matmul %convert_element_type3A, %convert_element_type3A_22, %dot_general3A {dimension_numbers = #tpu.dot_dimension_numbers<[1], [0], [0], [1], [0, 0, 1, 1], [], []>, transpose_lhs_hint = false} : vector<128x3xbf16>, vector<3x256xbf16>, vector<128x256xf32> -> vector<128x256xf32>
    %add3A_24 = vector.broadcast %add3A_16 : vector<128x1xf32> to vector<128x256xf32>
    %add3A_25 = vector.broadcast %add3A_21 : vector<1x256xf32> to vector<128x256xf32>
    %add3A_26 = arith.addf %add3A_24, %add3A_25 : vector<128x256xf32>
    %mul3A_27 = arith.constant 2.000000e+00 : f32
    %mul3A_28 = vector.broadcast %mul3A_27 : f32 to vector<128x256xf32>
    %mul3A_29 = arith.mulf %mul3A_28, %dot_general3A_23 : vector<128x256xf32>
    %sub3A = arith.subf %add3A_26, %mul3A_29 : vector<128x256xf32>
    %iota3A = tpu.iota {dimensions = array<i32: 1>} : vector<128x256xi32>
    %iota3A_30 = tpu.iota {dimensions = array<i32: 1>} : vector<128x24xi32>
    %broadcast_in_dim3A = arith.constant 0 : i32
    %broadcast_in_dim3A_31 = vector.broadcast %broadcast_in_dim3A : i32 to vector<128x24xi32>
    %scan3A = arith.constant 0 : i32
    %scan3A_32 = arith.constant 24 : i32
    %scan3A_33 = arith.addi %scan3A, %scan3A_32 : i32
    %scan3A_34 = arith.constant 1 : i32
    %scan3A_35:2 = scf.for %scan3A_42 = %scan3A to %scan3A_33 step %scan3A_34 iter_args(%scan3A_43 = %sub3A, %scan3A_44 = %broadcast_in_dim3A_31) -> (vector<128x256xf32>, vector<128x24xi32>)  : i32 {
      %reduce_min3A = arith.constant dense<0x7F800000> : vector<128xf32>
      %reduce_min3A_45 = vector.multi_reduction <minimumf>, %scan3A_43, %reduce_min3A [1] : vector<128x256xf32> to vector<128xf32>
      %broadcast_in_dim3A_46 = vector.shape_cast %reduce_min3A_45 : vector<128xf32> to vector<128x1xf32>
      %le3A = vector.broadcast %broadcast_in_dim3A_46 : vector<128x1xf32> to vector<128x256xf32>
      %le3A_47 = arith.cmpf ole, %scan3A_43, %le3A : vector<128x256xf32>
      %jit3A = arith.constant 256 : i32
      %broadcast_in_dim3A_48 = vector.broadcast %jit3A : i32 to vector<128x256xi32>
      %select_n3A = arith.select %le3A_47, %iota3A, %broadcast_in_dim3A_48 : vector<128x256xi1>, vector<128x256xi32>
      %reduce_min3A_49 = arith.constant dense<2147483647> : vector<128xi32>
      %reduce_min3A_50 = vector.multi_reduction <minsi>, %select_n3A, %reduce_min3A_49 [1] : vector<128x256xi32> to vector<128xi32>
      %eq3A = vector.broadcast %scan3A_42 : i32 to vector<128x24xi32>
      %eq3A_51 = arith.cmpi eq, %iota3A_30, %eq3A : vector<128x24xi32>
      %broadcast_in_dim3A_52 = vector.shape_cast %reduce_min3A_50 : vector<128xi32> to vector<128x1xi32>
      %broadcast_in_dim3A_53 = vector.shape_cast %broadcast_in_dim3A_52 : vector<128x1xi32> to vector<128x1xi32>
      %broadcast_in_dim3A_54 = vector.broadcast %broadcast_in_dim3A_53 : vector<128x1xi32> to vector<128x24xi32>
      %select_n3A_55 = arith.select %eq3A_51, %broadcast_in_dim3A_54, %scan3A_44 : vector<128x24xi1>, vector<128x24xi32>
      %broadcast_in_dim3A_56 = vector.shape_cast %reduce_min3A_50 : vector<128xi32> to vector<128x1xi32>
      %eq3A_57 = vector.broadcast %broadcast_in_dim3A_56 : vector<128x1xi32> to vector<128x256xi32>
      %eq3A_58 = arith.cmpi eq, %iota3A, %eq3A_57 : vector<128x256xi32>
      %jit3A_59 = arith.constant 3.000000e+38 : f32
      %broadcast_in_dim3A_60 = vector.broadcast %jit3A_59 : f32 to vector<128x256xf32>
      %select_n3A_61 = arith.select %eq3A_58, %broadcast_in_dim3A_60, %scan3A_43 : vector<128x256xi1>, vector<128x256xf32>
      scf.yield %select_n3A_61, %select_n3A_55 : vector<128x256xf32>, vector<128x24xi32>
    }
    %scan3A_36 = arith.constant 24 : i32
    %swap3A = arith.constant 0 : index
    %swap3A_37 = arith.constant 0 : index
    %swap3A_38 = arith.constant 0 : index
    %swap3A_39 = vector.load %arg4[%swap3A, %swap3A_37, %swap3A_38] : memref<1x128x24xi32, #tpu.memory_space<vmem>>, vector<1x128x24xi32>
    %swap3A_40 = vector.shape_cast %swap3A_39 : vector<1x128x24xi32> to vector<128x24xi32>
    %swap3A_41 = vector.shape_cast %scan3A_35#1 : vector<128x24xi32> to vector<1x128x24xi32>
    tpu.vector_store %arg4[%swap3A, %swap3A_37, %swap3A_38], %swap3A_41 {strides = array<i32>} : memref<1x128x24xi32, #tpu.memory_space<vmem>>, vector<1x128x24xi32>,
    return
  }
  func.func @transform_0(%arg0: i32, %arg1: i32) -> (i32, i32, i32) {
    %c0_i32 = arith.constant 0 : i32
    %c0_i32_0 = arith.constant 0 : i32
    return %arg0, %arg1, %c0_i32 : i32, i32, i32
  }
  func.func @transform_1(%arg0: i32, %arg1: i32) -> (i32, i32, i32) {
    %c0_i32 = arith.constant 0 : i32
    %c0_i32_0 = arith.constant 0 : i32
    %c0_i32_1 = arith.constant 0 : i32
    return %arg0, %c0_i32, %c0_i32_0 : i32, i32, i32
  }
  func.func @transform_2(%arg0: i32, %arg1: i32) -> (i32, i32, i32) {
    %c0_i32 = arith.constant 0 : i32
    %c0_i32_0 = arith.constant 0 : i32
    return %arg0, %arg1, %c0_i32 : i32, i32, i32
  }
}

module attributes {stable_mosaic.version = 14 : i64} {
  func.func @_stats_kernel(%arg0: i32, %arg1: i32, %arg2: memref<1x24x128x3xf32, #tpu.memory_space<vmem>>, %arg3: memref<1x128x3xf32, #tpu.memory_space<vmem>>, %arg4: memref<1x24x128x96xf32, #tpu.memory_space<vmem>>, %arg5: memref<1x128x96xf32, #tpu.memory_space<vmem>>, %arg6: memref<1x1x3xf32, #tpu.memory_space<vmem>>, %arg7: memref<1x1x3xf32, #tpu.memory_space<vmem>>, %arg8: memref<1x1x96xf32, #tpu.memory_space<vmem>>, %arg9: memref<1x1x96xf32, #tpu.memory_space<vmem>>) attributes {dimension_semantics = [#tpu.dimension_semantics<arbitrary>, #tpu.dimension_semantics<arbitrary>], iteration_bounds = array<i64: 8, 8>, scalar_prefetch = 0 : i64, scratch_operands = 0 : i64, tpu.core_type = #tpu.core_type<tc>, window_params = [{transform_indices = @transform_0, window_bounds = array<i64: 1, 24, 128, 3>}, {transform_indices = @transform_1, window_bounds = array<i64: 1, 128, 3>}, {transform_indices = @transform_2, window_bounds = array<i64: 1, 24, 128, 96>}, {transform_indices = @transform_3, window_bounds = array<i64: 1, 128, 96>}, {transform_indices = @transform_4, window_bounds = array<i64: 1, 1, 3>}, {transform_indices = @transform_5, window_bounds = array<i64: 1, 1, 3>}, {transform_indices = @transform_6, window_bounds = array<i64: 1, 1, 96>}, {transform_indices = @transform_7, window_bounds = array<i64: 1, 1, 96>}]} {
    %get3A = arith.constant 0 : index
    %get3A_0 = arith.constant 0 : index
    %get3A_1 = arith.constant 0 : index
    %get3A_2 = arith.constant 0 : index
    %get3A_3 = vector.load %arg2[%get3A, %get3A_0, %get3A_1, %get3A_2] : memref<1x24x128x3xf32, #tpu.memory_space<vmem>>, vector<1x24x128x3xf32>
    %get3A_4 = vector.shape_cast %get3A_3 : vector<1x24x128x3xf32> to vector<24x128x3xf32>
    %get3A_5 = arith.constant 0 : index
    %get3A_6 = arith.constant 0 : index
    %get3A_7 = arith.constant 0 : index
    %get3A_8 = vector.load %arg3[%get3A_5, %get3A_6, %get3A_7] : memref<1x128x3xf32, #tpu.memory_space<vmem>>, vector<1x128x3xf32>
    %get3A_9 = vector.shape_cast %get3A_8 : vector<1x128x3xf32> to vector<128x3xf32>
    %broadcast_in_dim3A = vector.shape_cast %get3A_9 : vector<128x3xf32> to vector<1x128x3xf32>
    %sub3A = vector.broadcast %broadcast_in_dim3A : vector<1x128x3xf32> to vector<24x128x3xf32>
    %sub3A_10 = arith.subf %get3A_4, %sub3A : vector<24x128x3xf32>
    %get3A_11 = arith.constant 0 : index
    %get3A_12 = arith.constant 0 : index
    %get3A_13 = arith.constant 0 : index
    %get3A_14 = arith.constant 0 : index
    %get3A_15 = vector.load %arg4[%get3A_11, %get3A_12, %get3A_13, %get3A_14] : memref<1x24x128x96xf32, #tpu.memory_space<vmem>>, vector<1x24x128x96xf32>
    %get3A_16 = vector.shape_cast %get3A_15 : vector<1x24x128x96xf32> to vector<24x128x96xf32>
    %get3A_17 = arith.constant 0 : index
    %get3A_18 = arith.constant 0 : index
    %get3A_19 = arith.constant 0 : index
    %get3A_20 = vector.load %arg5[%get3A_17, %get3A_18, %get3A_19] : memref<1x128x96xf32, #tpu.memory_space<vmem>>, vector<1x128x96xf32>
    %get3A_21 = vector.shape_cast %get3A_20 : vector<1x128x96xf32> to vector<128x96xf32>
    %broadcast_in_dim3A_22 = vector.shape_cast %get3A_21 : vector<128x96xf32> to vector<1x128x96xf32>
    %sub3A_23 = vector.broadcast %broadcast_in_dim3A_22 : vector<1x128x96xf32> to vector<24x128x96xf32>
    %sub3A_24 = arith.subf %get3A_16, %sub3A_23 : vector<24x128x96xf32>
    %reduce_sum3A = arith.constant dense<0.000000e+00> : vector<3xf32>
    %reduce_sum3A_25 = vector.multi_reduction <add>, %sub3A_10, %reduce_sum3A [0, 1] : vector<24x128x3xf32> to vector<3xf32>
    %broadcast_in_dim3A_26 = vector.shape_cast %reduce_sum3A_25 : vector<3xf32> to vector<1x3xf32>
    %swap3A = arith.constant 0 : index
    %swap3A_27 = arith.constant 0 : index
    %swap3A_28 = arith.constant 0 : index
    %swap3A_29 = vector.load %arg6[%swap3A, %swap3A_27, %swap3A_28] : memref<1x1x3xf32, #tpu.memory_space<vmem>>, vector<1x1x3xf32>
    %swap3A_30 = vector.shape_cast %swap3A_29 : vector<1x1x3xf32> to vector<1x3xf32>
    %swap3A_31 = vector.shape_cast %broadcast_in_dim3A_26 : vector<1x3xf32> to vector<1x1x3xf32>
    tpu.vector_store %arg6[%swap3A, %swap3A_27, %swap3A_28], %swap3A_31 {strides = array<i32>} : memref<1x1x3xf32, #tpu.memory_space<vmem>>, vector<1x1x3xf32>,
    %mul3A = arith.mulf %sub3A_10, %sub3A_10 : vector<24x128x3xf32>
    %reduce_sum3A_32 = arith.constant dense<0.000000e+00> : vector<3xf32>
    %reduce_sum3A_33 = vector.multi_reduction <add>, %mul3A, %reduce_sum3A_32 [0, 1] : vector<24x128x3xf32> to vector<3xf32>
    %broadcast_in_dim3A_34 = vector.shape_cast %reduce_sum3A_33 : vector<3xf32> to vector<1x3xf32>
    %swap3A_35 = arith.constant 0 : index
    %swap3A_36 = arith.constant 0 : index
    %swap3A_37 = arith.constant 0 : index
    %swap3A_38 = vector.load %arg7[%swap3A_35, %swap3A_36, %swap3A_37] : memref<1x1x3xf32, #tpu.memory_space<vmem>>, vector<1x1x3xf32>
    %swap3A_39 = vector.shape_cast %swap3A_38 : vector<1x1x3xf32> to vector<1x3xf32>
    %swap3A_40 = vector.shape_cast %broadcast_in_dim3A_34 : vector<1x3xf32> to vector<1x1x3xf32>
    tpu.vector_store %arg7[%swap3A_35, %swap3A_36, %swap3A_37], %swap3A_40 {strides = array<i32>} : memref<1x1x3xf32, #tpu.memory_space<vmem>>, vector<1x1x3xf32>,
    %reduce_sum3A_41 = arith.constant dense<0.000000e+00> : vector<96xf32>
    %reduce_sum3A_42 = vector.multi_reduction <add>, %sub3A_24, %reduce_sum3A_41 [0, 1] : vector<24x128x96xf32> to vector<96xf32>
    %broadcast_in_dim3A_43 = vector.shape_cast %reduce_sum3A_42 : vector<96xf32> to vector<1x96xf32>
    %swap3A_44 = arith.constant 0 : index
    %swap3A_45 = arith.constant 0 : index
    %swap3A_46 = arith.constant 0 : index
    %swap3A_47 = vector.load %arg8[%swap3A_44, %swap3A_45, %swap3A_46] : memref<1x1x96xf32, #tpu.memory_space<vmem>>, vector<1x1x96xf32>
    %swap3A_48 = vector.shape_cast %swap3A_47 : vector<1x1x96xf32> to vector<1x96xf32>
    %swap3A_49 = vector.shape_cast %broadcast_in_dim3A_43 : vector<1x96xf32> to vector<1x1x96xf32>
    tpu.vector_store %arg8[%swap3A_44, %swap3A_45, %swap3A_46], %swap3A_49 {strides = array<i32>} : memref<1x1x96xf32, #tpu.memory_space<vmem>>, vector<1x1x96xf32>,
    %mul3A_50 = arith.mulf %sub3A_24, %sub3A_24 : vector<24x128x96xf32>
    %reduce_sum3A_51 = arith.constant dense<0.000000e+00> : vector<96xf32>
    %reduce_sum3A_52 = vector.multi_reduction <add>, %mul3A_50, %reduce_sum3A_51 [0, 1] : vector<24x128x96xf32> to vector<96xf32>
    %broadcast_in_dim3A_53 = vector.shape_cast %reduce_sum3A_52 : vector<96xf32> to vector<1x96xf32>
    %swap3A_54 = arith.constant 0 : index
    %swap3A_55 = arith.constant 0 : index
    %swap3A_56 = arith.constant 0 : index
    %swap3A_57 = vector.load %arg9[%swap3A_54, %swap3A_55, %swap3A_56] : memref<1x1x96xf32, #tpu.memory_space<vmem>>, vector<1x1x96xf32>
    %swap3A_58 = vector.shape_cast %swap3A_57 : vector<1x1x96xf32> to vector<1x96xf32>
    %swap3A_59 = vector.shape_cast %broadcast_in_dim3A_53 : vector<1x96xf32> to vector<1x1x96xf32>
    tpu.vector_store %arg9[%swap3A_54, %swap3A_55, %swap3A_56], %swap3A_59 {strides = array<i32>} : memref<1x1x96xf32, #tpu.memory_space<vmem>>, vector<1x1x96xf32>,
    return
  }
  func.func @transform_0(%arg0: i32, %arg1: i32) -> (i32, i32, i32, i32) {
    %c0_i32 = arith.constant 0 : i32
    %c0_i32_0 = arith.constant 0 : i32
    %c0_i32_1 = arith.constant 0 : i32
    return %arg0, %c0_i32, %arg1, %c0_i32_0 : i32, i32, i32, i32
  }
  func.func @transform_1(%arg0: i32, %arg1: i32) -> (i32, i32, i32) {
    %c0_i32 = arith.constant 0 : i32
    %c0_i32_0 = arith.constant 0 : i32
    return %arg0, %arg1, %c0_i32 : i32, i32, i32
  }
  func.func @transform_2(%arg0: i32, %arg1: i32) -> (i32, i32, i32, i32) {
    %c0_i32 = arith.constant 0 : i32
    %c0_i32_0 = arith.constant 0 : i32
    %c0_i32_1 = arith.constant 0 : i32
    return %arg0, %c0_i32, %arg1, %c0_i32_0 : i32, i32, i32, i32
  }
  func.func @transform_3(%arg0: i32, %arg1: i32) -> (i32, i32, i32) {
    %c0_i32 = arith.constant 0 : i32
    %c0_i32_0 = arith.constant 0 : i32
    return %arg0, %arg1, %c0_i32 : i32, i32, i32
  }
  func.func @transform_4(%arg0: i32, %arg1: i32) -> (i32, i32, i32) {
    %mul3A = arith.constant 8 : i32
    %mul3A_0 = arith.muli %arg0, %mul3A : i32
    %add3A = arith.addi %mul3A_0, %arg1 : i32
    %c0_i32 = arith.constant 0 : i32
    %c0_i32_1 = arith.constant 0 : i32
    %c0_i32_2 = arith.constant 0 : i32
    return %add3A, %c0_i32, %c0_i32_1 : i32, i32, i32
  }
  func.func @transform_5(%arg0: i32, %arg1: i32) -> (i32, i32, i32) {
    %mul3A = arith.constant 8 : i32
    %mul3A_0 = arith.muli %arg0, %mul3A : i32
    %add3A = arith.addi %mul3A_0, %arg1 : i32
    %c0_i32 = arith.constant 0 : i32
    %c0_i32_1 = arith.constant 0 : i32
    %c0_i32_2 = arith.constant 0 : i32
    return %add3A, %c0_i32, %c0_i32_1 : i32, i32, i32
  }
  func.func @transform_6(%arg0: i32, %arg1: i32) -> (i32, i32, i32) {
    %mul3A = arith.constant 8 : i32
    %mul3A_0 = arith.muli %arg0, %mul3A : i32
    %add3A = arith.addi %mul3A_0, %arg1 : i32
    %c0_i32 = arith.constant 0 : i32
    %c0_i32_1 = arith.constant 0 : i32
    %c0_i32_2 = arith.constant 0 : i32
    return %add3A, %c0_i32, %c0_i32_1 : i32, i32, i32
  }
  func.func @transform_7(%arg0: i32, %arg1: i32) -> (i32, i32, i32) {
    %mul3A = arith.constant 8 : i32
    %mul3A_0 = arith.muli %arg0, %mul3A : i32
    %add3A = arith.addi %mul3A_0, %arg1 : i32
    %c0_i32 = arith.constant 0 : i32
    %c0_i32_1 = arith.constant 0 : i32
    %c0_i32_2 = arith.constant 0 : i32
    return %add3A, %c0_i32, %c0_i32_1 : i32, i32, i32
  }
}

module attributes {stable_mosaic.version = 14 : i64} {
  func.func @_agg_kernel(%arg0: i32, %arg1: i32, %arg2: memref<1x24x128x3xf32, #tpu.memory_space<vmem>>, %arg3: memref<1x128x3xf32, #tpu.memory_space<vmem>>, %arg4: memref<1x24x128x96xf32, #tpu.memory_space<vmem>>, %arg5: memref<1x128x96xf32, #tpu.memory_space<vmem>>, %arg6: memref<1x2xf32, #tpu.memory_space<vmem>>, %arg7: memref<1x128x192xf32, #tpu.memory_space<vmem>>, %arg8: memref<1x1x1x192xf32, #tpu.memory_space<vmem>>, %arg9: memref<1x1x1x192xf32, #tpu.memory_space<vmem>>) attributes {dimension_semantics = [#tpu.dimension_semantics<arbitrary>, #tpu.dimension_semantics<arbitrary>], iteration_bounds = array<i64: 8, 8>, scalar_prefetch = 0 : i64, scratch_operands = 0 : i64, tpu.core_type = #tpu.core_type<tc>, window_params = [{transform_indices = @transform_0, window_bounds = array<i64: 1, 24, 128, 3>}, {transform_indices = @transform_1, window_bounds = array<i64: 1, 128, 3>}, {transform_indices = @transform_2, window_bounds = array<i64: 1, 24, 128, 96>}, {transform_indices = @transform_3, window_bounds = array<i64: 1, 128, 96>}, {pipeline_mode = #tpu.pipeline_mode<synchronous>, transform_indices = @transform_4, window_bounds = array<i64: 1, 2>}, {transform_indices = @transform_5, window_bounds = array<i64: 1, 128, 192>}, {transform_indices = @transform_6, window_bounds = array<i64: 1, 1, 1, 192>}, {transform_indices = @transform_7, window_bounds = array<i64: 1, 1, 1, 192>}]} {
    %iota3A = tpu.iota {dimensions = array<i32: 2>} : vector<1x1x64xi32>
    %convert_element_type3A = arith.sitofp %iota3A : vector<1x1x64xi32> to vector<1x1x64xf32>
    %mul3A = arith.constant 3.125000e-02 : f32
    %mul3A_0 = vector.broadcast %mul3A : f32 to vector<1x1x64xf32>
    %mul3A_1 = arith.mulf %convert_element_type3A, %mul3A_0 : vector<1x1x64xf32>
    %add3A = arith.constant -1.000000e+00 : f32
    %add3A_2 = vector.broadcast %add3A : f32 to vector<1x1x64xf32>
    %add3A_3 = arith.addf %add3A_2, %mul3A_1 : vector<1x1x64xf32>
    %get3A = arith.constant 0 : index
    %get3A_4 = arith.constant 0 : index
    %get3A_5 = vector.load %arg6[%get3A, %get3A_4] : memref<1x2xf32, #tpu.memory_space<vmem>>, vector<1x1xf32>
    %get3A_6 = vector.extract %get3A_5[0, 0] : f32 from vector<1x1xf32>
    %get3A_7 = arith.constant 0 : index
    %get3A_8 = arith.constant 1 : index
    %get3A_9 = vector.load %arg6[%get3A_7, %get3A_8] : memref<1x2xf32, #tpu.memory_space<vmem>>, vector<1x1xf32>
    %get3A_10 = vector.extract %get3A_9[0, 0] : f32 from vector<1x1xf32>
    %get3A_11 = arith.constant 0 : index
    %get3A_12 = arith.constant 0 : index
    %get3A_13 = arith.constant 0 : index
    %get3A_14 = arith.constant 0 : index
    %get3A_15 = vector.load %arg2[%get3A_11, %get3A_12, %get3A_13, %get3A_14] : memref<1x24x128x3xf32, #tpu.memory_space<vmem>>, vector<1x24x128x3xf32>
    %get3A_16 = vector.shape_cast %get3A_15 : vector<1x24x128x3xf32> to vector<24x128x3xf32>
    %get3A_17 = arith.constant 0 : index
    %get3A_18 = arith.constant 0 : index
    %get3A_19 = arith.constant 0 : index
    %get3A_20 = vector.load %arg3[%get3A_17, %get3A_18, %get3A_19] : memref<1x128x3xf32, #tpu.memory_space<vmem>>, vector<1x128x3xf32>
    %get3A_21 = vector.shape_cast %get3A_20 : vector<1x128x3xf32> to vector<128x3xf32>
    %broadcast_in_dim3A = vector.shape_cast %get3A_21 : vector<128x3xf32> to vector<1x128x3xf32>
    %sub3A = vector.broadcast %broadcast_in_dim3A : vector<1x128x3xf32> to vector<24x128x3xf32>
    %sub3A_22 = arith.subf %get3A_16, %sub3A : vector<24x128x3xf32>
    %add3A_23 = arith.constant 9.99999974E-6 : f32
    %add3A_24 = arith.addf %get3A_6, %add3A_23 : f32
    %div3A = vector.broadcast %add3A_24 : f32 to vector<24x128x3xf32>
    %div3A_25 = arith.divf %sub3A_22, %div3A : vector<24x128x3xf32>
    %slice3A = vector.extract_strided_slice %div3A_25 {offsets = [0, 0, 0], sizes = [24, 128, 1], strides = [1, 1, 1]} : vector<24x128x3xf32> to vector<24x128x1xf32>
    %sub3A_26 = vector.broadcast %slice3A : vector<24x128x1xf32> to vector<24x128x64xf32>
    %sub3A_27 = vector.broadcast %add3A_3 : vector<1x1x64xf32> to vector<24x128x64xf32>
    %sub3A_28 = arith.subf %sub3A_26, %sub3A_27 : vector<24x128x64xf32>
    %integer_pow3A = arith.mulf %sub3A_28, %sub3A_28 : vector<24x128x64xf32>
    %mul3A_29 = arith.constant -5.000000e-01 : f32
    %mul3A_30 = vector.broadcast %mul3A_29 : f32 to vector<24x128x64xf32>
    %mul3A_31 = arith.mulf %mul3A_30, %integer_pow3A : vector<24x128x64xf32>
    %div3A_32 = arith.constant 9.000000e-02 : f32
    %div3A_33 = vector.broadcast %div3A_32 : f32 to vector<24x128x64xf32>
    %div3A_34 = arith.divf %mul3A_31, %div3A_33 : vector<24x128x64xf32>
    %exp3A = math.exp %div3A_34 : vector<24x128x64xf32>
    %slice3A_35 = vector.extract_strided_slice %div3A_25 {offsets = [0, 0, 1], sizes = [24, 128, 1], strides = [1, 1, 1]} : vector<24x128x3xf32> to vector<24x128x1xf32>
    %sub3A_36 = vector.broadcast %slice3A_35 : vector<24x128x1xf32> to vector<24x128x64xf32>
    %sub3A_37 = vector.broadcast %add3A_3 : vector<1x1x64xf32> to vector<24x128x64xf32>
    %sub3A_38 = arith.subf %sub3A_36, %sub3A_37 : vector<24x128x64xf32>
    %integer_pow3A_39 = arith.mulf %sub3A_38, %sub3A_38 : vector<24x128x64xf32>
    %mul3A_40 = arith.constant -5.000000e-01 : f32
    %mul3A_41 = vector.broadcast %mul3A_40 : f32 to vector<24x128x64xf32>
    %mul3A_42 = arith.mulf %mul3A_41, %integer_pow3A_39 : vector<24x128x64xf32>
    %div3A_43 = arith.constant 9.000000e-02 : f32
    %div3A_44 = vector.broadcast %div3A_43 : f32 to vector<24x128x64xf32>
    %div3A_45 = arith.divf %mul3A_42, %div3A_44 : vector<24x128x64xf32>
    %exp3A_46 = math.exp %div3A_45 : vector<24x128x64xf32>
    %slice3A_47 = vector.extract_strided_slice %div3A_25 {offsets = [0, 0, 2], sizes = [24, 128, 1], strides = [1, 1, 1]} : vector<24x128x3xf32> to vector<24x128x1xf32>
    %sub3A_48 = vector.broadcast %slice3A_47 : vector<24x128x1xf32> to vector<24x128x64xf32>
    %sub3A_49 = vector.broadcast %add3A_3 : vector<1x1x64xf32> to vector<24x128x64xf32>
    %sub3A_50 = arith.subf %sub3A_48, %sub3A_49 : vector<24x128x64xf32>
    %integer_pow3A_51 = arith.mulf %sub3A_50, %sub3A_50 : vector<24x128x64xf32>
    %mul3A_52 = arith.constant -5.000000e-01 : f32
    %mul3A_53 = vector.broadcast %mul3A_52 : f32 to vector<24x128x64xf32>
    %mul3A_54 = arith.mulf %mul3A_53, %integer_pow3A_51 : vector<24x128x64xf32>
    %div3A_55 = arith.constant 9.000000e-02 : f32
    %div3A_56 = vector.broadcast %div3A_55 : f32 to vector<24x128x64xf32>
    %div3A_57 = arith.divf %mul3A_54, %div3A_56 : vector<24x128x64xf32>
    %exp3A_58 = math.exp %div3A_57 : vector<24x128x64xf32>
    %concatenate3A = tpu.concatenate %exp3A, %exp3A_46, %exp3A_58 in 2 : vector<24x128x64xf32>, vector<24x128x64xf32>, vector<24x128x64xf32> -> vector<24x128x192xf32>
    %get3A_59 = arith.constant 0 : index
    %get3A_60 = arith.constant 0 : index
    %get3A_61 = arith.constant 0 : index
    %get3A_62 = vector.load %arg5[%get3A_59, %get3A_60, %get3A_61] : memref<1x128x96xf32, #tpu.memory_space<vmem>>, vector<1x128x96xf32>
    %get3A_63 = vector.shape_cast %get3A_62 : vector<1x128x96xf32> to vector<128x96xf32>
    %get3A_64 = arith.constant 0 : index
    %get3A_65 = arith.constant 0 : index
    %get3A_66 = arith.constant 0 : index
    %get3A_67 = arith.constant 0 : index
    %get3A_68 = vector.load %arg4[%get3A_64, %get3A_65, %get3A_66, %get3A_67] : memref<1x24x128x96xf32, #tpu.memory_space<vmem>>, vector<1x24x128x96xf32>
    %get3A_69 = vector.shape_cast %get3A_68 : vector<1x24x128x96xf32> to vector<24x128x96xf32>
    %broadcast_in_dim3A_70 = vector.shape_cast %get3A_63 : vector<128x96xf32> to vector<1x128x96xf32>
    %sub3A_71 = vector.broadcast %broadcast_in_dim3A_70 : vector<1x128x96xf32> to vector<24x128x96xf32>
    %sub3A_72 = arith.subf %get3A_69, %sub3A_71 : vector<24x128x96xf32>
    %add3A_73 = arith.constant 9.99999974E-6 : f32
    %add3A_74 = arith.addf %get3A_10, %add3A_73 : f32
    %div3A_75 = vector.broadcast %add3A_74 : f32 to vector<24x128x96xf32>
    %div3A_76 = arith.divf %sub3A_72, %div3A_75 : vector<24x128x96xf32>
    %broadcast_in_dim3A_77 = vector.shape_cast %get3A_63 : vector<128x96xf32> to vector<1x128x96xf32>
    %broadcast_in_dim3A_78 = vector.shape_cast %broadcast_in_dim3A_77 : vector<1x128x96xf32> to vector<1x128x96xf32>
    %broadcast_in_dim3A_79 = vector.broadcast %broadcast_in_dim3A_78 : vector<1x128x96xf32> to vector<24x128x96xf32>
    %concatenate3A_80 = tpu.concatenate %div3A_76, %broadcast_in_dim3A_79 in 2 : vector<24x128x96xf32>, vector<24x128x96xf32> -> vector<24x128x192xf32>
    %add3A_81 = arith.addf %concatenate3A_80, %concatenate3A : vector<24x128x192xf32>
    %mul3A_82 = arith.mulf %add3A_81, %concatenate3A : vector<24x128x192xf32>
    %reduce_max3A = arith.constant dense<0xFF800000> : vector<128x192xf32>
    %reduce_max3A_83 = vector.multi_reduction <maximumf>, %mul3A_82, %reduce_max3A [0] : vector<24x128x192xf32> to vector<128x192xf32>
    %reduce_sum3A = arith.constant dense<0.000000e+00> : vector<128x192xf32>
    %reduce_sum3A_84 = vector.multi_reduction <add>, %mul3A_82, %reduce_sum3A [0] : vector<24x128x192xf32> to vector<128x192xf32>
    %div3A_85 = arith.constant 2.400000e+01 : f32
    %div3A_86 = vector.broadcast %div3A_85 : f32 to vector<128x192xf32>
    %div3A_87 = arith.divf %reduce_sum3A_84, %div3A_86 : vector<128x192xf32>
    %add3A_88 = arith.addf %reduce_max3A_83, %div3A_87 : vector<128x192xf32>
    %swap3A = arith.constant 0 : index
    %swap3A_89 = arith.constant 0 : index
    %swap3A_90 = arith.constant 0 : index
    %swap3A_91 = vector.load %arg7[%swap3A, %swap3A_89, %swap3A_90] : memref<1x128x192xf32, #tpu.memory_space<vmem>>, vector<1x128x192xf32>
    %swap3A_92 = vector.shape_cast %swap3A_91 : vector<1x128x192xf32> to vector<128x192xf32>
    %swap3A_93 = vector.shape_cast %add3A_88 : vector<128x192xf32> to vector<1x128x192xf32>
    tpu.vector_store %arg7[%swap3A, %swap3A_89, %swap3A_90], %swap3A_93 {strides = array<i32>} : memref<1x128x192xf32, #tpu.memory_space<vmem>>, vector<1x128x192xf32>,
    %reduce_sum3A_94 = arith.constant dense<0.000000e+00> : vector<192xf32>
    %reduce_sum3A_95 = vector.multi_reduction <add>, %add3A_88, %reduce_sum3A_94 [0] : vector<128x192xf32> to vector<192xf32>
    %broadcast_in_dim3A_96 = vector.shape_cast %reduce_sum3A_95 : vector<192xf32> to vector<1x192xf32>
    %swap3A_97 = arith.constant 0 : index
    %swap3A_98 = arith.constant 0 : index
    %swap3A_99 = arith.constant 0 : index
    %swap3A_100 = arith.constant 0 : index
    %swap3A_101 = vector.load %arg8[%swap3A_97, %swap3A_98, %swap3A_99, %swap3A_100] : memref<1x1x1x192xf32, #tpu.memory_space<vmem>>, vector<1x1x1x192xf32>
    %swap3A_102 = vector.shape_cast %swap3A_101 : vector<1x1x1x192xf32> to vector<1x192xf32>
    %swap3A_103 = vector.shape_cast %broadcast_in_dim3A_96 : vector<1x192xf32> to vector<1x1x1x192xf32>
    tpu.vector_store %arg8[%swap3A_97, %swap3A_98, %swap3A_99, %swap3A_100], %swap3A_103 {strides = array<i32>} : memref<1x1x1x192xf32, #tpu.memory_space<vmem>>, vector<1x1x1x192xf32>,
    %mul3A_104 = arith.mulf %add3A_88, %add3A_88 : vector<128x192xf32>
    %reduce_sum3A_105 = arith.constant dense<0.000000e+00> : vector<192xf32>
    %reduce_sum3A_106 = vector.multi_reduction <add>, %mul3A_104, %reduce_sum3A_105 [0] : vector<128x192xf32> to vector<192xf32>
    %broadcast_in_dim3A_107 = vector.shape_cast %reduce_sum3A_106 : vector<192xf32> to vector<1x192xf32>
    %swap3A_108 = arith.constant 0 : index
    %swap3A_109 = arith.constant 0 : index
    %swap3A_110 = arith.constant 0 : index
    %swap3A_111 = arith.constant 0 : index
    %swap3A_112 = vector.load %arg9[%swap3A_108, %swap3A_109, %swap3A_110, %swap3A_111] : memref<1x1x1x192xf32, #tpu.memory_space<vmem>>, vector<1x1x1x192xf32>
    %swap3A_113 = vector.shape_cast %swap3A_112 : vector<1x1x1x192xf32> to vector<1x192xf32>
    %swap3A_114 = vector.shape_cast %broadcast_in_dim3A_107 : vector<1x192xf32> to vector<1x1x1x192xf32>
    tpu.vector_store %arg9[%swap3A_108, %swap3A_109, %swap3A_110, %swap3A_111], %swap3A_114 {strides = array<i32>} : memref<1x1x1x192xf32, #tpu.memory_space<vmem>>, vector<1x1x1x192xf32>,
    return
  }
  func.func @transform_0(%arg0: i32, %arg1: i32) -> (i32, i32, i32, i32) {
    %c0_i32 = arith.constant 0 : i32
    %c0_i32_0 = arith.constant 0 : i32
    %c0_i32_1 = arith.constant 0 : i32
    return %arg0, %c0_i32, %arg1, %c0_i32_0 : i32, i32, i32, i32
  }
  func.func @transform_1(%arg0: i32, %arg1: i32) -> (i32, i32, i32) {
    %c0_i32 = arith.constant 0 : i32
    %c0_i32_0 = arith.constant 0 : i32
    return %arg0, %arg1, %c0_i32 : i32, i32, i32
  }
  func.func @transform_2(%arg0: i32, %arg1: i32) -> (i32, i32, i32, i32) {
    %c0_i32 = arith.constant 0 : i32
    %c0_i32_0 = arith.constant 0 : i32
    %c0_i32_1 = arith.constant 0 : i32
    return %arg0, %c0_i32, %arg1, %c0_i32_0 : i32, i32, i32, i32
  }
  func.func @transform_3(%arg0: i32, %arg1: i32) -> (i32, i32, i32) {
    %c0_i32 = arith.constant 0 : i32
    %c0_i32_0 = arith.constant 0 : i32
    return %arg0, %arg1, %c0_i32 : i32, i32, i32
  }
  func.func @transform_4(%arg0: i32, %arg1: i32) -> (i32, i32) {
    %c0_i32 = arith.constant 0 : i32
    %c0_i32_0 = arith.constant 0 : i32
    %c0_i32_1 = arith.constant 0 : i32
    return %c0_i32, %c0_i32_0 : i32, i32
  }
  func.func @transform_5(%arg0: i32, %arg1: i32) -> (i32, i32, i32) {
    %c0_i32 = arith.constant 0 : i32
    %c0_i32_0 = arith.constant 0 : i32
    return %arg0, %arg1, %c0_i32 : i32, i32, i32
  }
  func.func @transform_6(%arg0: i32, %arg1: i32) -> (i32, i32, i32, i32) {
    %c0_i32 = arith.constant 0 : i32
    %c0_i32_0 = arith.constant 0 : i32
    %c0_i32_1 = arith.constant 0 : i32
    return %arg0, %arg1, %c0_i32, %c0_i32_0 : i32, i32, i32, i32
  }
  func.func @transform_7(%arg0: i32, %arg1: i32) -> (i32, i32, i32, i32) {
    %c0_i32 = arith.constant 0 : i32
    %c0_i32_0 = arith.constant 0 : i32
    %c0_i32_1 = arith.constant 0 : i32
    return %arg0, %arg1, %c0_i32, %c0_i32_0 : i32, i32, i32, i32
  }
}

module attributes {stable_mosaic.version = 14 : i64} {
  func.func @_bn_kernel(%arg0: i32, %arg1: memref<1x1024x192xf32, #tpu.memory_space<vmem>>, %arg2: memref<1x192xf32, #tpu.memory_space<vmem>>, %arg3: memref<1x192xf32, #tpu.memory_space<vmem>>, %arg4: memref<1x192xf32, #tpu.memory_space<vmem>>, %arg5: memref<1x192xf32, #tpu.memory_space<vmem>>, %arg6: memref<1x1024x192xf32, #tpu.memory_space<vmem>>) attributes {dimension_semantics = [#tpu.dimension_semantics<arbitrary>], iteration_bounds = array<i64: 8>, scalar_prefetch = 0 : i64, scratch_operands = 0 : i64, tpu.core_type = #tpu.core_type<tc>, window_params = [{transform_indices = @transform_0, window_bounds = array<i64: 1, 1024, 192>}, {pipeline_mode = #tpu.pipeline_mode<synchronous>, transform_indices = @transform_1, window_bounds = array<i64: 1, 192>}, {pipeline_mode = #tpu.pipeline_mode<synchronous>, transform_indices = @transform_2, window_bounds = array<i64: 1, 192>}, {pipeline_mode = #tpu.pipeline_mode<synchronous>, transform_indices = @transform_3, window_bounds = array<i64: 1, 192>}, {pipeline_mode = #tpu.pipeline_mode<synchronous>, transform_indices = @transform_4, window_bounds = array<i64: 1, 192>}, {transform_indices = @transform_5, window_bounds = array<i64: 1, 1024, 192>}]} {
    %get3A = arith.constant 0 : index
    %get3A_0 = arith.constant 0 : index
    %get3A_1 = arith.constant 0 : index
    %get3A_2 = vector.load %arg1[%get3A, %get3A_0, %get3A_1] : memref<1x1024x192xf32, #tpu.memory_space<vmem>>, vector<1x1024x192xf32>
    %get3A_3 = vector.shape_cast %get3A_2 : vector<1x1024x192xf32> to vector<1024x192xf32>
    %get3A_4 = arith.constant 0 : index
    %get3A_5 = arith.constant 0 : index
    %get3A_6 = vector.load %arg2[%get3A_4, %get3A_5] : memref<1x192xf32, #tpu.memory_space<vmem>>, vector<1x192xf32>
    %get3A_7 = vector.shape_cast %get3A_6 : vector<1x192xf32> to vector<192xf32>
    %broadcast_in_dim3A = vector.shape_cast %get3A_7 : vector<192xf32> to vector<1x192xf32>
    %sub3A = vector.broadcast %broadcast_in_dim3A : vector<1x192xf32> to vector<1024x192xf32>
    %sub3A_8 = arith.subf %get3A_3, %sub3A : vector<1024x192xf32>
    %get3A_9 = arith.constant 0 : index
    %get3A_10 = arith.constant 0 : index
    %get3A_11 = vector.load %arg3[%get3A_9, %get3A_10] : memref<1x192xf32, #tpu.memory_space<vmem>>, vector<1x192xf32>
    %get3A_12 = vector.shape_cast %get3A_11 : vector<1x192xf32> to vector<192xf32>
    %broadcast_in_dim3A_13 = vector.shape_cast %get3A_12 : vector<192xf32> to vector<1x192xf32>
    %div3A = vector.broadcast %broadcast_in_dim3A_13 : vector<1x192xf32> to vector<1024x192xf32>
    %div3A_14 = arith.divf %sub3A_8, %div3A : vector<1024x192xf32>
    %get3A_15 = arith.constant 0 : index
    %get3A_16 = arith.constant 0 : index
    %get3A_17 = vector.load %arg4[%get3A_15, %get3A_16] : memref<1x192xf32, #tpu.memory_space<vmem>>, vector<1x192xf32>
    %get3A_18 = vector.shape_cast %get3A_17 : vector<1x192xf32> to vector<192xf32>
    %broadcast_in_dim3A_19 = vector.shape_cast %get3A_18 : vector<192xf32> to vector<1x192xf32>
    %mul3A = vector.broadcast %broadcast_in_dim3A_19 : vector<1x192xf32> to vector<1024x192xf32>
    %mul3A_20 = arith.mulf %div3A_14, %mul3A : vector<1024x192xf32>
    %get3A_21 = arith.constant 0 : index
    %get3A_22 = arith.constant 0 : index
    %get3A_23 = vector.load %arg5[%get3A_21, %get3A_22] : memref<1x192xf32, #tpu.memory_space<vmem>>, vector<1x192xf32>
    %get3A_24 = vector.shape_cast %get3A_23 : vector<1x192xf32> to vector<192xf32>
    %broadcast_in_dim3A_25 = vector.shape_cast %get3A_24 : vector<192xf32> to vector<1x192xf32>
    %add3A = vector.broadcast %broadcast_in_dim3A_25 : vector<1x192xf32> to vector<1024x192xf32>
    %add3A_26 = arith.addf %mul3A_20, %add3A : vector<1024x192xf32>
    %mul3A_27 = arith.constant 5.000000e-01 : f32
    %mul3A_28 = vector.broadcast %mul3A_27 : f32 to vector<1024x192xf32>
    %mul3A_29 = arith.mulf %mul3A_28, %add3A_26 : vector<1024x192xf32>
    %mul3A_30 = arith.constant 0.707106769 : f32
    %mul3A_31 = vector.broadcast %mul3A_30 : f32 to vector<1024x192xf32>
    %mul3A_32 = arith.mulf %add3A_26, %mul3A_31 : vector<1024x192xf32>
    %erf3A = math.erf %mul3A_32 : vector<1024x192xf32>
    %add3A_33 = arith.constant 1.000000e+00 : f32
    %add3A_34 = vector.broadcast %add3A_33 : f32 to vector<1024x192xf32>
    %add3A_35 = arith.addf %add3A_34, %erf3A : vector<1024x192xf32>
    %mul3A_36 = arith.mulf %mul3A_29, %add3A_35 : vector<1024x192xf32>
    %swap3A = arith.constant 0 : index
    %swap3A_37 = arith.constant 0 : index
    %swap3A_38 = arith.constant 0 : index
    %swap3A_39 = vector.load %arg6[%swap3A, %swap3A_37, %swap3A_38] : memref<1x1024x192xf32, #tpu.memory_space<vmem>>, vector<1x1024x192xf32>
    %swap3A_40 = vector.shape_cast %swap3A_39 : vector<1x1024x192xf32> to vector<1024x192xf32>
    %swap3A_41 = vector.shape_cast %mul3A_36 : vector<1024x192xf32> to vector<1x1024x192xf32>
    tpu.vector_store %arg6[%swap3A, %swap3A_37, %swap3A_38], %swap3A_41 {strides = array<i32>} : memref<1x1024x192xf32, #tpu.memory_space<vmem>>, vector<1x1024x192xf32>,
    return
  }
  func.func @transform_0(%arg0: i32) -> (i32, i32, i32) {
    %c0_i32 = arith.constant 0 : i32
    %c0_i32_0 = arith.constant 0 : i32
    %c0_i32_1 = arith.constant 0 : i32
    return %arg0, %c0_i32, %c0_i32_0 : i32, i32, i32
  }
  func.func @transform_1(%arg0: i32) -> (i32, i32) {
    %c0_i32 = arith.constant 0 : i32
    %c0_i32_0 = arith.constant 0 : i32
    %c0_i32_1 = arith.constant 0 : i32
    return %c0_i32, %c0_i32_0 : i32, i32
  }
  func.func @transform_2(%arg0: i32) -> (i32, i32) {
    %c0_i32 = arith.constant 0 : i32
    %c0_i32_0 = arith.constant 0 : i32
    %c0_i32_1 = arith.constant 0 : i32
    return %c0_i32, %c0_i32_0 : i32, i32
  }
  func.func @transform_3(%arg0: i32) -> (i32, i32) {
    %c0_i32 = arith.constant 0 : i32
    %c0_i32_0 = arith.constant 0 : i32
    %c0_i32_1 = arith.constant 0 : i32
    return %c0_i32, %c0_i32_0 : i32, i32
  }
  func.func @transform_4(%arg0: i32) -> (i32, i32) {
    %c0_i32 = arith.constant 0 : i32
    %c0_i32_0 = arith.constant 0 : i32
    %c0_i32_1 = arith.constant 0 : i32
    return %c0_i32, %c0_i32_0 : i32, i32
  }
  func.func @transform_5(%arg0: i32) -> (i32, i32, i32) {
    %c0_i32 = arith.constant 0 : i32
    %c0_i32_0 = arith.constant 0 : i32
    %c0_i32_1 = arith.constant 0 : i32
    return %arg0, %c0_i32, %c0_i32_0 : i32, i32, i32
  }
}

module attributes {stable_mosaic.version = 14 : i64} {
  func.func @_stats_kernel(%arg0: i32, %arg1: i32, %arg2: memref<1x24x128x3xf32, #tpu.memory_space<vmem>>, %arg3: memref<1x128x3xf32, #tpu.memory_space<vmem>>, %arg4: memref<1x24x128x192xf32, #tpu.memory_space<vmem>>, %arg5: memref<1x128x192xf32, #tpu.memory_space<vmem>>, %arg6: memref<1x1x3xf32, #tpu.memory_space<vmem>>, %arg7: memref<1x1x3xf32, #tpu.memory_space<vmem>>, %arg8: memref<1x1x192xf32, #tpu.memory_space<vmem>>, %arg9: memref<1x1x192xf32, #tpu.memory_space<vmem>>) attributes {dimension_semantics = [#tpu.dimension_semantics<arbitrary>, #tpu.dimension_semantics<arbitrary>], iteration_bounds = array<i64: 8, 4>, scalar_prefetch = 0 : i64, scratch_operands = 0 : i64, tpu.core_type = #tpu.core_type<tc>, window_params = [{transform_indices = @transform_0, window_bounds = array<i64: 1, 24, 128, 3>}, {transform_indices = @transform_1, window_bounds = array<i64: 1, 128, 3>}, {transform_indices = @transform_2, window_bounds = array<i64: 1, 24, 128, 192>}, {transform_indices = @transform_3, window_bounds = array<i64: 1, 128, 192>}, {transform_indices = @transform_4, window_bounds = array<i64: 1, 1, 3>}, {transform_indices = @transform_5, window_bounds = array<i64: 1, 1, 3>}, {transform_indices = @transform_6, window_bounds = array<i64: 1, 1, 192>}, {transform_indices = @transform_7, window_bounds = array<i64: 1, 1, 192>}]} {
    %get3A = arith.constant 0 : index
    %get3A_0 = arith.constant 0 : index
    %get3A_1 = arith.constant 0 : index
    %get3A_2 = arith.constant 0 : index
    %get3A_3 = vector.load %arg2[%get3A, %get3A_0, %get3A_1, %get3A_2] : memref<1x24x128x3xf32, #tpu.memory_space<vmem>>, vector<1x24x128x3xf32>
    %get3A_4 = vector.shape_cast %get3A_3 : vector<1x24x128x3xf32> to vector<24x128x3xf32>
    %get3A_5 = arith.constant 0 : index
    %get3A_6 = arith.constant 0 : index
    %get3A_7 = arith.constant 0 : index
    %get3A_8 = vector.load %arg3[%get3A_5, %get3A_6, %get3A_7] : memref<1x128x3xf32, #tpu.memory_space<vmem>>, vector<1x128x3xf32>
    %get3A_9 = vector.shape_cast %get3A_8 : vector<1x128x3xf32> to vector<128x3xf32>
    %broadcast_in_dim3A = vector.shape_cast %get3A_9 : vector<128x3xf32> to vector<1x128x3xf32>
    %sub3A = vector.broadcast %broadcast_in_dim3A : vector<1x128x3xf32> to vector<24x128x3xf32>
    %sub3A_10 = arith.subf %get3A_4, %sub3A : vector<24x128x3xf32>
    %get3A_11 = arith.constant 0 : index
    %get3A_12 = arith.constant 0 : index
    %get3A_13 = arith.constant 0 : index
    %get3A_14 = arith.constant 0 : index
    %get3A_15 = vector.load %arg4[%get3A_11, %get3A_12, %get3A_13, %get3A_14] : memref<1x24x128x192xf32, #tpu.memory_space<vmem>>, vector<1x24x128x192xf32>
    %get3A_16 = vector.shape_cast %get3A_15 : vector<1x24x128x192xf32> to vector<24x128x192xf32>
    %get3A_17 = arith.constant 0 : index
    %get3A_18 = arith.constant 0 : index
    %get3A_19 = arith.constant 0 : index
    %get3A_20 = vector.load %arg5[%get3A_17, %get3A_18, %get3A_19] : memref<1x128x192xf32, #tpu.memory_space<vmem>>, vector<1x128x192xf32>
    %get3A_21 = vector.shape_cast %get3A_20 : vector<1x128x192xf32> to vector<128x192xf32>
    %broadcast_in_dim3A_22 = vector.shape_cast %get3A_21 : vector<128x192xf32> to vector<1x128x192xf32>
    %sub3A_23 = vector.broadcast %broadcast_in_dim3A_22 : vector<1x128x192xf32> to vector<24x128x192xf32>
    %sub3A_24 = arith.subf %get3A_16, %sub3A_23 : vector<24x128x192xf32>
    %reduce_sum3A = arith.constant dense<0.000000e+00> : vector<3xf32>
    %reduce_sum3A_25 = vector.multi_reduction <add>, %sub3A_10, %reduce_sum3A [0, 1] : vector<24x128x3xf32> to vector<3xf32>
    %broadcast_in_dim3A_26 = vector.shape_cast %reduce_sum3A_25 : vector<3xf32> to vector<1x3xf32>
    %swap3A = arith.constant 0 : index
    %swap3A_27 = arith.constant 0 : index
    %swap3A_28 = arith.constant 0 : index
    %swap3A_29 = vector.load %arg6[%swap3A, %swap3A_27, %swap3A_28] : memref<1x1x3xf32, #tpu.memory_space<vmem>>, vector<1x1x3xf32>
    %swap3A_30 = vector.shape_cast %swap3A_29 : vector<1x1x3xf32> to vector<1x3xf32>
    %swap3A_31 = vector.shape_cast %broadcast_in_dim3A_26 : vector<1x3xf32> to vector<1x1x3xf32>
    tpu.vector_store %arg6[%swap3A, %swap3A_27, %swap3A_28], %swap3A_31 {strides = array<i32>} : memref<1x1x3xf32, #tpu.memory_space<vmem>>, vector<1x1x3xf32>,
    %mul3A = arith.mulf %sub3A_10, %sub3A_10 : vector<24x128x3xf32>
    %reduce_sum3A_32 = arith.constant dense<0.000000e+00> : vector<3xf32>
    %reduce_sum3A_33 = vector.multi_reduction <add>, %mul3A, %reduce_sum3A_32 [0, 1] : vector<24x128x3xf32> to vector<3xf32>
    %broadcast_in_dim3A_34 = vector.shape_cast %reduce_sum3A_33 : vector<3xf32> to vector<1x3xf32>
    %swap3A_35 = arith.constant 0 : index
    %swap3A_36 = arith.constant 0 : index
    %swap3A_37 = arith.constant 0 : index
    %swap3A_38 = vector.load %arg7[%swap3A_35, %swap3A_36, %swap3A_37] : memref<1x1x3xf32, #tpu.memory_space<vmem>>, vector<1x1x3xf32>
    %swap3A_39 = vector.shape_cast %swap3A_38 : vector<1x1x3xf32> to vector<1x3xf32>
    %swap3A_40 = vector.shape_cast %broadcast_in_dim3A_34 : vector<1x3xf32> to vector<1x1x3xf32>
    tpu.vector_store %arg7[%swap3A_35, %swap3A_36, %swap3A_37], %swap3A_40 {strides = array<i32>} : memref<1x1x3xf32, #tpu.memory_space<vmem>>, vector<1x1x3xf32>,
    %reduce_sum3A_41 = arith.constant dense<0.000000e+00> : vector<192xf32>
    %reduce_sum3A_42 = vector.multi_reduction <add>, %sub3A_24, %reduce_sum3A_41 [0, 1] : vector<24x128x192xf32> to vector<192xf32>
    %broadcast_in_dim3A_43 = vector.shape_cast %reduce_sum3A_42 : vector<192xf32> to vector<1x192xf32>
    %swap3A_44 = arith.constant 0 : index
    %swap3A_45 = arith.constant 0 : index
    %swap3A_46 = arith.constant 0 : index
    %swap3A_47 = vector.load %arg8[%swap3A_44, %swap3A_45, %swap3A_46] : memref<1x1x192xf32, #tpu.memory_space<vmem>>, vector<1x1x192xf32>
    %swap3A_48 = vector.shape_cast %swap3A_47 : vector<1x1x192xf32> to vector<1x192xf32>
    %swap3A_49 = vector.shape_cast %broadcast_in_dim3A_43 : vector<1x192xf32> to vector<1x1x192xf32>
    tpu.vector_store %arg8[%swap3A_44, %swap3A_45, %swap3A_46], %swap3A_49 {strides = array<i32>} : memref<1x1x192xf32, #tpu.memory_space<vmem>>, vector<1x1x192xf32>,
    %mul3A_50 = arith.mulf %sub3A_24, %sub3A_24 : vector<24x128x192xf32>
    %reduce_sum3A_51 = arith.constant dense<0.000000e+00> : vector<192xf32>
    %reduce_sum3A_52 = vector.multi_reduction <add>, %mul3A_50, %reduce_sum3A_51 [0, 1] : vector<24x128x192xf32> to vector<192xf32>
    %broadcast_in_dim3A_53 = vector.shape_cast %reduce_sum3A_52 : vector<192xf32> to vector<1x192xf32>
    %swap3A_54 = arith.constant 0 : index
    %swap3A_55 = arith.constant 0 : index
    %swap3A_56 = arith.constant 0 : index
    %swap3A_57 = vector.load %arg9[%swap3A_54, %swap3A_55, %swap3A_56] : memref<1x1x192xf32, #tpu.memory_space<vmem>>, vector<1x1x192xf32>
    %swap3A_58 = vector.shape_cast %swap3A_57 : vector<1x1x192xf32> to vector<1x192xf32>
    %swap3A_59 = vector.shape_cast %broadcast_in_dim3A_53 : vector<1x192xf32> to vector<1x1x192xf32>
    tpu.vector_store %arg9[%swap3A_54, %swap3A_55, %swap3A_56], %swap3A_59 {strides = array<i32>} : memref<1x1x192xf32, #tpu.memory_space<vmem>>, vector<1x1x192xf32>,
    return
  }
  func.func @transform_0(%arg0: i32, %arg1: i32) -> (i32, i32, i32, i32) {
    %c0_i32 = arith.constant 0 : i32
    %c0_i32_0 = arith.constant 0 : i32
    %c0_i32_1 = arith.constant 0 : i32
    return %arg0, %c0_i32, %arg1, %c0_i32_0 : i32, i32, i32, i32
  }
  func.func @transform_1(%arg0: i32, %arg1: i32) -> (i32, i32, i32) {
    %c0_i32 = arith.constant 0 : i32
    %c0_i32_0 = arith.constant 0 : i32
    return %arg0, %arg1, %c0_i32 : i32, i32, i32
  }
  func.func @transform_2(%arg0: i32, %arg1: i32) -> (i32, i32, i32, i32) {
    %c0_i32 = arith.constant 0 : i32
    %c0_i32_0 = arith.constant 0 : i32
    %c0_i32_1 = arith.constant 0 : i32
    return %arg0, %c0_i32, %arg1, %c0_i32_0 : i32, i32, i32, i32
  }
  func.func @transform_3(%arg0: i32, %arg1: i32) -> (i32, i32, i32) {
    %c0_i32 = arith.constant 0 : i32
    %c0_i32_0 = arith.constant 0 : i32
    return %arg0, %arg1, %c0_i32 : i32, i32, i32
  }
  func.func @transform_4(%arg0: i32, %arg1: i32) -> (i32, i32, i32) {
    %mul3A = arith.constant 4 : i32
    %mul3A_0 = arith.muli %arg0, %mul3A : i32
    %add3A = arith.addi %mul3A_0, %arg1 : i32
    %c0_i32 = arith.constant 0 : i32
    %c0_i32_1 = arith.constant 0 : i32
    %c0_i32_2 = arith.constant 0 : i32
    return %add3A, %c0_i32, %c0_i32_1 : i32, i32, i32
  }
  func.func @transform_5(%arg0: i32, %arg1: i32) -> (i32, i32, i32) {
    %mul3A = arith.constant 4 : i32
    %mul3A_0 = arith.muli %arg0, %mul3A : i32
    %add3A = arith.addi %mul3A_0, %arg1 : i32
    %c0_i32 = arith.constant 0 : i32
    %c0_i32_1 = arith.constant 0 : i32
    %c0_i32_2 = arith.constant 0 : i32
    return %add3A, %c0_i32, %c0_i32_1 : i32, i32, i32
  }
  func.func @transform_6(%arg0: i32, %arg1: i32) -> (i32, i32, i32) {
    %mul3A = arith.constant 4 : i32
    %mul3A_0 = arith.muli %arg0, %mul3A : i32
    %add3A = arith.addi %mul3A_0, %arg1 : i32
    %c0_i32 = arith.constant 0 : i32
    %c0_i32_1 = arith.constant 0 : i32
    %c0_i32_2 = arith.constant 0 : i32
    return %add3A, %c0_i32, %c0_i32_1 : i32, i32, i32
  }
  func.func @transform_7(%arg0: i32, %arg1: i32) -> (i32, i32, i32) {
    %mul3A = arith.constant 4 : i32
    %mul3A_0 = arith.muli %arg0, %mul3A : i32
    %add3A = arith.addi %mul3A_0, %arg1 : i32
    %c0_i32 = arith.constant 0 : i32
    %c0_i32_1 = arith.constant 0 : i32
    %c0_i32_2 = arith.constant 0 : i32
    return %add3A, %c0_i32, %c0_i32_1 : i32, i32, i32
  }
}

module attributes {stable_mosaic.version = 14 : i64} {
  func.func @_agg_kernel(%arg0: i32, %arg1: i32, %arg2: memref<1x24x128x3xf32, #tpu.memory_space<vmem>>, %arg3: memref<1x128x3xf32, #tpu.memory_space<vmem>>, %arg4: memref<1x24x128x192xf32, #tpu.memory_space<vmem>>, %arg5: memref<1x128x192xf32, #tpu.memory_space<vmem>>, %arg6: memref<1x2xf32, #tpu.memory_space<vmem>>, %arg7: memref<1x128x384xf32, #tpu.memory_space<vmem>>, %arg8: memref<1x1x1x384xf32, #tpu.memory_space<vmem>>, %arg9: memref<1x1x1x384xf32, #tpu.memory_space<vmem>>) attributes {dimension_semantics = [#tpu.dimension_semantics<arbitrary>, #tpu.dimension_semantics<arbitrary>], iteration_bounds = array<i64: 8, 4>, scalar_prefetch = 0 : i64, scratch_operands = 0 : i64, tpu.core_type = #tpu.core_type<tc>, window_params = [{transform_indices = @transform_0, window_bounds = array<i64: 1, 24, 128, 3>}, {transform_indices = @transform_1, window_bounds = array<i64: 1, 128, 3>}, {transform_indices = @transform_2, window_bounds = array<i64: 1, 24, 128, 192>}, {transform_indices = @transform_3, window_bounds = array<i64: 1, 128, 192>}, {pipeline_mode = #tpu.pipeline_mode<synchronous>, transform_indices = @transform_4, window_bounds = array<i64: 1, 2>}, {transform_indices = @transform_5, window_bounds = array<i64: 1, 128, 384>}, {transform_indices = @transform_6, window_bounds = array<i64: 1, 1, 1, 384>}, {transform_indices = @transform_7, window_bounds = array<i64: 1, 1, 1, 384>}]} {
    %iota3A = tpu.iota {dimensions = array<i32: 2>} : vector<1x1x128xi32>
    %convert_element_type3A = arith.sitofp %iota3A : vector<1x1x128xi32> to vector<1x1x128xf32>
    %mul3A = arith.constant 1.562500e-02 : f32
    %mul3A_0 = vector.broadcast %mul3A : f32 to vector<1x1x128xf32>
    %mul3A_1 = arith.mulf %convert_element_type3A, %mul3A_0 : vector<1x1x128xf32>
    %add3A = arith.constant -1.000000e+00 : f32
    %add3A_2 = vector.broadcast %add3A : f32 to vector<1x1x128xf32>
    %add3A_3 = arith.addf %add3A_2, %mul3A_1 : vector<1x1x128xf32>
    %get3A = arith.constant 0 : index
    %get3A_4 = arith.constant 0 : index
    %get3A_5 = vector.load %arg6[%get3A, %get3A_4] : memref<1x2xf32, #tpu.memory_space<vmem>>, vector<1x1xf32>
    %get3A_6 = vector.extract %get3A_5[0, 0] : f32 from vector<1x1xf32>
    %get3A_7 = arith.constant 0 : index
    %get3A_8 = arith.constant 1 : index
    %get3A_9 = vector.load %arg6[%get3A_7, %get3A_8] : memref<1x2xf32, #tpu.memory_space<vmem>>, vector<1x1xf32>
    %get3A_10 = vector.extract %get3A_9[0, 0] : f32 from vector<1x1xf32>
    %get3A_11 = arith.constant 0 : index
    %get3A_12 = arith.constant 0 : index
    %get3A_13 = arith.constant 0 : index
    %get3A_14 = arith.constant 0 : index
    %get3A_15 = vector.load %arg2[%get3A_11, %get3A_12, %get3A_13, %get3A_14] : memref<1x24x128x3xf32, #tpu.memory_space<vmem>>, vector<1x24x128x3xf32>
    %get3A_16 = vector.shape_cast %get3A_15 : vector<1x24x128x3xf32> to vector<24x128x3xf32>
    %get3A_17 = arith.constant 0 : index
    %get3A_18 = arith.constant 0 : index
    %get3A_19 = arith.constant 0 : index
    %get3A_20 = vector.load %arg3[%get3A_17, %get3A_18, %get3A_19] : memref<1x128x3xf32, #tpu.memory_space<vmem>>, vector<1x128x3xf32>
    %get3A_21 = vector.shape_cast %get3A_20 : vector<1x128x3xf32> to vector<128x3xf32>
    %broadcast_in_dim3A = vector.shape_cast %get3A_21 : vector<128x3xf32> to vector<1x128x3xf32>
    %sub3A = vector.broadcast %broadcast_in_dim3A : vector<1x128x3xf32> to vector<24x128x3xf32>
    %sub3A_22 = arith.subf %get3A_16, %sub3A : vector<24x128x3xf32>
    %add3A_23 = arith.constant 9.99999974E-6 : f32
    %add3A_24 = arith.addf %get3A_6, %add3A_23 : f32
    %div3A = vector.broadcast %add3A_24 : f32 to vector<24x128x3xf32>
    %div3A_25 = arith.divf %sub3A_22, %div3A : vector<24x128x3xf32>
    %slice3A = vector.extract_strided_slice %div3A_25 {offsets = [0, 0, 0], sizes = [24, 128, 1], strides = [1, 1, 1]} : vector<24x128x3xf32> to vector<24x128x1xf32>
    %sub3A_26 = vector.broadcast %slice3A : vector<24x128x1xf32> to vector<24x128x128xf32>
    %sub3A_27 = vector.broadcast %add3A_3 : vector<1x1x128xf32> to vector<24x128x128xf32>
    %sub3A_28 = arith.subf %sub3A_26, %sub3A_27 : vector<24x128x128xf32>
    %integer_pow3A = arith.mulf %sub3A_28, %sub3A_28 : vector<24x128x128xf32>
    %mul3A_29 = arith.constant -5.000000e-01 : f32
    %mul3A_30 = vector.broadcast %mul3A_29 : f32 to vector<24x128x128xf32>
    %mul3A_31 = arith.mulf %mul3A_30, %integer_pow3A : vector<24x128x128xf32>
    %div3A_32 = arith.constant 9.000000e-02 : f32
    %div3A_33 = vector.broadcast %div3A_32 : f32 to vector<24x128x128xf32>
    %div3A_34 = arith.divf %mul3A_31, %div3A_33 : vector<24x128x128xf32>
    %exp3A = math.exp %div3A_34 : vector<24x128x128xf32>
    %slice3A_35 = vector.extract_strided_slice %div3A_25 {offsets = [0, 0, 1], sizes = [24, 128, 1], strides = [1, 1, 1]} : vector<24x128x3xf32> to vector<24x128x1xf32>
    %sub3A_36 = vector.broadcast %slice3A_35 : vector<24x128x1xf32> to vector<24x128x128xf32>
    %sub3A_37 = vector.broadcast %add3A_3 : vector<1x1x128xf32> to vector<24x128x128xf32>
    %sub3A_38 = arith.subf %sub3A_36, %sub3A_37 : vector<24x128x128xf32>
    %integer_pow3A_39 = arith.mulf %sub3A_38, %sub3A_38 : vector<24x128x128xf32>
    %mul3A_40 = arith.constant -5.000000e-01 : f32
    %mul3A_41 = vector.broadcast %mul3A_40 : f32 to vector<24x128x128xf32>
    %mul3A_42 = arith.mulf %mul3A_41, %integer_pow3A_39 : vector<24x128x128xf32>
    %div3A_43 = arith.constant 9.000000e-02 : f32
    %div3A_44 = vector.broadcast %div3A_43 : f32 to vector<24x128x128xf32>
    %div3A_45 = arith.divf %mul3A_42, %div3A_44 : vector<24x128x128xf32>
    %exp3A_46 = math.exp %div3A_45 : vector<24x128x128xf32>
    %slice3A_47 = vector.extract_strided_slice %div3A_25 {offsets = [0, 0, 2], sizes = [24, 128, 1], strides = [1, 1, 1]} : vector<24x128x3xf32> to vector<24x128x1xf32>
    %sub3A_48 = vector.broadcast %slice3A_47 : vector<24x128x1xf32> to vector<24x128x128xf32>
    %sub3A_49 = vector.broadcast %add3A_3 : vector<1x1x128xf32> to vector<24x128x128xf32>
    %sub3A_50 = arith.subf %sub3A_48, %sub3A_49 : vector<24x128x128xf32>
    %integer_pow3A_51 = arith.mulf %sub3A_50, %sub3A_50 : vector<24x128x128xf32>
    %mul3A_52 = arith.constant -5.000000e-01 : f32
    %mul3A_53 = vector.broadcast %mul3A_52 : f32 to vector<24x128x128xf32>
    %mul3A_54 = arith.mulf %mul3A_53, %integer_pow3A_51 : vector<24x128x128xf32>
    %div3A_55 = arith.constant 9.000000e-02 : f32
    %div3A_56 = vector.broadcast %div3A_55 : f32 to vector<24x128x128xf32>
    %div3A_57 = arith.divf %mul3A_54, %div3A_56 : vector<24x128x128xf32>
    %exp3A_58 = math.exp %div3A_57 : vector<24x128x128xf32>
    %concatenate3A = tpu.concatenate %exp3A, %exp3A_46, %exp3A_58 in 2 : vector<24x128x128xf32>, vector<24x128x128xf32>, vector<24x128x128xf32> -> vector<24x128x384xf32>
    %get3A_59 = arith.constant 0 : index
    %get3A_60 = arith.constant 0 : index
    %get3A_61 = arith.constant 0 : index
    %get3A_62 = vector.load %arg5[%get3A_59, %get3A_60, %get3A_61] : memref<1x128x192xf32, #tpu.memory_space<vmem>>, vector<1x128x192xf32>
    %get3A_63 = vector.shape_cast %get3A_62 : vector<1x128x192xf32> to vector<128x192xf32>
    %get3A_64 = arith.constant 0 : index
    %get3A_65 = arith.constant 0 : index
    %get3A_66 = arith.constant 0 : index
    %get3A_67 = arith.constant 0 : index
    %get3A_68 = vector.load %arg4[%get3A_64, %get3A_65, %get3A_66, %get3A_67] : memref<1x24x128x192xf32, #tpu.memory_space<vmem>>, vector<1x24x128x192xf32>
    %get3A_69 = vector.shape_cast %get3A_68 : vector<1x24x128x192xf32> to vector<24x128x192xf32>
    %broadcast_in_dim3A_70 = vector.shape_cast %get3A_63 : vector<128x192xf32> to vector<1x128x192xf32>
    %sub3A_71 = vector.broadcast %broadcast_in_dim3A_70 : vector<1x128x192xf32> to vector<24x128x192xf32>
    %sub3A_72 = arith.subf %get3A_69, %sub3A_71 : vector<24x128x192xf32>
    %add3A_73 = arith.constant 9.99999974E-6 : f32
    %add3A_74 = arith.addf %get3A_10, %add3A_73 : f32
    %div3A_75 = vector.broadcast %add3A_74 : f32 to vector<24x128x192xf32>
    %div3A_76 = arith.divf %sub3A_72, %div3A_75 : vector<24x128x192xf32>
    %broadcast_in_dim3A_77 = vector.shape_cast %get3A_63 : vector<128x192xf32> to vector<1x128x192xf32>
    %broadcast_in_dim3A_78 = vector.shape_cast %broadcast_in_dim3A_77 : vector<1x128x192xf32> to vector<1x128x192xf32>
    %broadcast_in_dim3A_79 = vector.broadcast %broadcast_in_dim3A_78 : vector<1x128x192xf32> to vector<24x128x192xf32>
    %concatenate3A_80 = tpu.concatenate %div3A_76, %broadcast_in_dim3A_79 in 2 : vector<24x128x192xf32>, vector<24x128x192xf32> -> vector<24x128x384xf32>
    %add3A_81 = arith.addf %concatenate3A_80, %concatenate3A : vector<24x128x384xf32>
    %mul3A_82 = arith.mulf %add3A_81, %concatenate3A : vector<24x128x384xf32>
    %reduce_max3A = arith.constant dense<0xFF800000> : vector<128x384xf32>
    %reduce_max3A_83 = vector.multi_reduction <maximumf>, %mul3A_82, %reduce_max3A [0] : vector<24x128x384xf32> to vector<128x384xf32>
    %reduce_sum3A = arith.constant dense<0.000000e+00> : vector<128x384xf32>
    %reduce_sum3A_84 = vector.multi_reduction <add>, %mul3A_82, %reduce_sum3A [0] : vector<24x128x384xf32> to vector<128x384xf32>
    %div3A_85 = arith.constant 2.400000e+01 : f32
    %div3A_86 = vector.broadcast %div3A_85 : f32 to vector<128x384xf32>
    %div3A_87 = arith.divf %reduce_sum3A_84, %div3A_86 : vector<128x384xf32>
    %add3A_88 = arith.addf %reduce_max3A_83, %div3A_87 : vector<128x384xf32>
    %swap3A = arith.constant 0 : index
    %swap3A_89 = arith.constant 0 : index
    %swap3A_90 = arith.constant 0 : index
    %swap3A_91 = vector.load %arg7[%swap3A, %swap3A_89, %swap3A_90] : memref<1x128x384xf32, #tpu.memory_space<vmem>>, vector<1x128x384xf32>
    %swap3A_92 = vector.shape_cast %swap3A_91 : vector<1x128x384xf32> to vector<128x384xf32>
    %swap3A_93 = vector.shape_cast %add3A_88 : vector<128x384xf32> to vector<1x128x384xf32>
    tpu.vector_store %arg7[%swap3A, %swap3A_89, %swap3A_90], %swap3A_93 {strides = array<i32>} : memref<1x128x384xf32, #tpu.memory_space<vmem>>, vector<1x128x384xf32>,
    %reduce_sum3A_94 = arith.constant dense<0.000000e+00> : vector<384xf32>
    %reduce_sum3A_95 = vector.multi_reduction <add>, %add3A_88, %reduce_sum3A_94 [0] : vector<128x384xf32> to vector<384xf32>
    %broadcast_in_dim3A_96 = vector.shape_cast %reduce_sum3A_95 : vector<384xf32> to vector<1x384xf32>
    %swap3A_97 = arith.constant 0 : index
    %swap3A_98 = arith.constant 0 : index
    %swap3A_99 = arith.constant 0 : index
    %swap3A_100 = arith.constant 0 : index
    %swap3A_101 = vector.load %arg8[%swap3A_97, %swap3A_98, %swap3A_99, %swap3A_100] : memref<1x1x1x384xf32, #tpu.memory_space<vmem>>, vector<1x1x1x384xf32>
    %swap3A_102 = vector.shape_cast %swap3A_101 : vector<1x1x1x384xf32> to vector<1x384xf32>
    %swap3A_103 = vector.shape_cast %broadcast_in_dim3A_96 : vector<1x384xf32> to vector<1x1x1x384xf32>
    tpu.vector_store %arg8[%swap3A_97, %swap3A_98, %swap3A_99, %swap3A_100], %swap3A_103 {strides = array<i32>} : memref<1x1x1x384xf32, #tpu.memory_space<vmem>>, vector<1x1x1x384xf32>,
    %mul3A_104 = arith.mulf %add3A_88, %add3A_88 : vector<128x384xf32>
    %reduce_sum3A_105 = arith.constant dense<0.000000e+00> : vector<384xf32>
    %reduce_sum3A_106 = vector.multi_reduction <add>, %mul3A_104, %reduce_sum3A_105 [0] : vector<128x384xf32> to vector<384xf32>
    %broadcast_in_dim3A_107 = vector.shape_cast %reduce_sum3A_106 : vector<384xf32> to vector<1x384xf32>
    %swap3A_108 = arith.constant 0 : index
    %swap3A_109 = arith.constant 0 : index
    %swap3A_110 = arith.constant 0 : index
    %swap3A_111 = arith.constant 0 : index
    %swap3A_112 = vector.load %arg9[%swap3A_108, %swap3A_109, %swap3A_110, %swap3A_111] : memref<1x1x1x384xf32, #tpu.memory_space<vmem>>, vector<1x1x1x384xf32>
    %swap3A_113 = vector.shape_cast %swap3A_112 : vector<1x1x1x384xf32> to vector<1x384xf32>
    %swap3A_114 = vector.shape_cast %broadcast_in_dim3A_107 : vector<1x384xf32> to vector<1x1x1x384xf32>
    tpu.vector_store %arg9[%swap3A_108, %swap3A_109, %swap3A_110, %swap3A_111], %swap3A_114 {strides = array<i32>} : memref<1x1x1x384xf32, #tpu.memory_space<vmem>>, vector<1x1x1x384xf32>,
    return
  }
  func.func @transform_0(%arg0: i32, %arg1: i32) -> (i32, i32, i32, i32) {
    %c0_i32 = arith.constant 0 : i32
    %c0_i32_0 = arith.constant 0 : i32
    %c0_i32_1 = arith.constant 0 : i32
    return %arg0, %c0_i32, %arg1, %c0_i32_0 : i32, i32, i32, i32
  }
  func.func @transform_1(%arg0: i32, %arg1: i32) -> (i32, i32, i32) {
    %c0_i32 = arith.constant 0 : i32
    %c0_i32_0 = arith.constant 0 : i32
    return %arg0, %arg1, %c0_i32 : i32, i32, i32
  }
  func.func @transform_2(%arg0: i32, %arg1: i32) -> (i32, i32, i32, i32) {
    %c0_i32 = arith.constant 0 : i32
    %c0_i32_0 = arith.constant 0 : i32
    %c0_i32_1 = arith.constant 0 : i32
    return %arg0, %c0_i32, %arg1, %c0_i32_0 : i32, i32, i32, i32
  }
  func.func @transform_3(%arg0: i32, %arg1: i32) -> (i32, i32, i32) {
    %c0_i32 = arith.constant 0 : i32
    %c0_i32_0 = arith.constant 0 : i32
    return %arg0, %arg1, %c0_i32 : i32, i32, i32
  }
  func.func @transform_4(%arg0: i32, %arg1: i32) -> (i32, i32) {
    %c0_i32 = arith.constant 0 : i32
    %c0_i32_0 = arith.constant 0 : i32
    %c0_i32_1 = arith.constant 0 : i32
    return %c0_i32, %c0_i32_0 : i32, i32
  }
  func.func @transform_5(%arg0: i32, %arg1: i32) -> (i32, i32, i32) {
    %c0_i32 = arith.constant 0 : i32
    %c0_i32_0 = arith.constant 0 : i32
    return %arg0, %arg1, %c0_i32 : i32, i32, i32
  }
  func.func @transform_6(%arg0: i32, %arg1: i32) -> (i32, i32, i32, i32) {
    %c0_i32 = arith.constant 0 : i32
    %c0_i32_0 = arith.constant 0 : i32
    %c0_i32_1 = arith.constant 0 : i32
    return %arg0, %arg1, %c0_i32, %c0_i32_0 : i32, i32, i32, i32
  }
  func.func @transform_7(%arg0: i32, %arg1: i32) -> (i32, i32, i32, i32) {
    %c0_i32 = arith.constant 0 : i32
    %c0_i32_0 = arith.constant 0 : i32
    %c0_i32_1 = arith.constant 0 : i32
    return %arg0, %arg1, %c0_i32, %c0_i32_0 : i32, i32, i32, i32
  }
}

module attributes {stable_mosaic.version = 14 : i64} {
  func.func @_bn_kernel(%arg0: i32, %arg1: memref<1x512x384xf32, #tpu.memory_space<vmem>>, %arg2: memref<1x384xf32, #tpu.memory_space<vmem>>, %arg3: memref<1x384xf32, #tpu.memory_space<vmem>>, %arg4: memref<1x384xf32, #tpu.memory_space<vmem>>, %arg5: memref<1x384xf32, #tpu.memory_space<vmem>>, %arg6: memref<1x512x384xf32, #tpu.memory_space<vmem>>) attributes {dimension_semantics = [#tpu.dimension_semantics<arbitrary>], iteration_bounds = array<i64: 8>, scalar_prefetch = 0 : i64, scratch_operands = 0 : i64, tpu.core_type = #tpu.core_type<tc>, window_params = [{transform_indices = @transform_0, window_bounds = array<i64: 1, 512, 384>}, {pipeline_mode = #tpu.pipeline_mode<synchronous>, transform_indices = @transform_1, window_bounds = array<i64: 1, 384>}, {pipeline_mode = #tpu.pipeline_mode<synchronous>, transform_indices = @transform_2, window_bounds = array<i64: 1, 384>}, {pipeline_mode = #tpu.pipeline_mode<synchronous>, transform_indices = @transform_3, window_bounds = array<i64: 1, 384>}, {pipeline_mode = #tpu.pipeline_mode<synchronous>, transform_indices = @transform_4, window_bounds = array<i64: 1, 384>}, {transform_indices = @transform_5, window_bounds = array<i64: 1, 512, 384>}]} {
    %get3A = arith.constant 0 : index
    %get3A_0 = arith.constant 0 : index
    %get3A_1 = arith.constant 0 : index
    %get3A_2 = vector.load %arg1[%get3A, %get3A_0, %get3A_1] : memref<1x512x384xf32, #tpu.memory_space<vmem>>, vector<1x512x384xf32>
    %get3A_3 = vector.shape_cast %get3A_2 : vector<1x512x384xf32> to vector<512x384xf32>
    %get3A_4 = arith.constant 0 : index
    %get3A_5 = arith.constant 0 : index
    %get3A_6 = vector.load %arg2[%get3A_4, %get3A_5] : memref<1x384xf32, #tpu.memory_space<vmem>>, vector<1x384xf32>
    %get3A_7 = vector.shape_cast %get3A_6 : vector<1x384xf32> to vector<384xf32>
    %broadcast_in_dim3A = vector.shape_cast %get3A_7 : vector<384xf32> to vector<1x384xf32>
    %sub3A = vector.broadcast %broadcast_in_dim3A : vector<1x384xf32> to vector<512x384xf32>
    %sub3A_8 = arith.subf %get3A_3, %sub3A : vector<512x384xf32>
    %get3A_9 = arith.constant 0 : index
    %get3A_10 = arith.constant 0 : index
    %get3A_11 = vector.load %arg3[%get3A_9, %get3A_10] : memref<1x384xf32, #tpu.memory_space<vmem>>, vector<1x384xf32>
    %get3A_12 = vector.shape_cast %get3A_11 : vector<1x384xf32> to vector<384xf32>
    %broadcast_in_dim3A_13 = vector.shape_cast %get3A_12 : vector<384xf32> to vector<1x384xf32>
    %div3A = vector.broadcast %broadcast_in_dim3A_13 : vector<1x384xf32> to vector<512x384xf32>
    %div3A_14 = arith.divf %sub3A_8, %div3A : vector<512x384xf32>
    %get3A_15 = arith.constant 0 : index
    %get3A_16 = arith.constant 0 : index
    %get3A_17 = vector.load %arg4[%get3A_15, %get3A_16] : memref<1x384xf32, #tpu.memory_space<vmem>>, vector<1x384xf32>
    %get3A_18 = vector.shape_cast %get3A_17 : vector<1x384xf32> to vector<384xf32>
    %broadcast_in_dim3A_19 = vector.shape_cast %get3A_18 : vector<384xf32> to vector<1x384xf32>
    %mul3A = vector.broadcast %broadcast_in_dim3A_19 : vector<1x384xf32> to vector<512x384xf32>
    %mul3A_20 = arith.mulf %div3A_14, %mul3A : vector<512x384xf32>
    %get3A_21 = arith.constant 0 : index
    %get3A_22 = arith.constant 0 : index
    %get3A_23 = vector.load %arg5[%get3A_21, %get3A_22] : memref<1x384xf32, #tpu.memory_space<vmem>>, vector<1x384xf32>
    %get3A_24 = vector.shape_cast %get3A_23 : vector<1x384xf32> to vector<384xf32>
    %broadcast_in_dim3A_25 = vector.shape_cast %get3A_24 : vector<384xf32> to vector<1x384xf32>
    %add3A = vector.broadcast %broadcast_in_dim3A_25 : vector<1x384xf32> to vector<512x384xf32>
    %add3A_26 = arith.addf %mul3A_20, %add3A : vector<512x384xf32>
    %mul3A_27 = arith.constant 5.000000e-01 : f32
    %mul3A_28 = vector.broadcast %mul3A_27 : f32 to vector<512x384xf32>
    %mul3A_29 = arith.mulf %mul3A_28, %add3A_26 : vector<512x384xf32>
    %mul3A_30 = arith.constant 0.707106769 : f32
    %mul3A_31 = vector.broadcast %mul3A_30 : f32 to vector<512x384xf32>
    %mul3A_32 = arith.mulf %add3A_26, %mul3A_31 : vector<512x384xf32>
    %erf3A = math.erf %mul3A_32 : vector<512x384xf32>
    %add3A_33 = arith.constant 1.000000e+00 : f32
    %add3A_34 = vector.broadcast %add3A_33 : f32 to vector<512x384xf32>
    %add3A_35 = arith.addf %add3A_34, %erf3A : vector<512x384xf32>
    %mul3A_36 = arith.mulf %mul3A_29, %add3A_35 : vector<512x384xf32>
    %swap3A = arith.constant 0 : index
    %swap3A_37 = arith.constant 0 : index
    %swap3A_38 = arith.constant 0 : index
    %swap3A_39 = vector.load %arg6[%swap3A, %swap3A_37, %swap3A_38] : memref<1x512x384xf32, #tpu.memory_space<vmem>>, vector<1x512x384xf32>
    %swap3A_40 = vector.shape_cast %swap3A_39 : vector<1x512x384xf32> to vector<512x384xf32>
    %swap3A_41 = vector.shape_cast %mul3A_36 : vector<512x384xf32> to vector<1x512x384xf32>
    tpu.vector_store %arg6[%swap3A, %swap3A_37, %swap3A_38], %swap3A_41 {strides = array<i32>} : memref<1x512x384xf32, #tpu.memory_space<vmem>>, vector<1x512x384xf32>,
    return
  }
  func.func @transform_0(%arg0: i32) -> (i32, i32, i32) {
    %c0_i32 = arith.constant 0 : i32
    %c0_i32_0 = arith.constant 0 : i32
    %c0_i32_1 = arith.constant 0 : i32
    return %arg0, %c0_i32, %c0_i32_0 : i32, i32, i32
  }
  func.func @transform_1(%arg0: i32) -> (i32, i32) {
    %c0_i32 = arith.constant 0 : i32
    %c0_i32_0 = arith.constant 0 : i32
    %c0_i32_1 = arith.constant 0 : i32
    return %c0_i32, %c0_i32_0 : i32, i32
  }
  func.func @transform_2(%arg0: i32) -> (i32, i32) {
    %c0_i32 = arith.constant 0 : i32
    %c0_i32_0 = arith.constant 0 : i32
    %c0_i32_1 = arith.constant 0 : i32
    return %c0_i32, %c0_i32_0 : i32, i32
  }
  func.func @transform_3(%arg0: i32) -> (i32, i32) {
    %c0_i32 = arith.constant 0 : i32
    %c0_i32_0 = arith.constant 0 : i32
    %c0_i32_1 = arith.constant 0 : i32
    return %c0_i32, %c0_i32_0 : i32, i32
  }
  func.func @transform_4(%arg0: i32) -> (i32, i32) {
    %c0_i32 = arith.constant 0 : i32
    %c0_i32_0 = arith.constant 0 : i32
    %c0_i32_1 = arith.constant 0 : i32
    return %c0_i32, %c0_i32_0 : i32, i32
  }
  func.func @transform_5(%arg0: i32) -> (i32, i32, i32) {
    %c0_i32 = arith.constant 0 : i32
    %c0_i32_0 = arith.constant 0 : i32
    %c0_i32_1 = arith.constant 0 : i32
    return %arg0, %c0_i32, %c0_i32_0 : i32, i32, i32
  }
}

module attributes {stable_mosaic.version = 14 : i64} {
  func.func @_stats_kernel(%arg0: i32, %arg1: i32, %arg2: memref<1x24x128x3xf32, #tpu.memory_space<vmem>>, %arg3: memref<1x128x3xf32, #tpu.memory_space<vmem>>, %arg4: memref<1x24x128x384xf32, #tpu.memory_space<vmem>>, %arg5: memref<1x128x384xf32, #tpu.memory_space<vmem>>, %arg6: memref<1x1x3xf32, #tpu.memory_space<vmem>>, %arg7: memref<1x1x3xf32, #tpu.memory_space<vmem>>, %arg8: memref<1x1x384xf32, #tpu.memory_space<vmem>>, %arg9: memref<1x1x384xf32, #tpu.memory_space<vmem>>) attributes {dimension_semantics = [#tpu.dimension_semantics<arbitrary>, #tpu.dimension_semantics<arbitrary>], iteration_bounds = array<i64: 8, 2>, scalar_prefetch = 0 : i64, scratch_operands = 0 : i64, tpu.core_type = #tpu.core_type<tc>, window_params = [{transform_indices = @transform_0, window_bounds = array<i64: 1, 24, 128, 3>}, {transform_indices = @transform_1, window_bounds = array<i64: 1, 128, 3>}, {transform_indices = @transform_2, window_bounds = array<i64: 1, 24, 128, 384>}, {transform_indices = @transform_3, window_bounds = array<i64: 1, 128, 384>}, {transform_indices = @transform_4, window_bounds = array<i64: 1, 1, 3>}, {transform_indices = @transform_5, window_bounds = array<i64: 1, 1, 3>}, {transform_indices = @transform_6, window_bounds = array<i64: 1, 1, 384>}, {transform_indices = @transform_7, window_bounds = array<i64: 1, 1, 384>}]} {
    %get3A = arith.constant 0 : index
    %get3A_0 = arith.constant 0 : index
    %get3A_1 = arith.constant 0 : index
    %get3A_2 = arith.constant 0 : index
    %get3A_3 = vector.load %arg2[%get3A, %get3A_0, %get3A_1, %get3A_2] : memref<1x24x128x3xf32, #tpu.memory_space<vmem>>, vector<1x24x128x3xf32>
    %get3A_4 = vector.shape_cast %get3A_3 : vector<1x24x128x3xf32> to vector<24x128x3xf32>
    %get3A_5 = arith.constant 0 : index
    %get3A_6 = arith.constant 0 : index
    %get3A_7 = arith.constant 0 : index
    %get3A_8 = vector.load %arg3[%get3A_5, %get3A_6, %get3A_7] : memref<1x128x3xf32, #tpu.memory_space<vmem>>, vector<1x128x3xf32>
    %get3A_9 = vector.shape_cast %get3A_8 : vector<1x128x3xf32> to vector<128x3xf32>
    %broadcast_in_dim3A = vector.shape_cast %get3A_9 : vector<128x3xf32> to vector<1x128x3xf32>
    %sub3A = vector.broadcast %broadcast_in_dim3A : vector<1x128x3xf32> to vector<24x128x3xf32>
    %sub3A_10 = arith.subf %get3A_4, %sub3A : vector<24x128x3xf32>
    %get3A_11 = arith.constant 0 : index
    %get3A_12 = arith.constant 0 : index
    %get3A_13 = arith.constant 0 : index
    %get3A_14 = arith.constant 0 : index
    %get3A_15 = vector.load %arg4[%get3A_11, %get3A_12, %get3A_13, %get3A_14] : memref<1x24x128x384xf32, #tpu.memory_space<vmem>>, vector<1x24x128x384xf32>
    %get3A_16 = vector.shape_cast %get3A_15 : vector<1x24x128x384xf32> to vector<24x128x384xf32>
    %get3A_17 = arith.constant 0 : index
    %get3A_18 = arith.constant 0 : index
    %get3A_19 = arith.constant 0 : index
    %get3A_20 = vector.load %arg5[%get3A_17, %get3A_18, %get3A_19] : memref<1x128x384xf32, #tpu.memory_space<vmem>>, vector<1x128x384xf32>
    %get3A_21 = vector.shape_cast %get3A_20 : vector<1x128x384xf32> to vector<128x384xf32>
    %broadcast_in_dim3A_22 = vector.shape_cast %get3A_21 : vector<128x384xf32> to vector<1x128x384xf32>
    %sub3A_23 = vector.broadcast %broadcast_in_dim3A_22 : vector<1x128x384xf32> to vector<24x128x384xf32>
    %sub3A_24 = arith.subf %get3A_16, %sub3A_23 : vector<24x128x384xf32>
    %reduce_sum3A = arith.constant dense<0.000000e+00> : vector<3xf32>
    %reduce_sum3A_25 = vector.multi_reduction <add>, %sub3A_10, %reduce_sum3A [0, 1] : vector<24x128x3xf32> to vector<3xf32>
    %broadcast_in_dim3A_26 = vector.shape_cast %reduce_sum3A_25 : vector<3xf32> to vector<1x3xf32>
    %swap3A = arith.constant 0 : index
    %swap3A_27 = arith.constant 0 : index
    %swap3A_28 = arith.constant 0 : index
    %swap3A_29 = vector.load %arg6[%swap3A, %swap3A_27, %swap3A_28] : memref<1x1x3xf32, #tpu.memory_space<vmem>>, vector<1x1x3xf32>
    %swap3A_30 = vector.shape_cast %swap3A_29 : vector<1x1x3xf32> to vector<1x3xf32>
    %swap3A_31 = vector.shape_cast %broadcast_in_dim3A_26 : vector<1x3xf32> to vector<1x1x3xf32>
    tpu.vector_store %arg6[%swap3A, %swap3A_27, %swap3A_28], %swap3A_31 {strides = array<i32>} : memref<1x1x3xf32, #tpu.memory_space<vmem>>, vector<1x1x3xf32>,
    %mul3A = arith.mulf %sub3A_10, %sub3A_10 : vector<24x128x3xf32>
    %reduce_sum3A_32 = arith.constant dense<0.000000e+00> : vector<3xf32>
    %reduce_sum3A_33 = vector.multi_reduction <add>, %mul3A, %reduce_sum3A_32 [0, 1] : vector<24x128x3xf32> to vector<3xf32>
    %broadcast_in_dim3A_34 = vector.shape_cast %reduce_sum3A_33 : vector<3xf32> to vector<1x3xf32>
    %swap3A_35 = arith.constant 0 : index
    %swap3A_36 = arith.constant 0 : index
    %swap3A_37 = arith.constant 0 : index
    %swap3A_38 = vector.load %arg7[%swap3A_35, %swap3A_36, %swap3A_37] : memref<1x1x3xf32, #tpu.memory_space<vmem>>, vector<1x1x3xf32>
    %swap3A_39 = vector.shape_cast %swap3A_38 : vector<1x1x3xf32> to vector<1x3xf32>
    %swap3A_40 = vector.shape_cast %broadcast_in_dim3A_34 : vector<1x3xf32> to vector<1x1x3xf32>
    tpu.vector_store %arg7[%swap3A_35, %swap3A_36, %swap3A_37], %swap3A_40 {strides = array<i32>} : memref<1x1x3xf32, #tpu.memory_space<vmem>>, vector<1x1x3xf32>,
    %reduce_sum3A_41 = arith.constant dense<0.000000e+00> : vector<384xf32>
    %reduce_sum3A_42 = vector.multi_reduction <add>, %sub3A_24, %reduce_sum3A_41 [0, 1] : vector<24x128x384xf32> to vector<384xf32>
    %broadcast_in_dim3A_43 = vector.shape_cast %reduce_sum3A_42 : vector<384xf32> to vector<1x384xf32>
    %swap3A_44 = arith.constant 0 : index
    %swap3A_45 = arith.constant 0 : index
    %swap3A_46 = arith.constant 0 : index
    %swap3A_47 = vector.load %arg8[%swap3A_44, %swap3A_45, %swap3A_46] : memref<1x1x384xf32, #tpu.memory_space<vmem>>, vector<1x1x384xf32>
    %swap3A_48 = vector.shape_cast %swap3A_47 : vector<1x1x384xf32> to vector<1x384xf32>
    %swap3A_49 = vector.shape_cast %broadcast_in_dim3A_43 : vector<1x384xf32> to vector<1x1x384xf32>
    tpu.vector_store %arg8[%swap3A_44, %swap3A_45, %swap3A_46], %swap3A_49 {strides = array<i32>} : memref<1x1x384xf32, #tpu.memory_space<vmem>>, vector<1x1x384xf32>,
    %mul3A_50 = arith.mulf %sub3A_24, %sub3A_24 : vector<24x128x384xf32>
    %reduce_sum3A_51 = arith.constant dense<0.000000e+00> : vector<384xf32>
    %reduce_sum3A_52 = vector.multi_reduction <add>, %mul3A_50, %reduce_sum3A_51 [0, 1] : vector<24x128x384xf32> to vector<384xf32>
    %broadcast_in_dim3A_53 = vector.shape_cast %reduce_sum3A_52 : vector<384xf32> to vector<1x384xf32>
    %swap3A_54 = arith.constant 0 : index
    %swap3A_55 = arith.constant 0 : index
    %swap3A_56 = arith.constant 0 : index
    %swap3A_57 = vector.load %arg9[%swap3A_54, %swap3A_55, %swap3A_56] : memref<1x1x384xf32, #tpu.memory_space<vmem>>, vector<1x1x384xf32>
    %swap3A_58 = vector.shape_cast %swap3A_57 : vector<1x1x384xf32> to vector<1x384xf32>
    %swap3A_59 = vector.shape_cast %broadcast_in_dim3A_53 : vector<1x384xf32> to vector<1x1x384xf32>
    tpu.vector_store %arg9[%swap3A_54, %swap3A_55, %swap3A_56], %swap3A_59 {strides = array<i32>} : memref<1x1x384xf32, #tpu.memory_space<vmem>>, vector<1x1x384xf32>,
    return
  }
  func.func @transform_0(%arg0: i32, %arg1: i32) -> (i32, i32, i32, i32) {
    %c0_i32 = arith.constant 0 : i32
    %c0_i32_0 = arith.constant 0 : i32
    %c0_i32_1 = arith.constant 0 : i32
    return %arg0, %c0_i32, %arg1, %c0_i32_0 : i32, i32, i32, i32
  }
  func.func @transform_1(%arg0: i32, %arg1: i32) -> (i32, i32, i32) {
    %c0_i32 = arith.constant 0 : i32
    %c0_i32_0 = arith.constant 0 : i32
    return %arg0, %arg1, %c0_i32 : i32, i32, i32
  }
  func.func @transform_2(%arg0: i32, %arg1: i32) -> (i32, i32, i32, i32) {
    %c0_i32 = arith.constant 0 : i32
    %c0_i32_0 = arith.constant 0 : i32
    %c0_i32_1 = arith.constant 0 : i32
    return %arg0, %c0_i32, %arg1, %c0_i32_0 : i32, i32, i32, i32
  }
  func.func @transform_3(%arg0: i32, %arg1: i32) -> (i32, i32, i32) {
    %c0_i32 = arith.constant 0 : i32
    %c0_i32_0 = arith.constant 0 : i32
    return %arg0, %arg1, %c0_i32 : i32, i32, i32
  }
  func.func @transform_4(%arg0: i32, %arg1: i32) -> (i32, i32, i32) {
    %mul3A = arith.constant 2 : i32
    %mul3A_0 = arith.muli %arg0, %mul3A : i32
    %add3A = arith.addi %mul3A_0, %arg1 : i32
    %c0_i32 = arith.constant 0 : i32
    %c0_i32_1 = arith.constant 0 : i32
    %c0_i32_2 = arith.constant 0 : i32
    return %add3A, %c0_i32, %c0_i32_1 : i32, i32, i32
  }
  func.func @transform_5(%arg0: i32, %arg1: i32) -> (i32, i32, i32) {
    %mul3A = arith.constant 2 : i32
    %mul3A_0 = arith.muli %arg0, %mul3A : i32
    %add3A = arith.addi %mul3A_0, %arg1 : i32
    %c0_i32 = arith.constant 0 : i32
    %c0_i32_1 = arith.constant 0 : i32
    %c0_i32_2 = arith.constant 0 : i32
    return %add3A, %c0_i32, %c0_i32_1 : i32, i32, i32
  }
  func.func @transform_6(%arg0: i32, %arg1: i32) -> (i32, i32, i32) {
    %mul3A = arith.constant 2 : i32
    %mul3A_0 = arith.muli %arg0, %mul3A : i32
    %add3A = arith.addi %mul3A_0, %arg1 : i32
    %c0_i32 = arith.constant 0 : i32
    %c0_i32_1 = arith.constant 0 : i32
    %c0_i32_2 = arith.constant 0 : i32
    return %add3A, %c0_i32, %c0_i32_1 : i32, i32, i32
  }
  func.func @transform_7(%arg0: i32, %arg1: i32) -> (i32, i32, i32) {
    %mul3A = arith.constant 2 : i32
    %mul3A_0 = arith.muli %arg0, %mul3A : i32
    %add3A = arith.addi %mul3A_0, %arg1 : i32
    %c0_i32 = arith.constant 0 : i32
    %c0_i32_1 = arith.constant 0 : i32
    %c0_i32_2 = arith.constant 0 : i32
    return %add3A, %c0_i32, %c0_i32_1 : i32, i32, i32
  }
}

module attributes {stable_mosaic.version = 14 : i64} {
  func.func @_agg_kernel(%arg0: i32, %arg1: i32, %arg2: memref<1x24x64x3xf32, #tpu.memory_space<vmem>>, %arg3: memref<1x64x3xf32, #tpu.memory_space<vmem>>, %arg4: memref<1x24x64x384xf32, #tpu.memory_space<vmem>>, %arg5: memref<1x64x384xf32, #tpu.memory_space<vmem>>, %arg6: memref<1x2xf32, #tpu.memory_space<vmem>>, %arg7: memref<1x64x768xf32, #tpu.memory_space<vmem>>, %arg8: memref<1x1x1x768xf32, #tpu.memory_space<vmem>>, %arg9: memref<1x1x1x768xf32, #tpu.memory_space<vmem>>) attributes {dimension_semantics = [#tpu.dimension_semantics<arbitrary>, #tpu.dimension_semantics<arbitrary>], iteration_bounds = array<i64: 8, 4>, scalar_prefetch = 0 : i64, scratch_operands = 0 : i64, tpu.core_type = #tpu.core_type<tc>, window_params = [{transform_indices = @transform_0, window_bounds = array<i64: 1, 24, 64, 3>}, {transform_indices = @transform_1, window_bounds = array<i64: 1, 64, 3>}, {transform_indices = @transform_2, window_bounds = array<i64: 1, 24, 64, 384>}, {transform_indices = @transform_3, window_bounds = array<i64: 1, 64, 384>}, {pipeline_mode = #tpu.pipeline_mode<synchronous>, transform_indices = @transform_4, window_bounds = array<i64: 1, 2>}, {transform_indices = @transform_5, window_bounds = array<i64: 1, 64, 768>}, {transform_indices = @transform_6, window_bounds = array<i64: 1, 1, 1, 768>}, {transform_indices = @transform_7, window_bounds = array<i64: 1, 1, 1, 768>}]} {
    %iota3A = tpu.iota {dimensions = array<i32: 2>} : vector<1x1x256xi32>
    %convert_element_type3A = arith.sitofp %iota3A : vector<1x1x256xi32> to vector<1x1x256xf32>
    %mul3A = arith.constant 7.812500e-03 : f32
    %mul3A_0 = vector.broadcast %mul3A : f32 to vector<1x1x256xf32>
    %mul3A_1 = arith.mulf %convert_element_type3A, %mul3A_0 : vector<1x1x256xf32>
    %add3A = arith.constant -1.000000e+00 : f32
    %add3A_2 = vector.broadcast %add3A : f32 to vector<1x1x256xf32>
    %add3A_3 = arith.addf %add3A_2, %mul3A_1 : vector<1x1x256xf32>
    %get3A = arith.constant 0 : index
    %get3A_4 = arith.constant 0 : index
    %get3A_5 = vector.load %arg6[%get3A, %get3A_4] : memref<1x2xf32, #tpu.memory_space<vmem>>, vector<1x1xf32>
    %get3A_6 = vector.extract %get3A_5[0, 0] : f32 from vector<1x1xf32>
    %get3A_7 = arith.constant 0 : index
    %get3A_8 = arith.constant 1 : index
    %get3A_9 = vector.load %arg6[%get3A_7, %get3A_8] : memref<1x2xf32, #tpu.memory_space<vmem>>, vector<1x1xf32>
    %get3A_10 = vector.extract %get3A_9[0, 0] : f32 from vector<1x1xf32>
    %get3A_11 = arith.constant 0 : index
    %get3A_12 = arith.constant 0 : index
    %get3A_13 = arith.constant 0 : index
    %get3A_14 = arith.constant 0 : index
    %get3A_15 = vector.load %arg2[%get3A_11, %get3A_12, %get3A_13, %get3A_14] : memref<1x24x64x3xf32, #tpu.memory_space<vmem>>, vector<1x24x64x3xf32>
    %get3A_16 = vector.shape_cast %get3A_15 : vector<1x24x64x3xf32> to vector<24x64x3xf32>
    %get3A_17 = arith.constant 0 : index
    %get3A_18 = arith.constant 0 : index
    %get3A_19 = arith.constant 0 : index
    %get3A_20 = vector.load %arg3[%get3A_17, %get3A_18, %get3A_19] : memref<1x64x3xf32, #tpu.memory_space<vmem>>, vector<1x64x3xf32>
    %get3A_21 = vector.shape_cast %get3A_20 : vector<1x64x3xf32> to vector<64x3xf32>
    %broadcast_in_dim3A = vector.shape_cast %get3A_21 : vector<64x3xf32> to vector<1x64x3xf32>
    %sub3A = vector.broadcast %broadcast_in_dim3A : vector<1x64x3xf32> to vector<24x64x3xf32>
    %sub3A_22 = arith.subf %get3A_16, %sub3A : vector<24x64x3xf32>
    %add3A_23 = arith.constant 9.99999974E-6 : f32
    %add3A_24 = arith.addf %get3A_6, %add3A_23 : f32
    %div3A = vector.broadcast %add3A_24 : f32 to vector<24x64x3xf32>
    %div3A_25 = arith.divf %sub3A_22, %div3A : vector<24x64x3xf32>
    %slice3A = vector.extract_strided_slice %div3A_25 {offsets = [0, 0, 0], sizes = [24, 64, 1], strides = [1, 1, 1]} : vector<24x64x3xf32> to vector<24x64x1xf32>
    %sub3A_26 = vector.broadcast %slice3A : vector<24x64x1xf32> to vector<24x64x256xf32>
    %sub3A_27 = vector.broadcast %add3A_3 : vector<1x1x256xf32> to vector<24x64x256xf32>
    %sub3A_28 = arith.subf %sub3A_26, %sub3A_27 : vector<24x64x256xf32>
    %integer_pow3A = arith.mulf %sub3A_28, %sub3A_28 : vector<24x64x256xf32>
    %mul3A_29 = arith.constant -5.000000e-01 : f32
    %mul3A_30 = vector.broadcast %mul3A_29 : f32 to vector<24x64x256xf32>
    %mul3A_31 = arith.mulf %mul3A_30, %integer_pow3A : vector<24x64x256xf32>
    %div3A_32 = arith.constant 9.000000e-02 : f32
    %div3A_33 = vector.broadcast %div3A_32 : f32 to vector<24x64x256xf32>
    %div3A_34 = arith.divf %mul3A_31, %div3A_33 : vector<24x64x256xf32>
    %exp3A = math.exp %div3A_34 : vector<24x64x256xf32>
    %slice3A_35 = vector.extract_strided_slice %div3A_25 {offsets = [0, 0, 1], sizes = [24, 64, 1], strides = [1, 1, 1]} : vector<24x64x3xf32> to vector<24x64x1xf32>
    %sub3A_36 = vector.broadcast %slice3A_35 : vector<24x64x1xf32> to vector<24x64x256xf32>
    %sub3A_37 = vector.broadcast %add3A_3 : vector<1x1x256xf32> to vector<24x64x256xf32>
    %sub3A_38 = arith.subf %sub3A_36, %sub3A_37 : vector<24x64x256xf32>
    %integer_pow3A_39 = arith.mulf %sub3A_38, %sub3A_38 : vector<24x64x256xf32>
    %mul3A_40 = arith.constant -5.000000e-01 : f32
    %mul3A_41 = vector.broadcast %mul3A_40 : f32 to vector<24x64x256xf32>
    %mul3A_42 = arith.mulf %mul3A_41, %integer_pow3A_39 : vector<24x64x256xf32>
    %div3A_43 = arith.constant 9.000000e-02 : f32
    %div3A_44 = vector.broadcast %div3A_43 : f32 to vector<24x64x256xf32>
    %div3A_45 = arith.divf %mul3A_42, %div3A_44 : vector<24x64x256xf32>
    %exp3A_46 = math.exp %div3A_45 : vector<24x64x256xf32>
    %slice3A_47 = vector.extract_strided_slice %div3A_25 {offsets = [0, 0, 2], sizes = [24, 64, 1], strides = [1, 1, 1]} : vector<24x64x3xf32> to vector<24x64x1xf32>
    %sub3A_48 = vector.broadcast %slice3A_47 : vector<24x64x1xf32> to vector<24x64x256xf32>
    %sub3A_49 = vector.broadcast %add3A_3 : vector<1x1x256xf32> to vector<24x64x256xf32>
    %sub3A_50 = arith.subf %sub3A_48, %sub3A_49 : vector<24x64x256xf32>
    %integer_pow3A_51 = arith.mulf %sub3A_50, %sub3A_50 : vector<24x64x256xf32>
    %mul3A_52 = arith.constant -5.000000e-01 : f32
    %mul3A_53 = vector.broadcast %mul3A_52 : f32 to vector<24x64x256xf32>
    %mul3A_54 = arith.mulf %mul3A_53, %integer_pow3A_51 : vector<24x64x256xf32>
    %div3A_55 = arith.constant 9.000000e-02 : f32
    %div3A_56 = vector.broadcast %div3A_55 : f32 to vector<24x64x256xf32>
    %div3A_57 = arith.divf %mul3A_54, %div3A_56 : vector<24x64x256xf32>
    %exp3A_58 = math.exp %div3A_57 : vector<24x64x256xf32>
    %concatenate3A = tpu.concatenate %exp3A, %exp3A_46, %exp3A_58 in 2 : vector<24x64x256xf32>, vector<24x64x256xf32>, vector<24x64x256xf32> -> vector<24x64x768xf32>
    %get3A_59 = arith.constant 0 : index
    %get3A_60 = arith.constant 0 : index
    %get3A_61 = arith.constant 0 : index
    %get3A_62 = vector.load %arg5[%get3A_59, %get3A_60, %get3A_61] : memref<1x64x384xf32, #tpu.memory_space<vmem>>, vector<1x64x384xf32>
    %get3A_63 = vector.shape_cast %get3A_62 : vector<1x64x384xf32> to vector<64x384xf32>
    %get3A_64 = arith.constant 0 : index
    %get3A_65 = arith.constant 0 : index
    %get3A_66 = arith.constant 0 : index
    %get3A_67 = arith.constant 0 : index
    %get3A_68 = vector.load %arg4[%get3A_64, %get3A_65, %get3A_66, %get3A_67] : memref<1x24x64x384xf32, #tpu.memory_space<vmem>>, vector<1x24x64x384xf32>
    %get3A_69 = vector.shape_cast %get3A_68 : vector<1x24x64x384xf32> to vector<24x64x384xf32>
    %broadcast_in_dim3A_70 = vector.shape_cast %get3A_63 : vector<64x384xf32> to vector<1x64x384xf32>
    %sub3A_71 = vector.broadcast %broadcast_in_dim3A_70 : vector<1x64x384xf32> to vector<24x64x384xf32>
    %sub3A_72 = arith.subf %get3A_69, %sub3A_71 : vector<24x64x384xf32>
    %add3A_73 = arith.constant 9.99999974E-6 : f32
    %add3A_74 = arith.addf %get3A_10, %add3A_73 : f32
    %div3A_75 = vector.broadcast %add3A_74 : f32 to vector<24x64x384xf32>
    %div3A_76 = arith.divf %sub3A_72, %div3A_75 : vector<24x64x384xf32>
    %broadcast_in_dim3A_77 = vector.shape_cast %get3A_63 : vector<64x384xf32> to vector<1x64x384xf32>
    %broadcast_in_dim3A_78 = vector.shape_cast %broadcast_in_dim3A_77 : vector<1x64x384xf32> to vector<1x64x384xf32>
    %broadcast_in_dim3A_79 = vector.broadcast %broadcast_in_dim3A_78 : vector<1x64x384xf32> to vector<24x64x384xf32>
    %concatenate3A_80 = tpu.concatenate %div3A_76, %broadcast_in_dim3A_79 in 2 : vector<24x64x384xf32>, vector<24x64x384xf32> -> vector<24x64x768xf32>
    %add3A_81 = arith.addf %concatenate3A_80, %concatenate3A : vector<24x64x768xf32>
    %mul3A_82 = arith.mulf %add3A_81, %concatenate3A : vector<24x64x768xf32>
    %reduce_max3A = arith.constant dense<0xFF800000> : vector<64x768xf32>
    %reduce_max3A_83 = vector.multi_reduction <maximumf>, %mul3A_82, %reduce_max3A [0] : vector<24x64x768xf32> to vector<64x768xf32>
    %reduce_sum3A = arith.constant dense<0.000000e+00> : vector<64x768xf32>
    %reduce_sum3A_84 = vector.multi_reduction <add>, %mul3A_82, %reduce_sum3A [0] : vector<24x64x768xf32> to vector<64x768xf32>
    %div3A_85 = arith.constant 2.400000e+01 : f32
    %div3A_86 = vector.broadcast %div3A_85 : f32 to vector<64x768xf32>
    %div3A_87 = arith.divf %reduce_sum3A_84, %div3A_86 : vector<64x768xf32>
    %add3A_88 = arith.addf %reduce_max3A_83, %div3A_87 : vector<64x768xf32>
    %swap3A = arith.constant 0 : index
    %swap3A_89 = arith.constant 0 : index
    %swap3A_90 = arith.constant 0 : index
    %swap3A_91 = vector.load %arg7[%swap3A, %swap3A_89, %swap3A_90] : memref<1x64x768xf32, #tpu.memory_space<vmem>>, vector<1x64x768xf32>
    %swap3A_92 = vector.shape_cast %swap3A_91 : vector<1x64x768xf32> to vector<64x768xf32>
    %swap3A_93 = vector.shape_cast %add3A_88 : vector<64x768xf32> to vector<1x64x768xf32>
    tpu.vector_store %arg7[%swap3A, %swap3A_89, %swap3A_90], %swap3A_93 {strides = array<i32>} : memref<1x64x768xf32, #tpu.memory_space<vmem>>, vector<1x64x768xf32>,
    %reduce_sum3A_94 = arith.constant dense<0.000000e+00> : vector<768xf32>
    %reduce_sum3A_95 = vector.multi_reduction <add>, %add3A_88, %reduce_sum3A_94 [0] : vector<64x768xf32> to vector<768xf32>
    %broadcast_in_dim3A_96 = vector.shape_cast %reduce_sum3A_95 : vector<768xf32> to vector<1x768xf32>
    %swap3A_97 = arith.constant 0 : index
    %swap3A_98 = arith.constant 0 : index
    %swap3A_99 = arith.constant 0 : index
    %swap3A_100 = arith.constant 0 : index
    %swap3A_101 = vector.load %arg8[%swap3A_97, %swap3A_98, %swap3A_99, %swap3A_100] : memref<1x1x1x768xf32, #tpu.memory_space<vmem>>, vector<1x1x1x768xf32>
    %swap3A_102 = vector.shape_cast %swap3A_101 : vector<1x1x1x768xf32> to vector<1x768xf32>
    %swap3A_103 = vector.shape_cast %broadcast_in_dim3A_96 : vector<1x768xf32> to vector<1x1x1x768xf32>
    tpu.vector_store %arg8[%swap3A_97, %swap3A_98, %swap3A_99, %swap3A_100], %swap3A_103 {strides = array<i32>} : memref<1x1x1x768xf32, #tpu.memory_space<vmem>>, vector<1x1x1x768xf32>,
    %mul3A_104 = arith.mulf %add3A_88, %add3A_88 : vector<64x768xf32>
    %reduce_sum3A_105 = arith.constant dense<0.000000e+00> : vector<768xf32>
    %reduce_sum3A_106 = vector.multi_reduction <add>, %mul3A_104, %reduce_sum3A_105 [0] : vector<64x768xf32> to vector<768xf32>
    %broadcast_in_dim3A_107 = vector.shape_cast %reduce_sum3A_106 : vector<768xf32> to vector<1x768xf32>
    %swap3A_108 = arith.constant 0 : index
    %swap3A_109 = arith.constant 0 : index
    %swap3A_110 = arith.constant 0 : index
    %swap3A_111 = arith.constant 0 : index
    %swap3A_112 = vector.load %arg9[%swap3A_108, %swap3A_109, %swap3A_110, %swap3A_111] : memref<1x1x1x768xf32, #tpu.memory_space<vmem>>, vector<1x1x1x768xf32>
    %swap3A_113 = vector.shape_cast %swap3A_112 : vector<1x1x1x768xf32> to vector<1x768xf32>
    %swap3A_114 = vector.shape_cast %broadcast_in_dim3A_107 : vector<1x768xf32> to vector<1x1x1x768xf32>
    tpu.vector_store %arg9[%swap3A_108, %swap3A_109, %swap3A_110, %swap3A_111], %swap3A_114 {strides = array<i32>} : memref<1x1x1x768xf32, #tpu.memory_space<vmem>>, vector<1x1x1x768xf32>,
    return
  }
  func.func @transform_0(%arg0: i32, %arg1: i32) -> (i32, i32, i32, i32) {
    %c0_i32 = arith.constant 0 : i32
    %c0_i32_0 = arith.constant 0 : i32
    %c0_i32_1 = arith.constant 0 : i32
    return %arg0, %c0_i32, %arg1, %c0_i32_0 : i32, i32, i32, i32
  }
  func.func @transform_1(%arg0: i32, %arg1: i32) -> (i32, i32, i32) {
    %c0_i32 = arith.constant 0 : i32
    %c0_i32_0 = arith.constant 0 : i32
    return %arg0, %arg1, %c0_i32 : i32, i32, i32
  }
  func.func @transform_2(%arg0: i32, %arg1: i32) -> (i32, i32, i32, i32) {
    %c0_i32 = arith.constant 0 : i32
    %c0_i32_0 = arith.constant 0 : i32
    %c0_i32_1 = arith.constant 0 : i32
    return %arg0, %c0_i32, %arg1, %c0_i32_0 : i32, i32, i32, i32
  }
  func.func @transform_3(%arg0: i32, %arg1: i32) -> (i32, i32, i32) {
    %c0_i32 = arith.constant 0 : i32
    %c0_i32_0 = arith.constant 0 : i32
    return %arg0, %arg1, %c0_i32 : i32, i32, i32
  }
  func.func @transform_4(%arg0: i32, %arg1: i32) -> (i32, i32) {
    %c0_i32 = arith.constant 0 : i32
    %c0_i32_0 = arith.constant 0 : i32
    %c0_i32_1 = arith.constant 0 : i32
    return %c0_i32, %c0_i32_0 : i32, i32
  }
  func.func @transform_5(%arg0: i32, %arg1: i32) -> (i32, i32, i32) {
    %c0_i32 = arith.constant 0 : i32
    %c0_i32_0 = arith.constant 0 : i32
    return %arg0, %arg1, %c0_i32 : i32, i32, i32
  }
  func.func @transform_6(%arg0: i32, %arg1: i32) -> (i32, i32, i32, i32) {
    %c0_i32 = arith.constant 0 : i32
    %c0_i32_0 = arith.constant 0 : i32
    %c0_i32_1 = arith.constant 0 : i32
    return %arg0, %arg1, %c0_i32, %c0_i32_0 : i32, i32, i32, i32
  }
  func.func @transform_7(%arg0: i32, %arg1: i32) -> (i32, i32, i32, i32) {
    %c0_i32 = arith.constant 0 : i32
    %c0_i32_0 = arith.constant 0 : i32
    %c0_i32_1 = arith.constant 0 : i32
    return %arg0, %arg1, %c0_i32, %c0_i32_0 : i32, i32, i32, i32
  }
}

module attributes {stable_mosaic.version = 14 : i64} {
  func.func @_bn_kernel(%arg0: i32, %arg1: memref<1x256x768xf32, #tpu.memory_space<vmem>>, %arg2: memref<1x768xf32, #tpu.memory_space<vmem>>, %arg3: memref<1x768xf32, #tpu.memory_space<vmem>>, %arg4: memref<1x768xf32, #tpu.memory_space<vmem>>, %arg5: memref<1x768xf32, #tpu.memory_space<vmem>>, %arg6: memref<1x256x768xf32, #tpu.memory_space<vmem>>) attributes {dimension_semantics = [#tpu.dimension_semantics<arbitrary>], iteration_bounds = array<i64: 8>, scalar_prefetch = 0 : i64, scratch_operands = 0 : i64, tpu.core_type = #tpu.core_type<tc>, window_params = [{transform_indices = @transform_0, window_bounds = array<i64: 1, 256, 768>}, {pipeline_mode = #tpu.pipeline_mode<synchronous>, transform_indices = @transform_1, window_bounds = array<i64: 1, 768>}, {pipeline_mode = #tpu.pipeline_mode<synchronous>, transform_indices = @transform_2, window_bounds = array<i64: 1, 768>}, {pipeline_mode = #tpu.pipeline_mode<synchronous>, transform_indices = @transform_3, window_bounds = array<i64: 1, 768>}, {pipeline_mode = #tpu.pipeline_mode<synchronous>, transform_indices = @transform_4, window_bounds = array<i64: 1, 768>}, {transform_indices = @transform_5, window_bounds = array<i64: 1, 256, 768>}]} {
    %get3A = arith.constant 0 : index
    %get3A_0 = arith.constant 0 : index
    %get3A_1 = arith.constant 0 : index
    %get3A_2 = vector.load %arg1[%get3A, %get3A_0, %get3A_1] : memref<1x256x768xf32, #tpu.memory_space<vmem>>, vector<1x256x768xf32>
    %get3A_3 = vector.shape_cast %get3A_2 : vector<1x256x768xf32> to vector<256x768xf32>
    %get3A_4 = arith.constant 0 : index
    %get3A_5 = arith.constant 0 : index
    %get3A_6 = vector.load %arg2[%get3A_4, %get3A_5] : memref<1x768xf32, #tpu.memory_space<vmem>>, vector<1x768xf32>
    %get3A_7 = vector.shape_cast %get3A_6 : vector<1x768xf32> to vector<768xf32>
    %broadcast_in_dim3A = vector.shape_cast %get3A_7 : vector<768xf32> to vector<1x768xf32>
    %sub3A = vector.broadcast %broadcast_in_dim3A : vector<1x768xf32> to vector<256x768xf32>
    %sub3A_8 = arith.subf %get3A_3, %sub3A : vector<256x768xf32>
    %get3A_9 = arith.constant 0 : index
    %get3A_10 = arith.constant 0 : index
    %get3A_11 = vector.load %arg3[%get3A_9, %get3A_10] : memref<1x768xf32, #tpu.memory_space<vmem>>, vector<1x768xf32>
    %get3A_12 = vector.shape_cast %get3A_11 : vector<1x768xf32> to vector<768xf32>
    %broadcast_in_dim3A_13 = vector.shape_cast %get3A_12 : vector<768xf32> to vector<1x768xf32>
    %div3A = vector.broadcast %broadcast_in_dim3A_13 : vector<1x768xf32> to vector<256x768xf32>
    %div3A_14 = arith.divf %sub3A_8, %div3A : vector<256x768xf32>
    %get3A_15 = arith.constant 0 : index
    %get3A_16 = arith.constant 0 : index
    %get3A_17 = vector.load %arg4[%get3A_15, %get3A_16] : memref<1x768xf32, #tpu.memory_space<vmem>>, vector<1x768xf32>
    %get3A_18 = vector.shape_cast %get3A_17 : vector<1x768xf32> to vector<768xf32>
    %broadcast_in_dim3A_19 = vector.shape_cast %get3A_18 : vector<768xf32> to vector<1x768xf32>
    %mul3A = vector.broadcast %broadcast_in_dim3A_19 : vector<1x768xf32> to vector<256x768xf32>
    %mul3A_20 = arith.mulf %div3A_14, %mul3A : vector<256x768xf32>
    %get3A_21 = arith.constant 0 : index
    %get3A_22 = arith.constant 0 : index
    %get3A_23 = vector.load %arg5[%get3A_21, %get3A_22] : memref<1x768xf32, #tpu.memory_space<vmem>>, vector<1x768xf32>
    %get3A_24 = vector.shape_cast %get3A_23 : vector<1x768xf32> to vector<768xf32>
    %broadcast_in_dim3A_25 = vector.shape_cast %get3A_24 : vector<768xf32> to vector<1x768xf32>
    %add3A = vector.broadcast %broadcast_in_dim3A_25 : vector<1x768xf32> to vector<256x768xf32>
    %add3A_26 = arith.addf %mul3A_20, %add3A : vector<256x768xf32>
    %mul3A_27 = arith.constant 5.000000e-01 : f32
    %mul3A_28 = vector.broadcast %mul3A_27 : f32 to vector<256x768xf32>
    %mul3A_29 = arith.mulf %mul3A_28, %add3A_26 : vector<256x768xf32>
    %mul3A_30 = arith.constant 0.707106769 : f32
    %mul3A_31 = vector.broadcast %mul3A_30 : f32 to vector<256x768xf32>
    %mul3A_32 = arith.mulf %add3A_26, %mul3A_31 : vector<256x768xf32>
    %erf3A = math.erf %mul3A_32 : vector<256x768xf32>
    %add3A_33 = arith.constant 1.000000e+00 : f32
    %add3A_34 = vector.broadcast %add3A_33 : f32 to vector<256x768xf32>
    %add3A_35 = arith.addf %add3A_34, %erf3A : vector<256x768xf32>
    %mul3A_36 = arith.mulf %mul3A_29, %add3A_35 : vector<256x768xf32>
    %swap3A = arith.constant 0 : index
    %swap3A_37 = arith.constant 0 : index
    %swap3A_38 = arith.constant 0 : index
    %swap3A_39 = vector.load %arg6[%swap3A, %swap3A_37, %swap3A_38] : memref<1x256x768xf32, #tpu.memory_space<vmem>>, vector<1x256x768xf32>
    %swap3A_40 = vector.shape_cast %swap3A_39 : vector<1x256x768xf32> to vector<256x768xf32>
    %swap3A_41 = vector.shape_cast %mul3A_36 : vector<256x768xf32> to vector<1x256x768xf32>
    tpu.vector_store %arg6[%swap3A, %swap3A_37, %swap3A_38], %swap3A_41 {strides = array<i32>} : memref<1x256x768xf32, #tpu.memory_space<vmem>>, vector<1x256x768xf32>,
    return
  }
  func.func @transform_0(%arg0: i32) -> (i32, i32, i32) {
    %c0_i32 = arith.constant 0 : i32
    %c0_i32_0 = arith.constant 0 : i32
    %c0_i32_1 = arith.constant 0 : i32
    return %arg0, %c0_i32, %c0_i32_0 : i32, i32, i32
  }
  func.func @transform_1(%arg0: i32) -> (i32, i32) {
    %c0_i32 = arith.constant 0 : i32
    %c0_i32_0 = arith.constant 0 : i32
    %c0_i32_1 = arith.constant 0 : i32
    return %c0_i32, %c0_i32_0 : i32, i32
  }
  func.func @transform_2(%arg0: i32) -> (i32, i32) {
    %c0_i32 = arith.constant 0 : i32
    %c0_i32_0 = arith.constant 0 : i32
    %c0_i32_1 = arith.constant 0 : i32
    return %c0_i32, %c0_i32_0 : i32, i32
  }
  func.func @transform_3(%arg0: i32) -> (i32, i32) {
    %c0_i32 = arith.constant 0 : i32
    %c0_i32_0 = arith.constant 0 : i32
    %c0_i32_1 = arith.constant 0 : i32
    return %c0_i32, %c0_i32_0 : i32, i32
  }
  func.func @transform_4(%arg0: i32) -> (i32, i32) {
    %c0_i32 = arith.constant 0 : i32
    %c0_i32_0 = arith.constant 0 : i32
    %c0_i32_1 = arith.constant 0 : i32
    return %c0_i32, %c0_i32_0 : i32, i32
  }
  func.func @transform_5(%arg0: i32) -> (i32, i32, i32) {
    %c0_i32 = arith.constant 0 : i32
    %c0_i32_0 = arith.constant 0 : i32
    %c0_i32_1 = arith.constant 0 : i32
    return %arg0, %c0_i32, %c0_i32_0 : i32, i32, i32
  }
}

module attributes {stable_mosaic.version = 14 : i64} {
  func.func @_stats_kernel(%arg0: i32, %arg1: i32, %arg2: memref<1x24x128x3xf32, #tpu.memory_space<vmem>>, %arg3: memref<1x128x3xf32, #tpu.memory_space<vmem>>, %arg4: memref<1x24x128x768xf32, #tpu.memory_space<vmem>>, %arg5: memref<1x128x768xf32, #tpu.memory_space<vmem>>, %arg6: memref<1x1x3xf32, #tpu.memory_space<vmem>>, %arg7: memref<1x1x3xf32, #tpu.memory_space<vmem>>, %arg8: memref<1x1x768xf32, #tpu.memory_space<vmem>>, %arg9: memref<1x1x768xf32, #tpu.memory_space<vmem>>) attributes {dimension_semantics = [#tpu.dimension_semantics<arbitrary>, #tpu.dimension_semantics<arbitrary>], iteration_bounds = array<i64: 8, 1>, scalar_prefetch = 0 : i64, scratch_operands = 0 : i64, tpu.core_type = #tpu.core_type<tc>, window_params = [{transform_indices = @transform_0, window_bounds = array<i64: 1, 24, 128, 3>}, {transform_indices = @transform_1, window_bounds = array<i64: 1, 128, 3>}, {transform_indices = @transform_2, window_bounds = array<i64: 1, 24, 128, 768>}, {transform_indices = @transform_3, window_bounds = array<i64: 1, 128, 768>}, {transform_indices = @transform_4, window_bounds = array<i64: 1, 1, 3>}, {transform_indices = @transform_5, window_bounds = array<i64: 1, 1, 3>}, {transform_indices = @transform_6, window_bounds = array<i64: 1, 1, 768>}, {transform_indices = @transform_7, window_bounds = array<i64: 1, 1, 768>}]} {
    %get3A = arith.constant 0 : index
    %get3A_0 = arith.constant 0 : index
    %get3A_1 = arith.constant 0 : index
    %get3A_2 = arith.constant 0 : index
    %get3A_3 = vector.load %arg2[%get3A, %get3A_0, %get3A_1, %get3A_2] : memref<1x24x128x3xf32, #tpu.memory_space<vmem>>, vector<1x24x128x3xf32>
    %get3A_4 = vector.shape_cast %get3A_3 : vector<1x24x128x3xf32> to vector<24x128x3xf32>
    %get3A_5 = arith.constant 0 : index
    %get3A_6 = arith.constant 0 : index
    %get3A_7 = arith.constant 0 : index
    %get3A_8 = vector.load %arg3[%get3A_5, %get3A_6, %get3A_7] : memref<1x128x3xf32, #tpu.memory_space<vmem>>, vector<1x128x3xf32>
    %get3A_9 = vector.shape_cast %get3A_8 : vector<1x128x3xf32> to vector<128x3xf32>
    %broadcast_in_dim3A = vector.shape_cast %get3A_9 : vector<128x3xf32> to vector<1x128x3xf32>
    %sub3A = vector.broadcast %broadcast_in_dim3A : vector<1x128x3xf32> to vector<24x128x3xf32>
    %sub3A_10 = arith.subf %get3A_4, %sub3A : vector<24x128x3xf32>
    %get3A_11 = arith.constant 0 : index
    %get3A_12 = arith.constant 0 : index
    %get3A_13 = arith.constant 0 : index
    %get3A_14 = arith.constant 0 : index
    %get3A_15 = vector.load %arg4[%get3A_11, %get3A_12, %get3A_13, %get3A_14] : memref<1x24x128x768xf32, #tpu.memory_space<vmem>>, vector<1x24x128x768xf32>
    %get3A_16 = vector.shape_cast %get3A_15 : vector<1x24x128x768xf32> to vector<24x128x768xf32>
    %get3A_17 = arith.constant 0 : index
    %get3A_18 = arith.constant 0 : index
    %get3A_19 = arith.constant 0 : index
    %get3A_20 = vector.load %arg5[%get3A_17, %get3A_18, %get3A_19] : memref<1x128x768xf32, #tpu.memory_space<vmem>>, vector<1x128x768xf32>
    %get3A_21 = vector.shape_cast %get3A_20 : vector<1x128x768xf32> to vector<128x768xf32>
    %broadcast_in_dim3A_22 = vector.shape_cast %get3A_21 : vector<128x768xf32> to vector<1x128x768xf32>
    %sub3A_23 = vector.broadcast %broadcast_in_dim3A_22 : vector<1x128x768xf32> to vector<24x128x768xf32>
    %sub3A_24 = arith.subf %get3A_16, %sub3A_23 : vector<24x128x768xf32>
    %reduce_sum3A = arith.constant dense<0.000000e+00> : vector<3xf32>
    %reduce_sum3A_25 = vector.multi_reduction <add>, %sub3A_10, %reduce_sum3A [0, 1] : vector<24x128x3xf32> to vector<3xf32>
    %broadcast_in_dim3A_26 = vector.shape_cast %reduce_sum3A_25 : vector<3xf32> to vector<1x3xf32>
    %swap3A = arith.constant 0 : index
    %swap3A_27 = arith.constant 0 : index
    %swap3A_28 = arith.constant 0 : index
    %swap3A_29 = vector.load %arg6[%swap3A, %swap3A_27, %swap3A_28] : memref<1x1x3xf32, #tpu.memory_space<vmem>>, vector<1x1x3xf32>
    %swap3A_30 = vector.shape_cast %swap3A_29 : vector<1x1x3xf32> to vector<1x3xf32>
    %swap3A_31 = vector.shape_cast %broadcast_in_dim3A_26 : vector<1x3xf32> to vector<1x1x3xf32>
    tpu.vector_store %arg6[%swap3A, %swap3A_27, %swap3A_28], %swap3A_31 {strides = array<i32>} : memref<1x1x3xf32, #tpu.memory_space<vmem>>, vector<1x1x3xf32>,
    %mul3A = arith.mulf %sub3A_10, %sub3A_10 : vector<24x128x3xf32>
    %reduce_sum3A_32 = arith.constant dense<0.000000e+00> : vector<3xf32>
    %reduce_sum3A_33 = vector.multi_reduction <add>, %mul3A, %reduce_sum3A_32 [0, 1] : vector<24x128x3xf32> to vector<3xf32>
    %broadcast_in_dim3A_34 = vector.shape_cast %reduce_sum3A_33 : vector<3xf32> to vector<1x3xf32>
    %swap3A_35 = arith.constant 0 : index
    %swap3A_36 = arith.constant 0 : index
    %swap3A_37 = arith.constant 0 : index
    %swap3A_38 = vector.load %arg7[%swap3A_35, %swap3A_36, %swap3A_37] : memref<1x1x3xf32, #tpu.memory_space<vmem>>, vector<1x1x3xf32>
    %swap3A_39 = vector.shape_cast %swap3A_38 : vector<1x1x3xf32> to vector<1x3xf32>
    %swap3A_40 = vector.shape_cast %broadcast_in_dim3A_34 : vector<1x3xf32> to vector<1x1x3xf32>
    tpu.vector_store %arg7[%swap3A_35, %swap3A_36, %swap3A_37], %swap3A_40 {strides = array<i32>} : memref<1x1x3xf32, #tpu.memory_space<vmem>>, vector<1x1x3xf32>,
    %reduce_sum3A_41 = arith.constant dense<0.000000e+00> : vector<768xf32>
    %reduce_sum3A_42 = vector.multi_reduction <add>, %sub3A_24, %reduce_sum3A_41 [0, 1] : vector<24x128x768xf32> to vector<768xf32>
    %broadcast_in_dim3A_43 = vector.shape_cast %reduce_sum3A_42 : vector<768xf32> to vector<1x768xf32>
    %swap3A_44 = arith.constant 0 : index
    %swap3A_45 = arith.constant 0 : index
    %swap3A_46 = arith.constant 0 : index
    %swap3A_47 = vector.load %arg8[%swap3A_44, %swap3A_45, %swap3A_46] : memref<1x1x768xf32, #tpu.memory_space<vmem>>, vector<1x1x768xf32>
    %swap3A_48 = vector.shape_cast %swap3A_47 : vector<1x1x768xf32> to vector<1x768xf32>
    %swap3A_49 = vector.shape_cast %broadcast_in_dim3A_43 : vector<1x768xf32> to vector<1x1x768xf32>
    tpu.vector_store %arg8[%swap3A_44, %swap3A_45, %swap3A_46], %swap3A_49 {strides = array<i32>} : memref<1x1x768xf32, #tpu.memory_space<vmem>>, vector<1x1x768xf32>,
    %mul3A_50 = arith.mulf %sub3A_24, %sub3A_24 : vector<24x128x768xf32>
    %reduce_sum3A_51 = arith.constant dense<0.000000e+00> : vector<768xf32>
    %reduce_sum3A_52 = vector.multi_reduction <add>, %mul3A_50, %reduce_sum3A_51 [0, 1] : vector<24x128x768xf32> to vector<768xf32>
    %broadcast_in_dim3A_53 = vector.shape_cast %reduce_sum3A_52 : vector<768xf32> to vector<1x768xf32>
    %swap3A_54 = arith.constant 0 : index
    %swap3A_55 = arith.constant 0 : index
    %swap3A_56 = arith.constant 0 : index
    %swap3A_57 = vector.load %arg9[%swap3A_54, %swap3A_55, %swap3A_56] : memref<1x1x768xf32, #tpu.memory_space<vmem>>, vector<1x1x768xf32>
    %swap3A_58 = vector.shape_cast %swap3A_57 : vector<1x1x768xf32> to vector<1x768xf32>
    %swap3A_59 = vector.shape_cast %broadcast_in_dim3A_53 : vector<1x768xf32> to vector<1x1x768xf32>
    tpu.vector_store %arg9[%swap3A_54, %swap3A_55, %swap3A_56], %swap3A_59 {strides = array<i32>} : memref<1x1x768xf32, #tpu.memory_space<vmem>>, vector<1x1x768xf32>,
    return
  }
  func.func @transform_0(%arg0: i32, %arg1: i32) -> (i32, i32, i32, i32) {
    %c0_i32 = arith.constant 0 : i32
    %c0_i32_0 = arith.constant 0 : i32
    %c0_i32_1 = arith.constant 0 : i32
    return %arg0, %c0_i32, %arg1, %c0_i32_0 : i32, i32, i32, i32
  }
  func.func @transform_1(%arg0: i32, %arg1: i32) -> (i32, i32, i32) {
    %c0_i32 = arith.constant 0 : i32
    %c0_i32_0 = arith.constant 0 : i32
    return %arg0, %arg1, %c0_i32 : i32, i32, i32
  }
  func.func @transform_2(%arg0: i32, %arg1: i32) -> (i32, i32, i32, i32) {
    %c0_i32 = arith.constant 0 : i32
    %c0_i32_0 = arith.constant 0 : i32
    %c0_i32_1 = arith.constant 0 : i32
    return %arg0, %c0_i32, %arg1, %c0_i32_0 : i32, i32, i32, i32
  }
  func.func @transform_3(%arg0: i32, %arg1: i32) -> (i32, i32, i32) {
    %c0_i32 = arith.constant 0 : i32
    %c0_i32_0 = arith.constant 0 : i32
    return %arg0, %arg1, %c0_i32 : i32, i32, i32
  }
  func.func @transform_4(%arg0: i32, %arg1: i32) -> (i32, i32, i32) {
    %mul3A = arith.constant 1 : i32
    %mul3A_0 = arith.muli %arg0, %mul3A : i32
    %add3A = arith.addi %mul3A_0, %arg1 : i32
    %c0_i32 = arith.constant 0 : i32
    %c0_i32_1 = arith.constant 0 : i32
    %c0_i32_2 = arith.constant 0 : i32
    return %add3A, %c0_i32, %c0_i32_1 : i32, i32, i32
  }
  func.func @transform_5(%arg0: i32, %arg1: i32) -> (i32, i32, i32) {
    %mul3A = arith.constant 1 : i32
    %mul3A_0 = arith.muli %arg0, %mul3A : i32
    %add3A = arith.addi %mul3A_0, %arg1 : i32
    %c0_i32 = arith.constant 0 : i32
    %c0_i32_1 = arith.constant 0 : i32
    %c0_i32_2 = arith.constant 0 : i32
    return %add3A, %c0_i32, %c0_i32_1 : i32, i32, i32
  }
  func.func @transform_6(%arg0: i32, %arg1: i32) -> (i32, i32, i32) {
    %mul3A = arith.constant 1 : i32
    %mul3A_0 = arith.muli %arg0, %mul3A : i32
    %add3A = arith.addi %mul3A_0, %arg1 : i32
    %c0_i32 = arith.constant 0 : i32
    %c0_i32_1 = arith.constant 0 : i32
    %c0_i32_2 = arith.constant 0 : i32
    return %add3A, %c0_i32, %c0_i32_1 : i32, i32, i32
  }
  func.func @transform_7(%arg0: i32, %arg1: i32) -> (i32, i32, i32) {
    %mul3A = arith.constant 1 : i32
    %mul3A_0 = arith.muli %arg0, %mul3A : i32
    %add3A = arith.addi %mul3A_0, %arg1 : i32
    %c0_i32 = arith.constant 0 : i32
    %c0_i32_1 = arith.constant 0 : i32
    %c0_i32_2 = arith.constant 0 : i32
    return %add3A, %c0_i32, %c0_i32_1 : i32, i32, i32
  }
}

module attributes {stable_mosaic.version = 14 : i64} {
  func.func @_agg_kernel(%arg0: i32, %arg1: i32, %arg2: memref<1x24x32x3xf32, #tpu.memory_space<vmem>>, %arg3: memref<1x32x3xf32, #tpu.memory_space<vmem>>, %arg4: memref<1x24x32x768xf32, #tpu.memory_space<vmem>>, %arg5: memref<1x32x768xf32, #tpu.memory_space<vmem>>, %arg6: memref<1x2xf32, #tpu.memory_space<vmem>>, %arg7: memref<1x32x1536xf32, #tpu.memory_space<vmem>>, %arg8: memref<1x1x1x1536xf32, #tpu.memory_space<vmem>>, %arg9: memref<1x1x1x1536xf32, #tpu.memory_space<vmem>>) attributes {dimension_semantics = [#tpu.dimension_semantics<arbitrary>, #tpu.dimension_semantics<arbitrary>], iteration_bounds = array<i64: 8, 4>, scalar_prefetch = 0 : i64, scratch_operands = 0 : i64, tpu.core_type = #tpu.core_type<tc>, window_params = [{transform_indices = @transform_0, window_bounds = array<i64: 1, 24, 32, 3>}, {transform_indices = @transform_1, window_bounds = array<i64: 1, 32, 3>}, {transform_indices = @transform_2, window_bounds = array<i64: 1, 24, 32, 768>}, {transform_indices = @transform_3, window_bounds = array<i64: 1, 32, 768>}, {pipeline_mode = #tpu.pipeline_mode<synchronous>, transform_indices = @transform_4, window_bounds = array<i64: 1, 2>}, {transform_indices = @transform_5, window_bounds = array<i64: 1, 32, 1536>}, {transform_indices = @transform_6, window_bounds = array<i64: 1, 1, 1, 1536>}, {transform_indices = @transform_7, window_bounds = array<i64: 1, 1, 1, 1536>}]} {
    %iota3A = tpu.iota {dimensions = array<i32: 2>} : vector<1x1x512xi32>
    %convert_element_type3A = arith.sitofp %iota3A : vector<1x1x512xi32> to vector<1x1x512xf32>
    %mul3A = arith.constant 3.906250e-03 : f32
    %mul3A_0 = vector.broadcast %mul3A : f32 to vector<1x1x512xf32>
    %mul3A_1 = arith.mulf %convert_element_type3A, %mul3A_0 : vector<1x1x512xf32>
    %add3A = arith.constant -1.000000e+00 : f32
    %add3A_2 = vector.broadcast %add3A : f32 to vector<1x1x512xf32>
    %add3A_3 = arith.addf %add3A_2, %mul3A_1 : vector<1x1x512xf32>
    %get3A = arith.constant 0 : index
    %get3A_4 = arith.constant 0 : index
    %get3A_5 = vector.load %arg6[%get3A, %get3A_4] : memref<1x2xf32, #tpu.memory_space<vmem>>, vector<1x1xf32>
    %get3A_6 = vector.extract %get3A_5[0, 0] : f32 from vector<1x1xf32>
    %get3A_7 = arith.constant 0 : index
    %get3A_8 = arith.constant 1 : index
    %get3A_9 = vector.load %arg6[%get3A_7, %get3A_8] : memref<1x2xf32, #tpu.memory_space<vmem>>, vector<1x1xf32>
    %get3A_10 = vector.extract %get3A_9[0, 0] : f32 from vector<1x1xf32>
    %get3A_11 = arith.constant 0 : index
    %get3A_12 = arith.constant 0 : index
    %get3A_13 = arith.constant 0 : index
    %get3A_14 = arith.constant 0 : index
    %get3A_15 = vector.load %arg2[%get3A_11, %get3A_12, %get3A_13, %get3A_14] : memref<1x24x32x3xf32, #tpu.memory_space<vmem>>, vector<1x24x32x3xf32>
    %get3A_16 = vector.shape_cast %get3A_15 : vector<1x24x32x3xf32> to vector<24x32x3xf32>
    %get3A_17 = arith.constant 0 : index
    %get3A_18 = arith.constant 0 : index
    %get3A_19 = arith.constant 0 : index
    %get3A_20 = vector.load %arg3[%get3A_17, %get3A_18, %get3A_19] : memref<1x32x3xf32, #tpu.memory_space<vmem>>, vector<1x32x3xf32>
    %get3A_21 = vector.shape_cast %get3A_20 : vector<1x32x3xf32> to vector<32x3xf32>
    %broadcast_in_dim3A = vector.shape_cast %get3A_21 : vector<32x3xf32> to vector<1x32x3xf32>
    %sub3A = vector.broadcast %broadcast_in_dim3A : vector<1x32x3xf32> to vector<24x32x3xf32>
    %sub3A_22 = arith.subf %get3A_16, %sub3A : vector<24x32x3xf32>
    %add3A_23 = arith.constant 9.99999974E-6 : f32
    %add3A_24 = arith.addf %get3A_6, %add3A_23 : f32
    %div3A = vector.broadcast %add3A_24 : f32 to vector<24x32x3xf32>
    %div3A_25 = arith.divf %sub3A_22, %div3A : vector<24x32x3xf32>
    %slice3A = vector.extract_strided_slice %div3A_25 {offsets = [0, 0, 0], sizes = [24, 32, 1], strides = [1, 1, 1]} : vector<24x32x3xf32> to vector<24x32x1xf32>
    %sub3A_26 = vector.broadcast %slice3A : vector<24x32x1xf32> to vector<24x32x512xf32>
    %sub3A_27 = vector.broadcast %add3A_3 : vector<1x1x512xf32> to vector<24x32x512xf32>
    %sub3A_28 = arith.subf %sub3A_26, %sub3A_27 : vector<24x32x512xf32>
    %integer_pow3A = arith.mulf %sub3A_28, %sub3A_28 : vector<24x32x512xf32>
    %mul3A_29 = arith.constant -5.000000e-01 : f32
    %mul3A_30 = vector.broadcast %mul3A_29 : f32 to vector<24x32x512xf32>
    %mul3A_31 = arith.mulf %mul3A_30, %integer_pow3A : vector<24x32x512xf32>
    %div3A_32 = arith.constant 9.000000e-02 : f32
    %div3A_33 = vector.broadcast %div3A_32 : f32 to vector<24x32x512xf32>
    %div3A_34 = arith.divf %mul3A_31, %div3A_33 : vector<24x32x512xf32>
    %exp3A = math.exp %div3A_34 : vector<24x32x512xf32>
    %slice3A_35 = vector.extract_strided_slice %div3A_25 {offsets = [0, 0, 1], sizes = [24, 32, 1], strides = [1, 1, 1]} : vector<24x32x3xf32> to vector<24x32x1xf32>
    %sub3A_36 = vector.broadcast %slice3A_35 : vector<24x32x1xf32> to vector<24x32x512xf32>
    %sub3A_37 = vector.broadcast %add3A_3 : vector<1x1x512xf32> to vector<24x32x512xf32>
    %sub3A_38 = arith.subf %sub3A_36, %sub3A_37 : vector<24x32x512xf32>
    %integer_pow3A_39 = arith.mulf %sub3A_38, %sub3A_38 : vector<24x32x512xf32>
    %mul3A_40 = arith.constant -5.000000e-01 : f32
    %mul3A_41 = vector.broadcast %mul3A_40 : f32 to vector<24x32x512xf32>
    %mul3A_42 = arith.mulf %mul3A_41, %integer_pow3A_39 : vector<24x32x512xf32>
    %div3A_43 = arith.constant 9.000000e-02 : f32
    %div3A_44 = vector.broadcast %div3A_43 : f32 to vector<24x32x512xf32>
    %div3A_45 = arith.divf %mul3A_42, %div3A_44 : vector<24x32x512xf32>
    %exp3A_46 = math.exp %div3A_45 : vector<24x32x512xf32>
    %slice3A_47 = vector.extract_strided_slice %div3A_25 {offsets = [0, 0, 2], sizes = [24, 32, 1], strides = [1, 1, 1]} : vector<24x32x3xf32> to vector<24x32x1xf32>
    %sub3A_48 = vector.broadcast %slice3A_47 : vector<24x32x1xf32> to vector<24x32x512xf32>
    %sub3A_49 = vector.broadcast %add3A_3 : vector<1x1x512xf32> to vector<24x32x512xf32>
    %sub3A_50 = arith.subf %sub3A_48, %sub3A_49 : vector<24x32x512xf32>
    %integer_pow3A_51 = arith.mulf %sub3A_50, %sub3A_50 : vector<24x32x512xf32>
    %mul3A_52 = arith.constant -5.000000e-01 : f32
    %mul3A_53 = vector.broadcast %mul3A_52 : f32 to vector<24x32x512xf32>
    %mul3A_54 = arith.mulf %mul3A_53, %integer_pow3A_51 : vector<24x32x512xf32>
    %div3A_55 = arith.constant 9.000000e-02 : f32
    %div3A_56 = vector.broadcast %div3A_55 : f32 to vector<24x32x512xf32>
    %div3A_57 = arith.divf %mul3A_54, %div3A_56 : vector<24x32x512xf32>
    %exp3A_58 = math.exp %div3A_57 : vector<24x32x512xf32>
    %concatenate3A = tpu.concatenate %exp3A, %exp3A_46, %exp3A_58 in 2 : vector<24x32x512xf32>, vector<24x32x512xf32>, vector<24x32x512xf32> -> vector<24x32x1536xf32>
    %get3A_59 = arith.constant 0 : index
    %get3A_60 = arith.constant 0 : index
    %get3A_61 = arith.constant 0 : index
    %get3A_62 = vector.load %arg5[%get3A_59, %get3A_60, %get3A_61] : memref<1x32x768xf32, #tpu.memory_space<vmem>>, vector<1x32x768xf32>
    %get3A_63 = vector.shape_cast %get3A_62 : vector<1x32x768xf32> to vector<32x768xf32>
    %get3A_64 = arith.constant 0 : index
    %get3A_65 = arith.constant 0 : index
    %get3A_66 = arith.constant 0 : index
    %get3A_67 = arith.constant 0 : index
    %get3A_68 = vector.load %arg4[%get3A_64, %get3A_65, %get3A_66, %get3A_67] : memref<1x24x32x768xf32, #tpu.memory_space<vmem>>, vector<1x24x32x768xf32>
    %get3A_69 = vector.shape_cast %get3A_68 : vector<1x24x32x768xf32> to vector<24x32x768xf32>
    %broadcast_in_dim3A_70 = vector.shape_cast %get3A_63 : vector<32x768xf32> to vector<1x32x768xf32>
    %sub3A_71 = vector.broadcast %broadcast_in_dim3A_70 : vector<1x32x768xf32> to vector<24x32x768xf32>
    %sub3A_72 = arith.subf %get3A_69, %sub3A_71 : vector<24x32x768xf32>
    %add3A_73 = arith.constant 9.99999974E-6 : f32
    %add3A_74 = arith.addf %get3A_10, %add3A_73 : f32
    %div3A_75 = vector.broadcast %add3A_74 : f32 to vector<24x32x768xf32>
    %div3A_76 = arith.divf %sub3A_72, %div3A_75 : vector<24x32x768xf32>
    %broadcast_in_dim3A_77 = vector.shape_cast %get3A_63 : vector<32x768xf32> to vector<1x32x768xf32>
    %broadcast_in_dim3A_78 = vector.shape_cast %broadcast_in_dim3A_77 : vector<1x32x768xf32> to vector<1x32x768xf32>
    %broadcast_in_dim3A_79 = vector.broadcast %broadcast_in_dim3A_78 : vector<1x32x768xf32> to vector<24x32x768xf32>
    %concatenate3A_80 = tpu.concatenate %div3A_76, %broadcast_in_dim3A_79 in 2 : vector<24x32x768xf32>, vector<24x32x768xf32> -> vector<24x32x1536xf32>
    %add3A_81 = arith.addf %concatenate3A_80, %concatenate3A : vector<24x32x1536xf32>
    %mul3A_82 = arith.mulf %add3A_81, %concatenate3A : vector<24x32x1536xf32>
    %reduce_max3A = arith.constant dense<0xFF800000> : vector<32x1536xf32>
    %reduce_max3A_83 = vector.multi_reduction <maximumf>, %mul3A_82, %reduce_max3A [0] : vector<24x32x1536xf32> to vector<32x1536xf32>
    %reduce_sum3A = arith.constant dense<0.000000e+00> : vector<32x1536xf32>
    %reduce_sum3A_84 = vector.multi_reduction <add>, %mul3A_82, %reduce_sum3A [0] : vector<24x32x1536xf32> to vector<32x1536xf32>
    %div3A_85 = arith.constant 2.400000e+01 : f32
    %div3A_86 = vector.broadcast %div3A_85 : f32 to vector<32x1536xf32>
    %div3A_87 = arith.divf %reduce_sum3A_84, %div3A_86 : vector<32x1536xf32>
    %add3A_88 = arith.addf %reduce_max3A_83, %div3A_87 : vector<32x1536xf32>
    %swap3A = arith.constant 0 : index
    %swap3A_89 = arith.constant 0 : index
    %swap3A_90 = arith.constant 0 : index
    %swap3A_91 = vector.load %arg7[%swap3A, %swap3A_89, %swap3A_90] : memref<1x32x1536xf32, #tpu.memory_space<vmem>>, vector<1x32x1536xf32>
    %swap3A_92 = vector.shape_cast %swap3A_91 : vector<1x32x1536xf32> to vector<32x1536xf32>
    %swap3A_93 = vector.shape_cast %add3A_88 : vector<32x1536xf32> to vector<1x32x1536xf32>
    tpu.vector_store %arg7[%swap3A, %swap3A_89, %swap3A_90], %swap3A_93 {strides = array<i32>} : memref<1x32x1536xf32, #tpu.memory_space<vmem>>, vector<1x32x1536xf32>,
    %reduce_sum3A_94 = arith.constant dense<0.000000e+00> : vector<1536xf32>
    %reduce_sum3A_95 = vector.multi_reduction <add>, %add3A_88, %reduce_sum3A_94 [0] : vector<32x1536xf32> to vector<1536xf32>
    %broadcast_in_dim3A_96 = vector.shape_cast %reduce_sum3A_95 : vector<1536xf32> to vector<1x1536xf32>
    %swap3A_97 = arith.constant 0 : index
    %swap3A_98 = arith.constant 0 : index
    %swap3A_99 = arith.constant 0 : index
    %swap3A_100 = arith.constant 0 : index
    %swap3A_101 = vector.load %arg8[%swap3A_97, %swap3A_98, %swap3A_99, %swap3A_100] : memref<1x1x1x1536xf32, #tpu.memory_space<vmem>>, vector<1x1x1x1536xf32>
    %swap3A_102 = vector.shape_cast %swap3A_101 : vector<1x1x1x1536xf32> to vector<1x1536xf32>
    %swap3A_103 = vector.shape_cast %broadcast_in_dim3A_96 : vector<1x1536xf32> to vector<1x1x1x1536xf32>
    tpu.vector_store %arg8[%swap3A_97, %swap3A_98, %swap3A_99, %swap3A_100], %swap3A_103 {strides = array<i32>} : memref<1x1x1x1536xf32, #tpu.memory_space<vmem>>, vector<1x1x1x1536xf32>,
    %mul3A_104 = arith.mulf %add3A_88, %add3A_88 : vector<32x1536xf32>
    %reduce_sum3A_105 = arith.constant dense<0.000000e+00> : vector<1536xf32>
    %reduce_sum3A_106 = vector.multi_reduction <add>, %mul3A_104, %reduce_sum3A_105 [0] : vector<32x1536xf32> to vector<1536xf32>
    %broadcast_in_dim3A_107 = vector.shape_cast %reduce_sum3A_106 : vector<1536xf32> to vector<1x1536xf32>
    %swap3A_108 = arith.constant 0 : index
    %swap3A_109 = arith.constant 0 : index
    %swap3A_110 = arith.constant 0 : index
    %swap3A_111 = arith.constant 0 : index
    %swap3A_112 = vector.load %arg9[%swap3A_108, %swap3A_109, %swap3A_110, %swap3A_111] : memref<1x1x1x1536xf32, #tpu.memory_space<vmem>>, vector<1x1x1x1536xf32>
    %swap3A_113 = vector.shape_cast %swap3A_112 : vector<1x1x1x1536xf32> to vector<1x1536xf32>
    %swap3A_114 = vector.shape_cast %broadcast_in_dim3A_107 : vector<1x1536xf32> to vector<1x1x1x1536xf32>
    tpu.vector_store %arg9[%swap3A_108, %swap3A_109, %swap3A_110, %swap3A_111], %swap3A_114 {strides = array<i32>} : memref<1x1x1x1536xf32, #tpu.memory_space<vmem>>, vector<1x1x1x1536xf32>,
    return
  }
  func.func @transform_0(%arg0: i32, %arg1: i32) -> (i32, i32, i32, i32) {
    %c0_i32 = arith.constant 0 : i32
    %c0_i32_0 = arith.constant 0 : i32
    %c0_i32_1 = arith.constant 0 : i32
    return %arg0, %c0_i32, %arg1, %c0_i32_0 : i32, i32, i32, i32
  }
  func.func @transform_1(%arg0: i32, %arg1: i32) -> (i32, i32, i32) {
    %c0_i32 = arith.constant 0 : i32
    %c0_i32_0 = arith.constant 0 : i32
    return %arg0, %arg1, %c0_i32 : i32, i32, i32
  }
  func.func @transform_2(%arg0: i32, %arg1: i32) -> (i32, i32, i32, i32) {
    %c0_i32 = arith.constant 0 : i32
    %c0_i32_0 = arith.constant 0 : i32
    %c0_i32_1 = arith.constant 0 : i32
    return %arg0, %c0_i32, %arg1, %c0_i32_0 : i32, i32, i32, i32
  }
  func.func @transform_3(%arg0: i32, %arg1: i32) -> (i32, i32, i32) {
    %c0_i32 = arith.constant 0 : i32
    %c0_i32_0 = arith.constant 0 : i32
    return %arg0, %arg1, %c0_i32 : i32, i32, i32
  }
  func.func @transform_4(%arg0: i32, %arg1: i32) -> (i32, i32) {
    %c0_i32 = arith.constant 0 : i32
    %c0_i32_0 = arith.constant 0 : i32
    %c0_i32_1 = arith.constant 0 : i32
    return %c0_i32, %c0_i32_0 : i32, i32
  }
  func.func @transform_5(%arg0: i32, %arg1: i32) -> (i32, i32, i32) {
    %c0_i32 = arith.constant 0 : i32
    %c0_i32_0 = arith.constant 0 : i32
    return %arg0, %arg1, %c0_i32 : i32, i32, i32
  }
  func.func @transform_6(%arg0: i32, %arg1: i32) -> (i32, i32, i32, i32) {
    %c0_i32 = arith.constant 0 : i32
    %c0_i32_0 = arith.constant 0 : i32
    %c0_i32_1 = arith.constant 0 : i32
    return %arg0, %arg1, %c0_i32, %c0_i32_0 : i32, i32, i32, i32
  }
  func.func @transform_7(%arg0: i32, %arg1: i32) -> (i32, i32, i32, i32) {
    %c0_i32 = arith.constant 0 : i32
    %c0_i32_0 = arith.constant 0 : i32
    %c0_i32_1 = arith.constant 0 : i32
    return %arg0, %arg1, %c0_i32, %c0_i32_0 : i32, i32, i32, i32
  }
}

module attributes {stable_mosaic.version = 14 : i64} {
  func.func @_bn_kernel(%arg0: i32, %arg1: memref<1x128x1536xf32, #tpu.memory_space<vmem>>, %arg2: memref<1x1536xf32, #tpu.memory_space<vmem>>, %arg3: memref<1x1536xf32, #tpu.memory_space<vmem>>, %arg4: memref<1x1536xf32, #tpu.memory_space<vmem>>, %arg5: memref<1x1536xf32, #tpu.memory_space<vmem>>, %arg6: memref<1x128x1536xf32, #tpu.memory_space<vmem>>) attributes {dimension_semantics = [#tpu.dimension_semantics<arbitrary>], iteration_bounds = array<i64: 8>, scalar_prefetch = 0 : i64, scratch_operands = 0 : i64, tpu.core_type = #tpu.core_type<tc>, window_params = [{transform_indices = @transform_0, window_bounds = array<i64: 1, 128, 1536>}, {pipeline_mode = #tpu.pipeline_mode<synchronous>, transform_indices = @transform_1, window_bounds = array<i64: 1, 1536>}, {pipeline_mode = #tpu.pipeline_mode<synchronous>, transform_indices = @transform_2, window_bounds = array<i64: 1, 1536>}, {pipeline_mode = #tpu.pipeline_mode<synchronous>, transform_indices = @transform_3, window_bounds = array<i64: 1, 1536>}, {pipeline_mode = #tpu.pipeline_mode<synchronous>, transform_indices = @transform_4, window_bounds = array<i64: 1, 1536>}, {transform_indices = @transform_5, window_bounds = array<i64: 1, 128, 1536>}]} {
    %get3A = arith.constant 0 : index
    %get3A_0 = arith.constant 0 : index
    %get3A_1 = arith.constant 0 : index
    %get3A_2 = vector.load %arg1[%get3A, %get3A_0, %get3A_1] : memref<1x128x1536xf32, #tpu.memory_space<vmem>>, vector<1x128x1536xf32>
    %get3A_3 = vector.shape_cast %get3A_2 : vector<1x128x1536xf32> to vector<128x1536xf32>
    %get3A_4 = arith.constant 0 : index
    %get3A_5 = arith.constant 0 : index
    %get3A_6 = vector.load %arg2[%get3A_4, %get3A_5] : memref<1x1536xf32, #tpu.memory_space<vmem>>, vector<1x1536xf32>
    %get3A_7 = vector.shape_cast %get3A_6 : vector<1x1536xf32> to vector<1536xf32>
    %broadcast_in_dim3A = vector.shape_cast %get3A_7 : vector<1536xf32> to vector<1x1536xf32>
    %sub3A = vector.broadcast %broadcast_in_dim3A : vector<1x1536xf32> to vector<128x1536xf32>
    %sub3A_8 = arith.subf %get3A_3, %sub3A : vector<128x1536xf32>
    %get3A_9 = arith.constant 0 : index
    %get3A_10 = arith.constant 0 : index
    %get3A_11 = vector.load %arg3[%get3A_9, %get3A_10] : memref<1x1536xf32, #tpu.memory_space<vmem>>, vector<1x1536xf32>
    %get3A_12 = vector.shape_cast %get3A_11 : vector<1x1536xf32> to vector<1536xf32>
    %broadcast_in_dim3A_13 = vector.shape_cast %get3A_12 : vector<1536xf32> to vector<1x1536xf32>
    %div3A = vector.broadcast %broadcast_in_dim3A_13 : vector<1x1536xf32> to vector<128x1536xf32>
    %div3A_14 = arith.divf %sub3A_8, %div3A : vector<128x1536xf32>
    %get3A_15 = arith.constant 0 : index
    %get3A_16 = arith.constant 0 : index
    %get3A_17 = vector.load %arg4[%get3A_15, %get3A_16] : memref<1x1536xf32, #tpu.memory_space<vmem>>, vector<1x1536xf32>
    %get3A_18 = vector.shape_cast %get3A_17 : vector<1x1536xf32> to vector<1536xf32>
    %broadcast_in_dim3A_19 = vector.shape_cast %get3A_18 : vector<1536xf32> to vector<1x1536xf32>
    %mul3A = vector.broadcast %broadcast_in_dim3A_19 : vector<1x1536xf32> to vector<128x1536xf32>
    %mul3A_20 = arith.mulf %div3A_14, %mul3A : vector<128x1536xf32>
    %get3A_21 = arith.constant 0 : index
    %get3A_22 = arith.constant 0 : index
    %get3A_23 = vector.load %arg5[%get3A_21, %get3A_22] : memref<1x1536xf32, #tpu.memory_space<vmem>>, vector<1x1536xf32>
    %get3A_24 = vector.shape_cast %get3A_23 : vector<1x1536xf32> to vector<1536xf32>
    %broadcast_in_dim3A_25 = vector.shape_cast %get3A_24 : vector<1536xf32> to vector<1x1536xf32>
    %add3A = vector.broadcast %broadcast_in_dim3A_25 : vector<1x1536xf32> to vector<128x1536xf32>
    %add3A_26 = arith.addf %mul3A_20, %add3A : vector<128x1536xf32>
    %mul3A_27 = arith.constant 5.000000e-01 : f32
    %mul3A_28 = vector.broadcast %mul3A_27 : f32 to vector<128x1536xf32>
    %mul3A_29 = arith.mulf %mul3A_28, %add3A_26 : vector<128x1536xf32>
    %mul3A_30 = arith.constant 0.707106769 : f32
    %mul3A_31 = vector.broadcast %mul3A_30 : f32 to vector<128x1536xf32>
    %mul3A_32 = arith.mulf %add3A_26, %mul3A_31 : vector<128x1536xf32>
    %erf3A = math.erf %mul3A_32 : vector<128x1536xf32>
    %add3A_33 = arith.constant 1.000000e+00 : f32
    %add3A_34 = vector.broadcast %add3A_33 : f32 to vector<128x1536xf32>
    %add3A_35 = arith.addf %add3A_34, %erf3A : vector<128x1536xf32>
    %mul3A_36 = arith.mulf %mul3A_29, %add3A_35 : vector<128x1536xf32>
    %swap3A = arith.constant 0 : index
    %swap3A_37 = arith.constant 0 : index
    %swap3A_38 = arith.constant 0 : index
    %swap3A_39 = vector.load %arg6[%swap3A, %swap3A_37, %swap3A_38] : memref<1x128x1536xf32, #tpu.memory_space<vmem>>, vector<1x128x1536xf32>
    %swap3A_40 = vector.shape_cast %swap3A_39 : vector<1x128x1536xf32> to vector<128x1536xf32>
    %swap3A_41 = vector.shape_cast %mul3A_36 : vector<128x1536xf32> to vector<1x128x1536xf32>
    tpu.vector_store %arg6[%swap3A, %swap3A_37, %swap3A_38], %swap3A_41 {strides = array<i32>} : memref<1x128x1536xf32, #tpu.memory_space<vmem>>, vector<1x128x1536xf32>,
    return
  }
  func.func @transform_0(%arg0: i32) -> (i32, i32, i32) {
    %c0_i32 = arith.constant 0 : i32
    %c0_i32_0 = arith.constant 0 : i32
    %c0_i32_1 = arith.constant 0 : i32
    return %arg0, %c0_i32, %c0_i32_0 : i32, i32, i32
  }
  func.func @transform_1(%arg0: i32) -> (i32, i32) {
    %c0_i32 = arith.constant 0 : i32
    %c0_i32_0 = arith.constant 0 : i32
    %c0_i32_1 = arith.constant 0 : i32
    return %c0_i32, %c0_i32_0 : i32, i32
  }
  func.func @transform_2(%arg0: i32) -> (i32, i32) {
    %c0_i32 = arith.constant 0 : i32
    %c0_i32_0 = arith.constant 0 : i32
    %c0_i32_1 = arith.constant 0 : i32
    return %c0_i32, %c0_i32_0 : i32, i32
  }
  func.func @transform_3(%arg0: i32) -> (i32, i32) {
    %c0_i32 = arith.constant 0 : i32
    %c0_i32_0 = arith.constant 0 : i32
    %c0_i32_1 = arith.constant 0 : i32
    return %c0_i32, %c0_i32_0 : i32, i32
  }
  func.func @transform_4(%arg0: i32) -> (i32, i32) {
    %c0_i32 = arith.constant 0 : i32
    %c0_i32_0 = arith.constant 0 : i32
    %c0_i32_1 = arith.constant 0 : i32
    return %c0_i32, %c0_i32_0 : i32, i32
  }
  func.func @transform_5(%arg0: i32) -> (i32, i32, i32) {
    %c0_i32 = arith.constant 0 : i32
    %c0_i32_0 = arith.constant 0 : i32
    %c0_i32_1 = arith.constant 0 : i32
    return %arg0, %c0_i32, %c0_i32_0 : i32, i32, i32
  }
}

</mosaic_0001>

<sc_bundles>
// kernel: gather_offload_async_start.1
scs
__scs_entry_jumppad:
0x0: {  	(pc) =	sbr.rel $0x88, $3  }
0x1: {  	(tag) =	ssettag $0x0;
	lr =	simm.s32 $0x1  }
0x2: {  	[smem:$0x3F97] =	sst lr;
	_ =	strace $0xD0000000  }
0x3: {  	_ = 	snop  }
0x4: {  	_ = 	snop  }
0x5: {  	_ = 	snop  }
0x6: {  	_ = 	snop  }
0x7: {  	_ = 	snop  }
__scs_overlays_trampoline_lowered:
0x8: {  	[smem:$0x3FA6] =	sst s0  }
0x9: {  	[smem:$0x3FA7] =	sst s1  }
0xa: {  	[smem:$0x3FA8] =	sst s2  }
0xb: {  	[smem:$0x3FA9] =	sst s3  }
0xc: {  	[smem:$0x3FAA] =	sst s4  }
0xd: {  	[smem:$0x3FAB] =	sst s5  }
0xe: {  	[smem:$0x3FAC] =	sst s6  }
0xf: {  	[smem:$0x3FAD] =	sst s7  }
0x10: {  	[smem:$0x3FAE] =	sst s8  }
0x11: {  	[smem:$0x3FAF] =	sst s9;
	s0 =	simm.s32 @!p0 $0x0  }
0x12: {  	s1 =	sld [smem:$0x3F95];
	s0 =	simm.s32 @p0 $0x1  }
0x13: {  	[smem:$0x3FB0] =	sst s0;
	s0 =	simm.s32 @!p1 $0x0  }
0x14: {  	s2 =	sld [smem:$0x3F94];
	s0 =	simm.s32 @p1 $0x1  }
0x15: {  	[smem:$0x3FB1] =	sst s0;
	s0 =	simm.s32 @!p2 $0x0  }
0x16: {  	s3 =	sld [smem:$0x3FDB];
	s0 =	simm.s32 @p2 $0x1  }
0x17: {  	s4 =	simm.s32 $0x1BF5;
	[smem:$0x3FB3] =	sst s0  }
0x18: {  	s0 =	sld [smem:$0x3F96];
	_ =	swait.ge [sflag:s4], $0x0  }
0x19: {  	s7 =	sld [smem:$0x3F97]  }
0x1a: {  	s8 =	sadd.s32 $0xFFFFE003, lr  }
0x1b: {  	s9 =	sadd.s32 $0xFFFFFEF7, lr;
	s5 =	simm.s32 $0xFFFFFFFF;
	p2 =	slt.u32 s8, $0xFFFFF086  }
0x1c: {  	p1 =	slt.u32 s9, $0xF7A;
	s5 =	simm.s32 @!p2 $0x0  }
0x1d: {  	s5 =	simm.s32 @p1 $0x1;
	p0 =	seq.s32 s7, s2  }
0x1e: {  	s7 =	smul.u32 @!p0 $0xF7A, s2;
	p2 =	seq.s32 @!p0 s5, $0x0  }
0x1f: {  	s9 =	smul.u32 $0xF7A, s1;
	s8 =	simm.s32 @!p0 $0x1BF5;
	p2 =	por !p2, p0  }
0x20: {  	[sflag:s8] =	ssyncset.s32 @!p0 $0xFFFFF086;
	s6 =	sadd.s32 @!p0 s3, s7;
	s7 =	simm.s32 @!p0 $0x108  }
0x21: {  	s3 =	sadd.s32 s3, s9;
	s6 =	sadd.s32 @!p0 $0x88, s6;
	s7 =	simm.s32 @p2 $0x1082  }
0x22: {  	[simem:s7], [sflag:s8] =	dma.local @!p0 [hbm:s6], $0xF7A  }
0x23: {  	s9 =	sor.u32 $0xD0000000, s2;
	s6 =	simm.s32 $0x108;
	_ =	swait.ge @!p0 [sflag:s8], $0x0  }
0x24: {  	s3 =	sadd.s32 $0x88, s3;
	s6 =	simm.s32 @!p1 $0x1082;
	[sflag:s4] =	ssyncset.s32 $0xFFFFF086  }
0x25: {  	[simem:s6], [sflag:s4] =	dma.local [hbm:s3], $0xF7A  }
0x26: {  	[smem:$0x3F97] =	sst s1;
	(tag) =	ssettag s2;
	_ =	strace s9  }
0x27: {  	s1 =	sld [smem:$0x3FA7]  }
0x28: {  	s2 =	sld [smem:$0x3FA8]  }
0x29: {  	s4 =	sld [smem:$0x3FAA]  }
0x2a: {  	p0 =	seq.s32 s5, $0x0;
	s5 =	sld [smem:$0x3FAB]  }
0x2b: {  	s6 =	sld [smem:$0x3FAC]  }
0x2c: {  	s7 =	sld [smem:$0x3FAD]  }
0x2d: {  	s3 =	simm.s32 $0x108;
	s8 =	sld [smem:$0x3FAE]  }
0x2e: {  	s3 =	simm.s32 @!p0 $0x1082;
	s9 =	sld [smem:$0x3FAF]  }
0x2f: {  	lr =	sadd.s32 s0, s3;
	s0 =	sld [smem:$0x3FA6]  }
0x30: {  	s3 =	sld [smem:$0x3FA9]  }
0x31: {  	[smem:$0x3FB2] =	sst s10  }
0x32: {  	s10 =	sld [smem:$0x3FB0];
	_ =	sdelay $0x3  }
0x33: {  	p0 =	seq.s32 s10, $0x1;
	s10 =	sld [smem:$0x3FB2];
	_ =	sdelay $0x3  }
0x34: {  	[smem:$0x3FB2] =	sst s10  }
0x35: {  	s10 =	sld [smem:$0x3FB1];
	_ =	sdelay $0x3  }
0x36: {  	p1 =	seq.s32 s10, $0x1;
	s10 =	sld [smem:$0x3FB2];
	_ =	sdelay $0x3  }
0x37: {  	[smem:$0x3FB2] =	sst s10  }
0x38: {  	s10 =	sld [smem:$0x3FB3]  }
0x39: {  	_ = 	snop;
	(pc) =	sbr.ind lr, $3  }
0x3a: {  	_ = 	snop  }
0x3b: {  	_ = 	snop  }
0x3c: {  	p2 =	seq.s32 s10, $0x1;
	s10 =	sld [smem:$0x3FB2]  }
0x3d: {  	_ =	shalt  }
0x3e: {  	_ =	shalt  }
0x3f: {  	_ =	shalt  }
0x40: {  	_ =	shalt  }
0x41: {  	_ =	shalt  }
0x42: {  	_ =	shalt  }
0x43: {  	_ =	shalt  }
0x44: {  	_ =	shalt  }
0x45: {  	_ =	shalt  }
0x46: {  	_ =	shalt  }
0x47: {  	_ =	shalt  }
0x48: {  	_ =	shalt  }
0x49: {  	_ =	shalt  }
0x4a: {  	_ =	shalt  }
0x4b: {  	_ =	shalt  }
0x4c: {  	_ =	shalt  }
0x4d: {  	_ =	shalt  }
0x4e: {  	_ =	shalt  }
0x4f: {  	_ =	shalt  }
0x50: {  	_ =	shalt  }
0x51: {  	_ =	shalt  }
0x52: {  	_ =	shalt  }
0x53: {  	_ =	shalt  }
0x54: {  	_ =	shalt  }
0x55: {  	_ =	shalt  }
0x56: {  	_ =	shalt  }
0x57: {  	_ =	shalt  }
0x58: {  	_ =	shalt  }
0x59: {  	_ =	shalt  }
0x5a: {  	_ =	shalt  }
0x5b: {  	_ =	shalt  }
0x5c: {  	_ =	shalt  }
0x5d: {  	_ =	shalt  }
0x5e: {  	_ =	shalt  }
0x5f: {  	_ =	shalt  }
0x60: {  	_ =	shalt  }
0x61: {  	_ =	shalt  }
0x62: {  	_ =	shalt  }
0x63: {  	_ =	shalt  }
0x64: {  	_ =	shalt  }
0x65: {  	_ =	shalt  }
0x66: {  	_ =	shalt  }
0x67: {  	_ =	shalt  }
0x68: {  	_ =	shalt  }
0x69: {  	_ =	shalt  }
0x6a: {  	_ =	shalt  }
0x6b: {  	_ =	shalt  }
0x6c: {  	_ =	shalt  }
0x6d: {  	_ =	shalt  }
0x6e: {  	_ =	shalt  }
0x6f: {  	_ =	shalt  }
0x70: {  	_ =	shalt  }
0x71: {  	_ =	shalt  }
0x72: {  	_ =	shalt  }
0x73: {  	_ =	shalt  }
0x74: {  	_ =	shalt  }
0x75: {  	_ =	shalt  }
0x76: {  	_ =	shalt  }
0x77: {  	_ =	shalt  }
0x78: {  	_ =	shalt  }
0x79: {  	_ =	shalt  }
0x7a: {  	_ =	shalt  }
0x7b: {  	_ =	shalt  }
0x7c: {  	_ =	shalt  }
0x7d: {  	_ =	shalt  }
0x7e: {  	_ =	shalt  }
0x7f: {  	_ =	shalt  }
0x80: {  	_ =	shalt  }
0x81: {  	_ =	shalt  }
0x82: {  	_ =	shalt  }
0x83: {  	_ =	shalt  }
0x84: {  	_ =	shalt  }
0x85: {  	_ =	shalt  }
0x86: {  	_ =	shalt  }
0x87: {  	_ =	shalt  }
.Lfunc_end0:
.L_simem_size_0:
called_computation.1_lowered:
.L_overlay_start_0:
0x88: {  	s2 =	sld [smem:$0x3FD9]  }
0x89: {  	s3 =	sld [smem:$0x3FFE];
	_ =	sdelay $0x1  }
0x8a: {  	s1 =	srdreg.scid  }
0x8b: {  	s0 =	sand.u32 $0x1, s1  }
0x8c: {  	s14 =	sshll.u32 s0, $0xA;
	s2 =	sadd.s32 s3, s2  }
0x8d: {  	s2 =	sadd.s32 s2, s14  }
0x8e: {  	[smem:$0x3FBE] =	sst s2  }
0x8f: {  	_ = 	snop  }
0x90: {  	s2 =	sld [smem:$0x3FD0];
	_ =	sdelay $0x3  }
0x91: {  	s15 =	simm.s32 $0xA;
	s4 =	simm.s32 $0x10;
	s2 =	sadd.s32 $0x1, s2  }
0x92: {  	[smem:s4], [sflag:s15] =	dma.local [hbm:s2], $0x1  }
0x93: {  	_ =	swait.eq [sflag:s15], $0x1  }
0x94: {  	[sflag:s15] =	ssyncset.done $0x0  }
0x95: {  	s16 =	sld [smem:$0x10];
	[sflag:s15] =	ssyncadd.s32 $0xFFFFFFFF  }
0x96: {  	s17 =	sld [smem:$0x11];
	(tm) =	ssettm $0x1  }
0x97: {  	s18 =	sld [smem:$0x3FFB];
	_ =	sdelay $0x3  }
0x98: {  	_ =	strace s18  }
0x99: {  	s4 =	sld [smem:$0x3FFC];
	_ =	sdelay $0x3  }
0x9a: {  	_ =	strace s4  }
0x9b: {  	s4 =	sld [smem:$0x3FFD];
	_ =	sdelay $0x3  }
0x9c: {  	_ =	strace s4  }
0x9d: {  	_ =	strace $0x8FFFFFFF  }
0x9e: {  	s19 =	sld [smem:$0x3FDB];
	_ =	sdelay $0x1  }
0x9f: {  	s5 =	simm.s32 $_scs_section_size  }
0xa0: {  	s6 =	simm.s32 $_size__tile_overlayer_lowered;
	s7 =	simm.s32 $_tile_overlayer_lowered  }
0xa1: {  	s22 =	simm.s32 $0x1BFF;
	s21 =	sshll.u32 s7, $0x1;
	s4 =	sadd.s32 s5, s19  }
0xa2: {  	s8 =	simm.s32 $0x0;
	s20 =	sshll.u32 s6, $0x1;
	s6 =	sadd.s32 s21, s4  }
0xa3: {  	[timem:s8], [sflag:s22] =	dma.local [hbm:s6], s20  }
0xa4: {  	_ =	swait.ge [sflag:s22], s20  }
0xa5: {  	s5 =	ssub.s32 $0x0, s20;
	[sflag:s22] =	ssyncset.done $0x0  }
0xa6: {  	[sflag:s22] =	ssyncadd.s32 s5;
	_ =	sdelay $0x1  }
0xa7: {  	s23 =	simm.s32 $0x1B8B  }
0xa8: {  	_ =	swait.ge [sflag:s23], $0x1  }
0xa9: {  	[sflag:s23] =	ssyncset.done $0x0  }
0xaa: {  	s25 =	simm.s32 $0x1B8E;
	s24 =	sld [smem:$0x3FFE];
	[sflag:s23] =	ssyncadd.s32 $0xFFFFFFFF  }
0xab: {  	s26 =	simm.s32 $execute0_lowered;
	[smem:$0x3FD2] =	sst s25  }
0xac: {  	s6 =	sshll.u32 s26, $0x1;
	_ =	strace $0x80000049;
	[dreg:$0x1] =	wrdreg $0xFFFFFFFF  }
0xad: {  	s28 =	simm.s32 $_size_execute0_lowered;
	s4 =	sadd.s32 s4, s6;
	[dreg:$0x0] =	wrdreg $0x0  }
0xae: {  	s6 =	sshll.u32 s28, $0x1;
	[dreg:$0x2] =	wrdreg s4  }
0xaf: {  	[dreg:$0x3] =	wrdreg s6  }
0xb0: {  	[dreg:$0x4] =	wrdreg $0xC0  }
0xb1: {  	_ =	task [dreg:s8], $0x5FFFF  }
0xb2: {  	[dreg:$0x1] =	wrdreg $0xFFFFFFFF  }
0xb3: {  	[dreg:$0x0] =	wrdreg $0x60  }
0xb4: {  	[dreg:$0x2] =	wrdreg s17  }
0xb5: {  	[dreg:$0x3] =	wrdreg s24  }
0xb6: {  	[dreg:$0x4] =	wrdreg s16  }
0xb7: {  	[dreg:$0x5] =	wrdreg $0x9  }
0xb8: {  	_ =	task.clear_ibuf [dreg:s8], $0x6FFFF;
	_ =	strace $0x90000049  }
0xb9: {  	s29 =	simm.s32 $0x9;
	_ =	strace $0x8000004B  }
0xba: {  	_ =	swait.ge [sflag:s29], $0x1  }
0xbb: {  	[sflag:s29] =	ssyncadd.s32 $0xFFFFFFFF  }
0xbc: {  	_ =	strace $0x9000004B  }
0xbd: {  	_ =	sfence  }
0xbe: {  	s30 =	sld [smem:$0x0];
	_ =	sdelay $0x2  }
0xbf: {  	s31 =	sshll.u32 s1, $0xD;
	s1 =	sshrl.u32 s1, $0x2  }
0xc0: {  	s3 =	sand.u32 $0x4000, s31;
	s1 =	sadd.s32 s1, s30  }
0xc1: {  	s0 =	sor.u32 s3, s0;
	s1 =	sshll.u32 s1, $0x11  }
0xc2: {  	s0 =	sor.u32 s1, s0  }
0xc3: {  	s0 =	sadd.s32 $0x8F2B, s0  }
0xc4: {  	[sflag:s0] =	ssyncadd.remote.s32 $0x1  }
0xc5: {  	_ =	sfence.sel $0xFFFF  }
0xc6: {  	[dreg:$0x0] =	wrdreg $0xFFFFFFFF;
	(pc) =	sbr.abs _section_cstart, $3  }
0xc7: {  	[dreg:$0x1] =	wrdreg $0xFFFFFFFF  }
0xc8: {  	_ =	task.clear_ibuf [dreg:s8], $0x2FFFF;
	_ =	strace $0x9FFFFFFF  }
0xc9: {  	(tm) =	ssettm $0x7FFFFFFF  }
tec
execute0_lowered:
.L_overlay_start_1:
0x0: {  	(tag) =	ssettag $0x1  }
0x1: {  	s2 =	rddreg [dreg:$0x0]  }
0x2: {  	s7 =	rddreg [dreg:$0x1]  }
0x3: {  	s3 =	rddreg [dreg:$0x2]  }
0x4: {  	s0 =	rddreg [dreg:$0x3];
	s1 =	srdreg.scid;
	_ =	strace $0x8000004A  }
0x5: {  	s4 =	simm.s32 $0x1;
	s9 =	simm.s32 $0x3;
	s5 =	sshll.u32 s1, $0x4  }
.Ltmp0:
0x6: {  	s1 =	stileid.u32;
	s5 =	sand.u32 $0x10, s5;
	(pc) =	sbr.rel .LBB2_1-.Ltmp0, $4  }
0x7: {  	s12 =	simm.s32 $0x0;
	s10 =	simm.s32 $0x0;
	s6 =	sor.u32 s1, s5  }
0x8: {  	[sflag:s4] =	ssyncpa.u1 $0x0;
	s5 =	simm.s32 $0x2;
	s6 =	sshll.u32 s6, $0x7  }
0x9: {  	s7 =	sadd.s32 $0x4600, s7;
	[sflag:s5] =	ssyncpa.u1 $0x0;
	s8 =	sadd.s32 $0x80, s6  }
0xa: {  	vm0 =	vmmov $0xff;
	vm1 =	vcmask $0x3F20;
	[sflag:s9] =	ssyncpa.u1 $0x0;
	s9 =	simm.s32 $0x80;
	s11 =	smov.u32 s6  }
.LBB2_9:
0xb: {  	p0 =	seq.s32 s10, $0x2  }
.Ltmp1:
0xc: {  	_ = 	snop;
	(pc) =	sbr.rel @p0 .LBB2_11-.Ltmp1, $1  }
0xd: {  	_ =	sdelay $0x3  }
.LBB2_10:
0xe: {  	s12 =	sadd.s32 $0x80, s11  }
0xf: {  	s13 =	smov.u32 s6;
	p0 =	slt.s32 s12, s8  }
0x10: {  	s13 =	smov.u32 @p0 s12  }
0x11: {  	s10 =	sadd.s32 $0x1, s10;
	s12 =	smov.u32 s11;
	s11 =	smov.u32 s13  }
.LBB2_1:
0x12: {  	p0 =	sne.s32 s10, $0x0  }
.Ltmp2:
0x13: {  	_ = 	snop;
	(pc) =	sbr.rel @!p0 .LBB2_2-.Ltmp2, $1  }
0x14: {  	_ =	sdelay $0x3  }
0x15: {  	s13 =	sand.u32 $0x1, s10  }
0x16: {  	p0 =	seq.s32 s13, $0x0  }
.Ltmp3:
0x17: {  	_ = 	snop;
	(pc) =	sbr.rel @p0 .LBB2_9-.Ltmp3, $1  }
0x18: {  	_ =	sdelay $0x3  }
0x19: {  	_ =	swait.ge [sflag:s5], $0x80  }
0x1a: {  	[sflag:s5] =	ssyncset.done $0x0  }
0x1b: {  	s13 =	simm.s32 $0x0;
	[sflag:s5] =	ssyncadd.s32 $0xFFFFFF80  }
0x1c: {  	v0 =	vld.msk [tilespmem:s13+$0x80 ss:$0x1], $0xffff;
	_ =	sdelay $0x4  }
0x1d: {  	v1 =	vshll.u32 v0, $0x4  }
0x1e: {  	vm2 =	veq.s32 v0, $0x80000000;
	v0 =	vshll.u32 v0, $0x11;
	v1 =	vand.u32 $0x1FF80, v1  }
0x1f: {  	v0 =	vand.u32 $0xE0000, v0;
	v1 =	vsel vm2, $0xFFFFFF80, v1  }
0x20: {  	v0 =	vsel vm2, $0xFFFE0000, v0;
	v2 =	vand.u32 $0xFFFFFC00, v1  }
0x21: {  	v1 =	vand.u32 $0x380, v1;
	v0 =	vadd.s32 v0, v2  }
0x22: {  	v0 =	vor.u32 v1, v0  }
0x23: {  	v0 =	vshrl.u32 v0, $0x3;
	_ =	sdelay $0x3  }
0x24: {  	s13 =	simm.s32 $0x4100  }
0x25: {  	[tilespmem:s13], [sflag:$0x1] =	stream.indirect_vreg.gather [hbm:s2], $0x80, v0, vm0, $0x38;
	[tilespmem:$0x8100] =	vst v63  }
0x26: {  	s14 =	simm.s32 $0x4500;
	s31 =	simm.s32 $0x10  }
0x27: {  	[tilespmem:s14], [sflag:$0x1] =	stream.indirect_vreg.gather [hbm:s2], $0x80, v0, vm1, $0x38;
	[tilespmem:$0x8100] =	vst v63  }
0x28: {  	s14 =	simm.s32 $0x80;
	v0 =	vld.msk [tilespmem:s31+$0x80 ss:$0x1], $0xffff  }
.LBB2_5:
0x29: {  	p0 =	sne.s32 s14, $0x1C0;
	_ =	sdelay $0x4  }
0x2a: {  	v1 =	vshll.u32 v0, $0x4  }
0x2b: {  	vm2 =	veq.s32 v0, $0x80000000;
	v0 =	vshll.u32 v0, $0x11;
	v1 =	vand.u32 $0x1FF80, v1  }
0x2c: {  	v0 =	vand.u32 $0xE0000, v0;
	v1 =	vsel vm2, $0xFFFFFF80, v1  }
0x2d: {  	v0 =	vsel vm2, $0xFFFE0000, v0;
	v2 =	vand.u32 $0xFFFFFC00, v1  }
0x2e: {  	v1 =	vand.u32 $0x380, v1;
	v0 =	vadd.s32 v0, v2  }
0x2f: {  	v0 =	vor.u32 v1, v0  }
0x30: {  	v0 =	vshrl.u32 v0, $0x3;
	_ =	sdelay $0x3  }
.Ltmp4:
0x31: {  	s13 =	sadd.s32 $0x800, s13;
	(pc) =	sbr.rel @p0 .LBB2_5-.Ltmp4, $4  }
0x32: {  	[tilespmem:s13], [sflag:$0x1] =	stream.indirect_vreg.gather [hbm:s2], $0x80, v0, vm0, $0x38;
	[tilespmem:$0x8100] =	vst v63  }
0x33: {  	s15 =	sshra.s32 s14, $0x2;
	s16 =	sadd.s32 $0x400, s13  }
0x34: {  	[tilespmem:s16], [sflag:$0x1] =	stream.indirect_vreg.gather [hbm:s2], $0x80, v0, vm1, $0x38;
	[tilespmem:$0x8100] =	vst v63  }
0x35: {  	s14 =	sadd.s32 $0x40, s14;
	v0 =	vld.msk [tilespmem:s15+$0x80 ss:$0x1], $0xffff  }
0x36: {  	_ =	sdelay $0x3  }
0x37: {  	v1 =	vshll.u32 v0, $0x4  }
0x38: {  	vm2 =	veq.s32 v0, $0x80000000;
	v63 =	vshll.u32 v0, $0x11;
	v1 =	vand.u32 $0x1FF80, v1  }
0x39: {  	v0 =	vand.u32 $0xE0000, v63;
	v1 =	vsel vm2, $0xFFFFFF80, v1  }
0x3a: {  	v0 =	vsel vm2, $0xFFFE0000, v0;
	v2 =	vand.u32 $0xFFFFFC00, v1  }
0x3b: {  	v1 =	vand.u32 $0x380, v1;
	v0 =	vadd.s32 v0, v2  }
0x3c: {  	v0 =	vor.u32 v1, v0  }
0x3d: {  	v0 =	vshrl.u32 v0, $0x3;
	_ =	sdelay $0x3  }
0x3e: {  	s13 =	sadd.s32 $0x800, s13  }
0x3f: {  	[tilespmem:s13], [sflag:$0x1] =	stream.indirect_vreg.gather [hbm:s2], $0x80, v0, vm0, $0x38;
	[tilespmem:$0x8100] =	vst v63  }
0x40: {  	s13 =	sadd.s32 $0x400, s13  }
0x41: {  	[tilespmem:s13], [sflag:$0x1] =	stream.indirect_vreg.gather [hbm:s2], $0x80, v0, vm1, $0x38;
	[tilespmem:$0x8100] =	vst v63  }
0x42: {  	s12 =	sshll.u32 s12, $0x4;
	s14 =	simm.s32 $0x80;
	_ =	swait.ge [sflag:s4], $0x4000  }
0x43: {  	s15 =	simm.s32 $0x4500;
	s12 =	sadd.s32 s12, s3;
	[sflag:s4] =	ssyncset.done $0x0  }
0x44: {  	s16 =	sadd.s32 $0x0, s12;
	s13 =	simm.s32 $0x4100;
	[sflag:s4] =	ssyncadd.s32 $0xFFFFC000  }
.LBB2_7:
0x45: {  	[hbm:s16] =	stream.linear.scatter [tilespmem:s13], [sflag:$0x3], $0x400, $0x38;
	[tilespmem:$0x8100] =	vst v63  }
0x46: {  	s16 =	smov.u32 s14;
	s13 =	smov.u32 s15;
	p0 =	sne.s32 s14, $0x780  }
.Ltmp5:
0x47: {  	s14 =	sadd.s32 $0x80, s14;
	(pc) =	sbr.rel @p0 .LBB2_7-.Ltmp5, $2  }
0x48: {  	_ =	sdelay $0x2  }
0x49: {  	s15 =	sadd.s32 $0x400, s15;
	s16 =	sadd.s32 s16, s12  }
.Ltmp6:
0x4a: {  	(pc) =	sbr.rel .LBB2_9-.Ltmp6, $2  }
0x4b: {  	_ =	sdelay $0x2  }
0x4c: {  	[hbm:s16] =	stream.linear.scatter [tilespmem:s13], [sflag:$0x3], $0x400, $0x38;
	[tilespmem:$0x8100] =	vst v63  }
.LBB2_2:
.Ltmp7:
0x4d: {  	(pc) =	sbr.rel .LBB2_10-.Ltmp7, $4  }
0x4e: {  	_ = 	snop  }
0x4f: {  	s12 =	sshrl.u32 s11, $0x3  }
0x50: {  	s13 =	sand.u32 $0x7, s11;
	s12 =	sadd.s32 s7, s12  }
0x51: {  	[tilespmem:s9], [sflag:$0x2] =	stream.linear.gather [hbm4b:s12+s13], $0x80, $0x38;
	[tilespmem:$0x8100] =	vst v63  }
.LBB2_11:
0x52: {  	s2 =	simm.s32 $0x3  }
0x53: {  	_ =	swait.ge [sflag:s2], $0x4000  }
0x54: {  	[sflag:s2] =	ssyncset.done $0x0  }
0x55: {  	[sflag:s2] =	ssyncadd.s32 $0xFFFFC000  }
0x56: {  	_ =	sfence.sel $0x180000  }
0x57: {  	s3 =	simm.s32 $0x2;
	[bflag:$0x0] =	sbarrier.arrive $0xFFFF  }
0x58: {  	[sflag:s3] =	ssyncpa.u1 $0x1  }
0x59: {  	s31 =	simm.s32 $0x1;
	[sflag:s2] =	ssyncpa.u1 $0x1  }
0x5a: {  	[sflag:s31] =	ssyncpa.u1 $0x1  }
0x5b: {  	p0 =	sne.s32 s1, $0x0;
	_ =	strace $0x9000004A  }
0x5c: {  	s0 =	sadd.s32 @!p0 $0x100000, s0;
	[bflag:$0x2] =	sbarrier.arrive $0xFFFF  }
0x5d: {  	[sflag:s0] =	ssyncadd.tile.s32 @!p0 $0x1;
	_ =	shalt  }
.Lfunc_end2:
_tile_overlayer_lowered:
.L_overlay_start_2:
0x5e: {  	(tag) =	ssettag $0x2  }
0x5f: {  	s0 =	rddreg [dreg:$0x0];
	s2 =	stileid.u32  }
0x60: {  	s1 =	rddreg [dreg:$0x1];
	p0 =	sne.s32 s2, $0x0  }
0x61: {  	s3 =	rddreg [dreg:$0x2];
	[bflag:$0x3] =	sbarrier.arrive $0xFFFF;
	s2 =	simm.s32 @!p0 $0x1C01  }
0x62: {  	[timem:s3], [sflag:s2] =	dma.local @!p0 [hbm:s0], s1  }
0x63: {  	s0 =	simm.s32 @!p0 $0x1  }
0x64: {  	_ =	swait.ge @!p0 [sflag:s0], s1  }
0x65: {  	s1 =	ssub.s32 @!p0 $0x0, s1;
	[sflag:s0] =	ssyncset.done @!p0 $0x0  }
0x66: {  	[sflag:s0] =	ssyncadd.s32 @!p0 s1  }
0x67: {  	[bflag:$0x3] =	sbarrier.arrive $0xFFFF  }
0x68: {  	_ =	shalt  }

// kernel: gather_offload_async_start.2
scs
__scs_entry_jumppad:
0x0: {  	(pc) =	sbr.rel $0x88, $3  }
0x1: {  	(tag) =	ssettag $0x0;
	lr =	simm.s32 $0x1  }
0x2: {  	[smem:$0x3F97] =	sst lr;
	_ =	strace $0xD0000000  }
0x3: {  	_ = 	snop  }
0x4: {  	_ = 	snop  }
0x5: {  	_ = 	snop  }
0x6: {  	_ = 	snop  }
0x7: {  	_ = 	snop  }
__scs_overlays_trampoline_lowered:
0x8: {  	[smem:$0x3FA6] =	sst s0  }
0x9: {  	[smem:$0x3FA7] =	sst s1  }
0xa: {  	[smem:$0x3FA8] =	sst s2  }
0xb: {  	[smem:$0x3FA9] =	sst s3  }
0xc: {  	[smem:$0x3FAA] =	sst s4  }
0xd: {  	[smem:$0x3FAB] =	sst s5  }
0xe: {  	[smem:$0x3FAC] =	sst s6  }
0xf: {  	[smem:$0x3FAD] =	sst s7  }
0x10: {  	[smem:$0x3FAE] =	sst s8  }
0x11: {  	[smem:$0x3FAF] =	sst s9;
	s0 =	simm.s32 @!p0 $0x0  }
0x12: {  	s1 =	sld [smem:$0x3F95];
	s0 =	simm.s32 @p0 $0x1  }
0x13: {  	[smem:$0x3FB0] =	sst s0;
	s0 =	simm.s32 @!p1 $0x0  }
0x14: {  	s2 =	sld [smem:$0x3F94];
	s0 =	simm.s32 @p1 $0x1  }
0x15: {  	[smem:$0x3FB1] =	sst s0;
	s0 =	simm.s32 @!p2 $0x0  }
0x16: {  	s3 =	sld [smem:$0x3FDB];
	s0 =	simm.s32 @p2 $0x1  }
0x17: {  	s4 =	simm.s32 $0x1BF5;
	[smem:$0x3FB3] =	sst s0  }
0x18: {  	s0 =	sld [smem:$0x3F96];
	_ =	swait.ge [sflag:s4], $0x0  }
0x19: {  	s7 =	sld [smem:$0x3F97]  }
0x1a: {  	s8 =	sadd.s32 $0xFFFFE003, lr  }
0x1b: {  	s9 =	sadd.s32 $0xFFFFFEF7, lr;
	s5 =	simm.s32 $0xFFFFFFFF;
	p2 =	slt.u32 s8, $0xFFFFF086  }
0x1c: {  	p1 =	slt.u32 s9, $0xF7A;
	s5 =	simm.s32 @!p2 $0x0  }
0x1d: {  	s5 =	simm.s32 @p1 $0x1;
	p0 =	seq.s32 s7, s2  }
0x1e: {  	s7 =	smul.u32 @!p0 $0xF7A, s2;
	p2 =	seq.s32 @!p0 s5, $0x0  }
0x1f: {  	s9 =	smul.u32 $0xF7A, s1;
	s8 =	simm.s32 @!p0 $0x1BF5;
	p2 =	por !p2, p0  }
0x20: {  	[sflag:s8] =	ssyncset.s32 @!p0 $0xFFFFF086;
	s6 =	sadd.s32 @!p0 s3, s7;
	s7 =	simm.s32 @!p0 $0x108  }
0x21: {  	s3 =	sadd.s32 s3, s9;
	s6 =	sadd.s32 @!p0 $0x88, s6;
	s7 =	simm.s32 @p2 $0x1082  }
0x22: {  	[simem:s7], [sflag:s8] =	dma.local @!p0 [hbm:s6], $0xF7A  }
0x23: {  	s9 =	sor.u32 $0xD0000000, s2;
	s6 =	simm.s32 $0x108;
	_ =	swait.ge @!p0 [sflag:s8], $0x0  }
0x24: {  	s3 =	sadd.s32 $0x88, s3;
	s6 =	simm.s32 @!p1 $0x1082;
	[sflag:s4] =	ssyncset.s32 $0xFFFFF086  }
0x25: {  	[simem:s6], [sflag:s4] =	dma.local [hbm:s3], $0xF7A  }
0x26: {  	[smem:$0x3F97] =	sst s1;
	(tag) =	ssettag s2;
	_ =	strace s9  }
0x27: {  	s1 =	sld [smem:$0x3FA7]  }
0x28: {  	s2 =	sld [smem:$0x3FA8]  }
0x29: {  	s4 =	sld [smem:$0x3FAA]  }
0x2a: {  	p0 =	seq.s32 s5, $0x0;
	s5 =	sld [smem:$0x3FAB]  }
0x2b: {  	s6 =	sld [smem:$0x3FAC]  }
0x2c: {  	s7 =	sld [smem:$0x3FAD]  }
0x2d: {  	s3 =	simm.s32 $0x108;
	s8 =	sld [smem:$0x3FAE]  }
0x2e: {  	s3 =	simm.s32 @!p0 $0x1082;
	s9 =	sld [smem:$0x3FAF]  }
0x2f: {  	lr =	sadd.s32 s0, s3;
	s0 =	sld [smem:$0x3FA6]  }
0x30: {  	s3 =	sld [smem:$0x3FA9]  }
0x31: {  	[smem:$0x3FB2] =	sst s10  }
0x32: {  	s10 =	sld [smem:$0x3FB0];
	_ =	sdelay $0x3  }
0x33: {  	p0 =	seq.s32 s10, $0x1;
	s10 =	sld [smem:$0x3FB2];
	_ =	sdelay $0x3  }
0x34: {  	[smem:$0x3FB2] =	sst s10  }
0x35: {  	s10 =	sld [smem:$0x3FB1];
	_ =	sdelay $0x3  }
0x36: {  	p1 =	seq.s32 s10, $0x1;
	s10 =	sld [smem:$0x3FB2];
	_ =	sdelay $0x3  }
0x37: {  	[smem:$0x3FB2] =	sst s10  }
0x38: {  	s10 =	sld [smem:$0x3FB3]  }
0x39: {  	_ = 	snop;
	(pc) =	sbr.ind lr, $3  }
0x3a: {  	_ = 	snop  }
0x3b: {  	_ = 	snop  }
0x3c: {  	p2 =	seq.s32 s10, $0x1;
	s10 =	sld [smem:$0x3FB2]  }
0x3d: {  	_ =	shalt  }
0x3e: {  	_ =	shalt  }
0x3f: {  	_ =	shalt  }
0x40: {  	_ =	shalt  }
0x41: {  	_ =	shalt  }
0x42: {  	_ =	shalt  }
0x43: {  	_ =	shalt  }
0x44: {  	_ =	shalt  }
0x45: {  	_ =	shalt  }
0x46: {  	_ =	shalt  }
0x47: {  	_ =	shalt  }
0x48: {  	_ =	shalt  }
0x49: {  	_ =	shalt  }
0x4a: {  	_ =	shalt  }
0x4b: {  	_ =	shalt  }
0x4c: {  	_ =	shalt  }
0x4d: {  	_ =	shalt  }
0x4e: {  	_ =	shalt  }
0x4f: {  	_ =	shalt  }
0x50: {  	_ =	shalt  }
0x51: {  	_ =	shalt  }
0x52: {  	_ =	shalt  }
0x53: {  	_ =	shalt  }
0x54: {  	_ =	shalt  }
0x55: {  	_ =	shalt  }
0x56: {  	_ =	shalt  }
0x57: {  	_ =	shalt  }
0x58: {  	_ =	shalt  }
0x59: {  	_ =	shalt  }
0x5a: {  	_ =	shalt  }
0x5b: {  	_ =	shalt  }
0x5c: {  	_ =	shalt  }
0x5d: {  	_ =	shalt  }
0x5e: {  	_ =	shalt  }
0x5f: {  	_ =	shalt  }
0x60: {  	_ =	shalt  }
0x61: {  	_ =	shalt  }
0x62: {  	_ =	shalt  }
0x63: {  	_ =	shalt  }
0x64: {  	_ =	shalt  }
0x65: {  	_ =	shalt  }
0x66: {  	_ =	shalt  }
0x67: {  	_ =	shalt  }
0x68: {  	_ =	shalt  }
0x69: {  	_ =	shalt  }
0x6a: {  	_ =	shalt  }
0x6b: {  	_ =	shalt  }
0x6c: {  	_ =	shalt  }
0x6d: {  	_ =	shalt  }
0x6e: {  	_ =	shalt  }
0x6f: {  	_ =	shalt  }
0x70: {  	_ =	shalt  }
0x71: {  	_ =	shalt  }
0x72: {  	_ =	shalt  }
0x73: {  	_ =	shalt  }
0x74: {  	_ =	shalt  }
0x75: {  	_ =	shalt  }
0x76: {  	_ =	shalt  }
0x77: {  	_ =	shalt  }
0x78: {  	_ =	shalt  }
0x79: {  	_ =	shalt  }
0x7a: {  	_ =	shalt  }
0x7b: {  	_ =	shalt  }
0x7c: {  	_ =	shalt  }
0x7d: {  	_ =	shalt  }
0x7e: {  	_ =	shalt  }
0x7f: {  	_ =	shalt  }
0x80: {  	_ =	shalt  }
0x81: {  	_ =	shalt  }
0x82: {  	_ =	shalt  }
0x83: {  	_ =	shalt  }
0x84: {  	_ =	shalt  }
0x85: {  	_ =	shalt  }
0x86: {  	_ =	shalt  }
0x87: {  	_ =	shalt  }
.Lfunc_end0:
.L_simem_size_0:
called_computation.2_lowered:
.L_overlay_start_0:
0x88: {  	s2 =	sld [smem:$0x3FD9]  }
0x89: {  	s3 =	sld [smem:$0x3FFE];
	_ =	sdelay $0x1  }
0x8a: {  	s1 =	srdreg.scid  }
0x8b: {  	s0 =	sand.u32 $0x1, s1  }
0x8c: {  	s14 =	sshll.u32 s0, $0xA;
	s2 =	sadd.s32 s3, s2  }
0x8d: {  	s2 =	sadd.s32 s2, s14  }
0x8e: {  	[smem:$0x3FBE] =	sst s2  }
0x8f: {  	_ = 	snop  }
0x90: {  	s2 =	sld [smem:$0x3FD0];
	_ =	sdelay $0x2  }
0x91: {  	s15 =	simm.s32 $0xA;
	s4 =	simm.s32 $0x10  }
0x92: {  	[smem:s4], [sflag:s15] =	dma.local [hbm:s2], $0x1  }
0x93: {  	_ =	swait.eq [sflag:s15], $0x1  }
0x94: {  	[sflag:s15] =	ssyncset.done $0x0  }
0x95: {  	[sflag:s15] =	ssyncadd.s32 $0xFFFFFFFF  }
0x96: {  	s2 =	sadd.s32 $0x1, s2;
	s5 =	sld [smem:$0x17]  }
0x97: {  	[smem:s4], [sflag:s15] =	dma.local [hbm:s2], $0x1  }
0x98: {  	_ =	swait.eq [sflag:s15], $0x1  }
0x99: {  	[sflag:s15] =	ssyncset.done $0x0  }
0x9a: {  	[sflag:s15] =	ssyncadd.s32 $0xFFFFFFFF  }
0x9b: {  	s16 =	sld [smem:$0x10];
	(tm) =	ssettm $0x1  }
0x9c: {  	s17 =	sld [smem:$0x3FFB];
	_ =	sdelay $0x3  }
0x9d: {  	_ =	strace s17  }
0x9e: {  	s3 =	sld [smem:$0x3FFC];
	_ =	sdelay $0x3  }
0x9f: {  	_ =	strace s3  }
0xa0: {  	s3 =	sld [smem:$0x3FFD];
	_ =	sdelay $0x3  }
0xa1: {  	_ =	strace s3  }
0xa2: {  	_ =	strace $0x8FFFFFFF  }
0xa3: {  	s18 =	sld [smem:$0x3FDB];
	_ =	sdelay $0x1  }
0xa4: {  	s19 =	simm.s32 $_scs_section_size  }
0xa5: {  	s6 =	simm.s32 $_size__tile_overlayer_lowered;
	s7 =	simm.s32 $_tile_overlayer_lowered  }
0xa6: {  	s22 =	simm.s32 $0x1BFF;
	s21 =	sshll.u32 s7, $0x1;
	s3 =	sadd.s32 s19, s18  }
0xa7: {  	s8 =	simm.s32 $0x0;
	s20 =	sshll.u32 s6, $0x1;
	s6 =	sadd.s32 s21, s3  }
0xa8: {  	[timem:s8], [sflag:s22] =	dma.local [hbm:s6], s20  }
0xa9: {  	_ =	swait.ge [sflag:s22], s20  }
0xaa: {  	s4 =	ssub.s32 $0x0, s20;
	[sflag:s22] =	ssyncset.done $0x0  }
0xab: {  	[sflag:s22] =	ssyncadd.s32 s4;
	_ =	sdelay $0x1  }
0xac: {  	s23 =	simm.s32 $0x1B8B  }
0xad: {  	_ =	swait.ge [sflag:s23], $0x1  }
0xae: {  	[sflag:s23] =	ssyncset.done $0x0  }
0xaf: {  	s25 =	simm.s32 $0x1B8E;
	s24 =	sld [smem:$0x3FFE];
	[sflag:s23] =	ssyncadd.s32 $0xFFFFFFFF  }
0xb0: {  	s26 =	simm.s32 $execute0_lowered;
	[smem:$0x3FD2] =	sst s25  }
0xb1: {  	s6 =	sshll.u32 s26, $0x1;
	_ =	strace $0x8000004C;
	[dreg:$0x1] =	wrdreg $0xFFFFFFFF  }
0xb2: {  	s28 =	simm.s32 $_size_execute0_lowered;
	s3 =	sadd.s32 s3, s6;
	[dreg:$0x0] =	wrdreg $0x0  }
0xb3: {  	s6 =	sshll.u32 s28, $0x1;
	[dreg:$0x2] =	wrdreg s3  }
0xb4: {  	[dreg:$0x3] =	wrdreg s6  }
0xb5: {  	[dreg:$0x4] =	wrdreg $0xC0  }
0xb6: {  	_ =	task [dreg:s8], $0x5FFFF  }
0xb7: {  	[dreg:$0x1] =	wrdreg $0xFFFFFFFF  }
0xb8: {  	[dreg:$0x0] =	wrdreg $0x60  }
0xb9: {  	[dreg:$0x2] =	wrdreg s5  }
0xba: {  	[dreg:$0x3] =	wrdreg s24  }
0xbb: {  	[dreg:$0x4] =	wrdreg s16  }
0xbc: {  	[dreg:$0x5] =	wrdreg $0x9  }
0xbd: {  	_ =	task.clear_ibuf [dreg:s8], $0x6FFFF;
	_ =	strace $0x9000004C  }
0xbe: {  	s29 =	simm.s32 $0x9;
	_ =	strace $0x8000004E  }
0xbf: {  	_ =	swait.ge [sflag:s29], $0x1  }
0xc0: {  	[sflag:s29] =	ssyncadd.s32 $0xFFFFFFFF  }
0xc1: {  	_ =	strace $0x9000004E  }
0xc2: {  	_ =	sfence  }
0xc3: {  	s30 =	sld [smem:$0x0];
	_ =	sdelay $0x2  }
0xc4: {  	s31 =	sshll.u32 s1, $0xD;
	s1 =	sshrl.u32 s1, $0x2  }
0xc5: {  	s3 =	sand.u32 $0x4000, s31;
	s1 =	sadd.s32 s1, s30  }
0xc6: {  	s0 =	sor.u32 s3, s0;
	s1 =	sshll.u32 s1, $0x11  }
0xc7: {  	s0 =	sor.u32 s1, s0  }
0xc8: {  	s0 =	sadd.s32 $0x8F2B, s0  }
0xc9: {  	[sflag:s0] =	ssyncadd.remote.s32 $0x1  }
0xca: {  	_ =	sfence.sel $0xFFFF  }
0xcb: {  	[dreg:$0x0] =	wrdreg $0xFFFFFFFF;
	(pc) =	sbr.abs _section_cstart, $3  }
0xcc: {  	[dreg:$0x1] =	wrdreg $0xFFFFFFFF  }
0xcd: {  	_ =	task.clear_ibuf [dreg:s8], $0x2FFFF;
	_ =	strace $0x9FFFFFFF  }
0xce: {  	(tm) =	ssettm $0x7FFFFFFF  }
0xcf: {  	_ =	shalt  }
tec
execute0_lowered:
.L_overlay_start_1:
0x0: {  	(tag) =	ssettag $0x1  }
0x1: {  	s2 =	rddreg [dreg:$0x0]  }
0x2: {  	s7 =	rddreg [dreg:$0x1]  }
0x3: {  	s3 =	rddreg [dreg:$0x2]  }
0x4: {  	s0 =	rddreg [dreg:$0x3];
	s1 =	srdreg.scid;
	_ =	strace $0x8000004D  }
0x5: {  	s4 =	simm.s32 $0x1;
	s9 =	simm.s32 $0x3;
	s5 =	sshll.u32 s1, $0x4  }
.Ltmp0:
0x6: {  	s1 =	stileid.u32;
	s5 =	sand.u32 $0x10, s5;
	(pc) =	sbr.rel .LBB2_1-.Ltmp0, $4  }
0x7: {  	s12 =	simm.s32 $0x0;
	s10 =	simm.s32 $0x0;
	s6 =	sor.u32 s1, s5  }
0x8: {  	[sflag:s4] =	ssyncpa.u1 $0x0;
	s5 =	simm.s32 $0x2;
	s6 =	sshll.u32 s6, $0x6  }
0x9: {  	s7 =	sadd.s32 $0x5E00, s7;
	[sflag:s5] =	ssyncpa.u1 $0x0;
	s8 =	sadd.s32 $0x40, s6  }
0xa: {  	vm0 =	vmmov $0xff;
	vm1 =	vcmask $0x3F20;
	[sflag:s9] =	ssyncpa.u1 $0x0;
	s9 =	simm.s32 $0x40;
	s11 =	smov.u32 s6  }
.LBB2_9:
0xb: {  	p0 =	seq.s32 s10, $0x2  }
.Ltmp1:
0xc: {  	_ = 	snop;
	(pc) =	sbr.rel @p0 .LBB2_11-.Ltmp1, $1  }
0xd: {  	_ =	sdelay $0x3  }
.LBB2_10:
0xe: {  	s12 =	sadd.s32 $0x40, s11  }
0xf: {  	s13 =	smov.u32 s6;
	p0 =	slt.s32 s12, s8  }
0x10: {  	s13 =	smov.u32 @p0 s12  }
0x11: {  	s10 =	sadd.s32 $0x1, s10;
	s12 =	smov.u32 s11;
	s11 =	smov.u32 s13  }
.LBB2_1:
0x12: {  	p0 =	sne.s32 s10, $0x0  }
.Ltmp2:
0x13: {  	_ = 	snop;
	(pc) =	sbr.rel @!p0 .LBB2_2-.Ltmp2, $1  }
0x14: {  	_ =	sdelay $0x3  }
0x15: {  	s13 =	sand.u32 $0x1, s10  }
0x16: {  	p0 =	seq.s32 s13, $0x0  }
.Ltmp3:
0x17: {  	_ = 	snop;
	(pc) =	sbr.rel @p0 .LBB2_9-.Ltmp3, $1  }
0x18: {  	_ =	sdelay $0x3  }
0x19: {  	_ =	swait.ge [sflag:s5], $0x40  }
0x1a: {  	[sflag:s5] =	ssyncset.done $0x0  }
0x1b: {  	s13 =	simm.s32 $0x0;
	[sflag:s5] =	ssyncadd.s32 $0xFFFFFFC0  }
0x1c: {  	v0 =	vld.msk [tilespmem:s13+$0x40 ss:$0x1], $0xffff;
	_ =	sdelay $0x4  }
0x1d: {  	v1 =	vshll.u32 v0, $0x4  }
0x1e: {  	vm2 =	veq.s32 v0, $0x80000000;
	v0 =	vshll.u32 v0, $0x10;
	v1 =	vand.u32 $0xFF80, v1  }
0x1f: {  	v0 =	vand.u32 $0x70000, v0;
	v1 =	vsel vm2, $0xFFFFFF80, v1  }
0x20: {  	v0 =	vsel vm2, $0xFFFF0000, v0;
	v2 =	vand.u32 $0xFFFFFC00, v1  }
0x21: {  	v1 =	vand.u32 $0x380, v1;
	v0 =	vadd.s32 v0, v2  }
0x22: {  	v0 =	vor.u32 v1, v0  }
0x23: {  	v0 =	vshrl.u32 v0, $0x3;
	_ =	sdelay $0x3  }
0x24: {  	s13 =	simm.s32 $0x2080  }
0x25: {  	[tilespmem:s13], [sflag:$0x1] =	stream.indirect_vreg.gather [hbm:s2], $0x80, v0, vm0, $0x38;
	[tilespmem:$0x4080] =	vst v63  }
0x26: {  	s14 =	simm.s32 $0x2480;
	s31 =	simm.s32 $0x10  }
0x27: {  	[tilespmem:s14], [sflag:$0x1] =	stream.indirect_vreg.gather [hbm:s2], $0x80, v0, vm1, $0x38;
	[tilespmem:$0x4080] =	vst v63  }
0x28: {  	s14 =	simm.s32 $0x80;
	v0 =	vld.msk [tilespmem:s31+$0x40 ss:$0x1], $0xffff  }
.LBB2_5:
0x29: {  	p0 =	sne.s32 s14, $0xC0;
	_ =	sdelay $0x4  }
0x2a: {  	v1 =	vshll.u32 v0, $0x4  }
0x2b: {  	vm2 =	veq.s32 v0, $0x80000000;
	v0 =	vshll.u32 v0, $0x10;
	v1 =	vand.u32 $0xFF80, v1  }
0x2c: {  	v0 =	vand.u32 $0x70000, v0;
	v1 =	vsel vm2, $0xFFFFFF80, v1  }
0x2d: {  	v0 =	vsel vm2, $0xFFFF0000, v0;
	v2 =	vand.u32 $0xFFFFFC00, v1  }
0x2e: {  	v1 =	vand.u32 $0x380, v1;
	v0 =	vadd.s32 v0, v2  }
0x2f: {  	v0 =	vor.u32 v1, v0  }
0x30: {  	v0 =	vshrl.u32 v0, $0x3;
	_ =	sdelay $0x3  }
.Ltmp4:
0x31: {  	s13 =	sadd.s32 $0x800, s13;
	(pc) =	sbr.rel @p0 .LBB2_5-.Ltmp4, $4  }
0x32: {  	[tilespmem:s13], [sflag:$0x1] =	stream.indirect_vreg.gather [hbm:s2], $0x80, v0, vm0, $0x38;
	[tilespmem:$0x4080] =	vst v63  }
0x33: {  	s15 =	sshra.s32 s14, $0x2;
	s16 =	sadd.s32 $0x400, s13  }
0x34: {  	[tilespmem:s16], [sflag:$0x1] =	stream.indirect_vreg.gather [hbm:s2], $0x80, v0, vm1, $0x38;
	[tilespmem:$0x4080] =	vst v63  }
0x35: {  	s14 =	sadd.s32 $0x40, s14;
	v0 =	vld.msk [tilespmem:s15+$0x40 ss:$0x1], $0xffff  }
0x36: {  	_ =	sdelay $0x3  }
0x37: {  	v1 =	vshll.u32 v0, $0x4  }
0x38: {  	vm2 =	veq.s32 v0, $0x80000000;
	v63 =	vshll.u32 v0, $0x10;
	v1 =	vand.u32 $0xFF80, v1  }
0x39: {  	v0 =	vand.u32 $0x70000, v63;
	v1 =	vsel vm2, $0xFFFFFF80, v1  }
0x3a: {  	v0 =	vsel vm2, $0xFFFF0000, v0;
	v2 =	vand.u32 $0xFFFFFC00, v1  }
0x3b: {  	v1 =	vand.u32 $0x380, v1;
	v0 =	vadd.s32 v0, v2  }
0x3c: {  	v0 =	vor.u32 v1, v0  }
0x3d: {  	v0 =	vshrl.u32 v0, $0x3;
	_ =	sdelay $0x3  }
0x3e: {  	s13 =	sadd.s32 $0x800, s13  }
0x3f: {  	[tilespmem:s13], [sflag:$0x1] =	stream.indirect_vreg.gather [hbm:s2], $0x80, v0, vm0, $0x38;
	[tilespmem:$0x4080] =	vst v63  }
0x40: {  	s13 =	sadd.s32 $0x400, s13  }
0x41: {  	[tilespmem:s13], [sflag:$0x1] =	stream.indirect_vreg.gather [hbm:s2], $0x80, v0, vm1, $0x38;
	[tilespmem:$0x4080] =	vst v63  }
0x42: {  	s12 =	sshll.u32 s12, $0x4;
	s14 =	simm.s32 $0x80;
	_ =	swait.ge [sflag:s4], $0x2000  }
0x43: {  	s15 =	simm.s32 $0x2480;
	s12 =	sadd.s32 s12, s3;
	[sflag:s4] =	ssyncset.done $0x0  }
0x44: {  	s16 =	sadd.s32 $0x0, s12;
	s13 =	simm.s32 $0x2080;
	[sflag:s4] =	ssyncadd.s32 $0xFFFFE000  }
.LBB2_7:
0x45: {  	[hbm:s16] =	stream.linear.scatter [tilespmem:s13], [sflag:$0x3], $0x400, $0x38;
	[tilespmem:$0x4080] =	vst v63  }
0x46: {  	s16 =	smov.u32 s14;
	s13 =	smov.u32 s15;
	p0 =	sne.s32 s14, $0x380  }
.Ltmp5:
0x47: {  	s14 =	sadd.s32 $0x80, s14;
	(pc) =	sbr.rel @p0 .LBB2_7-.Ltmp5, $2  }
0x48: {  	_ =	sdelay $0x2  }
0x49: {  	s15 =	sadd.s32 $0x400, s15;
	s16 =	sadd.s32 s16, s12  }
.Ltmp6:
0x4a: {  	(pc) =	sbr.rel .LBB2_9-.Ltmp6, $2  }
0x4b: {  	_ =	sdelay $0x2  }
0x4c: {  	[hbm:s16] =	stream.linear.scatter [tilespmem:s13], [sflag:$0x3], $0x400, $0x38;
	[tilespmem:$0x4080] =	vst v63  }
.LBB2_2:
.Ltmp7:
0x4d: {  	(pc) =	sbr.rel .LBB2_10-.Ltmp7, $4  }
0x4e: {  	_ = 	snop  }
0x4f: {  	s12 =	sshrl.u32 s11, $0x3  }
0x50: {  	s13 =	sand.u32 $0x7, s11;
	s12 =	sadd.s32 s7, s12  }
0x51: {  	[tilespmem:s9], [sflag:$0x2] =	stream.linear.gather [hbm4b:s12+s13], $0x40, $0x38;
	[tilespmem:$0x4080] =	vst v63  }
.LBB2_11:
0x52: {  	s2 =	simm.s32 $0x3  }
0x53: {  	_ =	swait.ge [sflag:s2], $0x2000  }
0x54: {  	[sflag:s2] =	ssyncset.done $0x0  }
0x55: {  	[sflag:s2] =	ssyncadd.s32 $0xFFFFE000  }
0x56: {  	_ =	sfence.sel $0x180000  }
0x57: {  	s3 =	simm.s32 $0x2;
	[bflag:$0x0] =	sbarrier.arrive $0xFFFF  }
0x58: {  	[sflag:s3] =	ssyncpa.u1 $0x1  }
0x59: {  	s31 =	simm.s32 $0x1;
	[sflag:s2] =	ssyncpa.u1 $0x1  }
0x5a: {  	[sflag:s31] =	ssyncpa.u1 $0x1  }
0x5b: {  	p0 =	sne.s32 s1, $0x0;
	_ =	strace $0x9000004D  }
0x5c: {  	s0 =	sadd.s32 @!p0 $0x100000, s0;
	[bflag:$0x2] =	sbarrier.arrive $0xFFFF  }
0x5d: {  	[sflag:s0] =	ssyncadd.tile.s32 @!p0 $0x1;
	_ =	shalt  }
.Lfunc_end2:
_tile_overlayer_lowered:
.L_overlay_start_2:
0x5e: {  	(tag) =	ssettag $0x2  }
0x5f: {  	s0 =	rddreg [dreg:$0x0];
	s2 =	stileid.u32  }
0x60: {  	s1 =	rddreg [dreg:$0x1];
	p0 =	sne.s32 s2, $0x0  }
0x61: {  	s3 =	rddreg [dreg:$0x2];
	[bflag:$0x3] =	sbarrier.arrive $0xFFFF;
	s2 =	simm.s32 @!p0 $0x1C01  }
0x62: {  	[timem:s3], [sflag:s2] =	dma.local @!p0 [hbm:s0], s1  }
0x63: {  	s0 =	simm.s32 @!p0 $0x1  }
0x64: {  	_ =	swait.ge @!p0 [sflag:s0], s1  }
0x65: {  	s1 =	ssub.s32 @!p0 $0x0, s1;
	[sflag:s0] =	ssyncset.done @!p0 $0x0  }
0x66: {  	[sflag:s0] =	ssyncadd.s32 @!p0 s1  }
0x67: {  	[bflag:$0x3] =	sbarrier.arrive $0xFFFF  }
0x68: {  	_ =	shalt  }

// kernel: gather_offload_async_start.3
scs
__scs_entry_jumppad:
0x0: {  	(pc) =	sbr.rel $0x88, $3  }
0x1: {  	(tag) =	ssettag $0x0;
	lr =	simm.s32 $0x1  }
0x2: {  	[smem:$0x3F97] =	sst lr;
	_ =	strace $0xD0000000  }
0x3: {  	_ = 	snop  }
0x4: {  	_ = 	snop  }
0x5: {  	_ = 	snop  }
0x6: {  	_ = 	snop  }
0x7: {  	_ = 	snop  }
__scs_overlays_trampoline_lowered:
0x8: {  	[smem:$0x3FA6] =	sst s0  }
0x9: {  	[smem:$0x3FA7] =	sst s1  }
0xa: {  	[smem:$0x3FA8] =	sst s2  }
0xb: {  	[smem:$0x3FA9] =	sst s3  }
0xc: {  	[smem:$0x3FAA] =	sst s4  }
0xd: {  	[smem:$0x3FAB] =	sst s5  }
0xe: {  	[smem:$0x3FAC] =	sst s6  }
0xf: {  	[smem:$0x3FAD] =	sst s7  }
0x10: {  	[smem:$0x3FAE] =	sst s8  }
0x11: {  	[smem:$0x3FAF] =	sst s9;
	s0 =	simm.s32 @!p0 $0x0  }
0x12: {  	s1 =	sld [smem:$0x3F95];
	s0 =	simm.s32 @p0 $0x1  }
0x13: {  	[smem:$0x3FB0] =	sst s0;
	s0 =	simm.s32 @!p1 $0x0  }
0x14: {  	s2 =	sld [smem:$0x3F94];
	s0 =	simm.s32 @p1 $0x1  }
0x15: {  	[smem:$0x3FB1] =	sst s0;
	s0 =	simm.s32 @!p2 $0x0  }
0x16: {  	s3 =	sld [smem:$0x3FDB];
	s0 =	simm.s32 @p2 $0x1  }
0x17: {  	s4 =	simm.s32 $0x1BF5;
	[smem:$0x3FB3] =	sst s0  }
0x18: {  	s0 =	sld [smem:$0x3F96];
	_ =	swait.ge [sflag:s4], $0x0  }
0x19: {  	s7 =	sld [smem:$0x3F97]  }
0x1a: {  	s8 =	sadd.s32 $0xFFFFE003, lr  }
0x1b: {  	s9 =	sadd.s32 $0xFFFFFEF7, lr;
	s5 =	simm.s32 $0xFFFFFFFF;
	p2 =	slt.u32 s8, $0xFFFFF086  }
0x1c: {  	p1 =	slt.u32 s9, $0xF7A;
	s5 =	simm.s32 @!p2 $0x0  }
0x1d: {  	s5 =	simm.s32 @p1 $0x1;
	p0 =	seq.s32 s7, s2  }
0x1e: {  	s7 =	smul.u32 @!p0 $0xF7A, s2;
	p2 =	seq.s32 @!p0 s5, $0x0  }
0x1f: {  	s9 =	smul.u32 $0xF7A, s1;
	s8 =	simm.s32 @!p0 $0x1BF5;
	p2 =	por !p2, p0  }
0x20: {  	[sflag:s8] =	ssyncset.s32 @!p0 $0xFFFFF086;
	s6 =	sadd.s32 @!p0 s3, s7;
	s7 =	simm.s32 @!p0 $0x108  }
0x21: {  	s3 =	sadd.s32 s3, s9;
	s6 =	sadd.s32 @!p0 $0x88, s6;
	s7 =	simm.s32 @p2 $0x1082  }
0x22: {  	[simem:s7], [sflag:s8] =	dma.local @!p0 [hbm:s6], $0xF7A  }
0x23: {  	s9 =	sor.u32 $0xD0000000, s2;
	s6 =	simm.s32 $0x108;
	_ =	swait.ge @!p0 [sflag:s8], $0x0  }
0x24: {  	s3 =	sadd.s32 $0x88, s3;
	s6 =	simm.s32 @!p1 $0x1082;
	[sflag:s4] =	ssyncset.s32 $0xFFFFF086  }
0x25: {  	[simem:s6], [sflag:s4] =	dma.local [hbm:s3], $0xF7A  }
0x26: {  	[smem:$0x3F97] =	sst s1;
	(tag) =	ssettag s2;
	_ =	strace s9  }
0x27: {  	s1 =	sld [smem:$0x3FA7]  }
0x28: {  	s2 =	sld [smem:$0x3FA8]  }
0x29: {  	s4 =	sld [smem:$0x3FAA]  }
0x2a: {  	p0 =	seq.s32 s5, $0x0;
	s5 =	sld [smem:$0x3FAB]  }
0x2b: {  	s6 =	sld [smem:$0x3FAC]  }
0x2c: {  	s7 =	sld [smem:$0x3FAD]  }
0x2d: {  	s3 =	simm.s32 $0x108;
	s8 =	sld [smem:$0x3FAE]  }
0x2e: {  	s3 =	simm.s32 @!p0 $0x1082;
	s9 =	sld [smem:$0x3FAF]  }
0x2f: {  	lr =	sadd.s32 s0, s3;
	s0 =	sld [smem:$0x3FA6]  }
0x30: {  	s3 =	sld [smem:$0x3FA9]  }
0x31: {  	[smem:$0x3FB2] =	sst s10  }
0x32: {  	s10 =	sld [smem:$0x3FB0];
	_ =	sdelay $0x3  }
0x33: {  	p0 =	seq.s32 s10, $0x1;
	s10 =	sld [smem:$0x3FB2];
	_ =	sdelay $0x3  }
0x34: {  	[smem:$0x3FB2] =	sst s10  }
0x35: {  	s10 =	sld [smem:$0x3FB1];
	_ =	sdelay $0x3  }
0x36: {  	p1 =	seq.s32 s10, $0x1;
	s10 =	sld [smem:$0x3FB2];
	_ =	sdelay $0x3  }
0x37: {  	[smem:$0x3FB2] =	sst s10  }
0x38: {  	s10 =	sld [smem:$0x3FB3]  }
0x39: {  	_ = 	snop;
	(pc) =	sbr.ind lr, $3  }
0x3a: {  	_ = 	snop  }
0x3b: {  	_ = 	snop  }
0x3c: {  	p2 =	seq.s32 s10, $0x1;
	s10 =	sld [smem:$0x3FB2]  }
0x3d: {  	_ =	shalt  }
0x3e: {  	_ =	shalt  }
0x3f: {  	_ =	shalt  }
0x40: {  	_ =	shalt  }
0x41: {  	_ =	shalt  }
0x42: {  	_ =	shalt  }
0x43: {  	_ =	shalt  }
0x44: {  	_ =	shalt  }
0x45: {  	_ =	shalt  }
0x46: {  	_ =	shalt  }
0x47: {  	_ =	shalt  }
0x48: {  	_ =	shalt  }
0x49: {  	_ =	shalt  }
0x4a: {  	_ =	shalt  }
0x4b: {  	_ =	shalt  }
0x4c: {  	_ =	shalt  }
0x4d: {  	_ =	shalt  }
0x4e: {  	_ =	shalt  }
0x4f: {  	_ =	shalt  }
0x50: {  	_ =	shalt  }
0x51: {  	_ =	shalt  }
0x52: {  	_ =	shalt  }
0x53: {  	_ =	shalt  }
0x54: {  	_ =	shalt  }
0x55: {  	_ =	shalt  }
0x56: {  	_ =	shalt  }
0x57: {  	_ =	shalt  }
0x58: {  	_ =	shalt  }
0x59: {  	_ =	shalt  }
0x5a: {  	_ =	shalt  }
0x5b: {  	_ =	shalt  }
0x5c: {  	_ =	shalt  }
0x5d: {  	_ =	shalt  }
0x5e: {  	_ =	shalt  }
0x5f: {  	_ =	shalt  }
0x60: {  	_ =	shalt  }
0x61: {  	_ =	shalt  }
0x62: {  	_ =	shalt  }
0x63: {  	_ =	shalt  }
0x64: {  	_ =	shalt  }
0x65: {  	_ =	shalt  }
0x66: {  	_ =	shalt  }
0x67: {  	_ =	shalt  }
0x68: {  	_ =	shalt  }
0x69: {  	_ =	shalt  }
0x6a: {  	_ =	shalt  }
0x6b: {  	_ =	shalt  }
0x6c: {  	_ =	shalt  }
0x6d: {  	_ =	shalt  }
0x6e: {  	_ =	shalt  }
0x6f: {  	_ =	shalt  }
0x70: {  	_ =	shalt  }
0x71: {  	_ =	shalt  }
0x72: {  	_ =	shalt  }
0x73: {  	_ =	shalt  }
0x74: {  	_ =	shalt  }
0x75: {  	_ =	shalt  }
0x76: {  	_ =	shalt  }
0x77: {  	_ =	shalt  }
0x78: {  	_ =	shalt  }
0x79: {  	_ =	shalt  }
0x7a: {  	_ =	shalt  }
0x7b: {  	_ =	shalt  }
0x7c: {  	_ =	shalt  }
0x7d: {  	_ =	shalt  }
0x7e: {  	_ =	shalt  }
0x7f: {  	_ =	shalt  }
0x80: {  	_ =	shalt  }
0x81: {  	_ =	shalt  }
0x82: {  	_ =	shalt  }
0x83: {  	_ =	shalt  }
0x84: {  	_ =	shalt  }
0x85: {  	_ =	shalt  }
0x86: {  	_ =	shalt  }
0x87: {  	_ =	shalt  }
.Lfunc_end0:
.L_simem_size_0:
called_computation.3_lowered:
.L_overlay_start_0:
0x88: {  	s2 =	sld [smem:$0x3FD9]  }
0x89: {  	s3 =	sld [smem:$0x3FFE];
	_ =	sdelay $0x1  }
0x8a: {  	s1 =	srdreg.scid  }
0x8b: {  	s0 =	sand.u32 $0x1, s1  }
0x8c: {  	s14 =	sshll.u32 s0, $0xA;
	s2 =	sadd.s32 s3, s2  }
0x8d: {  	s2 =	sadd.s32 s2, s14  }
0x8e: {  	[smem:$0x3FBE] =	sst s2  }
0x8f: {  	_ = 	snop  }
0x90: {  	s2 =	sld [smem:$0x3FD0];
	_ =	sdelay $0x3  }
0x91: {  	s15 =	simm.s32 $0xA;
	s4 =	simm.s32 $0x10;
	s2 =	sadd.s32 $0x1, s2  }
0x92: {  	[smem:s4], [sflag:s15] =	dma.local [hbm:s2], $0x1  }
0x93: {  	_ =	swait.eq [sflag:s15], $0x1  }
0x94: {  	[sflag:s15] =	ssyncset.done $0x0  }
0x95: {  	[sflag:s15] =	ssyncadd.s32 $0xFFFFFFFF  }
0x96: {  	s16 =	sld [smem:$0x10];
	(tm) =	ssettm $0x1  }
0x97: {  	s17 =	sld [smem:$0x3FFB];
	_ =	sdelay $0x3  }
0x98: {  	_ =	strace s17  }
0x99: {  	s3 =	sld [smem:$0x3FFC];
	_ =	sdelay $0x3  }
0x9a: {  	_ =	strace s3  }
0x9b: {  	s3 =	sld [smem:$0x3FFD];
	_ =	sdelay $0x3  }
0x9c: {  	_ =	strace s3  }
0x9d: {  	_ =	strace $0x8FFFFFFF  }
0x9e: {  	s18 =	sld [smem:$0x3FDB];
	_ =	sdelay $0x1  }
0x9f: {  	s19 =	simm.s32 $_scs_section_size  }
0xa0: {  	s5 =	simm.s32 $_size__tile_overlayer_lowered;
	s6 =	simm.s32 $_tile_overlayer_lowered  }
0xa1: {  	s22 =	simm.s32 $0x1BFF;
	s21 =	sshll.u32 s6, $0x1;
	s3 =	sadd.s32 s19, s18  }
0xa2: {  	s7 =	simm.s32 $0x0;
	s20 =	sshll.u32 s5, $0x1;
	s5 =	sadd.s32 s21, s3  }
0xa3: {  	[timem:s7], [sflag:s22] =	dma.local [hbm:s5], s20  }
0xa4: {  	_ =	swait.ge [sflag:s22], s20  }
0xa5: {  	s4 =	ssub.s32 $0x0, s20;
	[sflag:s22] =	ssyncset.done $0x0  }
0xa6: {  	[sflag:s22] =	ssyncadd.s32 s4;
	_ =	sdelay $0x1  }
0xa7: {  	s23 =	simm.s32 $0x1B8B  }
0xa8: {  	_ =	swait.ge [sflag:s23], $0x1  }
0xa9: {  	[sflag:s23] =	ssyncset.done $0x0  }
0xaa: {  	s25 =	simm.s32 $0x1B8E;
	s24 =	sld [smem:$0x3FFE];
	[sflag:s23] =	ssyncadd.s32 $0xFFFFFFFF  }
0xab: {  	s26 =	simm.s32 $execute0_lowered;
	[smem:$0x3FD2] =	sst s25  }
0xac: {  	s5 =	sshll.u32 s26, $0x1;
	_ =	strace $0x8000004F;
	[dreg:$0x1] =	wrdreg $0xFFFFFFFF  }
0xad: {  	s28 =	simm.s32 $_size_execute0_lowered;
	s3 =	sadd.s32 s3, s5;
	[dreg:$0x0] =	wrdreg $0x0  }
0xae: {  	s5 =	sshll.u32 s28, $0x1;
	[dreg:$0x2] =	wrdreg s3  }
0xaf: {  	[dreg:$0x3] =	wrdreg s5  }
0xb0: {  	[dreg:$0x4] =	wrdreg $0xC0  }
0xb1: {  	_ =	task [dreg:s7], $0x5FFFF  }
0xb2: {  	[dreg:$0x1] =	wrdreg $0xFFFFFFFF  }
0xb3: {  	[dreg:$0x0] =	wrdreg $0x60  }
0xb4: {  	[dreg:$0x2] =	wrdreg s24  }
0xb5: {  	[dreg:$0x3] =	wrdreg s16  }
0xb6: {  	[dreg:$0x4] =	wrdreg $0x9  }
0xb7: {  	_ =	task.clear_ibuf [dreg:s7], $0x5FFFF;
	_ =	strace $0x9000004F  }
0xb8: {  	s29 =	simm.s32 $0x9;
	_ =	strace $0x80000051  }
0xb9: {  	_ =	swait.ge [sflag:s29], $0x1  }
0xba: {  	[sflag:s29] =	ssyncadd.s32 $0xFFFFFFFF  }
0xbb: {  	_ =	strace $0x90000051  }
0xbc: {  	_ =	sfence  }
0xbd: {  	s30 =	sld [smem:$0x0];
	_ =	sdelay $0x2  }
0xbe: {  	s31 =	sshll.u32 s1, $0xD;
	s1 =	sshrl.u32 s1, $0x2  }
0xbf: {  	s3 =	sand.u32 $0x4000, s31;
	s1 =	sadd.s32 s1, s30  }
0xc0: {  	s0 =	sor.u32 s3, s0;
	s1 =	sshll.u32 s1, $0x11  }
0xc1: {  	s0 =	sor.u32 s1, s0  }
0xc2: {  	s0 =	sadd.s32 $0x8F2B, s0  }
0xc3: {  	[sflag:s0] =	ssyncadd.remote.s32 $0x1  }
0xc4: {  	_ =	sfence.sel $0xFFFF  }
0xc5: {  	[dreg:$0x0] =	wrdreg $0xFFFFFFFF;
	(pc) =	sbr.abs _section_cstart, $3  }
0xc6: {  	[dreg:$0x1] =	wrdreg $0xFFFFFFFF  }
0xc7: {  	_ =	task.clear_ibuf [dreg:s7], $0x2FFFF;
	_ =	strace $0x9FFFFFFF  }
0xc8: {  	(tm) =	ssettm $0x7FFFFFFF  }
0xc9: {  	_ =	shalt  }
tec
execute0_lowered:
.L_overlay_start_1:
0x0: {  	(tag) =	ssettag $0x1  }
0x1: {  	s7 =	rddreg [dreg:$0x0]  }
0x2: {  	s2 =	rddreg [dreg:$0x1]  }
0x3: {  	s0 =	rddreg [dreg:$0x2]  }
0x4: {  	s1 =	srdreg.scid;
	_ =	strace $0x80000050;
	s4 =	simm.s32 $0x1  }
0x5: {  	s9 =	simm.s32 $0x3;
	s12 =	simm.s32 $0x0;
	s5 =	sshll.u32 s1, $0x4  }
.Ltmp0:
0x6: {  	s1 =	stileid.u32;
	s5 =	sand.u32 $0x10, s5;
	(pc) =	sbr.rel .LBB2_1-.Ltmp0, $4  }
0x7: {  	s10 =	simm.s32 $0x0;
	s3 =	sadd.s32 $0x44C00, s7;
	s6 =	sor.u32 s1, s5  }
0x8: {  	[sflag:s4] =	ssyncpa.u1 $0x0;
	s5 =	simm.s32 $0x2;
	s6 =	sshll.u32 s6, $0x8  }
0x9: {  	s7 =	sadd.s32 $0x44600, s7;
	[sflag:s5] =	ssyncpa.u1 $0x0;
	s8 =	sadd.s32 $0x100, s6  }
0xa: {  	vm0 =	vmmov $0xff;
	vm1 =	vcmask $0x3F20;
	[sflag:s9] =	ssyncpa.u1 $0x0;
	s9 =	simm.s32 $0x100;
	s11 =	smov.u32 s6  }
.LBB2_9:
0xb: {  	p0 =	seq.s32 s10, $0x2  }
.Ltmp1:
0xc: {  	_ = 	snop;
	(pc) =	sbr.rel @p0 .LBB2_11-.Ltmp1, $1  }
0xd: {  	_ =	sdelay $0x3  }
.LBB2_10:
0xe: {  	s12 =	sadd.s32 $0x100, s11  }
0xf: {  	s13 =	smov.u32 s6;
	p0 =	slt.s32 s12, s8  }
0x10: {  	s13 =	smov.u32 @p0 s12  }
0x11: {  	s10 =	sadd.s32 $0x1, s10;
	s12 =	smov.u32 s11;
	s11 =	smov.u32 s13  }
.LBB2_1:
0x12: {  	p0 =	sne.s32 s10, $0x0  }
.Ltmp2:
0x13: {  	_ = 	snop;
	(pc) =	sbr.rel @!p0 .LBB2_2-.Ltmp2, $1  }
0x14: {  	_ =	sdelay $0x3  }
0x15: {  	s13 =	sand.u32 $0x1, s10  }
0x16: {  	p0 =	seq.s32 s13, $0x0  }
.Ltmp3:
0x17: {  	_ = 	snop;
	(pc) =	sbr.rel @p0 .LBB2_9-.Ltmp3, $1  }
0x18: {  	_ =	sdelay $0x3  }
0x19: {  	_ =	swait.ge [sflag:s5], $0x100  }
0x1a: {  	[sflag:s5] =	ssyncset.done $0x0  }
0x1b: {  	s13 =	simm.s32 $0x0;
	[sflag:s5] =	ssyncadd.s32 $0xFFFFFF00  }
0x1c: {  	v0 =	vld.msk [tilespmem:s13+$0x100 ss:$0x1], $0xffff;
	_ =	sdelay $0x4  }
0x1d: {  	v1 =	vshll.u32 v0, $0x4  }
0x1e: {  	vm2 =	veq.s32 v0, $0x80000000;
	v0 =	vshll.u32 v0, $0x12;
	v1 =	vand.u32 $0x3FF80, v1  }
0x1f: {  	v0 =	vand.u32 $0x1C0000, v0;
	v1 =	vsel vm2, $0xFFFFFF80, v1  }
0x20: {  	v0 =	vsel vm2, $0xFFFC0000, v0;
	v2 =	vand.u32 $0xFFFFFC00, v1  }
0x21: {  	v1 =	vand.u32 $0x380, v1;
	v0 =	vadd.s32 v0, v2  }
0x22: {  	v0 =	vor.u32 v1, v0  }
0x23: {  	v0 =	vshrl.u32 v0, $0x3;
	_ =	sdelay $0x3  }
0x24: {  	s13 =	simm.s32 $0x8200  }
0x25: {  	[tilespmem:s13], [sflag:$0x1] =	stream.indirect_vreg.gather [hbm:s3], $0x80, v0, vm0, $0x38;
	[tilespmem:$0x10200] =	vst v63  }
0x26: {  	s14 =	simm.s32 $0x8600;
	s31 =	simm.s32 $0x10  }
0x27: {  	[tilespmem:s14], [sflag:$0x1] =	stream.indirect_vreg.gather [hbm:s3], $0x80, v0, vm1, $0x38;
	[tilespmem:$0x10200] =	vst v63  }
0x28: {  	s14 =	simm.s32 $0x80;
	v0 =	vld.msk [tilespmem:s31+$0x100 ss:$0x1], $0xffff  }
.LBB2_5:
0x29: {  	p0 =	sne.s32 s14, $0x3C0;
	_ =	sdelay $0x4  }
0x2a: {  	v1 =	vshll.u32 v0, $0x4  }
0x2b: {  	vm2 =	veq.s32 v0, $0x80000000;
	v0 =	vshll.u32 v0, $0x12;
	v1 =	vand.u32 $0x3FF80, v1  }
0x2c: {  	v0 =	vand.u32 $0x1C0000, v0;
	v1 =	vsel vm2, $0xFFFFFF80, v1  }
0x2d: {  	v0 =	vsel vm2, $0xFFFC0000, v0;
	v2 =	vand.u32 $0xFFFFFC00, v1  }
0x2e: {  	v1 =	vand.u32 $0x380, v1;
	v0 =	vadd.s32 v0, v2  }
0x2f: {  	v0 =	vor.u32 v1, v0  }
0x30: {  	v0 =	vshrl.u32 v0, $0x3;
	_ =	sdelay $0x3  }
.Ltmp4:
0x31: {  	s13 =	sadd.s32 $0x800, s13;
	(pc) =	sbr.rel @p0 .LBB2_5-.Ltmp4, $4  }
0x32: {  	[tilespmem:s13], [sflag:$0x1] =	stream.indirect_vreg.gather [hbm:s3], $0x80, v0, vm0, $0x38;
	[tilespmem:$0x10200] =	vst v63  }
0x33: {  	s15 =	sshra.s32 s14, $0x2;
	s16 =	sadd.s32 $0x400, s13  }
0x34: {  	[tilespmem:s16], [sflag:$0x1] =	stream.indirect_vreg.gather [hbm:s3], $0x80, v0, vm1, $0x38;
	[tilespmem:$0x10200] =	vst v63  }
0x35: {  	s14 =	sadd.s32 $0x40, s14;
	v0 =	vld.msk [tilespmem:s15+$0x100 ss:$0x1], $0xffff  }
0x36: {  	_ =	sdelay $0x3  }
0x37: {  	v1 =	vshll.u32 v0, $0x4  }
0x38: {  	vm2 =	veq.s32 v0, $0x80000000;
	v63 =	vshll.u32 v0, $0x12;
	v1 =	vand.u32 $0x3FF80, v1  }
0x39: {  	v0 =	vand.u32 $0x1C0000, v63;
	v1 =	vsel vm2, $0xFFFFFF80, v1  }
0x3a: {  	v0 =	vsel vm2, $0xFFFC0000, v0;
	v2 =	vand.u32 $0xFFFFFC00, v1  }
0x3b: {  	v1 =	vand.u32 $0x380, v1;
	v0 =	vadd.s32 v0, v2  }
0x3c: {  	v0 =	vor.u32 v1, v0  }
0x3d: {  	v0 =	vshrl.u32 v0, $0x3;
	_ =	sdelay $0x3  }
0x3e: {  	s13 =	sadd.s32 $0x800, s13  }
0x3f: {  	[tilespmem:s13], [sflag:$0x1] =	stream.indirect_vreg.gather [hbm:s3], $0x80, v0, vm0, $0x38;
	[tilespmem:$0x10200] =	vst v63  }
0x40: {  	s13 =	sadd.s32 $0x400, s13  }
0x41: {  	[tilespmem:s13], [sflag:$0x1] =	stream.indirect_vreg.gather [hbm:s3], $0x80, v0, vm1, $0x38;
	[tilespmem:$0x10200] =	vst v63  }
0x42: {  	s12 =	sshll.u32 s12, $0x4;
	s14 =	simm.s32 $0x80;
	_ =	swait.ge [sflag:s4], $0x8000  }
0x43: {  	s15 =	simm.s32 $0x8600;
	s12 =	sadd.s32 s12, s2;
	[sflag:s4] =	ssyncset.done $0x0  }
0x44: {  	s16 =	sadd.s32 $0x0, s12;
	s13 =	simm.s32 $0x8200;
	[sflag:s4] =	ssyncadd.s32 $0xFFFF8000  }
.LBB2_7:
0x45: {  	[hbm:s16] =	stream.linear.scatter [tilespmem:s13], [sflag:$0x3], $0x400, $0x38;
	[tilespmem:$0x10200] =	vst v63  }
0x46: {  	s16 =	smov.u32 s14;
	s13 =	smov.u32 s15;
	p0 =	sne.s32 s14, $0xF80  }
.Ltmp5:
0x47: {  	s14 =	sadd.s32 $0x80, s14;
	(pc) =	sbr.rel @p0 .LBB2_7-.Ltmp5, $2  }
0x48: {  	_ =	sdelay $0x2  }
0x49: {  	s15 =	sadd.s32 $0x400, s15;
	s16 =	sadd.s32 s16, s12  }
.Ltmp6:
0x4a: {  	(pc) =	sbr.rel .LBB2_9-.Ltmp6, $2  }
0x4b: {  	_ =	sdelay $0x2  }
0x4c: {  	[hbm:s16] =	stream.linear.scatter [tilespmem:s13], [sflag:$0x3], $0x400, $0x38;
	[tilespmem:$0x10200] =	vst v63  }
.LBB2_2:
.Ltmp7:
0x4d: {  	(pc) =	sbr.rel .LBB2_10-.Ltmp7, $4  }
0x4e: {  	_ = 	snop  }
0x4f: {  	s12 =	sshrl.u32 s11, $0x3  }
0x50: {  	s13 =	sand.u32 $0x7, s11;
	s12 =	sadd.s32 s7, s12  }
0x51: {  	[tilespmem:s9], [sflag:$0x2] =	stream.linear.gather [hbm4b:s12+s13], $0x100, $0x38;
	[tilespmem:$0x10200] =	vst v63  }
.LBB2_11:
0x52: {  	s2 =	simm.s32 $0x3  }
0x53: {  	_ =	swait.ge [sflag:s2], $0x8000  }
0x54: {  	[sflag:s2] =	ssyncset.done $0x0  }
0x55: {  	[sflag:s2] =	ssyncadd.s32 $0xFFFF8000  }
0x56: {  	_ =	sfence.sel $0x180000  }
0x57: {  	s3 =	simm.s32 $0x2;
	[bflag:$0x0] =	sbarrier.arrive $0xFFFF  }
0x58: {  	[sflag:s3] =	ssyncpa.u1 $0x1  }
0x59: {  	s31 =	simm.s32 $0x1;
	[sflag:s2] =	ssyncpa.u1 $0x1  }
0x5a: {  	[sflag:s31] =	ssyncpa.u1 $0x1  }
0x5b: {  	p0 =	sne.s32 s1, $0x0;
	_ =	strace $0x90000050  }
0x5c: {  	s0 =	sadd.s32 @!p0 $0x100000, s0;
	[bflag:$0x2] =	sbarrier.arrive $0xFFFF  }
0x5d: {  	[sflag:s0] =	ssyncadd.tile.s32 @!p0 $0x1;
	_ =	shalt  }
.Lfunc_end2:
_tile_overlayer_lowered:
.L_overlay_start_2:
0x5e: {  	(tag) =	ssettag $0x2  }
0x5f: {  	s0 =	rddreg [dreg:$0x0];
	s2 =	stileid.u32  }
0x60: {  	s1 =	rddreg [dreg:$0x1];
	p0 =	sne.s32 s2, $0x0  }
0x61: {  	s3 =	rddreg [dreg:$0x2];
	[bflag:$0x3] =	sbarrier.arrive $0xFFFF;
	s2 =	simm.s32 @!p0 $0x1C01  }
0x62: {  	[timem:s3], [sflag:s2] =	dma.local @!p0 [hbm:s0], s1  }
0x63: {  	s0 =	simm.s32 @!p0 $0x1  }
0x64: {  	_ =	swait.ge @!p0 [sflag:s0], s1  }
0x65: {  	s1 =	ssub.s32 @!p0 $0x0, s1;
	[sflag:s0] =	ssyncset.done @!p0 $0x0  }
0x66: {  	[sflag:s0] =	ssyncadd.s32 @!p0 s1  }
0x67: {  	[bflag:$0x3] =	sbarrier.arrive $0xFFFF  }
0x68: {  	_ =	shalt  }

// kernel: gather_offload_async_start.4
scs
__scs_entry_jumppad:
0x0: {  	(pc) =	sbr.rel $0x88, $3  }
0x1: {  	(tag) =	ssettag $0x0;
	lr =	simm.s32 $0x1  }
0x2: {  	[smem:$0x3F97] =	sst lr;
	_ =	strace $0xD0000000  }
0x3: {  	_ = 	snop  }
0x4: {  	_ = 	snop  }
0x5: {  	_ = 	snop  }
0x6: {  	_ = 	snop  }
0x7: {  	_ = 	snop  }
__scs_overlays_trampoline_lowered:
0x8: {  	[smem:$0x3FA6] =	sst s0  }
0x9: {  	[smem:$0x3FA7] =	sst s1  }
0xa: {  	[smem:$0x3FA8] =	sst s2  }
0xb: {  	[smem:$0x3FA9] =	sst s3  }
0xc: {  	[smem:$0x3FAA] =	sst s4  }
0xd: {  	[smem:$0x3FAB] =	sst s5  }
0xe: {  	[smem:$0x3FAC] =	sst s6  }
0xf: {  	[smem:$0x3FAD] =	sst s7  }
0x10: {  	[smem:$0x3FAE] =	sst s8  }
0x11: {  	[smem:$0x3FAF] =	sst s9;
	s0 =	simm.s32 @!p0 $0x0  }
0x12: {  	s1 =	sld [smem:$0x3F95];
	s0 =	simm.s32 @p0 $0x1  }
0x13: {  	[smem:$0x3FB0] =	sst s0;
	s0 =	simm.s32 @!p1 $0x0  }
0x14: {  	s2 =	sld [smem:$0x3F94];
	s0 =	simm.s32 @p1 $0x1  }
0x15: {  	[smem:$0x3FB1] =	sst s0;
	s0 =	simm.s32 @!p2 $0x0  }
0x16: {  	s3 =	sld [smem:$0x3FDB];
	s0 =	simm.s32 @p2 $0x1  }
0x17: {  	s4 =	simm.s32 $0x1BF5;
	[smem:$0x3FB3] =	sst s0  }
0x18: {  	s0 =	sld [smem:$0x3F96];
	_ =	swait.ge [sflag:s4], $0x0  }
0x19: {  	s7 =	sld [smem:$0x3F97]  }
0x1a: {  	s8 =	sadd.s32 $0xFFFFE003, lr  }
0x1b: {  	s9 =	sadd.s32 $0xFFFFFEF7, lr;
	s5 =	simm.s32 $0xFFFFFFFF;
	p2 =	slt.u32 s8, $0xFFFFF086  }
0x1c: {  	p1 =	slt.u32 s9, $0xF7A;
	s5 =	simm.s32 @!p2 $0x0  }
0x1d: {  	s5 =	simm.s32 @p1 $0x1;
	p0 =	seq.s32 s7, s2  }
0x1e: {  	s7 =	smul.u32 @!p0 $0xF7A, s2;
	p2 =	seq.s32 @!p0 s5, $0x0  }
0x1f: {  	s9 =	smul.u32 $0xF7A, s1;
	s8 =	simm.s32 @!p0 $0x1BF5;
	p2 =	por !p2, p0  }
0x20: {  	[sflag:s8] =	ssyncset.s32 @!p0 $0xFFFFF086;
	s6 =	sadd.s32 @!p0 s3, s7;
	s7 =	simm.s32 @!p0 $0x108  }
0x21: {  	s3 =	sadd.s32 s3, s9;
	s6 =	sadd.s32 @!p0 $0x88, s6;
	s7 =	simm.s32 @p2 $0x1082  }
0x22: {  	[simem:s7], [sflag:s8] =	dma.local @!p0 [hbm:s6], $0xF7A  }
0x23: {  	s9 =	sor.u32 $0xD0000000, s2;
	s6 =	simm.s32 $0x108;
	_ =	swait.ge @!p0 [sflag:s8], $0x0  }
0x24: {  	s3 =	sadd.s32 $0x88, s3;
	s6 =	simm.s32 @!p1 $0x1082;
	[sflag:s4] =	ssyncset.s32 $0xFFFFF086  }
0x25: {  	[simem:s6], [sflag:s4] =	dma.local [hbm:s3], $0xF7A  }
0x26: {  	[smem:$0x3F97] =	sst s1;
	(tag) =	ssettag s2;
	_ =	strace s9  }
0x27: {  	s1 =	sld [smem:$0x3FA7]  }
0x28: {  	s2 =	sld [smem:$0x3FA8]  }
0x29: {  	s4 =	sld [smem:$0x3FAA]  }
0x2a: {  	p0 =	seq.s32 s5, $0x0;
	s5 =	sld [smem:$0x3FAB]  }
0x2b: {  	s6 =	sld [smem:$0x3FAC]  }
0x2c: {  	s7 =	sld [smem:$0x3FAD]  }
0x2d: {  	s3 =	simm.s32 $0x108;
	s8 =	sld [smem:$0x3FAE]  }
0x2e: {  	s3 =	simm.s32 @!p0 $0x1082;
	s9 =	sld [smem:$0x3FAF]  }
0x2f: {  	lr =	sadd.s32 s0, s3;
	s0 =	sld [smem:$0x3FA6]  }
0x30: {  	s3 =	sld [smem:$0x3FA9]  }
0x31: {  	[smem:$0x3FB2] =	sst s10  }
0x32: {  	s10 =	sld [smem:$0x3FB0];
	_ =	sdelay $0x3  }
0x33: {  	p0 =	seq.s32 s10, $0x1;
	s10 =	sld [smem:$0x3FB2];
	_ =	sdelay $0x3  }
0x34: {  	[smem:$0x3FB2] =	sst s10  }
0x35: {  	s10 =	sld [smem:$0x3FB1];
	_ =	sdelay $0x3  }
0x36: {  	p1 =	seq.s32 s10, $0x1;
	s10 =	sld [smem:$0x3FB2];
	_ =	sdelay $0x3  }
0x37: {  	[smem:$0x3FB2] =	sst s10  }
0x38: {  	s10 =	sld [smem:$0x3FB3]  }
0x39: {  	_ = 	snop;
	(pc) =	sbr.ind lr, $3  }
0x3a: {  	_ = 	snop  }
0x3b: {  	_ = 	snop  }
0x3c: {  	p2 =	seq.s32 s10, $0x1;
	s10 =	sld [smem:$0x3FB2]  }
0x3d: {  	_ =	shalt  }
0x3e: {  	_ =	shalt  }
0x3f: {  	_ =	shalt  }
0x40: {  	_ =	shalt  }
0x41: {  	_ =	shalt  }
0x42: {  	_ =	shalt  }
0x43: {  	_ =	shalt  }
0x44: {  	_ =	shalt  }
0x45: {  	_ =	shalt  }
0x46: {  	_ =	shalt  }
0x47: {  	_ =	shalt  }
0x48: {  	_ =	shalt  }
0x49: {  	_ =	shalt  }
0x4a: {  	_ =	shalt  }
0x4b: {  	_ =	shalt  }
0x4c: {  	_ =	shalt  }
0x4d: {  	_ =	shalt  }
0x4e: {  	_ =	shalt  }
0x4f: {  	_ =	shalt  }
0x50: {  	_ =	shalt  }
0x51: {  	_ =	shalt  }
0x52: {  	_ =	shalt  }
0x53: {  	_ =	shalt  }
0x54: {  	_ =	shalt  }
0x55: {  	_ =	shalt  }
0x56: {  	_ =	shalt  }
0x57: {  	_ =	shalt  }
0x58: {  	_ =	shalt  }
0x59: {  	_ =	shalt  }
0x5a: {  	_ =	shalt  }
0x5b: {  	_ =	shalt  }
0x5c: {  	_ =	shalt  }
0x5d: {  	_ =	shalt  }
0x5e: {  	_ =	shalt  }
0x5f: {  	_ =	shalt  }
0x60: {  	_ =	shalt  }
0x61: {  	_ =	shalt  }
0x62: {  	_ =	shalt  }
0x63: {  	_ =	shalt  }
0x64: {  	_ =	shalt  }
0x65: {  	_ =	shalt  }
0x66: {  	_ =	shalt  }
0x67: {  	_ =	shalt  }
0x68: {  	_ =	shalt  }
0x69: {  	_ =	shalt  }
0x6a: {  	_ =	shalt  }
0x6b: {  	_ =	shalt  }
0x6c: {  	_ =	shalt  }
0x6d: {  	_ =	shalt  }
0x6e: {  	_ =	shalt  }
0x6f: {  	_ =	shalt  }
0x70: {  	_ =	shalt  }
0x71: {  	_ =	shalt  }
0x72: {  	_ =	shalt  }
0x73: {  	_ =	shalt  }
0x74: {  	_ =	shalt  }
0x75: {  	_ =	shalt  }
0x76: {  	_ =	shalt  }
0x77: {  	_ =	shalt  }
0x78: {  	_ =	shalt  }
0x79: {  	_ =	shalt  }
0x7a: {  	_ =	shalt  }
0x7b: {  	_ =	shalt  }
0x7c: {  	_ =	shalt  }
0x7d: {  	_ =	shalt  }
0x7e: {  	_ =	shalt  }
0x7f: {  	_ =	shalt  }
0x80: {  	_ =	shalt  }
0x81: {  	_ =	shalt  }
0x82: {  	_ =	shalt  }
0x83: {  	_ =	shalt  }
0x84: {  	_ =	shalt  }
0x85: {  	_ =	shalt  }
0x86: {  	_ =	shalt  }
0x87: {  	_ =	shalt  }
.Lfunc_end0:
.L_simem_size_0:
called_computation.4_lowered:
.L_overlay_start_0:
0x88: {  	s2 =	sld [smem:$0x3FD9]  }
0x89: {  	s3 =	sld [smem:$0x3FFE];
	_ =	sdelay $0x1  }
0x8a: {  	s1 =	srdreg.scid  }
0x8b: {  	s0 =	sand.u32 $0x1, s1  }
0x8c: {  	s14 =	sshll.u32 s0, $0xA;
	s2 =	sadd.s32 s3, s2  }
0x8d: {  	s2 =	sadd.s32 s2, s14  }
0x8e: {  	[smem:$0x3FBE] =	sst s2  }
0x8f: {  	_ = 	snop  }
0x90: {  	s2 =	sld [smem:$0x3FD0];
	_ =	sdelay $0x3  }
0x91: {  	s15 =	simm.s32 $0xA;
	s4 =	simm.s32 $0x10;
	s2 =	sadd.s32 $0x1, s2  }
0x92: {  	[smem:s4], [sflag:s15] =	dma.local [hbm:s2], $0x1  }
0x93: {  	_ =	swait.eq [sflag:s15], $0x1  }
0x94: {  	[sflag:s15] =	ssyncset.done $0x0  }
0x95: {  	[sflag:s15] =	ssyncadd.s32 $0xFFFFFFFF  }
0x96: {  	s16 =	sld [smem:$0x11];
	(tm) =	ssettm $0x1  }
0x97: {  	s17 =	sld [smem:$0x3FFB];
	_ =	sdelay $0x3  }
0x98: {  	_ =	strace s17  }
0x99: {  	s3 =	sld [smem:$0x3FFC];
	_ =	sdelay $0x3  }
0x9a: {  	_ =	strace s3  }
0x9b: {  	s3 =	sld [smem:$0x3FFD];
	_ =	sdelay $0x3  }
0x9c: {  	_ =	strace s3  }
0x9d: {  	_ =	strace $0x8FFFFFFF  }
0x9e: {  	s18 =	sld [smem:$0x3FDB];
	_ =	sdelay $0x1  }
0x9f: {  	s19 =	simm.s32 $_scs_section_size  }
0xa0: {  	s5 =	simm.s32 $_size__tile_overlayer_lowered;
	s6 =	simm.s32 $_tile_overlayer_lowered  }
0xa1: {  	s22 =	simm.s32 $0x1BFF;
	s21 =	sshll.u32 s6, $0x1;
	s3 =	sadd.s32 s19, s18  }
0xa2: {  	s7 =	simm.s32 $0x0;
	s20 =	sshll.u32 s5, $0x1;
	s5 =	sadd.s32 s21, s3  }
0xa3: {  	[timem:s7], [sflag:s22] =	dma.local [hbm:s5], s20  }
0xa4: {  	_ =	swait.ge [sflag:s22], s20  }
0xa5: {  	s4 =	ssub.s32 $0x0, s20;
	[sflag:s22] =	ssyncset.done $0x0  }
0xa6: {  	[sflag:s22] =	ssyncadd.s32 s4;
	_ =	sdelay $0x1  }
0xa7: {  	s23 =	simm.s32 $0x1B8B  }
0xa8: {  	_ =	swait.ge [sflag:s23], $0x1  }
0xa9: {  	[sflag:s23] =	ssyncset.done $0x0  }
0xaa: {  	s25 =	simm.s32 $0x1B8E;
	s24 =	sld [smem:$0x3FFE];
	[sflag:s23] =	ssyncadd.s32 $0xFFFFFFFF  }
0xab: {  	s26 =	simm.s32 $execute0_lowered;
	[smem:$0x3FD2] =	sst s25  }
0xac: {  	s5 =	sshll.u32 s26, $0x1;
	_ =	strace $0x80000052;
	[dreg:$0x1] =	wrdreg $0xFFFFFFFF  }
0xad: {  	s28 =	simm.s32 $_size_execute0_lowered;
	s3 =	sadd.s32 s3, s5;
	[dreg:$0x0] =	wrdreg $0x0  }
0xae: {  	s5 =	sshll.u32 s28, $0x1;
	[dreg:$0x2] =	wrdreg s3  }
0xaf: {  	[dreg:$0x3] =	wrdreg s5  }
0xb0: {  	[dreg:$0x4] =	wrdreg $0xC0  }
0xb1: {  	_ =	task [dreg:s7], $0x5FFFF  }
0xb2: {  	[dreg:$0x1] =	wrdreg $0xFFFFFFFF  }
0xb3: {  	[dreg:$0x0] =	wrdreg $0x60  }
0xb4: {  	[dreg:$0x2] =	wrdreg s24  }
0xb5: {  	[dreg:$0x3] =	wrdreg s16  }
0xb6: {  	[dreg:$0x4] =	wrdreg $0x9  }
0xb7: {  	_ =	task.clear_ibuf [dreg:s7], $0x5FFFF;
	_ =	strace $0x90000052  }
0xb8: {  	s29 =	simm.s32 $0x9;
	_ =	strace $0x80000054  }
0xb9: {  	_ =	swait.ge [sflag:s29], $0x1  }
0xba: {  	[sflag:s29] =	ssyncadd.s32 $0xFFFFFFFF  }
0xbb: {  	_ =	strace $0x90000054  }
0xbc: {  	_ =	sfence  }
0xbd: {  	s30 =	sld [smem:$0x0];
	_ =	sdelay $0x2  }
0xbe: {  	s31 =	sshll.u32 s1, $0xD;
	s1 =	sshrl.u32 s1, $0x2  }
0xbf: {  	s3 =	sand.u32 $0x4000, s31;
	s1 =	sadd.s32 s1, s30  }
0xc0: {  	s0 =	sor.u32 s3, s0;
	s1 =	sshll.u32 s1, $0x11  }
0xc1: {  	s0 =	sor.u32 s1, s0  }
0xc2: {  	s0 =	sadd.s32 $0x8F2B, s0  }
0xc3: {  	[sflag:s0] =	ssyncadd.remote.s32 $0x1  }
0xc4: {  	_ =	sfence.sel $0xFFFF  }
0xc5: {  	[dreg:$0x0] =	wrdreg $0xFFFFFFFF;
	(pc) =	sbr.abs _section_cstart, $3  }
0xc6: {  	[dreg:$0x1] =	wrdreg $0xFFFFFFFF  }
0xc7: {  	_ =	task.clear_ibuf [dreg:s7], $0x2FFFF;
	_ =	strace $0x9FFFFFFF  }
0xc8: {  	(tm) =	ssettm $0x7FFFFFFF  }
0xc9: {  	_ =	shalt  }
tec
execute0_lowered:
.L_overlay_start_1:
0x0: {  	(tag) =	ssettag $0x1  }
0x1: {  	s7 =	rddreg [dreg:$0x0]  }
0x2: {  	s2 =	rddreg [dreg:$0x1]  }
0x3: {  	s0 =	rddreg [dreg:$0x2]  }
0x4: {  	s1 =	srdreg.scid;
	_ =	strace $0x80000053;
	s4 =	simm.s32 $0x1  }
0x5: {  	s9 =	simm.s32 $0x3;
	s12 =	simm.s32 $0x0;
	s5 =	sshll.u32 s1, $0x4  }
.Ltmp0:
0x6: {  	s1 =	stileid.u32;
	s5 =	sand.u32 $0x10, s5;
	(pc) =	sbr.rel .LBB2_1-.Ltmp0, $4  }
0x7: {  	s10 =	simm.s32 $0x0;
	s3 =	sadd.s32 $0x1A5800, s7;
	s6 =	sor.u32 s1, s5  }
0x8: {  	[sflag:s4] =	ssyncpa.u1 $0x0;
	s5 =	simm.s32 $0x2;
	s6 =	sshll.u32 s6, $0x7  }
0x9: {  	s7 =	sadd.s32 $0x4600, s7;
	[sflag:s5] =	ssyncpa.u1 $0x0;
	s8 =	sadd.s32 $0x80, s6  }
0xa: {  	vm0 =	vmmov $0xff;
	vm1 =	vcmask $0x3F20;
	[sflag:s9] =	ssyncpa.u1 $0x0;
	s9 =	simm.s32 $0x80;
	s11 =	smov.u32 s6  }
.LBB2_10:
0xb: {  	[hbm:s16] =	stream.linear.scatter [tilespmem:s13], [sflag:$0x3], $0x800, $0x38;
	[tilespmem:$0x10100] =	vst v63  }
.LBB2_11:
0xc: {  	p0 =	seq.s32 s10, $0x2  }
.Ltmp1:
0xd: {  	_ = 	snop;
	(pc) =	sbr.rel @p0 .LBB2_13-.Ltmp1, $1  }
0xe: {  	_ =	sdelay $0x3  }
.LBB2_12:
0xf: {  	s12 =	sadd.s32 $0x80, s11  }
0x10: {  	s13 =	smov.u32 s6;
	p0 =	slt.s32 s12, s8  }
0x11: {  	s13 =	smov.u32 @p0 s12  }
0x12: {  	s10 =	sadd.s32 $0x1, s10;
	s12 =	smov.u32 s11;
	s11 =	smov.u32 s13  }
.LBB2_1:
0x13: {  	p0 =	sne.s32 s10, $0x0  }
.Ltmp2:
0x14: {  	_ = 	snop;
	(pc) =	sbr.rel @!p0 .LBB2_2-.Ltmp2, $1  }
0x15: {  	_ =	sdelay $0x3  }
0x16: {  	s13 =	sand.u32 $0x1, s10  }
0x17: {  	p0 =	seq.s32 s13, $0x0  }
.Ltmp3:
0x18: {  	_ = 	snop;
	(pc) =	sbr.rel @p0 .LBB2_11-.Ltmp3, $1  }
0x19: {  	_ =	sdelay $0x3  }
0x1a: {  	_ =	swait.ge [sflag:s5], $0x80  }
0x1b: {  	[sflag:s5] =	ssyncset.done $0x0  }
0x1c: {  	s13 =	simm.s32 $0x0;
	[sflag:s5] =	ssyncadd.s32 $0xFFFFFF80  }
.LBB2_5:
0x1d: {  	s14 =	sshll.u32 s13, $0x4  }
0x1e: {  	s14 =	sand.u32 $0x3FFFFFF0, s14  }
0x1f: {  	v0 =	vld.msk [tilespmem:s14+$0x80 ss:$0x1], $0xffff;
	_ =	sdelay $0x4  }
0x20: {  	v1 =	vshrl.u32 v0, $0x3  }
0x21: {  	vm2 =	veq.s32 v0, $0x80000000;
	v1 =	vand.u32 $0x3FF, v1  }
0x22: {  	v0 =	vshll.u32 v0, $0x12;
	v1 =	vsel vm2, $0xFFFFFFFF, v1  }
0x23: {  	v0 =	vand.u32 $0x1C0000, v0;
	v2 =	vshll.u32 v1, $0x8  }
0x24: {  	v0 =	vsel vm2, $0xFFFC0000, v0;
	v1 =	vshll.u32 v1, $0x7;
	v2 =	vand.u32 $0xFFFFF800, v2  }
0x25: {  	s31 =	sshll.u32 s13, $0xC;
	v1 =	vand.u32 $0x380, v1;
	v0 =	vadd.s32 v0, v2  }
0x26: {  	s14 =	sand.u32 $0x3FFFF000, s31;
	v0 =	vor.u32 v1, v0  }
0x27: {  	p0 =	por $0x1, $0x1;
	s15 =	simm.s32 $0x0;
	s14 =	sadd.s32 $0x8100, s14;
	v0 =	vshrl.u32 v0, $0x3  }
.LBB2_6:
0x28: {  	_ =	sdelay $0x1  }
0x29: {  	s15 =	sshra.s32 s15, $0x2;
	p1 =	por p0, p0  }
.Ltmp4:
0x2a: {  	s15 =	sadd.s32 s15, s14;
	(pc) =	sbr.rel @p1 .LBB2_6-.Ltmp4, $4  }
0x2b: {  	[tilespmem:s15], [sflag:$0x1] =	stream.indirect_vreg.gather [hbm:s3], $0x80, v0, vm0, $0x38;
	[tilespmem:$0x10100] =	vst v63  }
0x2c: {  	s15 =	sadd.s32 $0x800, s15  }
0x2d: {  	[tilespmem:s15], [sflag:$0x1] =	stream.indirect_vreg.gather [hbm:s3], $0x80, v0, vm1, $0x38;
	[tilespmem:$0x10100] =	vst v63  }
0x2e: {  	p0 =	por $0x0, $0x0;
	v0 =	vadd.s32 $0x80, v0;
	s15 =	simm.s32 $0x1000  }
0x2f: {  	s13 =	sadd.s32 $0x1, s13  }
0x30: {  	p0 =	sne.s32 s13, $0x8  }
.Ltmp5:
0x31: {  	_ = 	snop;
	(pc) =	sbr.rel @p0 .LBB2_5-.Ltmp5, $1  }
0x32: {  	_ =	sdelay $0x3  }
0x33: {  	s13 =	sshll.u32 s12, $0x5  }
0x34: {  	_ =	swait.ge [sflag:s4], $0x8000;
	s31 =	sshll.u32 s12, $0x4;
	s13 =	sand.u32 $0xFFFFFF00, s13  }
0x35: {  	s14 =	simm.s32 $0x100;
	s12 =	sand.u32 $0x70, s31;
	s13 =	sadd.s32 s13, s2  }
0x36: {  	s15 =	simm.s32 $0x8900;
	[sflag:s4] =	ssyncset.done $0x0;
	s12 =	sadd.s32 s12, s13  }
0x37: {  	[sflag:s4] =	ssyncadd.s32 $0xFFFF8000;
	s13 =	simm.s32 $0x8100;
	s16 =	sadd.s32 $0x0, s12  }
.LBB2_9:
0x38: {  	[hbm:s16] =	stream.linear.scatter [tilespmem:s13], [sflag:$0x3], $0x800, $0x38;
	[tilespmem:$0x10100] =	vst v63  }
0x39: {  	s16 =	smov.u32 s14;
	s13 =	smov.u32 s15;
	p0 =	sne.s32 s14, $0xF00  }
.Ltmp6:
0x3a: {  	s14 =	sadd.s32 $0x100, s14;
	(pc) =	sbr.rel @p0 .LBB2_9-.Ltmp6, $2  }
0x3b: {  	_ =	sdelay $0x2  }
0x3c: {  	s15 =	sadd.s32 $0x800, s15;
	s16 =	sadd.s32 s16, s12  }
.Ltmp7:
0x3d: {  	_ = 	snop;
	(pc) =	sbr.rel .LBB2_10-.Ltmp7, $1  }
0x3e: {  	_ =	sdelay $0x3  }
.LBB2_2:
.Ltmp8:
0x3f: {  	(pc) =	sbr.rel .LBB2_12-.Ltmp8, $4  }
0x40: {  	_ = 	snop  }
0x41: {  	s12 =	sshrl.u32 s11, $0x3  }
0x42: {  	s13 =	sand.u32 $0x7, s11;
	s12 =	sadd.s32 s7, s12  }
0x43: {  	[tilespmem:s9], [sflag:$0x2] =	stream.linear.gather [hbm4b:s12+s13], $0x80, $0x38;
	[tilespmem:$0x10100] =	vst v63  }
.LBB2_13:
0x44: {  	s2 =	simm.s32 $0x3  }
0x45: {  	_ =	swait.ge [sflag:s2], $0x8000  }
0x46: {  	[sflag:s2] =	ssyncset.done $0x0  }
0x47: {  	[sflag:s2] =	ssyncadd.s32 $0xFFFF8000  }
0x48: {  	_ =	sfence.sel $0x180000  }
0x49: {  	s3 =	simm.s32 $0x2;
	[bflag:$0x0] =	sbarrier.arrive $0xFFFF  }
0x4a: {  	[sflag:s3] =	ssyncpa.u1 $0x1  }
0x4b: {  	s31 =	simm.s32 $0x1;
	[sflag:s2] =	ssyncpa.u1 $0x1  }
0x4c: {  	[sflag:s31] =	ssyncpa.u1 $0x1  }
0x4d: {  	p0 =	sne.s32 s1, $0x0;
	_ =	strace $0x90000053  }
0x4e: {  	s0 =	sadd.s32 @!p0 $0x100000, s0;
	[bflag:$0x2] =	sbarrier.arrive $0xFFFF  }
0x4f: {  	[sflag:s0] =	ssyncadd.tile.s32 @!p0 $0x1;
	_ =	shalt  }
.Lfunc_end2:
_tile_overlayer_lowered:
.L_overlay_start_2:
0x50: {  	(tag) =	ssettag $0x2  }
0x51: {  	s0 =	rddreg [dreg:$0x0];
	s2 =	stileid.u32  }
0x52: {  	s1 =	rddreg [dreg:$0x1];
	p0 =	sne.s32 s2, $0x0  }
0x53: {  	s3 =	rddreg [dreg:$0x2];
	[bflag:$0x3] =	sbarrier.arrive $0xFFFF;
	s2 =	simm.s32 @!p0 $0x1C01  }
0x54: {  	[timem:s3], [sflag:s2] =	dma.local @!p0 [hbm:s0], s1  }
0x55: {  	s0 =	simm.s32 @!p0 $0x1  }
0x56: {  	_ =	swait.ge @!p0 [sflag:s0], s1  }
0x57: {  	s1 =	ssub.s32 @!p0 $0x0, s1;
	[sflag:s0] =	ssyncset.done @!p0 $0x0  }
0x58: {  	[sflag:s0] =	ssyncadd.s32 @!p0 s1  }
0x59: {  	[bflag:$0x3] =	sbarrier.arrive $0xFFFF  }
0x5a: {  	_ =	shalt  }

// kernel: gather_offload_async_start.5
scs
__scs_entry_jumppad:
0x0: {  	(pc) =	sbr.rel $0x88, $3  }
0x1: {  	(tag) =	ssettag $0x0;
	lr =	simm.s32 $0x1  }
0x2: {  	[smem:$0x3F97] =	sst lr;
	_ =	strace $0xD0000000  }
0x3: {  	_ = 	snop  }
0x4: {  	_ = 	snop  }
0x5: {  	_ = 	snop  }
0x6: {  	_ = 	snop  }
0x7: {  	_ = 	snop  }
__scs_overlays_trampoline_lowered:
0x8: {  	[smem:$0x3FA6] =	sst s0  }
0x9: {  	[smem:$0x3FA7] =	sst s1  }
0xa: {  	[smem:$0x3FA8] =	sst s2  }
0xb: {  	[smem:$0x3FA9] =	sst s3  }
0xc: {  	[smem:$0x3FAA] =	sst s4  }
0xd: {  	[smem:$0x3FAB] =	sst s5  }
0xe: {  	[smem:$0x3FAC] =	sst s6  }
0xf: {  	[smem:$0x3FAD] =	sst s7  }
0x10: {  	[smem:$0x3FAE] =	sst s8  }
0x11: {  	[smem:$0x3FAF] =	sst s9;
	s0 =	simm.s32 @!p0 $0x0  }
0x12: {  	s1 =	sld [smem:$0x3F95];
	s0 =	simm.s32 @p0 $0x1  }
0x13: {  	[smem:$0x3FB0] =	sst s0;
	s0 =	simm.s32 @!p1 $0x0  }
0x14: {  	s2 =	sld [smem:$0x3F94];
	s0 =	simm.s32 @p1 $0x1  }
0x15: {  	[smem:$0x3FB1] =	sst s0;
	s0 =	simm.s32 @!p2 $0x0  }
0x16: {  	s3 =	sld [smem:$0x3FDB];
	s0 =	simm.s32 @p2 $0x1  }
0x17: {  	s4 =	simm.s32 $0x1BF5;
	[smem:$0x3FB3] =	sst s0  }
0x18: {  	s0 =	sld [smem:$0x3F96];
	_ =	swait.ge [sflag:s4], $0x0  }
0x19: {  	s7 =	sld [smem:$0x3F97]  }
0x1a: {  	s8 =	sadd.s32 $0xFFFFE003, lr  }
0x1b: {  	s9 =	sadd.s32 $0xFFFFFEF7, lr;
	s5 =	simm.s32 $0xFFFFFFFF;
	p2 =	slt.u32 s8, $0xFFFFF086  }
0x1c: {  	p1 =	slt.u32 s9, $0xF7A;
	s5 =	simm.s32 @!p2 $0x0  }
0x1d: {  	s5 =	simm.s32 @p1 $0x1;
	p0 =	seq.s32 s7, s2  }
0x1e: {  	s7 =	smul.u32 @!p0 $0xF7A, s2;
	p2 =	seq.s32 @!p0 s5, $0x0  }
0x1f: {  	s9 =	smul.u32 $0xF7A, s1;
	s8 =	simm.s32 @!p0 $0x1BF5;
	p2 =	por !p2, p0  }
0x20: {  	[sflag:s8] =	ssyncset.s32 @!p0 $0xFFFFF086;
	s6 =	sadd.s32 @!p0 s3, s7;
	s7 =	simm.s32 @!p0 $0x108  }
0x21: {  	s3 =	sadd.s32 s3, s9;
	s6 =	sadd.s32 @!p0 $0x88, s6;
	s7 =	simm.s32 @p2 $0x1082  }
0x22: {  	[simem:s7], [sflag:s8] =	dma.local @!p0 [hbm:s6], $0xF7A  }
0x23: {  	s9 =	sor.u32 $0xD0000000, s2;
	s6 =	simm.s32 $0x108;
	_ =	swait.ge @!p0 [sflag:s8], $0x0  }
0x24: {  	s3 =	sadd.s32 $0x88, s3;
	s6 =	simm.s32 @!p1 $0x1082;
	[sflag:s4] =	ssyncset.s32 $0xFFFFF086  }
0x25: {  	[simem:s6], [sflag:s4] =	dma.local [hbm:s3], $0xF7A  }
0x26: {  	[smem:$0x3F97] =	sst s1;
	(tag) =	ssettag s2;
	_ =	strace s9  }
0x27: {  	s1 =	sld [smem:$0x3FA7]  }
0x28: {  	s2 =	sld [smem:$0x3FA8]  }
0x29: {  	s4 =	sld [smem:$0x3FAA]  }
0x2a: {  	p0 =	seq.s32 s5, $0x0;
	s5 =	sld [smem:$0x3FAB]  }
0x2b: {  	s6 =	sld [smem:$0x3FAC]  }
0x2c: {  	s7 =	sld [smem:$0x3FAD]  }
0x2d: {  	s3 =	simm.s32 $0x108;
	s8 =	sld [smem:$0x3FAE]  }
0x2e: {  	s3 =	simm.s32 @!p0 $0x1082;
	s9 =	sld [smem:$0x3FAF]  }
0x2f: {  	lr =	sadd.s32 s0, s3;
	s0 =	sld [smem:$0x3FA6]  }
0x30: {  	s3 =	sld [smem:$0x3FA9]  }
0x31: {  	[smem:$0x3FB2] =	sst s10  }
0x32: {  	s10 =	sld [smem:$0x3FB0];
	_ =	sdelay $0x3  }
0x33: {  	p0 =	seq.s32 s10, $0x1;
	s10 =	sld [smem:$0x3FB2];
	_ =	sdelay $0x3  }
0x34: {  	[smem:$0x3FB2] =	sst s10  }
0x35: {  	s10 =	sld [smem:$0x3FB1];
	_ =	sdelay $0x3  }
0x36: {  	p1 =	seq.s32 s10, $0x1;
	s10 =	sld [smem:$0x3FB2];
	_ =	sdelay $0x3  }
0x37: {  	[smem:$0x3FB2] =	sst s10  }
0x38: {  	s10 =	sld [smem:$0x3FB3]  }
0x39: {  	_ = 	snop;
	(pc) =	sbr.ind lr, $3  }
0x3a: {  	_ = 	snop  }
0x3b: {  	_ = 	snop  }
0x3c: {  	p2 =	seq.s32 s10, $0x1;
	s10 =	sld [smem:$0x3FB2]  }
0x3d: {  	_ =	shalt  }
0x3e: {  	_ =	shalt  }
0x3f: {  	_ =	shalt  }
0x40: {  	_ =	shalt  }
0x41: {  	_ =	shalt  }
0x42: {  	_ =	shalt  }
0x43: {  	_ =	shalt  }
0x44: {  	_ =	shalt  }
0x45: {  	_ =	shalt  }
0x46: {  	_ =	shalt  }
0x47: {  	_ =	shalt  }
0x48: {  	_ =	shalt  }
0x49: {  	_ =	shalt  }
0x4a: {  	_ =	shalt  }
0x4b: {  	_ =	shalt  }
0x4c: {  	_ =	shalt  }
0x4d: {  	_ =	shalt  }
0x4e: {  	_ =	shalt  }
0x4f: {  	_ =	shalt  }
0x50: {  	_ =	shalt  }
0x51: {  	_ =	shalt  }
0x52: {  	_ =	shalt  }
0x53: {  	_ =	shalt  }
0x54: {  	_ =	shalt  }
0x55: {  	_ =	shalt  }
0x56: {  	_ =	shalt  }
0x57: {  	_ =	shalt  }
0x58: {  	_ =	shalt  }
0x59: {  	_ =	shalt  }
0x5a: {  	_ =	shalt  }
0x5b: {  	_ =	shalt  }
0x5c: {  	_ =	shalt  }
0x5d: {  	_ =	shalt  }
0x5e: {  	_ =	shalt  }
0x5f: {  	_ =	shalt  }
0x60: {  	_ =	shalt  }
0x61: {  	_ =	shalt  }
0x62: {  	_ =	shalt  }
0x63: {  	_ =	shalt  }
0x64: {  	_ =	shalt  }
0x65: {  	_ =	shalt  }
0x66: {  	_ =	shalt  }
0x67: {  	_ =	shalt  }
0x68: {  	_ =	shalt  }
0x69: {  	_ =	shalt  }
0x6a: {  	_ =	shalt  }
0x6b: {  	_ =	shalt  }
0x6c: {  	_ =	shalt  }
0x6d: {  	_ =	shalt  }
0x6e: {  	_ =	shalt  }
0x6f: {  	_ =	shalt  }
0x70: {  	_ =	shalt  }
0x71: {  	_ =	shalt  }
0x72: {  	_ =	shalt  }
0x73: {  	_ =	shalt  }
0x74: {  	_ =	shalt  }
0x75: {  	_ =	shalt  }
0x76: {  	_ =	shalt  }
0x77: {  	_ =	shalt  }
0x78: {  	_ =	shalt  }
0x79: {  	_ =	shalt  }
0x7a: {  	_ =	shalt  }
0x7b: {  	_ =	shalt  }
0x7c: {  	_ =	shalt  }
0x7d: {  	_ =	shalt  }
0x7e: {  	_ =	shalt  }
0x7f: {  	_ =	shalt  }
0x80: {  	_ =	shalt  }
0x81: {  	_ =	shalt  }
0x82: {  	_ =	shalt  }
0x83: {  	_ =	shalt  }
0x84: {  	_ =	shalt  }
0x85: {  	_ =	shalt  }
0x86: {  	_ =	shalt  }
0x87: {  	_ =	shalt  }
.Lfunc_end0:
.L_simem_size_0:
called_computation.5_lowered:
.L_overlay_start_0:
0x88: {  	s2 =	sld [smem:$0x3FD9]  }
0x89: {  	s3 =	sld [smem:$0x3FFE];
	_ =	sdelay $0x1  }
0x8a: {  	s1 =	srdreg.scid  }
0x8b: {  	s0 =	sand.u32 $0x1, s1  }
0x8c: {  	s14 =	sshll.u32 s0, $0xA;
	s2 =	sadd.s32 s3, s2  }
0x8d: {  	s2 =	sadd.s32 s2, s14  }
0x8e: {  	[smem:$0x3FBE] =	sst s2  }
0x8f: {  	_ = 	snop  }
0x90: {  	s2 =	sld [smem:$0x3FD0];
	_ =	sdelay $0x3  }
0x91: {  	s15 =	simm.s32 $0xA;
	s4 =	simm.s32 $0x10;
	s2 =	sadd.s32 $0x1, s2  }
0x92: {  	[smem:s4], [sflag:s15] =	dma.local [hbm:s2], $0x1  }
0x93: {  	_ =	swait.eq [sflag:s15], $0x1  }
0x94: {  	[sflag:s15] =	ssyncset.done $0x0  }
0x95: {  	s16 =	sld [smem:$0x10];
	[sflag:s15] =	ssyncadd.s32 $0xFFFFFFFF  }
0x96: {  	s17 =	sld [smem:$0x11];
	(tm) =	ssettm $0x1  }
0x97: {  	s18 =	sld [smem:$0x3FFB];
	_ =	sdelay $0x3  }
0x98: {  	_ =	strace s18  }
0x99: {  	s4 =	sld [smem:$0x3FFC];
	_ =	sdelay $0x3  }
0x9a: {  	_ =	strace s4  }
0x9b: {  	s4 =	sld [smem:$0x3FFD];
	_ =	sdelay $0x3  }
0x9c: {  	_ =	strace s4  }
0x9d: {  	_ =	strace $0x8FFFFFFF  }
0x9e: {  	s19 =	sld [smem:$0x3FDB];
	_ =	sdelay $0x1  }
0x9f: {  	s5 =	simm.s32 $_scs_section_size  }
0xa0: {  	s6 =	simm.s32 $_size__tile_overlayer_lowered;
	s7 =	simm.s32 $_tile_overlayer_lowered  }
0xa1: {  	s22 =	simm.s32 $0x1BFF;
	s21 =	sshll.u32 s7, $0x1;
	s4 =	sadd.s32 s5, s19  }
0xa2: {  	s8 =	simm.s32 $0x0;
	s20 =	sshll.u32 s6, $0x1;
	s6 =	sadd.s32 s21, s4  }
0xa3: {  	[timem:s8], [sflag:s22] =	dma.local [hbm:s6], s20  }
0xa4: {  	_ =	swait.ge [sflag:s22], s20  }
0xa5: {  	s5 =	ssub.s32 $0x0, s20;
	[sflag:s22] =	ssyncset.done $0x0  }
0xa6: {  	[sflag:s22] =	ssyncadd.s32 s5;
	_ =	sdelay $0x1  }
0xa7: {  	s23 =	simm.s32 $0x1B8B  }
0xa8: {  	_ =	swait.ge [sflag:s23], $0x1  }
0xa9: {  	[sflag:s23] =	ssyncset.done $0x0  }
0xaa: {  	s25 =	simm.s32 $0x1B8E;
	s24 =	sld [smem:$0x3FFE];
	[sflag:s23] =	ssyncadd.s32 $0xFFFFFFFF  }
0xab: {  	s26 =	simm.s32 $execute0_lowered;
	[smem:$0x3FD2] =	sst s25  }
0xac: {  	s6 =	sshll.u32 s26, $0x1;
	_ =	strace $0x80000055;
	[dreg:$0x1] =	wrdreg $0xFFFFFFFF  }
0xad: {  	s28 =	simm.s32 $_size_execute0_lowered;
	s4 =	sadd.s32 s4, s6;
	[dreg:$0x0] =	wrdreg $0x0  }
0xae: {  	s6 =	sshll.u32 s28, $0x1;
	[dreg:$0x2] =	wrdreg s4  }
0xaf: {  	[dreg:$0x3] =	wrdreg s6  }
0xb0: {  	[dreg:$0x4] =	wrdreg $0xC0  }
0xb1: {  	_ =	task [dreg:s8], $0x5FFFF  }
0xb2: {  	[dreg:$0x1] =	wrdreg $0xFFFFFFFF  }
0xb3: {  	[dreg:$0x0] =	wrdreg $0x60  }
0xb4: {  	[dreg:$0x2] =	wrdreg s17  }
0xb5: {  	[dreg:$0x3] =	wrdreg s24  }
0xb6: {  	[dreg:$0x4] =	wrdreg s16  }
0xb7: {  	[dreg:$0x5] =	wrdreg $0x9  }
0xb8: {  	_ =	task.clear_ibuf [dreg:s8], $0x6FFFF;
	_ =	strace $0x90000055  }
0xb9: {  	s29 =	simm.s32 $0x9;
	_ =	strace $0x80000057  }
0xba: {  	_ =	swait.ge [sflag:s29], $0x1  }
0xbb: {  	[sflag:s29] =	ssyncadd.s32 $0xFFFFFFFF  }
0xbc: {  	_ =	strace $0x90000057  }
0xbd: {  	_ =	sfence  }
0xbe: {  	s30 =	sld [smem:$0x0];
	_ =	sdelay $0x2  }
0xbf: {  	s31 =	sshll.u32 s1, $0xD;
	s1 =	sshrl.u32 s1, $0x2  }
0xc0: {  	s3 =	sand.u32 $0x4000, s31;
	s1 =	sadd.s32 s1, s30  }
0xc1: {  	s0 =	sor.u32 s3, s0;
	s1 =	sshll.u32 s1, $0x11  }
0xc2: {  	s0 =	sor.u32 s1, s0  }
0xc3: {  	s0 =	sadd.s32 $0x8F2B, s0  }
0xc4: {  	[sflag:s0] =	ssyncadd.remote.s32 $0x1  }
0xc5: {  	_ =	sfence.sel $0xFFFF  }
0xc6: {  	[dreg:$0x0] =	wrdreg $0xFFFFFFFF;
	(pc) =	sbr.abs _section_cstart, $3  }
0xc7: {  	[dreg:$0x1] =	wrdreg $0xFFFFFFFF  }
0xc8: {  	_ =	task.clear_ibuf [dreg:s8], $0x2FFFF;
	_ =	strace $0x9FFFFFFF  }
0xc9: {  	(tm) =	ssettm $0x7FFFFFFF  }
tec
execute0_lowered:
.L_overlay_start_1:
0x0: {  	(tag) =	ssettag $0x1  }
0x1: {  	s2 =	rddreg [dreg:$0x0]  }
0x2: {  	s7 =	rddreg [dreg:$0x1]  }
0x3: {  	s3 =	rddreg [dreg:$0x2]  }
0x4: {  	s0 =	rddreg [dreg:$0x3];
	s1 =	srdreg.scid;
	_ =	strace $0x80000056  }
0x5: {  	s4 =	simm.s32 $0x1;
	s9 =	simm.s32 $0x3;
	s5 =	sshll.u32 s1, $0x4  }
.Ltmp0:
0x6: {  	s1 =	stileid.u32;
	s5 =	sand.u32 $0x10, s5;
	(pc) =	sbr.rel .LBB2_1-.Ltmp0, $4  }
0x7: {  	s12 =	simm.s32 $0x0;
	s10 =	simm.s32 $0x0;
	s6 =	sor.u32 s1, s5  }
0x8: {  	[sflag:s4] =	ssyncpa.u1 $0x0;
	s5 =	simm.s32 $0x2;
	s6 =	sshll.u32 s6, $0x6  }
0x9: {  	s7 =	sadd.s32 $0x5E00, s7;
	[sflag:s5] =	ssyncpa.u1 $0x0;
	s8 =	sadd.s32 $0x40, s6  }
0xa: {  	vm0 =	vmmov $0xff;
	vm1 =	vcmask $0x3F20;
	[sflag:s9] =	ssyncpa.u1 $0x0;
	s9 =	simm.s32 $0x40;
	s11 =	smov.u32 s6  }
.LBB2_11:
0xb: {  	p0 =	seq.s32 s10, $0x2  }
.Ltmp1:
0xc: {  	_ = 	snop;
	(pc) =	sbr.rel @p0 .LBB2_13-.Ltmp1, $1  }
0xd: {  	_ =	sdelay $0x3  }
.LBB2_12:
0xe: {  	s12 =	sadd.s32 $0x40, s11  }
0xf: {  	s13 =	smov.u32 s6;
	p0 =	slt.s32 s12, s8  }
0x10: {  	s13 =	smov.u32 @p0 s12  }
0x11: {  	s10 =	sadd.s32 $0x1, s10;
	s12 =	smov.u32 s11;
	s11 =	smov.u32 s13  }
.LBB2_1:
0x12: {  	p0 =	sne.s32 s10, $0x0  }
.Ltmp2:
0x13: {  	_ = 	snop;
	(pc) =	sbr.rel @!p0 .LBB2_2-.Ltmp2, $1  }
0x14: {  	_ =	sdelay $0x3  }
0x15: {  	s13 =	sand.u32 $0x1, s10  }
0x16: {  	p0 =	seq.s32 s13, $0x0  }
.Ltmp3:
0x17: {  	_ = 	snop;
	(pc) =	sbr.rel @p0 .LBB2_11-.Ltmp3, $1  }
0x18: {  	_ =	sdelay $0x3  }
0x19: {  	_ =	swait.ge [sflag:s5], $0x40  }
0x1a: {  	[sflag:s5] =	ssyncset.done $0x0  }
0x1b: {  	s13 =	simm.s32 $0x0;
	s14 =	simm.s32 $0x80;
	[sflag:s5] =	ssyncadd.s32 $0xFFFFFFC0  }
.LBB2_5:
0x1c: {  	s15 =	sshll.u32 s13, $0x4  }
0x1d: {  	s15 =	sand.u32 $0x3FFFFFF0, s15  }
0x1e: {  	v0 =	vld.msk [tilespmem:s15+$0x40 ss:$0x1], $0xffff;
	_ =	sdelay $0x4  }
0x1f: {  	v1 =	vshrl.u32 v0, $0x3  }
0x20: {  	vm2 =	veq.s32 v0, $0x80000000;
	v1 =	vand.u32 $0x1FF, v1  }
0x21: {  	v0 =	vand.u32 $0x7, v0;
	v1 =	vsel vm2, $0xFFFFFFFF, v1  }
0x22: {  	v0 =	vmul.u32 $0x30000, v0;
	v2 =	vshrl.u32 v1, $0x3  }
0x23: {  	v2 =	vmul.u32 $0xC00, v2  }
0x24: {  	v0 =	vsel vm2, $0xFFFD0000, v0;
	v1 =	vshll.u32 v1, $0x7  }
0x25: {  	v1 =	vand.u32 $0x380, v1;
	v0 =	vadd.s32 v0, v2  }
0x26: {  	v0 =	vor.u32 v1, v0  }
0x27: {  	v0 =	vshrl.u32 v0, $0x3;
	_ =	sdelay $0x2  }
0x28: {  	s16 =	sadd.s32 $0xFFFFF400, s14  }
0x29: {  	s31 =	sadd.s32 $0x6C00, s16;
	s16 =	sadd.s32 $0x7800, s16;
	s15 =	simm.s32 $0xFFFFE000  }
0x2a: {  	v1 =	vadd.s32 $0x80, v0;
	[tilespmem:s31], [sflag:$0x1] =	stream.indirect_vreg.gather [hbm:s2], $0x80, v0, vm0, $0x38;
	[tilespmem:$0xC080] =	vst v63  }
.LBB2_6:
0x2b: {  	[tilespmem:s16], [sflag:$0x1] =	stream.indirect_vreg.gather [hbm:s2], $0x80, v0, vm1, $0x38;
	[tilespmem:$0xC080] =	vst v63  }
0x2c: {  	v0 =	vmov v1;
	p0 =	sne.s32 s15, $0xFFFFF000  }
.Ltmp4:
0x2d: {  	s16 =	sshra.s32 s15, $0x2;
	(pc) =	sbr.rel @p0 .LBB2_6-.Ltmp4, $4  }
0x2e: {  	s15 =	sadd.s32 $0x1000, s15;
	s16 =	sadd.s32 s16, s14  }
0x2f: {  	s17 =	sadd.s32 $0x6C00, s16  }
0x30: {  	[tilespmem:s17], [sflag:$0x1] =	stream.indirect_vreg.gather [hbm:s2], $0x80, v1, vm0, $0x38;
	[tilespmem:$0xC080] =	vst v63  }
0x31: {  	s16 =	sadd.s32 $0x7800, s16;
	v1 =	vadd.s32 $0x80, v1  }
0x32: {  	s13 =	sadd.s32 $0x1, s13  }
0x33: {  	p0 =	sne.s32 s13, $0x4  }
.Ltmp5:
0x34: {  	_ = 	snop;
	(pc) =	sbr.rel @p0 .LBB2_5-.Ltmp5, $3  }
0x35: {  	_ =	sdelay $0x1  }
0x36: {  	[tilespmem:s16], [sflag:$0x1] =	stream.indirect_vreg.gather [hbm:s2], $0x80, v0, vm1, $0x38;
	[tilespmem:$0xC080] =	vst v63  }
0x37: {  	s14 =	sadd.s32 $0x1800, s14  }
0x38: {  	s13 =	sshrl.u32 s12, $0x3  }
0x39: {  	s13 =	smul.u32 $0x180, s13  }
0x3a: {  	_ =	swait.ge [sflag:s4], $0x6000;
	s31 =	sshll.u32 s12, $0x4  }
0x3b: {  	s14 =	simm.s32 $0x180;
	s12 =	sand.u32 $0x70, s31;
	s13 =	sadd.s32 s13, s3  }
0x3c: {  	s15 =	simm.s32 $0x6C80;
	[sflag:s4] =	ssyncset.done $0x0;
	s12 =	sadd.s32 s12, s13  }
0x3d: {  	[sflag:s4] =	ssyncadd.s32 $0xFFFFA000;
	s13 =	simm.s32 $0x6080;
	s16 =	sadd.s32 $0x0, s12  }
.LBB2_9:
0x3e: {  	[hbm:s16] =	stream.linear.scatter [tilespmem:s13], [sflag:$0x3], $0xC00, $0x38;
	[tilespmem:$0xC080] =	vst v63  }
0x3f: {  	s16 =	smov.u32 s14;
	s13 =	smov.u32 s15;
	p0 =	sne.s32 s14, $0xA80  }
.Ltmp6:
0x40: {  	s14 =	sadd.s32 $0x180, s14;
	(pc) =	sbr.rel @p0 .LBB2_9-.Ltmp6, $2  }
0x41: {  	_ =	sdelay $0x2  }
0x42: {  	s15 =	sadd.s32 $0xC00, s15;
	s16 =	sadd.s32 s16, s12  }
.Ltmp7:
0x43: {  	(pc) =	sbr.rel .LBB2_11-.Ltmp7, $2  }
0x44: {  	_ =	sdelay $0x2  }
0x45: {  	[hbm:s16] =	stream.linear.scatter [tilespmem:s13], [sflag:$0x3], $0xC00, $0x38;
	[tilespmem:$0xC080] =	vst v63  }
.LBB2_2:
.Ltmp8:
0x46: {  	(pc) =	sbr.rel .LBB2_12-.Ltmp8, $4  }
0x47: {  	_ = 	snop  }
0x48: {  	s12 =	sshrl.u32 s11, $0x3  }
0x49: {  	s13 =	sand.u32 $0x7, s11;
	s12 =	sadd.s32 s7, s12  }
0x4a: {  	[tilespmem:s9], [sflag:$0x2] =	stream.linear.gather [hbm4b:s12+s13], $0x40, $0x38;
	[tilespmem:$0xC080] =	vst v63  }
.LBB2_13:
0x4b: {  	s2 =	simm.s32 $0x3  }
0x4c: {  	_ =	swait.ge [sflag:s2], $0x6000  }
0x4d: {  	[sflag:s2] =	ssyncset.done $0x0  }
0x4e: {  	[sflag:s2] =	ssyncadd.s32 $0xFFFFA000  }
0x4f: {  	_ =	sfence.sel $0x180000  }
0x50: {  	s3 =	simm.s32 $0x2;
	[bflag:$0x0] =	sbarrier.arrive $0xFFFF  }
0x51: {  	[sflag:s3] =	ssyncpa.u1 $0x1  }
0x52: {  	s31 =	simm.s32 $0x1;
	[sflag:s2] =	ssyncpa.u1 $0x1  }
0x53: {  	[sflag:s31] =	ssyncpa.u1 $0x1  }
0x54: {  	p0 =	sne.s32 s1, $0x0;
	_ =	strace $0x90000056  }
0x55: {  	s0 =	sadd.s32 @!p0 $0x100000, s0;
	[bflag:$0x2] =	sbarrier.arrive $0xFFFF  }
0x56: {  	[sflag:s0] =	ssyncadd.tile.s32 @!p0 $0x1;
	_ =	shalt  }
.Lfunc_end2:
_tile_overlayer_lowered:
.L_overlay_start_2:
0x57: {  	(tag) =	ssettag $0x2  }
0x58: {  	s0 =	rddreg [dreg:$0x0];
	s2 =	stileid.u32  }
0x59: {  	s1 =	rddreg [dreg:$0x1];
	p0 =	sne.s32 s2, $0x0  }
0x5a: {  	s3 =	rddreg [dreg:$0x2];
	[bflag:$0x3] =	sbarrier.arrive $0xFFFF;
	s2 =	simm.s32 @!p0 $0x1C01  }
0x5b: {  	[timem:s3], [sflag:s2] =	dma.local @!p0 [hbm:s0], s1  }
0x5c: {  	s0 =	simm.s32 @!p0 $0x1  }
0x5d: {  	_ =	swait.ge @!p0 [sflag:s0], s1  }
0x5e: {  	s1 =	ssub.s32 @!p0 $0x0, s1;
	[sflag:s0] =	ssyncset.done @!p0 $0x0  }
0x5f: {  	[sflag:s0] =	ssyncadd.s32 @!p0 s1  }
0x60: {  	[bflag:$0x3] =	sbarrier.arrive $0xFFFF  }
0x61: {  	_ =	shalt  }

// kernel: gather_offload_async_start
scs
__scs_entry_jumppad:
0x0: {  	(pc) =	sbr.rel $0x88, $3  }
0x1: {  	(tag) =	ssettag $0x0;
	lr =	simm.s32 $0x1  }
0x2: {  	[smem:$0x3F97] =	sst lr;
	_ =	strace $0xD0000000  }
0x3: {  	_ = 	snop  }
0x4: {  	_ = 	snop  }
0x5: {  	_ = 	snop  }
0x6: {  	_ = 	snop  }
0x7: {  	_ = 	snop  }
__scs_overlays_trampoline_lowered:
0x8: {  	[smem:$0x3FA6] =	sst s0  }
0x9: {  	[smem:$0x3FA7] =	sst s1  }
0xa: {  	[smem:$0x3FA8] =	sst s2  }
0xb: {  	[smem:$0x3FA9] =	sst s3  }
0xc: {  	[smem:$0x3FAA] =	sst s4  }
0xd: {  	[smem:$0x3FAB] =	sst s5  }
0xe: {  	[smem:$0x3FAC] =	sst s6  }
0xf: {  	[smem:$0x3FAD] =	sst s7  }
0x10: {  	[smem:$0x3FAE] =	sst s8  }
0x11: {  	[smem:$0x3FAF] =	sst s9;
	s0 =	simm.s32 @!p0 $0x0  }
0x12: {  	s1 =	sld [smem:$0x3F95];
	s0 =	simm.s32 @p0 $0x1  }
0x13: {  	[smem:$0x3FB0] =	sst s0;
	s0 =	simm.s32 @!p1 $0x0  }
0x14: {  	s2 =	sld [smem:$0x3F94];
	s0 =	simm.s32 @p1 $0x1  }
0x15: {  	[smem:$0x3FB1] =	sst s0;
	s0 =	simm.s32 @!p2 $0x0  }
0x16: {  	s3 =	sld [smem:$0x3FDB];
	s0 =	simm.s32 @p2 $0x1  }
0x17: {  	s4 =	simm.s32 $0x1BF5;
	[smem:$0x3FB3] =	sst s0  }
0x18: {  	s0 =	sld [smem:$0x3F96];
	_ =	swait.ge [sflag:s4], $0x0  }
0x19: {  	s7 =	sld [smem:$0x3F97]  }
0x1a: {  	s8 =	sadd.s32 $0xFFFFE003, lr  }
0x1b: {  	s9 =	sadd.s32 $0xFFFFFEF7, lr;
	s5 =	simm.s32 $0xFFFFFFFF;
	p2 =	slt.u32 s8, $0xFFFFF086  }
0x1c: {  	p1 =	slt.u32 s9, $0xF7A;
	s5 =	simm.s32 @!p2 $0x0  }
0x1d: {  	s5 =	simm.s32 @p1 $0x1;
	p0 =	seq.s32 s7, s2  }
0x1e: {  	s7 =	smul.u32 @!p0 $0xF7A, s2;
	p2 =	seq.s32 @!p0 s5, $0x0  }
0x1f: {  	s9 =	smul.u32 $0xF7A, s1;
	s8 =	simm.s32 @!p0 $0x1BF5;
	p2 =	por !p2, p0  }
0x20: {  	[sflag:s8] =	ssyncset.s32 @!p0 $0xFFFFF086;
	s6 =	sadd.s32 @!p0 s3, s7;
	s7 =	simm.s32 @!p0 $0x108  }
0x21: {  	s3 =	sadd.s32 s3, s9;
	s6 =	sadd.s32 @!p0 $0x88, s6;
	s7 =	simm.s32 @p2 $0x1082  }
0x22: {  	[simem:s7], [sflag:s8] =	dma.local @!p0 [hbm:s6], $0xF7A  }
0x23: {  	s9 =	sor.u32 $0xD0000000, s2;
	s6 =	simm.s32 $0x108;
	_ =	swait.ge @!p0 [sflag:s8], $0x0  }
0x24: {  	s3 =	sadd.s32 $0x88, s3;
	s6 =	simm.s32 @!p1 $0x1082;
	[sflag:s4] =	ssyncset.s32 $0xFFFFF086  }
0x25: {  	[simem:s6], [sflag:s4] =	dma.local [hbm:s3], $0xF7A  }
0x26: {  	[smem:$0x3F97] =	sst s1;
	(tag) =	ssettag s2;
	_ =	strace s9  }
0x27: {  	s1 =	sld [smem:$0x3FA7]  }
0x28: {  	s2 =	sld [smem:$0x3FA8]  }
0x29: {  	s4 =	sld [smem:$0x3FAA]  }
0x2a: {  	p0 =	seq.s32 s5, $0x0;
	s5 =	sld [smem:$0x3FAB]  }
0x2b: {  	s6 =	sld [smem:$0x3FAC]  }
0x2c: {  	s7 =	sld [smem:$0x3FAD]  }
0x2d: {  	s3 =	simm.s32 $0x108;
	s8 =	sld [smem:$0x3FAE]  }
0x2e: {  	s3 =	simm.s32 @!p0 $0x1082;
	s9 =	sld [smem:$0x3FAF]  }
0x2f: {  	lr =	sadd.s32 s0, s3;
	s0 =	sld [smem:$0x3FA6]  }
0x30: {  	s3 =	sld [smem:$0x3FA9]  }
0x31: {  	[smem:$0x3FB2] =	sst s10  }
0x32: {  	s10 =	sld [smem:$0x3FB0];
	_ =	sdelay $0x3  }
0x33: {  	p0 =	seq.s32 s10, $0x1;
	s10 =	sld [smem:$0x3FB2];
	_ =	sdelay $0x3  }
0x34: {  	[smem:$0x3FB2] =	sst s10  }
0x35: {  	s10 =	sld [smem:$0x3FB1];
	_ =	sdelay $0x3  }
0x36: {  	p1 =	seq.s32 s10, $0x1;
	s10 =	sld [smem:$0x3FB2];
	_ =	sdelay $0x3  }
0x37: {  	[smem:$0x3FB2] =	sst s10  }
0x38: {  	s10 =	sld [smem:$0x3FB3]  }
0x39: {  	_ = 	snop;
	(pc) =	sbr.ind lr, $3  }
0x3a: {  	_ = 	snop  }
0x3b: {  	_ = 	snop  }
0x3c: {  	p2 =	seq.s32 s10, $0x1;
	s10 =	sld [smem:$0x3FB2]  }
0x3d: {  	_ =	shalt  }
0x3e: {  	_ =	shalt  }
0x3f: {  	_ =	shalt  }
0x40: {  	_ =	shalt  }
0x41: {  	_ =	shalt  }
0x42: {  	_ =	shalt  }
0x43: {  	_ =	shalt  }
0x44: {  	_ =	shalt  }
0x45: {  	_ =	shalt  }
0x46: {  	_ =	shalt  }
0x47: {  	_ =	shalt  }
0x48: {  	_ =	shalt  }
0x49: {  	_ =	shalt  }
0x4a: {  	_ =	shalt  }
0x4b: {  	_ =	shalt  }
0x4c: {  	_ =	shalt  }
0x4d: {  	_ =	shalt  }
0x4e: {  	_ =	shalt  }
0x4f: {  	_ =	shalt  }
0x50: {  	_ =	shalt  }
0x51: {  	_ =	shalt  }
0x52: {  	_ =	shalt  }
0x53: {  	_ =	shalt  }
0x54: {  	_ =	shalt  }
0x55: {  	_ =	shalt  }
0x56: {  	_ =	shalt  }
0x57: {  	_ =	shalt  }
0x58: {  	_ =	shalt  }
0x59: {  	_ =	shalt  }
0x5a: {  	_ =	shalt  }
0x5b: {  	_ =	shalt  }
0x5c: {  	_ =	shalt  }
0x5d: {  	_ =	shalt  }
0x5e: {  	_ =	shalt  }
0x5f: {  	_ =	shalt  }
0x60: {  	_ =	shalt  }
0x61: {  	_ =	shalt  }
0x62: {  	_ =	shalt  }
0x63: {  	_ =	shalt  }
0x64: {  	_ =	shalt  }
0x65: {  	_ =	shalt  }
0x66: {  	_ =	shalt  }
0x67: {  	_ =	shalt  }
0x68: {  	_ =	shalt  }
0x69: {  	_ =	shalt  }
0x6a: {  	_ =	shalt  }
0x6b: {  	_ =	shalt  }
0x6c: {  	_ =	shalt  }
0x6d: {  	_ =	shalt  }
0x6e: {  	_ =	shalt  }
0x6f: {  	_ =	shalt  }
0x70: {  	_ =	shalt  }
0x71: {  	_ =	shalt  }
0x72: {  	_ =	shalt  }
0x73: {  	_ =	shalt  }
0x74: {  	_ =	shalt  }
0x75: {  	_ =	shalt  }
0x76: {  	_ =	shalt  }
0x77: {  	_ =	shalt  }
0x78: {  	_ =	shalt  }
0x79: {  	_ =	shalt  }
0x7a: {  	_ =	shalt  }
0x7b: {  	_ =	shalt  }
0x7c: {  	_ =	shalt  }
0x7d: {  	_ =	shalt  }
0x7e: {  	_ =	shalt  }
0x7f: {  	_ =	shalt  }
0x80: {  	_ =	shalt  }
0x81: {  	_ =	shalt  }
0x82: {  	_ =	shalt  }
0x83: {  	_ =	shalt  }
0x84: {  	_ =	shalt  }
0x85: {  	_ =	shalt  }
0x86: {  	_ =	shalt  }
0x87: {  	_ =	shalt  }
.Lfunc_end0:
.L_simem_size_0:
called_computation_lowered:
.L_overlay_start_0:
0x88: {  	s2 =	sld [smem:$0x3FD9]  }
0x89: {  	s3 =	sld [smem:$0x3FFE];
	_ =	sdelay $0x1  }
0x8a: {  	s1 =	srdreg.scid  }
0x8b: {  	s0 =	sand.u32 $0x1, s1  }
0x8c: {  	s14 =	sshll.u32 s0, $0xA;
	s2 =	sadd.s32 s3, s2  }
0x8d: {  	s2 =	sadd.s32 s2, s14  }
0x8e: {  	[smem:$0x3FBE] =	sst s2  }
0x8f: {  	_ = 	snop  }
0x90: {  	s2 =	sld [smem:$0x3FD0];
	_ =	sdelay $0x3  }
0x91: {  	s15 =	simm.s32 $0xA;
	s4 =	simm.s32 $0x10;
	s2 =	sadd.s32 $0x1, s2  }
0x92: {  	[smem:s4], [sflag:s15] =	dma.local [hbm:s2], $0x1  }
0x93: {  	_ =	swait.eq [sflag:s15], $0x1  }
0x94: {  	[sflag:s15] =	ssyncset.done $0x0  }
0x95: {  	[sflag:s15] =	ssyncadd.s32 $0xFFFFFFFF  }
0x96: {  	s16 =	sld [smem:$0x11];
	(tm) =	ssettm $0x1  }
0x97: {  	s17 =	sld [smem:$0x3FFB];
	_ =	sdelay $0x3  }
0x98: {  	_ =	strace s17  }
0x99: {  	s3 =	sld [smem:$0x3FFC];
	_ =	sdelay $0x3  }
0x9a: {  	_ =	strace s3  }
0x9b: {  	s3 =	sld [smem:$0x3FFD];
	_ =	sdelay $0x3  }
0x9c: {  	_ =	strace s3  }
0x9d: {  	_ =	strace $0x8FFFFFFF  }
0x9e: {  	s18 =	sld [smem:$0x3FDB];
	_ =	sdelay $0x1  }
0x9f: {  	s19 =	simm.s32 $_scs_section_size  }
0xa0: {  	s5 =	simm.s32 $_size__tile_overlayer_lowered;
	s6 =	simm.s32 $_tile_overlayer_lowered  }
0xa1: {  	s22 =	simm.s32 $0x1BFF;
	s21 =	sshll.u32 s6, $0x1;
	s3 =	sadd.s32 s19, s18  }
0xa2: {  	s7 =	simm.s32 $0x0;
	s20 =	sshll.u32 s5, $0x1;
	s5 =	sadd.s32 s21, s3  }
0xa3: {  	[timem:s7], [sflag:s22] =	dma.local [hbm:s5], s20  }
0xa4: {  	_ =	swait.ge [sflag:s22], s20  }
0xa5: {  	s4 =	ssub.s32 $0x0, s20;
	[sflag:s22] =	ssyncset.done $0x0  }
0xa6: {  	[sflag:s22] =	ssyncadd.s32 s4;
	_ =	sdelay $0x1  }
0xa7: {  	s23 =	simm.s32 $0x1B8B  }
0xa8: {  	_ =	swait.ge [sflag:s23], $0x1  }
0xa9: {  	[sflag:s23] =	ssyncset.done $0x0  }
0xaa: {  	s25 =	simm.s32 $0x1B8E;
	s24 =	sld [smem:$0x3FFE];
	[sflag:s23] =	ssyncadd.s32 $0xFFFFFFFF  }
0xab: {  	s26 =	simm.s32 $execute0_lowered;
	[smem:$0x3FD2] =	sst s25  }
0xac: {  	s5 =	sshll.u32 s26, $0x1;
	_ =	strace $0x80000046;
	[dreg:$0x1] =	wrdreg $0xFFFFFFFF  }
0xad: {  	s28 =	simm.s32 $_size_execute0_lowered;
	s3 =	sadd.s32 s3, s5;
	[dreg:$0x0] =	wrdreg $0x0  }
0xae: {  	s5 =	sshll.u32 s28, $0x1;
	[dreg:$0x2] =	wrdreg s3  }
0xaf: {  	[dreg:$0x3] =	wrdreg s5  }
0xb0: {  	[dreg:$0x4] =	wrdreg $0xC0  }
0xb1: {  	_ =	task [dreg:s7], $0x5FFFF  }
0xb2: {  	[dreg:$0x1] =	wrdreg $0xFFFFFFFF  }
0xb3: {  	[dreg:$0x0] =	wrdreg $0x60  }
0xb4: {  	[dreg:$0x2] =	wrdreg s24  }
0xb5: {  	[dreg:$0x3] =	wrdreg s16  }
0xb6: {  	[dreg:$0x4] =	wrdreg $0x9  }
0xb7: {  	_ =	task.clear_ibuf [dreg:s7], $0x5FFFF;
	_ =	strace $0x90000046  }
0xb8: {  	s29 =	simm.s32 $0x9;
	_ =	strace $0x80000048  }
0xb9: {  	_ =	swait.ge [sflag:s29], $0x1  }
0xba: {  	[sflag:s29] =	ssyncadd.s32 $0xFFFFFFFF  }
0xbb: {  	_ =	strace $0x90000048  }
0xbc: {  	_ =	sfence  }
0xbd: {  	s30 =	sld [smem:$0x0];
	_ =	sdelay $0x2  }
0xbe: {  	s31 =	sshll.u32 s1, $0xD;
	s1 =	sshrl.u32 s1, $0x2  }
0xbf: {  	s3 =	sand.u32 $0x4000, s31;
	s1 =	sadd.s32 s1, s30  }
0xc0: {  	s0 =	sor.u32 s3, s0;
	s1 =	sshll.u32 s1, $0x11  }
0xc1: {  	s0 =	sor.u32 s1, s0  }
0xc2: {  	s0 =	sadd.s32 $0x8F2B, s0  }
0xc3: {  	[sflag:s0] =	ssyncadd.remote.s32 $0x1  }
0xc4: {  	_ =	sfence.sel $0xFFFF  }
0xc5: {  	[dreg:$0x0] =	wrdreg $0xFFFFFFFF;
	(pc) =	sbr.abs _section_cstart, $3  }
0xc6: {  	[dreg:$0x1] =	wrdreg $0xFFFFFFFF  }
0xc7: {  	_ =	task.clear_ibuf [dreg:s7], $0x2FFFF;
	_ =	strace $0x9FFFFFFF  }
0xc8: {  	(tm) =	ssettm $0x7FFFFFFF  }
0xc9: {  	_ =	shalt  }
tec
execute0_lowered:
.L_overlay_start_1:
0x0: {  	(tag) =	ssettag $0x1  }
0x1: {  	s7 =	rddreg [dreg:$0x0]  }
0x2: {  	s2 =	rddreg [dreg:$0x1]  }
0x3: {  	s0 =	rddreg [dreg:$0x2]  }
0x4: {  	s1 =	srdreg.scid;
	_ =	strace $0x80000047;
	s4 =	simm.s32 $0x1  }
0x5: {  	s9 =	simm.s32 $0x3;
	s12 =	simm.s32 $0x0;
	s5 =	sshll.u32 s1, $0x4  }
.Ltmp0:
0x6: {  	s1 =	stileid.u32;
	s5 =	sand.u32 $0x10, s5;
	(pc) =	sbr.rel .LBB2_1-.Ltmp0, $4  }
0x7: {  	s10 =	simm.s32 $0x0;
	s3 =	sadd.s32 $0x4600, s7;
	s6 =	sor.u32 s1, s5  }
0x8: {  	[sflag:s4] =	ssyncpa.u1 $0x0;
	s5 =	simm.s32 $0x2;
	s6 =	sshll.u32 s6, $0x8  }
0x9: {  	s7 =	sadd.s32 $0x44600, s7;
	[sflag:s5] =	ssyncpa.u1 $0x0;
	s8 =	sadd.s32 $0x100, s6  }
0xa: {  	vm0 =	vmmov $0xff;
	vm1 =	vcmask $0x3F20;
	[sflag:s9] =	ssyncpa.u1 $0x0;
	s9 =	simm.s32 $0x100;
	s11 =	smov.u32 s6  }
.LBB2_9:
0xb: {  	p0 =	seq.s32 s10, $0x2  }
.Ltmp1:
0xc: {  	_ = 	snop;
	(pc) =	sbr.rel @p0 .LBB2_11-.Ltmp1, $1  }
0xd: {  	_ =	sdelay $0x3  }
.LBB2_10:
0xe: {  	s12 =	sadd.s32 $0x100, s11  }
0xf: {  	s13 =	smov.u32 s6;
	p0 =	slt.s32 s12, s8  }
0x10: {  	s13 =	smov.u32 @p0 s12  }
0x11: {  	s10 =	sadd.s32 $0x1, s10;
	s12 =	smov.u32 s11;
	s11 =	smov.u32 s13  }
.LBB2_1:
0x12: {  	p0 =	sne.s32 s10, $0x0  }
.Ltmp2:
0x13: {  	_ = 	snop;
	(pc) =	sbr.rel @!p0 .LBB2_2-.Ltmp2, $1  }
0x14: {  	_ =	sdelay $0x3  }
0x15: {  	s13 =	sand.u32 $0x1, s10  }
0x16: {  	p0 =	seq.s32 s13, $0x0  }
.Ltmp3:
0x17: {  	_ = 	snop;
	(pc) =	sbr.rel @p0 .LBB2_9-.Ltmp3, $1  }
0x18: {  	_ =	sdelay $0x3  }
0x19: {  	_ =	swait.ge [sflag:s5], $0x100  }
0x1a: {  	[sflag:s5] =	ssyncset.done $0x0  }
0x1b: {  	s13 =	simm.s32 $0x0;
	[sflag:s5] =	ssyncadd.s32 $0xFFFFFF00  }
0x1c: {  	v0 =	vld.msk [tilespmem:s13+$0x100 ss:$0x1], $0xffff;
	_ =	sdelay $0x4  }
0x1d: {  	v1 =	vshll.u32 v0, $0x4  }
0x1e: {  	vm2 =	veq.s32 v0, $0x80000000;
	v0 =	vshll.u32 v0, $0x12;
	v1 =	vand.u32 $0x3FF80, v1  }
0x1f: {  	v0 =	vand.u32 $0x1C0000, v0;
	v1 =	vsel vm2, $0xFFFFFF80, v1  }
0x20: {  	v0 =	vsel vm2, $0xFFFC0000, v0;
	v2 =	vand.u32 $0xFFFFFC00, v1  }
0x21: {  	v1 =	vand.u32 $0x380, v1;
	v0 =	vadd.s32 v0, v2  }
0x22: {  	v0 =	vor.u32 v1, v0  }
0x23: {  	v0 =	vshrl.u32 v0, $0x3;
	_ =	sdelay $0x3  }
0x24: {  	s13 =	simm.s32 $0x8200  }
0x25: {  	[tilespmem:s13], [sflag:$0x1] =	stream.indirect_vreg.gather [hbm:s3], $0x80, v0, vm0, $0x38;
	[tilespmem:$0x10200] =	vst v63  }
0x26: {  	s14 =	simm.s32 $0x8600;
	s31 =	simm.s32 $0x10  }
0x27: {  	[tilespmem:s14], [sflag:$0x1] =	stream.indirect_vreg.gather [hbm:s3], $0x80, v0, vm1, $0x38;
	[tilespmem:$0x10200] =	vst v63  }
0x28: {  	s14 =	simm.s32 $0x80;
	v0 =	vld.msk [tilespmem:s31+$0x100 ss:$0x1], $0xffff  }
.LBB2_5:
0x29: {  	p0 =	sne.s32 s14, $0x3C0;
	_ =	sdelay $0x4  }
0x2a: {  	v1 =	vshll.u32 v0, $0x4  }
0x2b: {  	vm2 =	veq.s32 v0, $0x80000000;
	v0 =	vshll.u32 v0, $0x12;
	v1 =	vand.u32 $0x3FF80, v1  }
0x2c: {  	v0 =	vand.u32 $0x1C0000, v0;
	v1 =	vsel vm2, $0xFFFFFF80, v1  }
0x2d: {  	v0 =	vsel vm2, $0xFFFC0000, v0;
	v2 =	vand.u32 $0xFFFFFC00, v1  }
0x2e: {  	v1 =	vand.u32 $0x380, v1;
	v0 =	vadd.s32 v0, v2  }
0x2f: {  	v0 =	vor.u32 v1, v0  }
0x30: {  	v0 =	vshrl.u32 v0, $0x3;
	_ =	sdelay $0x3  }
.Ltmp4:
0x31: {  	s13 =	sadd.s32 $0x800, s13;
	(pc) =	sbr.rel @p0 .LBB2_5-.Ltmp4, $4  }
0x32: {  	[tilespmem:s13], [sflag:$0x1] =	stream.indirect_vreg.gather [hbm:s3], $0x80, v0, vm0, $0x38;
	[tilespmem:$0x10200] =	vst v63  }
0x33: {  	s15 =	sshra.s32 s14, $0x2;
	s16 =	sadd.s32 $0x400, s13  }
0x34: {  	[tilespmem:s16], [sflag:$0x1] =	stream.indirect_vreg.gather [hbm:s3], $0x80, v0, vm1, $0x38;
	[tilespmem:$0x10200] =	vst v63  }
0x35: {  	s14 =	sadd.s32 $0x40, s14;
	v0 =	vld.msk [tilespmem:s15+$0x100 ss:$0x1], $0xffff  }
0x36: {  	_ =	sdelay $0x3  }
0x37: {  	v1 =	vshll.u32 v0, $0x4  }
0x38: {  	vm2 =	veq.s32 v0, $0x80000000;
	v63 =	vshll.u32 v0, $0x12;
	v1 =	vand.u32 $0x3FF80, v1  }
0x39: {  	v0 =	vand.u32 $0x1C0000, v63;
	v1 =	vsel vm2, $0xFFFFFF80, v1  }
0x3a: {  	v0 =	vsel vm2, $0xFFFC0000, v0;
	v2 =	vand.u32 $0xFFFFFC00, v1  }
0x3b: {  	v1 =	vand.u32 $0x380, v1;
	v0 =	vadd.s32 v0, v2  }
0x3c: {  	v0 =	vor.u32 v1, v0  }
0x3d: {  	v0 =	vshrl.u32 v0, $0x3;
	_ =	sdelay $0x3  }
0x3e: {  	s13 =	sadd.s32 $0x800, s13  }
0x3f: {  	[tilespmem:s13], [sflag:$0x1] =	stream.indirect_vreg.gather [hbm:s3], $0x80, v0, vm0, $0x38;
	[tilespmem:$0x10200] =	vst v63  }
0x40: {  	s13 =	sadd.s32 $0x400, s13  }
0x41: {  	[tilespmem:s13], [sflag:$0x1] =	stream.indirect_vreg.gather [hbm:s3], $0x80, v0, vm1, $0x38;
	[tilespmem:$0x10200] =	vst v63  }
0x42: {  	s12 =	sshll.u32 s12, $0x4;
	s14 =	simm.s32 $0x80;
	_ =	swait.ge [sflag:s4], $0x8000  }
0x43: {  	s15 =	simm.s32 $0x8600;
	s12 =	sadd.s32 s12, s2;
	[sflag:s4] =	ssyncset.done $0x0  }
0x44: {  	s16 =	sadd.s32 $0x0, s12;
	s13 =	simm.s32 $0x8200;
	[sflag:s4] =	ssyncadd.s32 $0xFFFF8000  }
.LBB2_7:
0x45: {  	[hbm:s16] =	stream.linear.scatter [tilespmem:s13], [sflag:$0x3], $0x400, $0x38;
	[tilespmem:$0x10200] =	vst v63  }
0x46: {  	s16 =	smov.u32 s14;
	s13 =	smov.u32 s15;
	p0 =	sne.s32 s14, $0xF80  }
.Ltmp5:
0x47: {  	s14 =	sadd.s32 $0x80, s14;
	(pc) =	sbr.rel @p0 .LBB2_7-.Ltmp5, $2  }
0x48: {  	_ =	sdelay $0x2  }
0x49: {  	s15 =	sadd.s32 $0x400, s15;
	s16 =	sadd.s32 s16, s12  }
.Ltmp6:
0x4a: {  	(pc) =	sbr.rel .LBB2_9-.Ltmp6, $2  }
0x4b: {  	_ =	sdelay $0x2  }
0x4c: {  	[hbm:s16] =	stream.linear.scatter [tilespmem:s13], [sflag:$0x3], $0x400, $0x38;
	[tilespmem:$0x10200] =	vst v63  }
.LBB2_2:
.Ltmp7:
0x4d: {  	(pc) =	sbr.rel .LBB2_10-.Ltmp7, $4  }
0x4e: {  	_ = 	snop  }
0x4f: {  	s12 =	sshrl.u32 s11, $0x3  }
0x50: {  	s13 =	sand.u32 $0x7, s11;
	s12 =	sadd.s32 s7, s12  }
0x51: {  	[tilespmem:s9], [sflag:$0x2] =	stream.linear.gather [hbm4b:s12+s13], $0x100, $0x38;
	[tilespmem:$0x10200] =	vst v63  }
.LBB2_11:
0x52: {  	s2 =	simm.s32 $0x3  }
0x53: {  	_ =	swait.ge [sflag:s2], $0x8000  }
0x54: {  	[sflag:s2] =	ssyncset.done $0x0  }
0x55: {  	[sflag:s2] =	ssyncadd.s32 $0xFFFF8000  }
0x56: {  	_ =	sfence.sel $0x180000  }
0x57: {  	s3 =	simm.s32 $0x2;
	[bflag:$0x0] =	sbarrier.arrive $0xFFFF  }
0x58: {  	[sflag:s3] =	ssyncpa.u1 $0x1  }
0x59: {  	s31 =	simm.s32 $0x1;
	[sflag:s2] =	ssyncpa.u1 $0x1  }
0x5a: {  	[sflag:s31] =	ssyncpa.u1 $0x1  }
0x5b: {  	p0 =	sne.s32 s1, $0x0;
	_ =	strace $0x90000047  }
0x5c: {  	s0 =	sadd.s32 @!p0 $0x100000, s0;
	[bflag:$0x2] =	sbarrier.arrive $0xFFFF  }
0x5d: {  	[sflag:s0] =	ssyncadd.tile.s32 @!p0 $0x1;
	_ =	shalt  }
.Lfunc_end2:
_tile_overlayer_lowered:
.L_overlay_start_2:
0x5e: {  	(tag) =	ssettag $0x2  }
0x5f: {  	s0 =	rddreg [dreg:$0x0];
	s2 =	stileid.u32  }
0x60: {  	s1 =	rddreg [dreg:$0x1];
	p0 =	sne.s32 s2, $0x0  }
0x61: {  	s3 =	rddreg [dreg:$0x2];
	[bflag:$0x3] =	sbarrier.arrive $0xFFFF;
	s2 =	simm.s32 @!p0 $0x1C01  }
0x62: {  	[timem:s3], [sflag:s2] =	dma.local @!p0 [hbm:s0], s1  }
0x63: {  	s0 =	simm.s32 @!p0 $0x1  }
0x64: {  	_ =	swait.ge @!p0 [sflag:s0], s1  }
0x65: {  	s1 =	ssub.s32 @!p0 $0x0, s1;
	[sflag:s0] =	ssyncset.done @!p0 $0x0  }
0x66: {  	[sflag:s0] =	ssyncadd.s32 @!p0 s1  }
0x67: {  	[bflag:$0x3] =	sbarrier.arrive $0xFFFF  }
0x68: {  	_ =	shalt  }

</sc_bundles>
